<compile_context>
chip_gen: v7x
topology: tpu7x:2x2x1
jax: 0.10.2.dev20260603
libtpu: 0.0.44.dev20260713+nightly
codegen_flags: <defaults>
</compile_context>

<pallas_src>
import numpy as np

import jax
import jax.numpy as jnp
from jax import lax
from jax.experimental import pallas as pl
from jax.experimental.pallas import tpu as pltpu
from jax.experimental.pallas import tpu_sc as plsc

NC = 2
NS = 16
NW = NC * NS
C = 128
GH = 1


def _fill_f32(ref, val):
    rows, width = ref.shape
    v = jnp.full((16,), val, jnp.float32)

    def row(r, carry):
        for j in range(width // 16):
            ref[r, pl.ds(j * 16, 16)] = v
        return carry

    lax.fori_loop(0, rows, row, 0)


def _zero_shared_rows(zsrc, shared, base, rows):
    zr = zsrc.shape[0]
    full = rows // zr
    for i in range(full):
        pltpu.sync_copy(zsrc, shared.at[pl.ds(base + i * zr, zr)])
    tail = rows - full * zr
    if tail:
        pltpu.sync_copy(zsrc.at[pl.ds(0, tail)], shared.at[pl.ds(base + full * zr, tail)])


K_SUP = 4


def _make_agg(N, D, RTA, RTC, n_chunks, real_chunks, with_cnt):
    NPA = RTA * NS
    NPC = RTC * NS
    n_super = n_chunks // K_SUP
    assert n_chunks == n_super * K_SUP and n_super % 2 == 0 and n_super >= 2
    mesh = plsc.VectorSubcoreMesh(
        core_axis_name="c", subcore_axis_name="s", num_cores=NC, num_subcores=NS
    )
    out_type = [jax.ShapeDtypeStruct((NPA, D), jnp.float32)] * 2
    scratch = [
        pltpu.VMEM((K_SUP, C), jnp.int32),
        pltpu.VMEM((K_SUP, C), jnp.int32),
        pltpu.VMEM((K_SUP, C), jnp.int32),
        pltpu.VMEM((K_SUP, C), jnp.int32),
        pltpu.VMEM((C, D), jnp.float32),
        pltpu.VMEM((C, D), jnp.float32),
        pltpu.VMEM_SHARED((NPA, D), jnp.float32),
        pltpu.SemaphoreType.DMA,
        pltpu.SemaphoreType.DMA,
        pltpu.SemaphoreType.DMA,
        pltpu.SemaphoreType.DMA,
        pltpu.SemaphoreType.DMA,
        pltpu.SemaphoreType.DMA,
    ]
    if with_cnt:
        out_type += [jax.ShapeDtypeStruct((NPC,), jnp.float32)] * 2
        scratch += [
            pltpu.VMEM((C,), jnp.float32),
            pltpu.VMEM_SHARED((NPC,), jnp.float32),
        ]

    def _fill_1d(ref, val, n):
        v = jnp.full((16,), val, jnp.float32)

        def step(i, carry):
            ref[pl.ds(i * 16, 16)] = v
            return carry

        lax.fori_loop(0, n // 16, step, 0)

    def body_common(x_hbm, edge_hbm, srcpad_hbm, dstpad_hbm, sums, cnts,
                    isrc, idst, rows, sg, ss, si, acc, ones_v, cnt_acc):
        cid = lax.axis_index("c")
        sid = lax.axis_index("s")
        wid = cid * NS + sid

        _fill_f32(rows[0], 0.0)
        _zero_shared_rows(rows[0], acc, sid * RTA, RTA)
        if with_cnt:
            _fill_1d(ones_v, 0.0, C)
            for i in range(RTC // C):
                pltpu.sync_copy(ones_v, cnt_acc.at[pl.ds(sid * RTC + i * C, C)])
            tail = RTC - (RTC // C) * C
            if tail:
                pltpu.sync_copy(ones_v.at[pl.ds(0, tail)],
                                cnt_acc.at[pl.ds(sid * RTC + RTC - tail, tail)])
            _fill_1d(ones_v, 1.0, C)
        plsc.subcore_barrier()

        cbase = wid * n_chunks

        def start_idx(s, p):
            for j in range(K_SUP):
                g = cbase + s * K_SUP + j

                @pl.when(g < real_chunks)
                def _():
                    off = g * C
                    pltpu.async_copy(edge_hbm.at[0, pl.ds(off, C)],
                                     isrc[p].at[j], si[p])
                    pltpu.async_copy(edge_hbm.at[1, pl.ds(off, C)],
                                     idst[p].at[j], si[p])

                @pl.when(g >= real_chunks)
                def _():
                    off = (g - real_chunks) * C
                    pltpu.async_copy(srcpad_hbm.at[pl.ds(off, C)],
                                     isrc[p].at[j], si[p])
                    pltpu.async_copy(dstpad_hbm.at[pl.ds(off, C)],
                                     idst[p].at[j], si[p])

        def wait_idx(p):
            for j in range(K_SUP):
                pltpu.make_async_copy(srcpad_hbm.at[pl.ds(0, C)],
                                      isrc[p].at[j], si[p]).wait()
                pltpu.make_async_copy(srcpad_hbm.at[pl.ds(0, C)],
                                      idst[p].at[j], si[p]).wait()

        def start_gather(p, j, b):
            h = C // GH
            for g in range(GH):
                pltpu.async_copy(x_hbm.at[isrc[p].at[j, pl.ds(g * h, h)]],
                                 rows[b].at[pl.ds(g * h, h)], sg[b])

        def wait_gather(b):
            h = C // GH
            for g in range(GH):
                pltpu.make_async_copy(x_hbm.at[isrc[0].at[0, pl.ds(0, h)]],
                                      rows[b].at[pl.ds(g * h, h)],
                                      sg[b]).wait()

        def start_scatter(p, j, b):
            pltpu.async_copy(rows[b], acc.at[idst[p].at[j]], ss[b], add=True)
            if with_cnt:
                pltpu.async_copy(ones_v, cnt_acc.at[idst[p].at[j]], ss[b],
                                 add=True)

        def wait_scatter(b):
            pltpu.make_async_copy(rows[b], acc.at[idst[0].at[0]], ss[b]).wait()
            if with_cnt:
                pltpu.make_async_copy(ones_v, cnt_acc.at[idst[0].at[0]],
                                      ss[b]).wait()

        start_idx(0, 0)
        wait_idx(0)
        start_gather(0, 0, 0)

        def superstep(s, q):
            for j in range(K_SUP):
                b = j % 2
                wait_gather(b)
                if j == 0:
                    @pl.when(s > 0)
                    def _():
                        wait_scatter(1 - b)
                else:
                    wait_scatter(1 - b)
                if j < K_SUP - 1:
                    start_gather(q, j + 1, 1 - b)
                else:
                    @pl.when(s + 1 < n_super)
                    def _():
                        wait_idx(1 - q)
                        start_gather(1 - q, 0, 1 - b)
                start_scatter(q, j, b)
                if j == 1:
                    @pl.when(s + 1 < n_super)
                    def _():
                        start_idx(s + 1, 1 - q)

        def super2(i, carry):
            superstep(2 * i, 0)
            superstep(2 * i + 1, 1)
            return carry

        lax.fori_loop(0, n_super // 2, super2, 0)
        wait_scatter(1)
        plsc.subcore_barrier()

        za, zc = sid * RTA, sid * RTC

        @pl.when(cid == 0)
        def _():
            pltpu.sync_copy(acc.at[pl.ds(za, RTA)], sums[0].at[pl.ds(za, RTA)])
            if with_cnt:
                pltpu.sync_copy(cnt_acc.at[pl.ds(zc, RTC)], cnts[0].at[pl.ds(zc, RTC)])

        @pl.when(cid == 1)
        def _():
            pltpu.sync_copy(acc.at[pl.ds(za, RTA)], sums[1].at[pl.ds(za, RTA)])
            if with_cnt:
                pltpu.sync_copy(cnt_acc.at[pl.ds(zc, RTC)], cnts[1].at[pl.ds(zc, RTC)])

    if with_cnt:
        def body(x_hbm, edge_hbm, sp_hbm, dp_hbm, s0, s1, c0, c1,
                 is0, id0, is1, id1, rv0, rv1, acc, sg0, sg1, ss0, ss1,
                 si0, si1, ones_v, cnt_acc):
            body_common(x_hbm, edge_hbm, sp_hbm, dp_hbm, (s0, s1), (c0, c1),
                        (is0, is1), (id0, id1), (rv0, rv1),
                        (sg0, sg1), (ss0, ss1), (si0, si1),
                        acc, ones_v, cnt_acc)
    else:
        def body(x_hbm, edge_hbm, sp_hbm, dp_hbm, s0, s1,
                 is0, id0, is1, id1, rv0, rv1, acc, sg0, sg1, ss0, ss1,
                 si0, si1):
            body_common(x_hbm, edge_hbm, sp_hbm, dp_hbm, (s0, s1), None,
                        (is0, is1), (id0, id1), (rv0, rv1),
                        (sg0, sg1), (ss0, ss1), (si0, si1),
                        acc, None, None)

    return pl.kernel(body, out_type=out_type, mesh=mesh, scratch_types=scratch)


def _dot_t(a, w):
    return jax.lax.dot_general(a, w, (((1,), (1,)), ((), ())),
                               preferred_element_type=jnp.float32)


def _tcr_body(x, w, bl, out):
    out[...] = _dot_t(x[...], w[...]) + bl[...]


def _tc1_body(s0, s1, rec, r, wl, wr2, bl2, h_out, r2_out):
    mean = (s0[...] + s1[...]) * rec[...]
    h = _dot_t(mean, wl[...]) + r[...]
    h = jnp.where(h >= 0, h, 0.01 * h)
    h_out[...] = h
    r2_out[...] = _dot_t(h, wr2[...]) + bl2[...]


def _tc2_body(t0, t1, rec, r, wl, wo, bo, out):
    mean = (t0[...] + t1[...]) * rec[...]
    g = _dot_t(mean, wl[...]) + r[...]
    g = jnp.where(g >= 0, g, 0.01 * g)
    out[...] = _dot_t(g, wo[...]) + bo[...]


def _pick_block(N):
    for r in (1000, 500, 250, 200, 125, 100, 50, 25, 8):
        if N % r == 0 and r % 8 == 0:
            return r
    return N


def _tc_call(body, n_in_big, N, D, args, n_out=1):
    R = _pick_block(N)
    grid = (N // R,)
    row_spec = pl.BlockSpec((R, D), lambda i: (i, 0))
    w_spec = pl.BlockSpec((D, D), lambda i: (0, 0))
    b_spec = pl.BlockSpec((1, D), lambda i: (0, 0))
    spec_map = {"r": row_spec, "w": w_spec, "b": b_spec}
    in_specs = [spec_map[k] for k in n_in_big]
    out_sh = jax.ShapeDtypeStruct((N, D), jnp.float32)
    return pl.pallas_call(
        body,
        grid=grid,
        in_specs=in_specs,
        out_specs=row_spec if n_out == 1 else [row_spec] * n_out,
        out_shape=out_sh if n_out == 1 else [out_sh] * n_out,
    )(*args)


def kernel(x, edge, Wl1, bl1, Wr1, Wl2, bl2, Wr2, Wo, bo):
    N, D = x.shape
    E = edge.shape[1]

    RTA = -(-(N + 64) // NS)
    RTA = ((RTA + 7) // 8) * 8
    RTC = ((RTA + 15) // 16) * 16

    edge = edge.astype(jnp.int32)
    if E % C:
        t = C - E % C
        tail = np.stack([np.arange(t, dtype=np.int32) % N,
                         N + (np.arange(t, dtype=np.int32) % 32)])
        edge = jnp.concatenate([edge, jnp.asarray(tail)], axis=1)
    E_al = edge.shape[1]
    real_chunks = E_al // C

    n_chunks = -(-real_chunks // NW)
    n_chunks = max(((n_chunks + 2 * K_SUP - 1) // (2 * K_SUP)) * (2 * K_SUP),
                   2 * K_SUP)
    pc = n_chunks * NW - real_chunks
    pad_i = np.arange(max(pc, 1) * C, dtype=np.int32)
    srcpad = jnp.asarray(pad_i % N)
    dstpad = jnp.asarray(N + (pad_i % 32)).astype(jnp.int32)

    agg_cnt = _make_agg(N, D, RTA, RTC, n_chunks, real_chunks, with_cnt=True)
    agg = _make_agg(N, D, RTA, RTC, n_chunks, real_chunks, with_cnt=False)

    s0, s1, c0, c1 = agg_cnt(x, edge, srcpad, dstpad)
    r1 = _tc_call(_tcr_body, "rwb", N, D, (x, Wr1, bl1.reshape(1, D)))
    rec = jnp.broadcast_to(
        (1.0 / jnp.maximum(c0[:N] + c1[:N], 1.0))[:, None], (N, D))

    h, r2 = _tc_call(_tc1_body, "rrrrwwb", N, D,
                     (s0, s1, rec, r1, Wl1, Wr2, bl2.reshape(1, D)), n_out=2)

    t0, t1 = agg(h, edge, srcpad, dstpad)

    out = _tc_call(_tc2_body, "rrrrwwb", N, D,
                   (t0, t1, rec, r2, Wl2, Wo, bo.reshape(1, D)))
    return out

# --- scband reference (transcript-rebuilt; emitter-appended) ---
"""Pipeline reference for scband-sage-19593640804363 (READ-ONLY COPY).

The authoritative reference and input builder live on the scoring server;
editing this copy changes nothing except your own understanding.
"""

import jax, jax.numpy as jnp
import numpy as np

N = 10000
E = 320000
D = 128


def setup_inputs(seed: int = 0) -> dict:
    key = jax.random.key(seed)
    ks = jax.random.split(key, 12)
    x = jax.random.normal(ks[0], (N, D), dtype=jnp.float32)
    edge = jax.random.randint(ks[1], (2, E), 0, N, dtype=jnp.int32)
    s = 1.0 / np.sqrt(D)
    # SAGEConv layer 1: lin_l (neighbor, with bias), lin_r (root, no bias)
    Wl1 = jax.random.uniform(ks[2], (D, D), jnp.float32, -s, s)
    bl1 = jax.random.uniform(ks[3], (D,), jnp.float32, -s, s)
    Wr1 = jax.random.uniform(ks[4], (D, D), jnp.float32, -s, s)
    # SAGEConv layer 2
    Wl2 = jax.random.uniform(ks[5], (D, D), jnp.float32, -s, s)
    bl2 = jax.random.uniform(ks[6], (D,), jnp.float32, -s, s)
    Wr2 = jax.random.uniform(ks[7], (D, D), jnp.float32, -s, s)
    # final Linear(hidden, out)
    Wo = jax.random.uniform(ks[8], (D, D), jnp.float32, -s, s)
    bo = jax.random.uniform(ks[9], (D,), jnp.float32, -s, s)
    return {"x": x, "edge": edge, "Wl1": Wl1, "bl1": bl1, "Wr1": Wr1,
            "Wl2": Wl2, "bl2": bl2, "Wr2": Wr2, "Wo": Wo, "bo": bo}


def _sage_conv(x, src, dst, n, Wl, bl, Wr):
    # message = x[src]; mean-aggregate by dst; out = lin_l(agg) + lin_r(x)
    msgs = jnp.take(x, src, axis=0)
    summed = jax.ops.segment_sum(msgs, dst, num_segments=n)
    cnt = jax.ops.segment_sum(jnp.ones((src.shape[0],), x.dtype), dst, num_segments=n)
    mean = summed / jnp.clip(cnt, 1.0)[:, None]
    return mean @ Wl.T + bl + x @ Wr.T


def reference(x, edge, Wl1, bl1, Wr1, Wl2, bl2, Wr2, Wo, bo):
    src, dst = edge[0], edge[1]
    n = x.shape[0]
    h = _sage_conv(x, src, dst, n, Wl1, bl1, Wr1)
    h = jax.nn.leaky_relu(h, negative_slope=0.01)
    # dropout omitted for deterministic reference (eval semantics)
    h = _sage_conv(h, src, dst, n, Wl2, bl2, Wr2)
    h = jax.nn.leaky_relu(h, negative_slope=0.01)
    return h @ Wo.T + bo

if __name__ == "__main__":
    import jax
    _d = setup_inputs()
    print(jax.jit(kernel)(*tuple(_d.values())))

</pallas_src>

<mosaic_0001>
#map = affine_map<(d0, d1) -> (0, 0)>
#map1 = affine_map<(d0, d1) -> (0)>
module attributes {stable_mosaic.version = 14 : i64} {
  func.func @body(%arg0: i32, %arg1: i32, %arg2: memref<10000x128xf32, #tpu.memory_space<hbm>>, %arg3: memref<2x320000xi32, #tpu.memory_space<hbm>>, %arg4: memref<7680xi32, #tpu.memory_space<hbm>>, %arg5: memref<7680xi32, #tpu.memory_space<hbm>>, %arg6: memref<10112x128xf32, #tpu.memory_space<hbm>>, %arg7: memref<10112x128xf32, #tpu.memory_space<hbm>>, %arg8: memref<4x128xi32, #tpu.memory_space<vmem>>, %arg9: memref<4x128xi32, #tpu.memory_space<vmem>>, %arg10: memref<4x128xi32, #tpu.memory_space<vmem>>, %arg11: memref<4x128xi32, #tpu.memory_space<vmem>>, %arg12: memref<128x128xf32, #tpu.memory_space<vmem>>, %arg13: memref<128x128xf32, #tpu.memory_space<vmem>>, %arg14: memref<10112x128xf32, #tpu.memory_space<vmem_shared>>, %arg15: memref<!tpu.dma_semaphore, #tpu.memory_space<semaphore_mem>>, %arg16: memref<!tpu.dma_semaphore, #tpu.memory_space<semaphore_mem>>, %arg17: memref<!tpu.dma_semaphore, #tpu.memory_space<semaphore_mem>>, %arg18: memref<!tpu.dma_semaphore, #tpu.memory_space<semaphore_mem>>, %arg19: memref<!tpu.dma_semaphore, #tpu.memory_space<semaphore_mem>>, %arg20: memref<!tpu.dma_semaphore, #tpu.memory_space<semaphore_mem>>) attributes {dimension_semantics = [#tpu.dimension_semantics<core_parallel>, #tpu.dimension_semantics<subcore_parallel>], iteration_bounds = array<i64: 2, 16>, scalar_prefetch = 0 : i64, scratch_operands = 13 : i64, tpu.core_type = #tpu.core_type<sc_vector_subcore>, window_params = [{transform_indices = #map}, {transform_indices = #map}, {transform_indices = #map1}, {transform_indices = #map1}, {transform_indices = #map}, {transform_indices = #map}]} {
    %mul3A = arith.constant 16 : i32
    %mul3A_0 = arith.muli %arg0, %mul3A : i32
    %add3A = arith.addi %mul3A_0, %arg1 : i32
    %broadcast_in_dim3A = arith.constant 0.000000e+00 : f32
    %broadcast_in_dim3A_1 = vector.broadcast %broadcast_in_dim3A : f32 to vector<16xf32>
    %scan3A = arith.constant 0 : i32
    %scan3A_2 = arith.constant 0 : i32
    %scan3A_3 = arith.constant 128 : i32
    %scan3A_4 = arith.addi %scan3A_2, %scan3A_3 : i32
    %scan3A_5 = arith.constant 1 : i32
    scf.for %scan3A_196 = %scan3A_2 to %scan3A_4 step %scan3A_5  : i32 {
      %swap3A = arith.index_cast %scan3A_196 : i32 to index
      %swap3A_197 = arith.constant 0 : index
      %swap3A_198 = tpu.vector_load %arg12[%swap3A, %swap3A_197] {strides = array<i32>} : memref<128x128xf32, #tpu.memory_space<vmem>>, vector<1x16xf32>,
      %swap3A_199 = vector.shape_cast %swap3A_198 : vector<1x16xf32> to vector<16xf32>
      %swap3A_200 = vector.shape_cast %broadcast_in_dim3A_1 : vector<16xf32> to vector<1x16xf32>
      tpu.vector_store %arg12[%swap3A, %swap3A_197], %swap3A_200 {strides = array<i32>} : memref<128x128xf32, #tpu.memory_space<vmem>>, vector<1x16xf32>,
      %swap3A_201 = arith.index_cast %scan3A_196 : i32 to index
      %swap3A_202 = arith.constant 16 : index
      %swap3A_203 = tpu.vector_load %arg12[%swap3A_201, %swap3A_202] {strides = array<i32>} : memref<128x128xf32, #tpu.memory_space<vmem>>, vector<1x16xf32>,
      %swap3A_204 = vector.shape_cast %swap3A_203 : vector<1x16xf32> to vector<16xf32>
      %swap3A_205 = vector.shape_cast %broadcast_in_dim3A_1 : vector<16xf32> to vector<1x16xf32>
      tpu.vector_store %arg12[%swap3A_201, %swap3A_202], %swap3A_205 {strides = array<i32>} : memref<128x128xf32, #tpu.memory_space<vmem>>, vector<1x16xf32>,
      %swap3A_206 = arith.index_cast %scan3A_196 : i32 to index
      %swap3A_207 = arith.constant 32 : index
      %swap3A_208 = tpu.vector_load %arg12[%swap3A_206, %swap3A_207] {strides = array<i32>} : memref<128x128xf32, #tpu.memory_space<vmem>>, vector<1x16xf32>,
      %swap3A_209 = vector.shape_cast %swap3A_208 : vector<1x16xf32> to vector<16xf32>
      %swap3A_210 = vector.shape_cast %broadcast_in_dim3A_1 : vector<16xf32> to vector<1x16xf32>
      tpu.vector_store %arg12[%swap3A_206, %swap3A_207], %swap3A_210 {strides = array<i32>} : memref<128x128xf32, #tpu.memory_space<vmem>>, vector<1x16xf32>,
      %swap3A_211 = arith.index_cast %scan3A_196 : i32 to index
      %swap3A_212 = arith.constant 48 : index
      %swap3A_213 = tpu.vector_load %arg12[%swap3A_211, %swap3A_212] {strides = array<i32>} : memref<128x128xf32, #tpu.memory_space<vmem>>, vector<1x16xf32>,
      %swap3A_214 = vector.shape_cast %swap3A_213 : vector<1x16xf32> to vector<16xf32>
      %swap3A_215 = vector.shape_cast %broadcast_in_dim3A_1 : vector<16xf32> to vector<1x16xf32>
      tpu.vector_store %arg12[%swap3A_211, %swap3A_212], %swap3A_215 {strides = array<i32>} : memref<128x128xf32, #tpu.memory_space<vmem>>, vector<1x16xf32>,
      %swap3A_216 = arith.index_cast %scan3A_196 : i32 to index
      %swap3A_217 = arith.constant 64 : index
      %swap3A_218 = tpu.vector_load %arg12[%swap3A_216, %swap3A_217] {strides = array<i32>} : memref<128x128xf32, #tpu.memory_space<vmem>>, vector<1x16xf32>,
      %swap3A_219 = vector.shape_cast %swap3A_218 : vector<1x16xf32> to vector<16xf32>
      %swap3A_220 = vector.shape_cast %broadcast_in_dim3A_1 : vector<16xf32> to vector<1x16xf32>
      tpu.vector_store %arg12[%swap3A_216, %swap3A_217], %swap3A_220 {strides = array<i32>} : memref<128x128xf32, #tpu.memory_space<vmem>>, vector<1x16xf32>,
      %swap3A_221 = arith.index_cast %scan3A_196 : i32 to index
      %swap3A_222 = arith.constant 80 : index
      %swap3A_223 = tpu.vector_load %arg12[%swap3A_221, %swap3A_222] {strides = array<i32>} : memref<128x128xf32, #tpu.memory_space<vmem>>, vector<1x16xf32>,
      %swap3A_224 = vector.shape_cast %swap3A_223 : vector<1x16xf32> to vector<16xf32>
      %swap3A_225 = vector.shape_cast %broadcast_in_dim3A_1 : vector<16xf32> to vector<1x16xf32>
      tpu.vector_store %arg12[%swap3A_221, %swap3A_222], %swap3A_225 {strides = array<i32>} : memref<128x128xf32, #tpu.memory_space<vmem>>, vector<1x16xf32>,
      %swap3A_226 = arith.index_cast %scan3A_196 : i32 to index
      %swap3A_227 = arith.constant 96 : index
      %swap3A_228 = tpu.vector_load %arg12[%swap3A_226, %swap3A_227] {strides = array<i32>} : memref<128x128xf32, #tpu.memory_space<vmem>>, vector<1x16xf32>,
      %swap3A_229 = vector.shape_cast %swap3A_228 : vector<1x16xf32> to vector<16xf32>
      %swap3A_230 = vector.shape_cast %broadcast_in_dim3A_1 : vector<16xf32> to vector<1x16xf32>
      tpu.vector_store %arg12[%swap3A_226, %swap3A_227], %swap3A_230 {strides = array<i32>} : memref<128x128xf32, #tpu.memory_space<vmem>>, vector<1x16xf32>,
      %swap3A_231 = arith.index_cast %scan3A_196 : i32 to index
      %swap3A_232 = arith.constant 112 : index
      %swap3A_233 = tpu.vector_load %arg12[%swap3A_231, %swap3A_232] {strides = array<i32>} : memref<128x128xf32, #tpu.memory_space<vmem>>, vector<1x16xf32>,
      %swap3A_234 = vector.shape_cast %swap3A_233 : vector<1x16xf32> to vector<16xf32>
      %swap3A_235 = vector.shape_cast %broadcast_in_dim3A_1 : vector<16xf32> to vector<1x16xf32>
      tpu.vector_store %arg12[%swap3A_231, %swap3A_232], %swap3A_235 {strides = array<i32>} : memref<128x128xf32, #tpu.memory_space<vmem>>, vector<1x16xf32>,
    }
    %scan3A_6 = arith.constant 128 : i32
    %mul3A_7 = arith.constant 632 : i32
    %mul3A_8 = arith.muli %arg1, %mul3A_7 : i32
    %add3A_9 = arith.constant 0 : i32
    %add3A_10 = arith.addi %mul3A_8, %add3A_9 : i32
    "tpu.region"() ({
      %run_scoped3A = tpu.sem_alloc : memref<!tpu.dma_semaphore, #tpu.memory_space<semaphore_mem>>
      %dma_start3A_196 = arith.constant 0 : i32
      %dma_start3A_197 = tpu.memref_slice %arg14[%add3A_10, %dma_start3A_196] : memref<10112x128xf32, #tpu.memory_space<vmem_shared>> -> memref<128x128xf32, #tpu.memory_space<vmem_shared>>
      %dma_start3A_198 = arith.constant 0 : i32
      %dma_start3A_199 = tpu.memref_slice %arg14[%add3A_10, %dma_start3A_198] : memref<10112x128xf32, #tpu.memory_space<vmem_shared>> -> memref<128x128xf32, #tpu.memory_space<vmem_shared>>
      tpu.enqueue_dma source(%arg12 : memref<128x128xf32, #tpu.memory_space<vmem>>) target(%dma_start3A_199 : memref<128x128xf32, #tpu.memory_space<vmem_shared>>) target_semaphore(%run_scoped3A : memref<!tpu.dma_semaphore, #tpu.memory_space<semaphore_mem>>)
      %dma_wait3A_200 = arith.constant 0 : i32
      %dma_wait3A_201 = tpu.memref_slice %arg14[%add3A_10, %dma_wait3A_200] : memref<10112x128xf32, #tpu.memory_space<vmem_shared>> -> memref<128x128xf32, #tpu.memory_space<vmem_shared>>
      %dma_wait3A_202 = arith.constant 0 : i32
      %dma_wait3A_203 = tpu.memref_slice %arg14[%add3A_10, %dma_wait3A_202] : memref<10112x128xf32, #tpu.memory_space<vmem_shared>> -> memref<128x128xf32, #tpu.memory_space<vmem_shared>>
      tpu.wait_dma2 semaphore(%run_scoped3A : memref<!tpu.dma_semaphore, #tpu.memory_space<semaphore_mem>>) src(%arg12 : memref<128x128xf32, #tpu.memory_space<vmem>>) dst(%dma_wait3A_203 : memref<128x128xf32, #tpu.memory_space<vmem_shared>>)
      tpu.yield
    }) : () -> ()
    %add3A_11 = arith.constant 128 : i32
    %add3A_12 = arith.addi %mul3A_8, %add3A_11 : i32
    "tpu.region"() ({
      %run_scoped3A = tpu.sem_alloc : memref<!tpu.dma_semaphore, #tpu.memory_space<semaphore_mem>>
      %dma_start3A_196 = arith.constant 0 : i32
      %dma_start3A_197 = tpu.memref_slice %arg14[%add3A_12, %dma_start3A_196] : memref<10112x128xf32, #tpu.memory_space<vmem_shared>> -> memref<128x128xf32, #tpu.memory_space<vmem_shared>>
      %dma_start3A_198 = arith.constant 0 : i32
      %dma_start3A_199 = tpu.memref_slice %arg14[%add3A_12, %dma_start3A_198] : memref<10112x128xf32, #tpu.memory_space<vmem_shared>> -> memref<128x128xf32, #tpu.memory_space<vmem_shared>>
      tpu.enqueue_dma source(%arg12 : memref<128x128xf32, #tpu.memory_space<vmem>>) target(%dma_start3A_199 : memref<128x128xf32, #tpu.memory_space<vmem_shared>>) target_semaphore(%run_scoped3A : memref<!tpu.dma_semaphore, #tpu.memory_space<semaphore_mem>>)
      %dma_wait3A_200 = arith.constant 0 : i32
      %dma_wait3A_201 = tpu.memref_slice %arg14[%add3A_12, %dma_wait3A_200] : memref<10112x128xf32, #tpu.memory_space<vmem_shared>> -> memref<128x128xf32, #tpu.memory_space<vmem_shared>>
      %dma_wait3A_202 = arith.constant 0 : i32
      %dma_wait3A_203 = tpu.memref_slice %arg14[%add3A_12, %dma_wait3A_202] : memref<10112x128xf32, #tpu.memory_space<vmem_shared>> -> memref<128x128xf32, #tpu.memory_space<vmem_shared>>
      tpu.wait_dma2 semaphore(%run_scoped3A : memref<!tpu.dma_semaphore, #tpu.memory_space<semaphore_mem>>) src(%arg12 : memref<128x128xf32, #tpu.memory_space<vmem>>) dst(%dma_wait3A_203 : memref<128x128xf32, #tpu.memory_space<vmem_shared>>)
      tpu.yield
    }) : () -> ()
    %add3A_13 = arith.constant 256 : i32
    %add3A_14 = arith.addi %mul3A_8, %add3A_13 : i32
    "tpu.region"() ({
      %run_scoped3A = tpu.sem_alloc : memref<!tpu.dma_semaphore, #tpu.memory_space<semaphore_mem>>
      %dma_start3A_196 = arith.constant 0 : i32
      %dma_start3A_197 = tpu.memref_slice %arg14[%add3A_14, %dma_start3A_196] : memref<10112x128xf32, #tpu.memory_space<vmem_shared>> -> memref<128x128xf32, #tpu.memory_space<vmem_shared>>
      %dma_start3A_198 = arith.constant 0 : i32
      %dma_start3A_199 = tpu.memref_slice %arg14[%add3A_14, %dma_start3A_198] : memref<10112x128xf32, #tpu.memory_space<vmem_shared>> -> memref<128x128xf32, #tpu.memory_space<vmem_shared>>
      tpu.enqueue_dma source(%arg12 : memref<128x128xf32, #tpu.memory_space<vmem>>) target(%dma_start3A_199 : memref<128x128xf32, #tpu.memory_space<vmem_shared>>) target_semaphore(%run_scoped3A : memref<!tpu.dma_semaphore, #tpu.memory_space<semaphore_mem>>)
      %dma_wait3A_200 = arith.constant 0 : i32
      %dma_wait3A_201 = tpu.memref_slice %arg14[%add3A_14, %dma_wait3A_200] : memref<10112x128xf32, #tpu.memory_space<vmem_shared>> -> memref<128x128xf32, #tpu.memory_space<vmem_shared>>
      %dma_wait3A_202 = arith.constant 0 : i32
      %dma_wait3A_203 = tpu.memref_slice %arg14[%add3A_14, %dma_wait3A_202] : memref<10112x128xf32, #tpu.memory_space<vmem_shared>> -> memref<128x128xf32, #tpu.memory_space<vmem_shared>>
      tpu.wait_dma2 semaphore(%run_scoped3A : memref<!tpu.dma_semaphore, #tpu.memory_space<semaphore_mem>>) src(%arg12 : memref<128x128xf32, #tpu.memory_space<vmem>>) dst(%dma_wait3A_203 : memref<128x128xf32, #tpu.memory_space<vmem_shared>>)
      tpu.yield
    }) : () -> ()
    %add3A_15 = arith.constant 384 : i32
    %add3A_16 = arith.addi %mul3A_8, %add3A_15 : i32
    "tpu.region"() ({
      %run_scoped3A = tpu.sem_alloc : memref<!tpu.dma_semaphore, #tpu.memory_space<semaphore_mem>>
      %dma_start3A_196 = arith.constant 0 : i32
      %dma_start3A_197 = tpu.memref_slice %arg14[%add3A_16, %dma_start3A_196] : memref<10112x128xf32, #tpu.memory_space<vmem_shared>> -> memref<128x128xf32, #tpu.memory_space<vmem_shared>>
      %dma_start3A_198 = arith.constant 0 : i32
      %dma_start3A_199 = tpu.memref_slice %arg14[%add3A_16, %dma_start3A_198] : memref<10112x128xf32, #tpu.memory_space<vmem_shared>> -> memref<128x128xf32, #tpu.memory_space<vmem_shared>>
      tpu.enqueue_dma source(%arg12 : memref<128x128xf32, #tpu.memory_space<vmem>>) target(%dma_start3A_199 : memref<128x128xf32, #tpu.memory_space<vmem_shared>>) target_semaphore(%run_scoped3A : memref<!tpu.dma_semaphore, #tpu.memory_space<semaphore_mem>>)
      %dma_wait3A_200 = arith.constant 0 : i32
      %dma_wait3A_201 = tpu.memref_slice %arg14[%add3A_16, %dma_wait3A_200] : memref<10112x128xf32, #tpu.memory_space<vmem_shared>> -> memref<128x128xf32, #tpu.memory_space<vmem_shared>>
      %dma_wait3A_202 = arith.constant 0 : i32
      %dma_wait3A_203 = tpu.memref_slice %arg14[%add3A_16, %dma_wait3A_202] : memref<10112x128xf32, #tpu.memory_space<vmem_shared>> -> memref<128x128xf32, #tpu.memory_space<vmem_shared>>
      tpu.wait_dma2 semaphore(%run_scoped3A : memref<!tpu.dma_semaphore, #tpu.memory_space<semaphore_mem>>) src(%arg12 : memref<128x128xf32, #tpu.memory_space<vmem>>) dst(%dma_wait3A_203 : memref<128x128xf32, #tpu.memory_space<vmem_shared>>)
      tpu.yield
    }) : () -> ()
    %add3A_17 = arith.constant 512 : i32
    %add3A_18 = arith.addi %mul3A_8, %add3A_17 : i32
    "tpu.region"() ({
      %run_scoped3A = tpu.sem_alloc : memref<!tpu.dma_semaphore, #tpu.memory_space<semaphore_mem>>
      %dma_start3A_196 = arith.constant 0 : i32
      %dma_start3A_197 = arith.constant 0 : i32
      %dma_start3A_198 = tpu.memref_slice %arg12[%dma_start3A_196, %dma_start3A_197] : memref<128x128xf32, #tpu.memory_space<vmem>> -> memref<120x128xf32, #tpu.memory_space<vmem>>
      %dma_start3A_199 = arith.constant 0 : i32
      %dma_start3A_200 = tpu.memref_slice %arg14[%add3A_18, %dma_start3A_199] : memref<10112x128xf32, #tpu.memory_space<vmem_shared>> -> memref<120x128xf32, #tpu.memory_space<vmem_shared>>
      %dma_start3A_201 = arith.constant 0 : i32
      %dma_start3A_202 = tpu.memref_slice %arg14[%add3A_18, %dma_start3A_201] : memref<10112x128xf32, #tpu.memory_space<vmem_shared>> -> memref<120x128xf32, #tpu.memory_space<vmem_shared>>
      %dma_start3A_203 = arith.constant 0 : i32
      %dma_start3A_204 = arith.constant 0 : i32
      %dma_start3A_205 = tpu.memref_slice %arg12[%dma_start3A_203, %dma_start3A_204] : memref<128x128xf32, #tpu.memory_space<vmem>> -> memref<120x128xf32, #tpu.memory_space<vmem>>
      tpu.enqueue_dma source(%dma_start3A_205 : memref<120x128xf32, #tpu.memory_space<vmem>>) target(%dma_start3A_202 : memref<120x128xf32, #tpu.memory_space<vmem_shared>>) target_semaphore(%run_scoped3A : memref<!tpu.dma_semaphore, #tpu.memory_space<semaphore_mem>>)
      %dma_wait3A_206 = arith.constant 0 : i32
      %dma_wait3A_207 = arith.constant 0 : i32
      %dma_wait3A_208 = tpu.memref_slice %arg12[%dma_wait3A_206, %dma_wait3A_207] : memref<128x128xf32, #tpu.memory_space<vmem>> -> memref<120x128xf32, #tpu.memory_space<vmem>>
      %dma_wait3A_209 = arith.constant 0 : i32
      %dma_wait3A_210 = tpu.memref_slice %arg14[%add3A_18, %dma_wait3A_209] : memref<10112x128xf32, #tpu.memory_space<vmem_shared>> -> memref<120x128xf32, #tpu.memory_space<vmem_shared>>
      %dma_wait3A_211 = arith.constant 0 : i32
      %dma_wait3A_212 = tpu.memref_slice %arg14[%add3A_18, %dma_wait3A_211] : memref<10112x128xf32, #tpu.memory_space<vmem_shared>> -> memref<120x128xf32, #tpu.memory_space<vmem_shared>>
      %dma_wait3A_213 = arith.constant 0 : i32
      %dma_wait3A_214 = arith.constant 0 : i32
      %dma_wait3A_215 = tpu.memref_slice %arg12[%dma_wait3A_213, %dma_wait3A_214] : memref<128x128xf32, #tpu.memory_space<vmem>> -> memref<120x128xf32, #tpu.memory_space<vmem>>
      tpu.wait_dma2 semaphore(%run_scoped3A : memref<!tpu.dma_semaphore, #tpu.memory_space<semaphore_mem>>) src(%dma_wait3A_215 : memref<120x128xf32, #tpu.memory_space<vmem>>) dst(%dma_wait3A_212 : memref<120x128xf32, #tpu.memory_space<vmem_shared>>)
      tpu.yield
    }) : () -> ()
    %barrier3A = arith.constant 0 : index
    tpu.barrier barrier_id(%barrier3A)
    %mul3A_19 = arith.constant 80 : i32
    %mul3A_20 = arith.muli %add3A, %mul3A_19 : i32
    %add3A_21 = arith.constant 0 : i32
    %add3A_22 = arith.addi %mul3A_20, %add3A_21 : i32
    %add3A_23 = arith.constant 0 : i32
    %add3A_24 = arith.addi %add3A_22, %add3A_23 : i32
    %lt3A = arith.constant 2500 : i32
    %lt3A_25 = arith.cmpi slt, %add3A_24, %lt3A : i32
    %convert_element_type3A = arith.extui %lt3A_25 : i1 to i32
    %cond3A = arith.constant 0 : i32
    %cond3A_26 = arith.cmpi ne, %convert_element_type3A, %cond3A : i32
    scf.if %cond3A_26 {
      %mul3A_196 = arith.constant 128 : i32
      %mul3A_197 = arith.muli %add3A_24, %mul3A_196 : i32
      %dma_start3A_198 = arith.constant 0 : i32
      %dma_start3A_199 = arith.constant 0 : i32
      %dma_start3A_200 = arith.constant 0 : i32
      %dma_start3A_201 = tpu.memref_slice %arg8[%dma_start3A_199, %dma_start3A_200] : memref<4x128xi32, #tpu.memory_space<vmem>> -> memref<1x128xi32, #tpu.memory_space<vmem>>
      %dma_start3A_202 = tpu.memref_squeeze %dma_start3A_201 : memref<1x128xi32, #tpu.memory_space<vmem>> -> memref<128xi32, #tpu.memory_space<vmem>>
      %dma_start3A_203 = tpu.memref_slice %arg3[%dma_start3A_198, %mul3A_197] : memref<2x320000xi32, #tpu.memory_space<hbm>> -> memref<1x128xi32, #tpu.memory_space<hbm>>
      %dma_start3A_204 = tpu.memref_squeeze %dma_start3A_203 : memref<1x128xi32, #tpu.memory_space<hbm>> -> memref<128xi32, #tpu.memory_space<hbm>>
      %dma_start3A_205 = arith.constant 0 : i32
      %dma_start3A_206 = tpu.memref_slice %arg8[%dma_start3A_199, %dma_start3A_205] : memref<4x128xi32, #tpu.memory_space<vmem>> -> memref<1x128xi32, #tpu.memory_space<vmem>>
      %dma_start3A_207 = tpu.memref_squeeze %dma_start3A_206 : memref<1x128xi32, #tpu.memory_space<vmem>> -> memref<128xi32, #tpu.memory_space<vmem>>
      %dma_start3A_208 = tpu.memref_slice %arg3[%dma_start3A_198, %mul3A_197] : memref<2x320000xi32, #tpu.memory_space<hbm>> -> memref<1x128xi32, #tpu.memory_space<hbm>>
      %dma_start3A_209 = tpu.memref_squeeze %dma_start3A_208 : memref<1x128xi32, #tpu.memory_space<hbm>> -> memref<128xi32, #tpu.memory_space<hbm>>
      tpu.enqueue_dma source(%dma_start3A_209 : memref<128xi32, #tpu.memory_space<hbm>>) target(%dma_start3A_207 : memref<128xi32, #tpu.memory_space<vmem>>) target_semaphore(%arg19 : memref<!tpu.dma_semaphore, #tpu.memory_space<semaphore_mem>>)
      %dma_start3A_210 = arith.constant 1 : i32
      %dma_start3A_211 = arith.constant 0 : i32
      %dma_start3A_212 = arith.constant 0 : i32
      %dma_start3A_213 = tpu.memref_slice %arg9[%dma_start3A_211, %dma_start3A_212] : memref<4x128xi32, #tpu.memory_space<vmem>> -> memref<1x128xi32, #tpu.memory_space<vmem>>
      %dma_start3A_214 = tpu.memref_squeeze %dma_start3A_213 : memref<1x128xi32, #tpu.memory_space<vmem>> -> memref<128xi32, #tpu.memory_space<vmem>>
      %dma_start3A_215 = tpu.memref_slice %arg3[%dma_start3A_210, %mul3A_197] : memref<2x320000xi32, #tpu.memory_space<hbm>> -> memref<1x128xi32, #tpu.memory_space<hbm>>
      %dma_start3A_216 = tpu.memref_squeeze %dma_start3A_215 : memref<1x128xi32, #tpu.memory_space<hbm>> -> memref<128xi32, #tpu.memory_space<hbm>>
      %dma_start3A_217 = arith.constant 0 : i32
      %dma_start3A_218 = tpu.memref_slice %arg9[%dma_start3A_211, %dma_start3A_217] : memref<4x128xi32, #tpu.memory_space<vmem>> -> memref<1x128xi32, #tpu.memory_space<vmem>>
      %dma_start3A_219 = tpu.memref_squeeze %dma_start3A_218 : memref<1x128xi32, #tpu.memory_space<vmem>> -> memref<128xi32, #tpu.memory_space<vmem>>
      %dma_start3A_220 = tpu.memref_slice %arg3[%dma_start3A_210, %mul3A_197] : memref<2x320000xi32, #tpu.memory_space<hbm>> -> memref<1x128xi32, #tpu.memory_space<hbm>>
      %dma_start3A_221 = tpu.memref_squeeze %dma_start3A_220 : memref<1x128xi32, #tpu.memory_space<hbm>> -> memref<128xi32, #tpu.memory_space<hbm>>
      tpu.enqueue_dma source(%dma_start3A_221 : memref<128xi32, #tpu.memory_space<hbm>>) target(%dma_start3A_219 : memref<128xi32, #tpu.memory_space<vmem>>) target_semaphore(%arg19 : memref<!tpu.dma_semaphore, #tpu.memory_space<semaphore_mem>>)
    } else {
    }
    %ge3A = arith.constant 2500 : i32
    %ge3A_27 = arith.cmpi sge, %add3A_24, %ge3A : i32
    %convert_element_type3A_28 = arith.extui %ge3A_27 : i1 to i32
    %cond3A_29 = arith.constant 0 : i32
    %cond3A_30 = arith.cmpi ne, %convert_element_type3A_28, %cond3A_29 : i32
    scf.if %cond3A_30 {
      %sub3A = arith.constant 2500 : i32
      %sub3A_196 = arith.subi %add3A_24, %sub3A : i32
      %mul3A_197 = arith.constant 128 : i32
      %mul3A_198 = arith.muli %sub3A_196, %mul3A_197 : i32
      %dma_start3A_199 = arith.constant 0 : i32
      %dma_start3A_200 = arith.constant 0 : i32
      %dma_start3A_201 = tpu.memref_slice %arg8[%dma_start3A_199, %dma_start3A_200] : memref<4x128xi32, #tpu.memory_space<vmem>> -> memref<1x128xi32, #tpu.memory_space<vmem>>
      %dma_start3A_202 = tpu.memref_squeeze %dma_start3A_201 : memref<1x128xi32, #tpu.memory_space<vmem>> -> memref<128xi32, #tpu.memory_space<vmem>>
      %dma_start3A_203 = tpu.memref_slice %arg4[%mul3A_198] : memref<7680xi32, #tpu.memory_space<hbm>> -> memref<128xi32, #tpu.memory_space<hbm>>
      %dma_start3A_204 = arith.constant 0 : i32
      %dma_start3A_205 = tpu.memref_slice %arg8[%dma_start3A_199, %dma_start3A_204] : memref<4x128xi32, #tpu.memory_space<vmem>> -> memref<1x128xi32, #tpu.memory_space<vmem>>
      %dma_start3A_206 = tpu.memref_squeeze %dma_start3A_205 : memref<1x128xi32, #tpu.memory_space<vmem>> -> memref<128xi32, #tpu.memory_space<vmem>>
      %dma_start3A_207 = tpu.memref_slice %arg4[%mul3A_198] : memref<7680xi32, #tpu.memory_space<hbm>> -> memref<128xi32, #tpu.memory_space<hbm>>
      tpu.enqueue_dma source(%dma_start3A_207 : memref<128xi32, #tpu.memory_space<hbm>>) target(%dma_start3A_206 : memref<128xi32, #tpu.memory_space<vmem>>) target_semaphore(%arg19 : memref<!tpu.dma_semaphore, #tpu.memory_space<semaphore_mem>>)
      %dma_start3A_208 = arith.constant 0 : i32
      %dma_start3A_209 = arith.constant 0 : i32
      %dma_start3A_210 = tpu.memref_slice %arg9[%dma_start3A_208, %dma_start3A_209] : memref<4x128xi32, #tpu.memory_space<vmem>> -> memref<1x128xi32, #tpu.memory_space<vmem>>
      %dma_start3A_211 = tpu.memref_squeeze %dma_start3A_210 : memref<1x128xi32, #tpu.memory_space<vmem>> -> memref<128xi32, #tpu.memory_space<vmem>>
      %dma_start3A_212 = tpu.memref_slice %arg5[%mul3A_198] : memref<7680xi32, #tpu.memory_space<hbm>> -> memref<128xi32, #tpu.memory_space<hbm>>
      %dma_start3A_213 = arith.constant 0 : i32
      %dma_start3A_214 = tpu.memref_slice %arg9[%dma_start3A_208, %dma_start3A_213] : memref<4x128xi32, #tpu.memory_space<vmem>> -> memref<1x128xi32, #tpu.memory_space<vmem>>
      %dma_start3A_215 = tpu.memref_squeeze %dma_start3A_214 : memref<1x128xi32, #tpu.memory_space<vmem>> -> memref<128xi32, #tpu.memory_space<vmem>>
      %dma_start3A_216 = tpu.memref_slice %arg5[%mul3A_198] : memref<7680xi32, #tpu.memory_space<hbm>> -> memref<128xi32, #tpu.memory_space<hbm>>
      tpu.enqueue_dma source(%dma_start3A_216 : memref<128xi32, #tpu.memory_space<hbm>>) target(%dma_start3A_215 : memref<128xi32, #tpu.memory_space<vmem>>) target_semaphore(%arg19 : memref<!tpu.dma_semaphore, #tpu.memory_space<semaphore_mem>>)
    } else {
    }
    %add3A_31 = arith.constant 0 : i32
    %add3A_32 = arith.addi %mul3A_20, %add3A_31 : i32
    %add3A_33 = arith.constant 1 : i32
    %add3A_34 = arith.addi %add3A_32, %add3A_33 : i32
    %lt3A_35 = arith.constant 2500 : i32
    %lt3A_36 = arith.cmpi slt, %add3A_34, %lt3A_35 : i32
    %convert_element_type3A_37 = arith.extui %lt3A_36 : i1 to i32
    %cond3A_38 = arith.constant 0 : i32
    %cond3A_39 = arith.cmpi ne, %convert_element_type3A_37, %cond3A_38 : i32
    scf.if %cond3A_39 {
      %mul3A_196 = arith.constant 128 : i32
      %mul3A_197 = arith.muli %add3A_34, %mul3A_196 : i32
      %dma_start3A_198 = arith.constant 0 : i32
      %dma_start3A_199 = arith.constant 1 : i32
      %dma_start3A_200 = arith.constant 0 : i32
      %dma_start3A_201 = tpu.memref_slice %arg8[%dma_start3A_199, %dma_start3A_200] : memref<4x128xi32, #tpu.memory_space<vmem>> -> memref<1x128xi32, #tpu.memory_space<vmem>>
      %dma_start3A_202 = tpu.memref_squeeze %dma_start3A_201 : memref<1x128xi32, #tpu.memory_space<vmem>> -> memref<128xi32, #tpu.memory_space<vmem>>
      %dma_start3A_203 = tpu.memref_slice %arg3[%dma_start3A_198, %mul3A_197] : memref<2x320000xi32, #tpu.memory_space<hbm>> -> memref<1x128xi32, #tpu.memory_space<hbm>>
      %dma_start3A_204 = tpu.memref_squeeze %dma_start3A_203 : memref<1x128xi32, #tpu.memory_space<hbm>> -> memref<128xi32, #tpu.memory_space<hbm>>
      %dma_start3A_205 = arith.constant 0 : i32
      %dma_start3A_206 = tpu.memref_slice %arg8[%dma_start3A_199, %dma_start3A_205] : memref<4x128xi32, #tpu.memory_space<vmem>> -> memref<1x128xi32, #tpu.memory_space<vmem>>
      %dma_start3A_207 = tpu.memref_squeeze %dma_start3A_206 : memref<1x128xi32, #tpu.memory_space<vmem>> -> memref<128xi32, #tpu.memory_space<vmem>>
      %dma_start3A_208 = tpu.memref_slice %arg3[%dma_start3A_198, %mul3A_197] : memref<2x320000xi32, #tpu.memory_space<hbm>> -> memref<1x128xi32, #tpu.memory_space<hbm>>
      %dma_start3A_209 = tpu.memref_squeeze %dma_start3A_208 : memref<1x128xi32, #tpu.memory_space<hbm>> -> memref<128xi32, #tpu.memory_space<hbm>>
      tpu.enqueue_dma source(%dma_start3A_209 : memref<128xi32, #tpu.memory_space<hbm>>) target(%dma_start3A_207 : memref<128xi32, #tpu.memory_space<vmem>>) target_semaphore(%arg19 : memref<!tpu.dma_semaphore, #tpu.memory_space<semaphore_mem>>)
      %dma_start3A_210 = arith.constant 1 : i32
      %dma_start3A_211 = arith.constant 1 : i32
      %dma_start3A_212 = arith.constant 0 : i32
      %dma_start3A_213 = tpu.memref_slice %arg9[%dma_start3A_211, %dma_start3A_212] : memref<4x128xi32, #tpu.memory_space<vmem>> -> memref<1x128xi32, #tpu.memory_space<vmem>>
      %dma_start3A_214 = tpu.memref_squeeze %dma_start3A_213 : memref<1x128xi32, #tpu.memory_space<vmem>> -> memref<128xi32, #tpu.memory_space<vmem>>
      %dma_start3A_215 = tpu.memref_slice %arg3[%dma_start3A_210, %mul3A_197] : memref<2x320000xi32, #tpu.memory_space<hbm>> -> memref<1x128xi32, #tpu.memory_space<hbm>>
      %dma_start3A_216 = tpu.memref_squeeze %dma_start3A_215 : memref<1x128xi32, #tpu.memory_space<hbm>> -> memref<128xi32, #tpu.memory_space<hbm>>
      %dma_start3A_217 = arith.constant 0 : i32
      %dma_start3A_218 = tpu.memref_slice %arg9[%dma_start3A_211, %dma_start3A_217] : memref<4x128xi32, #tpu.memory_space<vmem>> -> memref<1x128xi32, #tpu.memory_space<vmem>>
      %dma_start3A_219 = tpu.memref_squeeze %dma_start3A_218 : memref<1x128xi32, #tpu.memory_space<vmem>> -> memref<128xi32, #tpu.memory_space<vmem>>
      %dma_start3A_220 = tpu.memref_slice %arg3[%dma_start3A_210, %mul3A_197] : memref<2x320000xi32, #tpu.memory_space<hbm>> -> memref<1x128xi32, #tpu.memory_space<hbm>>
      %dma_start3A_221 = tpu.memref_squeeze %dma_start3A_220 : memref<1x128xi32, #tpu.memory_space<hbm>> -> memref<128xi32, #tpu.memory_space<hbm>>
      tpu.enqueue_dma source(%dma_start3A_221 : memref<128xi32, #tpu.memory_space<hbm>>) target(%dma_start3A_219 : memref<128xi32, #tpu.memory_space<vmem>>) target_semaphore(%arg19 : memref<!tpu.dma_semaphore, #tpu.memory_space<semaphore_mem>>)
    } else {
    }
    %ge3A_40 = arith.constant 2500 : i32
    %ge3A_41 = arith.cmpi sge, %add3A_34, %ge3A_40 : i32
    %convert_element_type3A_42 = arith.extui %ge3A_41 : i1 to i32
    %cond3A_43 = arith.constant 0 : i32
    %cond3A_44 = arith.cmpi ne, %convert_element_type3A_42, %cond3A_43 : i32
    scf.if %cond3A_44 {
      %sub3A = arith.constant 2500 : i32
      %sub3A_196 = arith.subi %add3A_34, %sub3A : i32
      %mul3A_197 = arith.constant 128 : i32
      %mul3A_198 = arith.muli %sub3A_196, %mul3A_197 : i32
      %dma_start3A_199 = arith.constant 1 : i32
      %dma_start3A_200 = arith.constant 0 : i32
      %dma_start3A_201 = tpu.memref_slice %arg8[%dma_start3A_199, %dma_start3A_200] : memref<4x128xi32, #tpu.memory_space<vmem>> -> memref<1x128xi32, #tpu.memory_space<vmem>>
      %dma_start3A_202 = tpu.memref_squeeze %dma_start3A_201 : memref<1x128xi32, #tpu.memory_space<vmem>> -> memref<128xi32, #tpu.memory_space<vmem>>
      %dma_start3A_203 = tpu.memref_slice %arg4[%mul3A_198] : memref<7680xi32, #tpu.memory_space<hbm>> -> memref<128xi32, #tpu.memory_space<hbm>>
      %dma_start3A_204 = arith.constant 0 : i32
      %dma_start3A_205 = tpu.memref_slice %arg8[%dma_start3A_199, %dma_start3A_204] : memref<4x128xi32, #tpu.memory_space<vmem>> -> memref<1x128xi32, #tpu.memory_space<vmem>>
      %dma_start3A_206 = tpu.memref_squeeze %dma_start3A_205 : memref<1x128xi32, #tpu.memory_space<vmem>> -> memref<128xi32, #tpu.memory_space<vmem>>
      %dma_start3A_207 = tpu.memref_slice %arg4[%mul3A_198] : memref<7680xi32, #tpu.memory_space<hbm>> -> memref<128xi32, #tpu.memory_space<hbm>>
      tpu.enqueue_dma source(%dma_start3A_207 : memref<128xi32, #tpu.memory_space<hbm>>) target(%dma_start3A_206 : memref<128xi32, #tpu.memory_space<vmem>>) target_semaphore(%arg19 : memref<!tpu.dma_semaphore, #tpu.memory_space<semaphore_mem>>)
      %dma_start3A_208 = arith.constant 1 : i32
      %dma_start3A_209 = arith.constant 0 : i32
      %dma_start3A_210 = tpu.memref_slice %arg9[%dma_start3A_208, %dma_start3A_209] : memref<4x128xi32, #tpu.memory_space<vmem>> -> memref<1x128xi32, #tpu.memory_space<vmem>>
      %dma_start3A_211 = tpu.memref_squeeze %dma_start3A_210 : memref<1x128xi32, #tpu.memory_space<vmem>> -> memref<128xi32, #tpu.memory_space<vmem>>
      %dma_start3A_212 = tpu.memref_slice %arg5[%mul3A_198] : memref<7680xi32, #tpu.memory_space<hbm>> -> memref<128xi32, #tpu.memory_space<hbm>>
      %dma_start3A_213 = arith.constant 0 : i32
      %dma_start3A_214 = tpu.memref_slice %arg9[%dma_start3A_208, %dma_start3A_213] : memref<4x128xi32, #tpu.memory_space<vmem>> -> memref<1x128xi32, #tpu.memory_space<vmem>>
      %dma_start3A_215 = tpu.memref_squeeze %dma_start3A_214 : memref<1x128xi32, #tpu.memory_space<vmem>> -> memref<128xi32, #tpu.memory_space<vmem>>
      %dma_start3A_216 = tpu.memref_slice %arg5[%mul3A_198] : memref<7680xi32, #tpu.memory_space<hbm>> -> memref<128xi32, #tpu.memory_space<hbm>>
      tpu.enqueue_dma source(%dma_start3A_216 : memref<128xi32, #tpu.memory_space<hbm>>) target(%dma_start3A_215 : memref<128xi32, #tpu.memory_space<vmem>>) target_semaphore(%arg19 : memref<!tpu.dma_semaphore, #tpu.memory_space<semaphore_mem>>)
    } else {
    }
    %add3A_45 = arith.constant 0 : i32
    %add3A_46 = arith.addi %mul3A_20, %add3A_45 : i32
    %add3A_47 = arith.constant 2 : i32
    %add3A_48 = arith.addi %add3A_46, %add3A_47 : i32
    %lt3A_49 = arith.constant 2500 : i32
    %lt3A_50 = arith.cmpi slt, %add3A_48, %lt3A_49 : i32
    %convert_element_type3A_51 = arith.extui %lt3A_50 : i1 to i32
    %cond3A_52 = arith.constant 0 : i32
    %cond3A_53 = arith.cmpi ne, %convert_element_type3A_51, %cond3A_52 : i32
    scf.if %cond3A_53 {
      %mul3A_196 = arith.constant 128 : i32
      %mul3A_197 = arith.muli %add3A_48, %mul3A_196 : i32
      %dma_start3A_198 = arith.constant 0 : i32
      %dma_start3A_199 = arith.constant 2 : i32
      %dma_start3A_200 = arith.constant 0 : i32
      %dma_start3A_201 = tpu.memref_slice %arg8[%dma_start3A_199, %dma_start3A_200] : memref<4x128xi32, #tpu.memory_space<vmem>> -> memref<1x128xi32, #tpu.memory_space<vmem>>
      %dma_start3A_202 = tpu.memref_squeeze %dma_start3A_201 : memref<1x128xi32, #tpu.memory_space<vmem>> -> memref<128xi32, #tpu.memory_space<vmem>>
      %dma_start3A_203 = tpu.memref_slice %arg3[%dma_start3A_198, %mul3A_197] : memref<2x320000xi32, #tpu.memory_space<hbm>> -> memref<1x128xi32, #tpu.memory_space<hbm>>
      %dma_start3A_204 = tpu.memref_squeeze %dma_start3A_203 : memref<1x128xi32, #tpu.memory_space<hbm>> -> memref<128xi32, #tpu.memory_space<hbm>>
      %dma_start3A_205 = arith.constant 0 : i32
      %dma_start3A_206 = tpu.memref_slice %arg8[%dma_start3A_199, %dma_start3A_205] : memref<4x128xi32, #tpu.memory_space<vmem>> -> memref<1x128xi32, #tpu.memory_space<vmem>>
      %dma_start3A_207 = tpu.memref_squeeze %dma_start3A_206 : memref<1x128xi32, #tpu.memory_space<vmem>> -> memref<128xi32, #tpu.memory_space<vmem>>
      %dma_start3A_208 = tpu.memref_slice %arg3[%dma_start3A_198, %mul3A_197] : memref<2x320000xi32, #tpu.memory_space<hbm>> -> memref<1x128xi32, #tpu.memory_space<hbm>>
      %dma_start3A_209 = tpu.memref_squeeze %dma_start3A_208 : memref<1x128xi32, #tpu.memory_space<hbm>> -> memref<128xi32, #tpu.memory_space<hbm>>
      tpu.enqueue_dma source(%dma_start3A_209 : memref<128xi32, #tpu.memory_space<hbm>>) target(%dma_start3A_207 : memref<128xi32, #tpu.memory_space<vmem>>) target_semaphore(%arg19 : memref<!tpu.dma_semaphore, #tpu.memory_space<semaphore_mem>>)
      %dma_start3A_210 = arith.constant 1 : i32
      %dma_start3A_211 = arith.constant 2 : i32
      %dma_start3A_212 = arith.constant 0 : i32
      %dma_start3A_213 = tpu.memref_slice %arg9[%dma_start3A_211, %dma_start3A_212] : memref<4x128xi32, #tpu.memory_space<vmem>> -> memref<1x128xi32, #tpu.memory_space<vmem>>
      %dma_start3A_214 = tpu.memref_squeeze %dma_start3A_213 : memref<1x128xi32, #tpu.memory_space<vmem>> -> memref<128xi32, #tpu.memory_space<vmem>>
      %dma_start3A_215 = tpu.memref_slice %arg3[%dma_start3A_210, %mul3A_197] : memref<2x320000xi32, #tpu.memory_space<hbm>> -> memref<1x128xi32, #tpu.memory_space<hbm>>
      %dma_start3A_216 = tpu.memref_squeeze %dma_start3A_215 : memref<1x128xi32, #tpu.memory_space<hbm>> -> memref<128xi32, #tpu.memory_space<hbm>>
      %dma_start3A_217 = arith.constant 0 : i32
      %dma_start3A_218 = tpu.memref_slice %arg9[%dma_start3A_211, %dma_start3A_217] : memref<4x128xi32, #tpu.memory_space<vmem>> -> memref<1x128xi32, #tpu.memory_space<vmem>>
      %dma_start3A_219 = tpu.memref_squeeze %dma_start3A_218 : memref<1x128xi32, #tpu.memory_space<vmem>> -> memref<128xi32, #tpu.memory_space<vmem>>
      %dma_start3A_220 = tpu.memref_slice %arg3[%dma_start3A_210, %mul3A_197] : memref<2x320000xi32, #tpu.memory_space<hbm>> -> memref<1x128xi32, #tpu.memory_space<hbm>>
      %dma_start3A_221 = tpu.memref_squeeze %dma_start3A_220 : memref<1x128xi32, #tpu.memory_space<hbm>> -> memref<128xi32, #tpu.memory_space<hbm>>
      tpu.enqueue_dma source(%dma_start3A_221 : memref<128xi32, #tpu.memory_space<hbm>>) target(%dma_start3A_219 : memref<128xi32, #tpu.memory_space<vmem>>) target_semaphore(%arg19 : memref<!tpu.dma_semaphore, #tpu.memory_space<semaphore_mem>>)
    } else {
    }
    %ge3A_54 = arith.constant 2500 : i32
    %ge3A_55 = arith.cmpi sge, %add3A_48, %ge3A_54 : i32
    %convert_element_type3A_56 = arith.extui %ge3A_55 : i1 to i32
    %cond3A_57 = arith.constant 0 : i32
    %cond3A_58 = arith.cmpi ne, %convert_element_type3A_56, %cond3A_57 : i32
    scf.if %cond3A_58 {
      %sub3A = arith.constant 2500 : i32
      %sub3A_196 = arith.subi %add3A_48, %sub3A : i32
      %mul3A_197 = arith.constant 128 : i32
      %mul3A_198 = arith.muli %sub3A_196, %mul3A_197 : i32
      %dma_start3A_199 = arith.constant 2 : i32
      %dma_start3A_200 = arith.constant 0 : i32
      %dma_start3A_201 = tpu.memref_slice %arg8[%dma_start3A_199, %dma_start3A_200] : memref<4x128xi32, #tpu.memory_space<vmem>> -> memref<1x128xi32, #tpu.memory_space<vmem>>
      %dma_start3A_202 = tpu.memref_squeeze %dma_start3A_201 : memref<1x128xi32, #tpu.memory_space<vmem>> -> memref<128xi32, #tpu.memory_space<vmem>>
      %dma_start3A_203 = tpu.memref_slice %arg4[%mul3A_198] : memref<7680xi32, #tpu.memory_space<hbm>> -> memref<128xi32, #tpu.memory_space<hbm>>
      %dma_start3A_204 = arith.constant 0 : i32
      %dma_start3A_205 = tpu.memref_slice %arg8[%dma_start3A_199, %dma_start3A_204] : memref<4x128xi32, #tpu.memory_space<vmem>> -> memref<1x128xi32, #tpu.memory_space<vmem>>
      %dma_start3A_206 = tpu.memref_squeeze %dma_start3A_205 : memref<1x128xi32, #tpu.memory_space<vmem>> -> memref<128xi32, #tpu.memory_space<vmem>>
      %dma_start3A_207 = tpu.memref_slice %arg4[%mul3A_198] : memref<7680xi32, #tpu.memory_space<hbm>> -> memref<128xi32, #tpu.memory_space<hbm>>
      tpu.enqueue_dma source(%dma_start3A_207 : memref<128xi32, #tpu.memory_space<hbm>>) target(%dma_start3A_206 : memref<128xi32, #tpu.memory_space<vmem>>) target_semaphore(%arg19 : memref<!tpu.dma_semaphore, #tpu.memory_space<semaphore_mem>>)
      %dma_start3A_208 = arith.constant 2 : i32
      %dma_start3A_209 = arith.constant 0 : i32
      %dma_start3A_210 = tpu.memref_slice %arg9[%dma_start3A_208, %dma_start3A_209] : memref<4x128xi32, #tpu.memory_space<vmem>> -> memref<1x128xi32, #tpu.memory_space<vmem>>
      %dma_start3A_211 = tpu.memref_squeeze %dma_start3A_210 : memref<1x128xi32, #tpu.memory_space<vmem>> -> memref<128xi32, #tpu.memory_space<vmem>>
      %dma_start3A_212 = tpu.memref_slice %arg5[%mul3A_198] : memref<7680xi32, #tpu.memory_space<hbm>> -> memref<128xi32, #tpu.memory_space<hbm>>
      %dma_start3A_213 = arith.constant 0 : i32
      %dma_start3A_214 = tpu.memref_slice %arg9[%dma_start3A_208, %dma_start3A_213] : memref<4x128xi32, #tpu.memory_space<vmem>> -> memref<1x128xi32, #tpu.memory_space<vmem>>
      %dma_start3A_215 = tpu.memref_squeeze %dma_start3A_214 : memref<1x128xi32, #tpu.memory_space<vmem>> -> memref<128xi32, #tpu.memory_space<vmem>>
      %dma_start3A_216 = tpu.memref_slice %arg5[%mul3A_198] : memref<7680xi32, #tpu.memory_space<hbm>> -> memref<128xi32, #tpu.memory_space<hbm>>
      tpu.enqueue_dma source(%dma_start3A_216 : memref<128xi32, #tpu.memory_space<hbm>>) target(%dma_start3A_215 : memref<128xi32, #tpu.memory_space<vmem>>) target_semaphore(%arg19 : memref<!tpu.dma_semaphore, #tpu.memory_space<semaphore_mem>>)
    } else {
    }
    %add3A_59 = arith.constant 0 : i32
    %add3A_60 = arith.addi %mul3A_20, %add3A_59 : i32
    %add3A_61 = arith.constant 3 : i32
    %add3A_62 = arith.addi %add3A_60, %add3A_61 : i32
    %lt3A_63 = arith.constant 2500 : i32
    %lt3A_64 = arith.cmpi slt, %add3A_62, %lt3A_63 : i32
    %convert_element_type3A_65 = arith.extui %lt3A_64 : i1 to i32
    %cond3A_66 = arith.constant 0 : i32
    %cond3A_67 = arith.cmpi ne, %convert_element_type3A_65, %cond3A_66 : i32
    scf.if %cond3A_67 {
      %mul3A_196 = arith.constant 128 : i32
      %mul3A_197 = arith.muli %add3A_62, %mul3A_196 : i32
      %dma_start3A_198 = arith.constant 0 : i32
      %dma_start3A_199 = arith.constant 3 : i32
      %dma_start3A_200 = arith.constant 0 : i32
      %dma_start3A_201 = tpu.memref_slice %arg8[%dma_start3A_199, %dma_start3A_200] : memref<4x128xi32, #tpu.memory_space<vmem>> -> memref<1x128xi32, #tpu.memory_space<vmem>>
      %dma_start3A_202 = tpu.memref_squeeze %dma_start3A_201 : memref<1x128xi32, #tpu.memory_space<vmem>> -> memref<128xi32, #tpu.memory_space<vmem>>
      %dma_start3A_203 = tpu.memref_slice %arg3[%dma_start3A_198, %mul3A_197] : memref<2x320000xi32, #tpu.memory_space<hbm>> -> memref<1x128xi32, #tpu.memory_space<hbm>>
      %dma_start3A_204 = tpu.memref_squeeze %dma_start3A_203 : memref<1x128xi32, #tpu.memory_space<hbm>> -> memref<128xi32, #tpu.memory_space<hbm>>
      %dma_start3A_205 = arith.constant 0 : i32
      %dma_start3A_206 = tpu.memref_slice %arg8[%dma_start3A_199, %dma_start3A_205] : memref<4x128xi32, #tpu.memory_space<vmem>> -> memref<1x128xi32, #tpu.memory_space<vmem>>
      %dma_start3A_207 = tpu.memref_squeeze %dma_start3A_206 : memref<1x128xi32, #tpu.memory_space<vmem>> -> memref<128xi32, #tpu.memory_space<vmem>>
      %dma_start3A_208 = tpu.memref_slice %arg3[%dma_start3A_198, %mul3A_197] : memref<2x320000xi32, #tpu.memory_space<hbm>> -> memref<1x128xi32, #tpu.memory_space<hbm>>
      %dma_start3A_209 = tpu.memref_squeeze %dma_start3A_208 : memref<1x128xi32, #tpu.memory_space<hbm>> -> memref<128xi32, #tpu.memory_space<hbm>>
      tpu.enqueue_dma source(%dma_start3A_209 : memref<128xi32, #tpu.memory_space<hbm>>) target(%dma_start3A_207 : memref<128xi32, #tpu.memory_space<vmem>>) target_semaphore(%arg19 : memref<!tpu.dma_semaphore, #tpu.memory_space<semaphore_mem>>)
      %dma_start3A_210 = arith.constant 1 : i32
      %dma_start3A_211 = arith.constant 3 : i32
      %dma_start3A_212 = arith.constant 0 : i32
      %dma_start3A_213 = tpu.memref_slice %arg9[%dma_start3A_211, %dma_start3A_212] : memref<4x128xi32, #tpu.memory_space<vmem>> -> memref<1x128xi32, #tpu.memory_space<vmem>>
      %dma_start3A_214 = tpu.memref_squeeze %dma_start3A_213 : memref<1x128xi32, #tpu.memory_space<vmem>> -> memref<128xi32, #tpu.memory_space<vmem>>
      %dma_start3A_215 = tpu.memref_slice %arg3[%dma_start3A_210, %mul3A_197] : memref<2x320000xi32, #tpu.memory_space<hbm>> -> memref<1x128xi32, #tpu.memory_space<hbm>>
      %dma_start3A_216 = tpu.memref_squeeze %dma_start3A_215 : memref<1x128xi32, #tpu.memory_space<hbm>> -> memref<128xi32, #tpu.memory_space<hbm>>
      %dma_start3A_217 = arith.constant 0 : i32
      %dma_start3A_218 = tpu.memref_slice %arg9[%dma_start3A_211, %dma_start3A_217] : memref<4x128xi32, #tpu.memory_space<vmem>> -> memref<1x128xi32, #tpu.memory_space<vmem>>
      %dma_start3A_219 = tpu.memref_squeeze %dma_start3A_218 : memref<1x128xi32, #tpu.memory_space<vmem>> -> memref<128xi32, #tpu.memory_space<vmem>>
      %dma_start3A_220 = tpu.memref_slice %arg3[%dma_start3A_210, %mul3A_197] : memref<2x320000xi32, #tpu.memory_space<hbm>> -> memref<1x128xi32, #tpu.memory_space<hbm>>
      %dma_start3A_221 = tpu.memref_squeeze %dma_start3A_220 : memref<1x128xi32, #tpu.memory_space<hbm>> -> memref<128xi32, #tpu.memory_space<hbm>>
      tpu.enqueue_dma source(%dma_start3A_221 : memref<128xi32, #tpu.memory_space<hbm>>) target(%dma_start3A_219 : memref<128xi32, #tpu.memory_space<vmem>>) target_semaphore(%arg19 : memref<!tpu.dma_semaphore, #tpu.memory_space<semaphore_mem>>)
    } else {
    }
    %ge3A_68 = arith.constant 2500 : i32
    %ge3A_69 = arith.cmpi sge, %add3A_62, %ge3A_68 : i32
    %convert_element_type3A_70 = arith.extui %ge3A_69 : i1 to i32
    %cond3A_71 = arith.constant 0 : i32
    %cond3A_72 = arith.cmpi ne, %convert_element_type3A_70, %cond3A_71 : i32
    scf.if %cond3A_72 {
      %sub3A = arith.constant 2500 : i32
      %sub3A_196 = arith.subi %add3A_62, %sub3A : i32
      %mul3A_197 = arith.constant 128 : i32
      %mul3A_198 = arith.muli %sub3A_196, %mul3A_197 : i32
      %dma_start3A_199 = arith.constant 3 : i32
      %dma_start3A_200 = arith.constant 0 : i32
      %dma_start3A_201 = tpu.memref_slice %arg8[%dma_start3A_199, %dma_start3A_200] : memref<4x128xi32, #tpu.memory_space<vmem>> -> memref<1x128xi32, #tpu.memory_space<vmem>>
      %dma_start3A_202 = tpu.memref_squeeze %dma_start3A_201 : memref<1x128xi32, #tpu.memory_space<vmem>> -> memref<128xi32, #tpu.memory_space<vmem>>
      %dma_start3A_203 = tpu.memref_slice %arg4[%mul3A_198] : memref<7680xi32, #tpu.memory_space<hbm>> -> memref<128xi32, #tpu.memory_space<hbm>>
      %dma_start3A_204 = arith.constant 0 : i32
      %dma_start3A_205 = tpu.memref_slice %arg8[%dma_start3A_199, %dma_start3A_204] : memref<4x128xi32, #tpu.memory_space<vmem>> -> memref<1x128xi32, #tpu.memory_space<vmem>>
      %dma_start3A_206 = tpu.memref_squeeze %dma_start3A_205 : memref<1x128xi32, #tpu.memory_space<vmem>> -> memref<128xi32, #tpu.memory_space<vmem>>
      %dma_start3A_207 = tpu.memref_slice %arg4[%mul3A_198] : memref<7680xi32, #tpu.memory_space<hbm>> -> memref<128xi32, #tpu.memory_space<hbm>>
      tpu.enqueue_dma source(%dma_start3A_207 : memref<128xi32, #tpu.memory_space<hbm>>) target(%dma_start3A_206 : memref<128xi32, #tpu.memory_space<vmem>>) target_semaphore(%arg19 : memref<!tpu.dma_semaphore, #tpu.memory_space<semaphore_mem>>)
      %dma_start3A_208 = arith.constant 3 : i32
      %dma_start3A_209 = arith.constant 0 : i32
      %dma_start3A_210 = tpu.memref_slice %arg9[%dma_start3A_208, %dma_start3A_209] : memref<4x128xi32, #tpu.memory_space<vmem>> -> memref<1x128xi32, #tpu.memory_space<vmem>>
      %dma_start3A_211 = tpu.memref_squeeze %dma_start3A_210 : memref<1x128xi32, #tpu.memory_space<vmem>> -> memref<128xi32, #tpu.memory_space<vmem>>
      %dma_start3A_212 = tpu.memref_slice %arg5[%mul3A_198] : memref<7680xi32, #tpu.memory_space<hbm>> -> memref<128xi32, #tpu.memory_space<hbm>>
      %dma_start3A_213 = arith.constant 0 : i32
      %dma_start3A_214 = tpu.memref_slice %arg9[%dma_start3A_208, %dma_start3A_213] : memref<4x128xi32, #tpu.memory_space<vmem>> -> memref<1x128xi32, #tpu.memory_space<vmem>>
      %dma_start3A_215 = tpu.memref_squeeze %dma_start3A_214 : memref<1x128xi32, #tpu.memory_space<vmem>> -> memref<128xi32, #tpu.memory_space<vmem>>
      %dma_start3A_216 = tpu.memref_slice %arg5[%mul3A_198] : memref<7680xi32, #tpu.memory_space<hbm>> -> memref<128xi32, #tpu.memory_space<hbm>>
      tpu.enqueue_dma source(%dma_start3A_216 : memref<128xi32, #tpu.memory_space<hbm>>) target(%dma_start3A_215 : memref<128xi32, #tpu.memory_space<vmem>>) target_semaphore(%arg19 : memref<!tpu.dma_semaphore, #tpu.memory_space<semaphore_mem>>)
    } else {
    }
    %dma_wait3A = arith.constant 0 : i32
    %dma_wait3A_73 = arith.constant 0 : i32
    %dma_wait3A_74 = tpu.memref_slice %arg8[%dma_wait3A, %dma_wait3A_73] : memref<4x128xi32, #tpu.memory_space<vmem>> -> memref<1x128xi32, #tpu.memory_space<vmem>>
    %dma_wait3A_75 = tpu.memref_squeeze %dma_wait3A_74 : memref<1x128xi32, #tpu.memory_space<vmem>> -> memref<128xi32, #tpu.memory_space<vmem>>
    %dma_wait3A_76 = arith.constant 0 : i32
    %dma_wait3A_77 = tpu.memref_slice %arg4[%dma_wait3A_76] : memref<7680xi32, #tpu.memory_space<hbm>> -> memref<128xi32, #tpu.memory_space<hbm>>
    %dma_wait3A_78 = arith.constant 0 : i32
    %dma_wait3A_79 = tpu.memref_slice %arg8[%dma_wait3A, %dma_wait3A_78] : memref<4x128xi32, #tpu.memory_space<vmem>> -> memref<1x128xi32, #tpu.memory_space<vmem>>
    %dma_wait3A_80 = tpu.memref_squeeze %dma_wait3A_79 : memref<1x128xi32, #tpu.memory_space<vmem>> -> memref<128xi32, #tpu.memory_space<vmem>>
    %dma_wait3A_81 = arith.constant 0 : i32
    %dma_wait3A_82 = tpu.memref_slice %arg4[%dma_wait3A_81] : memref<7680xi32, #tpu.memory_space<hbm>> -> memref<128xi32, #tpu.memory_space<hbm>>
    tpu.wait_dma2 semaphore(%arg19 : memref<!tpu.dma_semaphore, #tpu.memory_space<semaphore_mem>>) src(%dma_wait3A_82 : memref<128xi32, #tpu.memory_space<hbm>>) dst(%dma_wait3A_80 : memref<128xi32, #tpu.memory_space<vmem>>)
    %dma_wait3A_83 = arith.constant 0 : i32
    %dma_wait3A_84 = arith.constant 0 : i32
    %dma_wait3A_85 = tpu.memref_slice %arg9[%dma_wait3A_83, %dma_wait3A_84] : memref<4x128xi32, #tpu.memory_space<vmem>> -> memref<1x128xi32, #tpu.memory_space<vmem>>
    %dma_wait3A_86 = tpu.memref_squeeze %dma_wait3A_85 : memref<1x128xi32, #tpu.memory_space<vmem>> -> memref<128xi32, #tpu.memory_space<vmem>>
    %dma_wait3A_87 = arith.constant 0 : i32
    %dma_wait3A_88 = tpu.memref_slice %arg4[%dma_wait3A_87] : memref<7680xi32, #tpu.memory_space<hbm>> -> memref<128xi32, #tpu.memory_space<hbm>>
    %dma_wait3A_89 = arith.constant 0 : i32
    %dma_wait3A_90 = tpu.memref_slice %arg9[%dma_wait3A_83, %dma_wait3A_89] : memref<4x128xi32, #tpu.memory_space<vmem>> -> memref<1x128xi32, #tpu.memory_space<vmem>>
    %dma_wait3A_91 = tpu.memref_squeeze %dma_wait3A_90 : memref<1x128xi32, #tpu.memory_space<vmem>> -> memref<128xi32, #tpu.memory_space<vmem>>
    %dma_wait3A_92 = arith.constant 0 : i32
    %dma_wait3A_93 = tpu.memref_slice %arg4[%dma_wait3A_92] : memref<7680xi32, #tpu.memory_space<hbm>> -> memref<128xi32, #tpu.memory_space<hbm>>
    tpu.wait_dma2 semaphore(%arg19 : memref<!tpu.dma_semaphore, #tpu.memory_space<semaphore_mem>>) src(%dma_wait3A_93 : memref<128xi32, #tpu.memory_space<hbm>>) dst(%dma_wait3A_91 : memref<128xi32, #tpu.memory_space<vmem>>)
    %dma_wait3A_94 = arith.constant 1 : i32
    %dma_wait3A_95 = arith.constant 0 : i32
    %dma_wait3A_96 = tpu.memref_slice %arg8[%dma_wait3A_94, %dma_wait3A_95] : memref<4x128xi32, #tpu.memory_space<vmem>> -> memref<1x128xi32, #tpu.memory_space<vmem>>
    %dma_wait3A_97 = tpu.memref_squeeze %dma_wait3A_96 : memref<1x128xi32, #tpu.memory_space<vmem>> -> memref<128xi32, #tpu.memory_space<vmem>>
    %dma_wait3A_98 = arith.constant 0 : i32
    %dma_wait3A_99 = tpu.memref_slice %arg4[%dma_wait3A_98] : memref<7680xi32, #tpu.memory_space<hbm>> -> memref<128xi32, #tpu.memory_space<hbm>>
    %dma_wait3A_100 = arith.constant 0 : i32
    %dma_wait3A_101 = tpu.memref_slice %arg8[%dma_wait3A_94, %dma_wait3A_100] : memref<4x128xi32, #tpu.memory_space<vmem>> -> memref<1x128xi32, #tpu.memory_space<vmem>>
    %dma_wait3A_102 = tpu.memref_squeeze %dma_wait3A_101 : memref<1x128xi32, #tpu.memory_space<vmem>> -> memref<128xi32, #tpu.memory_space<vmem>>
    %dma_wait3A_103 = arith.constant 0 : i32
    %dma_wait3A_104 = tpu.memref_slice %arg4[%dma_wait3A_103] : memref<7680xi32, #tpu.memory_space<hbm>> -> memref<128xi32, #tpu.memory_space<hbm>>
    tpu.wait_dma2 semaphore(%arg19 : memref<!tpu.dma_semaphore, #tpu.memory_space<semaphore_mem>>) src(%dma_wait3A_104 : memref<128xi32, #tpu.memory_space<hbm>>) dst(%dma_wait3A_102 : memref<128xi32, #tpu.memory_space<vmem>>)
    %dma_wait3A_105 = arith.constant 1 : i32
    %dma_wait3A_106 = arith.constant 0 : i32
    %dma_wait3A_107 = tpu.memref_slice %arg9[%dma_wait3A_105, %dma_wait3A_106] : memref<4x128xi32, #tpu.memory_space<vmem>> -> memref<1x128xi32, #tpu.memory_space<vmem>>
    %dma_wait3A_108 = tpu.memref_squeeze %dma_wait3A_107 : memref<1x128xi32, #tpu.memory_space<vmem>> -> memref<128xi32, #tpu.memory_space<vmem>>
    %dma_wait3A_109 = arith.constant 0 : i32
    %dma_wait3A_110 = tpu.memref_slice %arg4[%dma_wait3A_109] : memref<7680xi32, #tpu.memory_space<hbm>> -> memref<128xi32, #tpu.memory_space<hbm>>
    %dma_wait3A_111 = arith.constant 0 : i32
    %dma_wait3A_112 = tpu.memref_slice %arg9[%dma_wait3A_105, %dma_wait3A_111] : memref<4x128xi32, #tpu.memory_space<vmem>> -> memref<1x128xi32, #tpu.memory_space<vmem>>
    %dma_wait3A_113 = tpu.memref_squeeze %dma_wait3A_112 : memref<1x128xi32, #tpu.memory_space<vmem>> -> memref<128xi32, #tpu.memory_space<vmem>>
    %dma_wait3A_114 = arith.constant 0 : i32
    %dma_wait3A_115 = tpu.memref_slice %arg4[%dma_wait3A_114] : memref<7680xi32, #tpu.memory_space<hbm>> -> memref<128xi32, #tpu.memory_space<hbm>>
    tpu.wait_dma2 semaphore(%arg19 : memref<!tpu.dma_semaphore, #tpu.memory_space<semaphore_mem>>) src(%dma_wait3A_115 : memref<128xi32, #tpu.memory_space<hbm>>) dst(%dma_wait3A_113 : memref<128xi32, #tpu.memory_space<vmem>>)
    %dma_wait3A_116 = arith.constant 2 : i32
    %dma_wait3A_117 = arith.constant 0 : i32
    %dma_wait3A_118 = tpu.memref_slice %arg8[%dma_wait3A_116, %dma_wait3A_117] : memref<4x128xi32, #tpu.memory_space<vmem>> -> memref<1x128xi32, #tpu.memory_space<vmem>>
    %dma_wait3A_119 = tpu.memref_squeeze %dma_wait3A_118 : memref<1x128xi32, #tpu.memory_space<vmem>> -> memref<128xi32, #tpu.memory_space<vmem>>
    %dma_wait3A_120 = arith.constant 0 : i32
    %dma_wait3A_121 = tpu.memref_slice %arg4[%dma_wait3A_120] : memref<7680xi32, #tpu.memory_space<hbm>> -> memref<128xi32, #tpu.memory_space<hbm>>
    %dma_wait3A_122 = arith.constant 0 : i32
    %dma_wait3A_123 = tpu.memref_slice %arg8[%dma_wait3A_116, %dma_wait3A_122] : memref<4x128xi32, #tpu.memory_space<vmem>> -> memref<1x128xi32, #tpu.memory_space<vmem>>
    %dma_wait3A_124 = tpu.memref_squeeze %dma_wait3A_123 : memref<1x128xi32, #tpu.memory_space<vmem>> -> memref<128xi32, #tpu.memory_space<vmem>>
    %dma_wait3A_125 = arith.constant 0 : i32
    %dma_wait3A_126 = tpu.memref_slice %arg4[%dma_wait3A_125] : memref<7680xi32, #tpu.memory_space<hbm>> -> memref<128xi32, #tpu.memory_space<hbm>>
    tpu.wait_dma2 semaphore(%arg19 : memref<!tpu.dma_semaphore, #tpu.memory_space<semaphore_mem>>) src(%dma_wait3A_126 : memref<128xi32, #tpu.memory_space<hbm>>) dst(%dma_wait3A_124 : memref<128xi32, #tpu.memory_space<vmem>>)
    %dma_wait3A_127 = arith.constant 2 : i32
    %dma_wait3A_128 = arith.constant 0 : i32
    %dma_wait3A_129 = tpu.memref_slice %arg9[%dma_wait3A_127, %dma_wait3A_128] : memref<4x128xi32, #tpu.memory_space<vmem>> -> memref<1x128xi32, #tpu.memory_space<vmem>>
    %dma_wait3A_130 = tpu.memref_squeeze %dma_wait3A_129 : memref<1x128xi32, #tpu.memory_space<vmem>> -> memref<128xi32, #tpu.memory_space<vmem>>
    %dma_wait3A_131 = arith.constant 0 : i32
    %dma_wait3A_132 = tpu.memref_slice %arg4[%dma_wait3A_131] : memref<7680xi32, #tpu.memory_space<hbm>> -> memref<128xi32, #tpu.memory_space<hbm>>
    %dma_wait3A_133 = arith.constant 0 : i32
    %dma_wait3A_134 = tpu.memref_slice %arg9[%dma_wait3A_127, %dma_wait3A_133] : memref<4x128xi32, #tpu.memory_space<vmem>> -> memref<1x128xi32, #tpu.memory_space<vmem>>
    %dma_wait3A_135 = tpu.memref_squeeze %dma_wait3A_134 : memref<1x128xi32, #tpu.memory_space<vmem>> -> memref<128xi32, #tpu.memory_space<vmem>>
    %dma_wait3A_136 = arith.constant 0 : i32
    %dma_wait3A_137 = tpu.memref_slice %arg4[%dma_wait3A_136] : memref<7680xi32, #tpu.memory_space<hbm>> -> memref<128xi32, #tpu.memory_space<hbm>>
    tpu.wait_dma2 semaphore(%arg19 : memref<!tpu.dma_semaphore, #tpu.memory_space<semaphore_mem>>) src(%dma_wait3A_137 : memref<128xi32, #tpu.memory_space<hbm>>) dst(%dma_wait3A_135 : memref<128xi32, #tpu.memory_space<vmem>>)
    %dma_wait3A_138 = arith.constant 3 : i32
    %dma_wait3A_139 = arith.constant 0 : i32
    %dma_wait3A_140 = tpu.memref_slice %arg8[%dma_wait3A_138, %dma_wait3A_139] : memref<4x128xi32, #tpu.memory_space<vmem>> -> memref<1x128xi32, #tpu.memory_space<vmem>>
    %dma_wait3A_141 = tpu.memref_squeeze %dma_wait3A_140 : memref<1x128xi32, #tpu.memory_space<vmem>> -> memref<128xi32, #tpu.memory_space<vmem>>
    %dma_wait3A_142 = arith.constant 0 : i32
    %dma_wait3A_143 = tpu.memref_slice %arg4[%dma_wait3A_142] : memref<7680xi32, #tpu.memory_space<hbm>> -> memref<128xi32, #tpu.memory_space<hbm>>
    %dma_wait3A_144 = arith.constant 0 : i32
    %dma_wait3A_145 = tpu.memref_slice %arg8[%dma_wait3A_138, %dma_wait3A_144] : memref<4x128xi32, #tpu.memory_space<vmem>> -> memref<1x128xi32, #tpu.memory_space<vmem>>
    %dma_wait3A_146 = tpu.memref_squeeze %dma_wait3A_145 : memref<1x128xi32, #tpu.memory_space<vmem>> -> memref<128xi32, #tpu.memory_space<vmem>>
    %dma_wait3A_147 = arith.constant 0 : i32
    %dma_wait3A_148 = tpu.memref_slice %arg4[%dma_wait3A_147] : memref<7680xi32, #tpu.memory_space<hbm>> -> memref<128xi32, #tpu.memory_space<hbm>>
    tpu.wait_dma2 semaphore(%arg19 : memref<!tpu.dma_semaphore, #tpu.memory_space<semaphore_mem>>) src(%dma_wait3A_148 : memref<128xi32, #tpu.memory_space<hbm>>) dst(%dma_wait3A_146 : memref<128xi32, #tpu.memory_space<vmem>>)
    %dma_wait3A_149 = arith.constant 3 : i32
    %dma_wait3A_150 = arith.constant 0 : i32
    %dma_wait3A_151 = tpu.memref_slice %arg9[%dma_wait3A_149, %dma_wait3A_150] : memref<4x128xi32, #tpu.memory_space<vmem>> -> memref<1x128xi32, #tpu.memory_space<vmem>>
    %dma_wait3A_152 = tpu.memref_squeeze %dma_wait3A_151 : memref<1x128xi32, #tpu.memory_space<vmem>> -> memref<128xi32, #tpu.memory_space<vmem>>
    %dma_wait3A_153 = arith.constant 0 : i32
    %dma_wait3A_154 = tpu.memref_slice %arg4[%dma_wait3A_153] : memref<7680xi32, #tpu.memory_space<hbm>> -> memref<128xi32, #tpu.memory_space<hbm>>
    %dma_wait3A_155 = arith.constant 0 : i32
    %dma_wait3A_156 = tpu.memref_slice %arg9[%dma_wait3A_149, %dma_wait3A_155] : memref<4x128xi32, #tpu.memory_space<vmem>> -> memref<1x128xi32, #tpu.memory_space<vmem>>
    %dma_wait3A_157 = tpu.memref_squeeze %dma_wait3A_156 : memref<1x128xi32, #tpu.memory_space<vmem>> -> memref<128xi32, #tpu.memory_space<vmem>>
    %dma_wait3A_158 = arith.constant 0 : i32
    %dma_wait3A_159 = tpu.memref_slice %arg4[%dma_wait3A_158] : memref<7680xi32, #tpu.memory_space<hbm>> -> memref<128xi32, #tpu.memory_space<hbm>>
    tpu.wait_dma2 semaphore(%arg19 : memref<!tpu.dma_semaphore, #tpu.memory_space<semaphore_mem>>) src(%dma_wait3A_159 : memref<128xi32, #tpu.memory_space<hbm>>) dst(%dma_wait3A_157 : memref<128xi32, #tpu.memory_space<vmem>>)
    %dma_start3A = arith.constant 0 : i32
    %dma_start3A_160 = arith.constant 0 : i32
    %dma_start3A_161 = arith.constant 0 : i32
    %dma_start3A_162 = tpu.memref_slice %arg12[%dma_start3A_160, %dma_start3A_161] : memref<128x128xf32, #tpu.memory_space<vmem>> -> memref<128x128xf32, #tpu.memory_space<vmem>>
    %dma_start3A_163 = arith.constant 0 : i32
    %dma_start3A_164 = tpu.memref_slice %arg8[%dma_start3A, %dma_start3A_163] : memref<4x128xi32, #tpu.memory_space<vmem>> -> memref<1x128xi32, #tpu.memory_space<vmem>>
    %dma_start3A_165 = tpu.memref_squeeze %dma_start3A_164 : memref<1x128xi32, #tpu.memory_space<vmem>> -> memref<128xi32, #tpu.memory_space<vmem>>
    %dma_start3A_166 = arith.constant 0 : i32
    %dma_start3A_167 = arith.constant 0 : i32
    %dma_start3A_168 = tpu.memref_slice %arg2[%dma_start3A_166, %dma_start3A_167] : memref<10000x128xf32, #tpu.memory_space<hbm>> -> memref<10000x128xf32, #tpu.memory_space<hbm>>
    tpu.enqueue_indirect_dma source(%dma_start3A_168 : memref<10000x128xf32, #tpu.memory_space<hbm>>) target(%dma_start3A_162 : memref<128x128xf32, #tpu.memory_space<vmem>>) offsets(%dma_start3A_165 : memref<128xi32, #tpu.memory_space<vmem>>) semaphore(%arg15 : memref<!tpu.dma_semaphore, #tpu.memory_space<semaphore_mem>>)
    %scan3A_169 = arith.constant 0 : i32
    %scan3A_170 = arith.constant 0 : i32
    %scan3A_171 = arith.constant 10 : i32
    %scan3A_172 = arith.addi %scan3A_170, %scan3A_171 : i32
    %scan3A_173 = arith.constant 1 : i32
    scf.for %scan3A_196 = %scan3A_170 to %scan3A_172 step %scan3A_173  : i32 {
      %mul3A_197 = arith.constant 2 : i32
      %mul3A_198 = arith.muli %mul3A_197, %scan3A_196 : i32
      %dma_wait3A_199 = arith.constant 0 : i32
      %dma_wait3A_200 = arith.constant 0 : i32
      %dma_wait3A_201 = arith.constant 0 : i32
      %dma_wait3A_202 = tpu.memref_slice %arg12[%dma_wait3A_200, %dma_wait3A_201] : memref<128x128xf32, #tpu.memory_space<vmem>> -> memref<128x128xf32, #tpu.memory_space<vmem>>
      %dma_wait3A_203 = arith.constant 0 : i32
      %dma_wait3A_204 = tpu.memref_slice %arg8[%dma_wait3A_199, %dma_wait3A_203] : memref<4x128xi32, #tpu.memory_space<vmem>> -> memref<1x128xi32, #tpu.memory_space<vmem>>
      %dma_wait3A_205 = tpu.memref_squeeze %dma_wait3A_204 : memref<1x128xi32, #tpu.memory_space<vmem>> -> memref<128xi32, #tpu.memory_space<vmem>>
      %dma_wait3A_206 = arith.constant 0 : i32
      %dma_wait3A_207 = arith.constant 0 : i32
      %dma_wait3A_208 = tpu.memref_slice %arg2[%dma_wait3A_206, %dma_wait3A_207] : memref<10000x128xf32, #tpu.memory_space<hbm>> -> memref<10000x128xf32, #tpu.memory_space<hbm>>
      tpu.wait_indirect_dma semaphore(%arg15 : memref<!tpu.dma_semaphore, #tpu.memory_space<semaphore_mem>>) src(%dma_wait3A_208 : memref<10000x128xf32, #tpu.memory_space<hbm>>) dst(%dma_wait3A_202 : memref<128x128xf32, #tpu.memory_space<vmem>>)
      %gt3A = arith.constant 0 : i32
      %gt3A_209 = arith.cmpi sgt, %mul3A_198, %gt3A : i32
      %convert_element_type3A_210 = arith.extui %gt3A_209 : i1 to i32
      %cond3A_211 = arith.constant 0 : i32
      %cond3A_212 = arith.cmpi ne, %convert_element_type3A_210, %cond3A_211 : i32
      scf.if %cond3A_212 {
        %dma_wait3A_478 = arith.constant 0 : i32
        %dma_wait3A_479 = arith.constant 0 : i32
        %dma_wait3A_480 = tpu.memref_slice %arg9[%dma_wait3A_478, %dma_wait3A_479] : memref<4x128xi32, #tpu.memory_space<vmem>> -> memref<1x128xi32, #tpu.memory_space<vmem>>
        %dma_wait3A_481 = tpu.memref_squeeze %dma_wait3A_480 : memref<1x128xi32, #tpu.memory_space<vmem>> -> memref<128xi32, #tpu.memory_space<vmem>>
        %dma_wait3A_482 = arith.constant 0 : i32
        %dma_wait3A_483 = arith.constant 0 : i32
        %dma_wait3A_484 = tpu.memref_slice %arg14[%dma_wait3A_482, %dma_wait3A_483] : memref<10112x128xf32, #tpu.memory_space<vmem_shared>> -> memref<10112x128xf32, #tpu.memory_space<vmem_shared>>
        tpu.wait_indirect_dma semaphore(%arg18 : memref<!tpu.dma_semaphore, #tpu.memory_space<semaphore_mem>>) src(%arg13 : memref<128x128xf32, #tpu.memory_space<vmem>>) dst(%dma_wait3A_484 : memref<10112x128xf32, #tpu.memory_space<vmem_shared>>)
      } else {
      }
      %dma_start3A_213 = arith.constant 1 : i32
      %dma_start3A_214 = arith.constant 0 : i32
      %dma_start3A_215 = arith.constant 0 : i32
      %dma_start3A_216 = tpu.memref_slice %arg13[%dma_start3A_214, %dma_start3A_215] : memref<128x128xf32, #tpu.memory_space<vmem>> -> memref<128x128xf32, #tpu.memory_space<vmem>>
      %dma_start3A_217 = arith.constant 0 : i32
      %dma_start3A_218 = tpu.memref_slice %arg8[%dma_start3A_213, %dma_start3A_217] : memref<4x128xi32, #tpu.memory_space<vmem>> -> memref<1x128xi32, #tpu.memory_space<vmem>>
      %dma_start3A_219 = tpu.memref_squeeze %dma_start3A_218 : memref<1x128xi32, #tpu.memory_space<vmem>> -> memref<128xi32, #tpu.memory_space<vmem>>
      %dma_start3A_220 = arith.constant 0 : i32
      %dma_start3A_221 = arith.constant 0 : i32
      %dma_start3A_222 = tpu.memref_slice %arg2[%dma_start3A_220, %dma_start3A_221] : memref<10000x128xf32, #tpu.memory_space<hbm>> -> memref<10000x128xf32, #tpu.memory_space<hbm>>
      tpu.enqueue_indirect_dma source(%dma_start3A_222 : memref<10000x128xf32, #tpu.memory_space<hbm>>) target(%dma_start3A_216 : memref<128x128xf32, #tpu.memory_space<vmem>>) offsets(%dma_start3A_219 : memref<128xi32, #tpu.memory_space<vmem>>) semaphore(%arg16 : memref<!tpu.dma_semaphore, #tpu.memory_space<semaphore_mem>>)
      %dma_start3A_223 = arith.constant 0 : i32
      %dma_start3A_224 = arith.constant 0 : i32
      %dma_start3A_225 = tpu.memref_slice %arg9[%dma_start3A_223, %dma_start3A_224] : memref<4x128xi32, #tpu.memory_space<vmem>> -> memref<1x128xi32, #tpu.memory_space<vmem>>
      %dma_start3A_226 = tpu.memref_squeeze %dma_start3A_225 : memref<1x128xi32, #tpu.memory_space<vmem>> -> memref<128xi32, #tpu.memory_space<vmem>>
      %dma_start3A_227 = arith.constant 0 : i32
      %dma_start3A_228 = arith.constant 0 : i32
      %dma_start3A_229 = tpu.memref_slice %arg14[%dma_start3A_227, %dma_start3A_228] : memref<10112x128xf32, #tpu.memory_space<vmem_shared>> -> memref<10112x128xf32, #tpu.memory_space<vmem_shared>>
      tpu.enqueue_indirect_dma source(%arg12 : memref<128x128xf32, #tpu.memory_space<vmem>>) target(%dma_start3A_229 : memref<10112x128xf32, #tpu.memory_space<vmem_shared>>) offsets(%dma_start3A_226 : memref<128xi32, #tpu.memory_space<vmem>>) semaphore(%arg17 : memref<!tpu.dma_semaphore, #tpu.memory_space<semaphore_mem>>) {add = true}
      %dma_wait3A_230 = arith.constant 0 : i32
      %dma_wait3A_231 = arith.constant 0 : i32
      %dma_wait3A_232 = arith.constant 0 : i32
      %dma_wait3A_233 = tpu.memref_slice %arg13[%dma_wait3A_231, %dma_wait3A_232] : memref<128x128xf32, #tpu.memory_space<vmem>> -> memref<128x128xf32, #tpu.memory_space<vmem>>
      %dma_wait3A_234 = arith.constant 0 : i32
      %dma_wait3A_235 = tpu.memref_slice %arg8[%dma_wait3A_230, %dma_wait3A_234] : memref<4x128xi32, #tpu.memory_space<vmem>> -> memref<1x128xi32, #tpu.memory_space<vmem>>
      %dma_wait3A_236 = tpu.memref_squeeze %dma_wait3A_235 : memref<1x128xi32, #tpu.memory_space<vmem>> -> memref<128xi32, #tpu.memory_space<vmem>>
      %dma_wait3A_237 = arith.constant 0 : i32
      %dma_wait3A_238 = arith.constant 0 : i32
      %dma_wait3A_239 = tpu.memref_slice %arg2[%dma_wait3A_237, %dma_wait3A_238] : memref<10000x128xf32, #tpu.memory_space<hbm>> -> memref<10000x128xf32, #tpu.memory_space<hbm>>
      tpu.wait_indirect_dma semaphore(%arg16 : memref<!tpu.dma_semaphore, #tpu.memory_space<semaphore_mem>>) src(%dma_wait3A_239 : memref<10000x128xf32, #tpu.memory_space<hbm>>) dst(%dma_wait3A_233 : memref<128x128xf32, #tpu.memory_space<vmem>>)
      %dma_wait3A_240 = arith.constant 0 : i32
      %dma_wait3A_241 = arith.constant 0 : i32
      %dma_wait3A_242 = tpu.memref_slice %arg9[%dma_wait3A_240, %dma_wait3A_241] : memref<4x128xi32, #tpu.memory_space<vmem>> -> memref<1x128xi32, #tpu.memory_space<vmem>>
      %dma_wait3A_243 = tpu.memref_squeeze %dma_wait3A_242 : memref<1x128xi32, #tpu.memory_space<vmem>> -> memref<128xi32, #tpu.memory_space<vmem>>
      %dma_wait3A_244 = arith.constant 0 : i32
      %dma_wait3A_245 = arith.constant 0 : i32
      %dma_wait3A_246 = tpu.memref_slice %arg14[%dma_wait3A_244, %dma_wait3A_245] : memref<10112x128xf32, #tpu.memory_space<vmem_shared>> -> memref<10112x128xf32, #tpu.memory_space<vmem_shared>>
      tpu.wait_indirect_dma semaphore(%arg17 : memref<!tpu.dma_semaphore, #tpu.memory_space<semaphore_mem>>) src(%arg12 : memref<128x128xf32, #tpu.memory_space<vmem>>) dst(%dma_wait3A_246 : memref<10112x128xf32, #tpu.memory_space<vmem_shared>>)
      %dma_start3A_247 = arith.constant 2 : i32
      %dma_start3A_248 = arith.constant 0 : i32
      %dma_start3A_249 = arith.constant 0 : i32
      %dma_start3A_250 = tpu.memref_slice %arg12[%dma_start3A_248, %dma_start3A_249] : memref<128x128xf32, #tpu.memory_space<vmem>> -> memref<128x128xf32, #tpu.memory_space<vmem>>
      %dma_start3A_251 = arith.constant 0 : i32
      %dma_start3A_252 = tpu.memref_slice %arg8[%dma_start3A_247, %dma_start3A_251] : memref<4x128xi32, #tpu.memory_space<vmem>> -> memref<1x128xi32, #tpu.memory_space<vmem>>
      %dma_start3A_253 = tpu.memref_squeeze %dma_start3A_252 : memref<1x128xi32, #tpu.memory_space<vmem>> -> memref<128xi32, #tpu.memory_space<vmem>>
      %dma_start3A_254 = arith.constant 0 : i32
      %dma_start3A_255 = arith.constant 0 : i32
      %dma_start3A_256 = tpu.memref_slice %arg2[%dma_start3A_254, %dma_start3A_255] : memref<10000x128xf32, #tpu.memory_space<hbm>> -> memref<10000x128xf32, #tpu.memory_space<hbm>>
      tpu.enqueue_indirect_dma source(%dma_start3A_256 : memref<10000x128xf32, #tpu.memory_space<hbm>>) target(%dma_start3A_250 : memref<128x128xf32, #tpu.memory_space<vmem>>) offsets(%dma_start3A_253 : memref<128xi32, #tpu.memory_space<vmem>>) semaphore(%arg15 : memref<!tpu.dma_semaphore, #tpu.memory_space<semaphore_mem>>)
      %dma_start3A_257 = arith.constant 1 : i32
      %dma_start3A_258 = arith.constant 0 : i32
      %dma_start3A_259 = tpu.memref_slice %arg9[%dma_start3A_257, %dma_start3A_258] : memref<4x128xi32, #tpu.memory_space<vmem>> -> memref<1x128xi32, #tpu.memory_space<vmem>>
      %dma_start3A_260 = tpu.memref_squeeze %dma_start3A_259 : memref<1x128xi32, #tpu.memory_space<vmem>> -> memref<128xi32, #tpu.memory_space<vmem>>
      %dma_start3A_261 = arith.constant 0 : i32
      %dma_start3A_262 = arith.constant 0 : i32
      %dma_start3A_263 = tpu.memref_slice %arg14[%dma_start3A_261, %dma_start3A_262] : memref<10112x128xf32, #tpu.memory_space<vmem_shared>> -> memref<10112x128xf32, #tpu.memory_space<vmem_shared>>
      tpu.enqueue_indirect_dma source(%arg13 : memref<128x128xf32, #tpu.memory_space<vmem>>) target(%dma_start3A_263 : memref<10112x128xf32, #tpu.memory_space<vmem_shared>>) offsets(%dma_start3A_260 : memref<128xi32, #tpu.memory_space<vmem>>) semaphore(%arg18 : memref<!tpu.dma_semaphore, #tpu.memory_space<semaphore_mem>>) {add = true}
      %add3A_264 = arith.constant 1 : i32
      %add3A_265 = arith.addi %mul3A_198, %add3A_264 : i32
      %lt3A_266 = arith.constant 20 : i32
      %lt3A_267 = arith.cmpi slt, %add3A_265, %lt3A_266 : i32
      %convert_element_type3A_268 = arith.extui %lt3A_267 : i1 to i32
      %cond3A_269 = arith.constant 0 : i32
      %cond3A_270 = arith.cmpi ne, %convert_element_type3A_268, %cond3A_269 : i32
      scf.if %cond3A_270 {
        %add3A_478 = arith.constant 1 : i32
        %add3A_479 = arith.addi %mul3A_198, %add3A_478 : i32
        %mul3A_480 = arith.constant 4 : i32
        %mul3A_481 = arith.muli %add3A_479, %mul3A_480 : i32
        %add3A_482 = arith.addi %mul3A_20, %mul3A_481 : i32
        %add3A_483 = arith.constant 0 : i32
        %add3A_484 = arith.addi %add3A_482, %add3A_483 : i32
        %lt3A_485 = arith.constant 2500 : i32
        %lt3A_486 = arith.cmpi slt, %add3A_484, %lt3A_485 : i32
        %convert_element_type3A_487 = arith.extui %lt3A_486 : i1 to i32
        %cond3A_488 = arith.constant 0 : i32
        %cond3A_489 = arith.cmpi ne, %convert_element_type3A_487, %cond3A_488 : i32
        scf.if %cond3A_489 {
          %mul3A_540 = arith.constant 128 : i32
          %mul3A_541 = arith.muli %add3A_484, %mul3A_540 : i32
          %dma_start3A_542 = arith.constant 0 : i32
          %dma_start3A_543 = arith.constant 0 : i32
          %dma_start3A_544 = arith.constant 0 : i32
          %dma_start3A_545 = tpu.memref_slice %arg10[%dma_start3A_543, %dma_start3A_544] : memref<4x128xi32, #tpu.memory_space<vmem>> -> memref<1x128xi32, #tpu.memory_space<vmem>>
          %dma_start3A_546 = tpu.memref_squeeze %dma_start3A_545 : memref<1x128xi32, #tpu.memory_space<vmem>> -> memref<128xi32, #tpu.memory_space<vmem>>
          %dma_start3A_547 = tpu.memref_slice %arg3[%dma_start3A_542, %mul3A_541] : memref<2x320000xi32, #tpu.memory_space<hbm>> -> memref<1x128xi32, #tpu.memory_space<hbm>>
          %dma_start3A_548 = tpu.memref_squeeze %dma_start3A_547 : memref<1x128xi32, #tpu.memory_space<hbm>> -> memref<128xi32, #tpu.memory_space<hbm>>
          %dma_start3A_549 = arith.constant 0 : i32
          %dma_start3A_550 = tpu.memref_slice %arg10[%dma_start3A_543, %dma_start3A_549] : memref<4x128xi32, #tpu.memory_space<vmem>> -> memref<1x128xi32, #tpu.memory_space<vmem>>
          %dma_start3A_551 = tpu.memref_squeeze %dma_start3A_550 : memref<1x128xi32, #tpu.memory_space<vmem>> -> memref<128xi32, #tpu.memory_space<vmem>>
          %dma_start3A_552 = tpu.memref_slice %arg3[%dma_start3A_542, %mul3A_541] : memref<2x320000xi32, #tpu.memory_space<hbm>> -> memref<1x128xi32, #tpu.memory_space<hbm>>
          %dma_start3A_553 = tpu.memref_squeeze %dma_start3A_552 : memref<1x128xi32, #tpu.memory_space<hbm>> -> memref<128xi32, #tpu.memory_space<hbm>>
          tpu.enqueue_dma source(%dma_start3A_553 : memref<128xi32, #tpu.memory_space<hbm>>) target(%dma_start3A_551 : memref<128xi32, #tpu.memory_space<vmem>>) target_semaphore(%arg20 : memref<!tpu.dma_semaphore, #tpu.memory_space<semaphore_mem>>)
          %dma_start3A_554 = arith.constant 1 : i32
          %dma_start3A_555 = arith.constant 0 : i32
          %dma_start3A_556 = arith.constant 0 : i32
          %dma_start3A_557 = tpu.memref_slice %arg11[%dma_start3A_555, %dma_start3A_556] : memref<4x128xi32, #tpu.memory_space<vmem>> -> memref<1x128xi32, #tpu.memory_space<vmem>>
          %dma_start3A_558 = tpu.memref_squeeze %dma_start3A_557 : memref<1x128xi32, #tpu.memory_space<vmem>> -> memref<128xi32, #tpu.memory_space<vmem>>
          %dma_start3A_559 = tpu.memref_slice %arg3[%dma_start3A_554, %mul3A_541] : memref<2x320000xi32, #tpu.memory_space<hbm>> -> memref<1x128xi32, #tpu.memory_space<hbm>>
          %dma_start3A_560 = tpu.memref_squeeze %dma_start3A_559 : memref<1x128xi32, #tpu.memory_space<hbm>> -> memref<128xi32, #tpu.memory_space<hbm>>
          %dma_start3A_561 = arith.constant 0 : i32
          %dma_start3A_562 = tpu.memref_slice %arg11[%dma_start3A_555, %dma_start3A_561] : memref<4x128xi32, #tpu.memory_space<vmem>> -> memref<1x128xi32, #tpu.memory_space<vmem>>
          %dma_start3A_563 = tpu.memref_squeeze %dma_start3A_562 : memref<1x128xi32, #tpu.memory_space<vmem>> -> memref<128xi32, #tpu.memory_space<vmem>>
          %dma_start3A_564 = tpu.memref_slice %arg3[%dma_start3A_554, %mul3A_541] : memref<2x320000xi32, #tpu.memory_space<hbm>> -> memref<1x128xi32, #tpu.memory_space<hbm>>
          %dma_start3A_565 = tpu.memref_squeeze %dma_start3A_564 : memref<1x128xi32, #tpu.memory_space<hbm>> -> memref<128xi32, #tpu.memory_space<hbm>>
          tpu.enqueue_dma source(%dma_start3A_565 : memref<128xi32, #tpu.memory_space<hbm>>) target(%dma_start3A_563 : memref<128xi32, #tpu.memory_space<vmem>>) target_semaphore(%arg20 : memref<!tpu.dma_semaphore, #tpu.memory_space<semaphore_mem>>)
        } else {
        }
        %ge3A_490 = arith.constant 2500 : i32
        %ge3A_491 = arith.cmpi sge, %add3A_484, %ge3A_490 : i32
        %convert_element_type3A_492 = arith.extui %ge3A_491 : i1 to i32
        %cond3A_493 = arith.constant 0 : i32
        %cond3A_494 = arith.cmpi ne, %convert_element_type3A_492, %cond3A_493 : i32
        scf.if %cond3A_494 {
          %sub3A = arith.constant 2500 : i32
          %sub3A_540 = arith.subi %add3A_484, %sub3A : i32
          %mul3A_541 = arith.constant 128 : i32
          %mul3A_542 = arith.muli %sub3A_540, %mul3A_541 : i32
          %dma_start3A_543 = arith.constant 0 : i32
          %dma_start3A_544 = arith.constant 0 : i32
          %dma_start3A_545 = tpu.memref_slice %arg10[%dma_start3A_543, %dma_start3A_544] : memref<4x128xi32, #tpu.memory_space<vmem>> -> memref<1x128xi32, #tpu.memory_space<vmem>>
          %dma_start3A_546 = tpu.memref_squeeze %dma_start3A_545 : memref<1x128xi32, #tpu.memory_space<vmem>> -> memref<128xi32, #tpu.memory_space<vmem>>
          %dma_start3A_547 = tpu.memref_slice %arg4[%mul3A_542] : memref<7680xi32, #tpu.memory_space<hbm>> -> memref<128xi32, #tpu.memory_space<hbm>>
          %dma_start3A_548 = arith.constant 0 : i32
          %dma_start3A_549 = tpu.memref_slice %arg10[%dma_start3A_543, %dma_start3A_548] : memref<4x128xi32, #tpu.memory_space<vmem>> -> memref<1x128xi32, #tpu.memory_space<vmem>>
          %dma_start3A_550 = tpu.memref_squeeze %dma_start3A_549 : memref<1x128xi32, #tpu.memory_space<vmem>> -> memref<128xi32, #tpu.memory_space<vmem>>
          %dma_start3A_551 = tpu.memref_slice %arg4[%mul3A_542] : memref<7680xi32, #tpu.memory_space<hbm>> -> memref<128xi32, #tpu.memory_space<hbm>>
          tpu.enqueue_dma source(%dma_start3A_551 : memref<128xi32, #tpu.memory_space<hbm>>) target(%dma_start3A_550 : memref<128xi32, #tpu.memory_space<vmem>>) target_semaphore(%arg20 : memref<!tpu.dma_semaphore, #tpu.memory_space<semaphore_mem>>)
          %dma_start3A_552 = arith.constant 0 : i32
          %dma_start3A_553 = arith.constant 0 : i32
          %dma_start3A_554 = tpu.memref_slice %arg11[%dma_start3A_552, %dma_start3A_553] : memref<4x128xi32, #tpu.memory_space<vmem>> -> memref<1x128xi32, #tpu.memory_space<vmem>>
          %dma_start3A_555 = tpu.memref_squeeze %dma_start3A_554 : memref<1x128xi32, #tpu.memory_space<vmem>> -> memref<128xi32, #tpu.memory_space<vmem>>
          %dma_start3A_556 = tpu.memref_slice %arg5[%mul3A_542] : memref<7680xi32, #tpu.memory_space<hbm>> -> memref<128xi32, #tpu.memory_space<hbm>>
          %dma_start3A_557 = arith.constant 0 : i32
          %dma_start3A_558 = tpu.memref_slice %arg11[%dma_start3A_552, %dma_start3A_557] : memref<4x128xi32, #tpu.memory_space<vmem>> -> memref<1x128xi32, #tpu.memory_space<vmem>>
          %dma_start3A_559 = tpu.memref_squeeze %dma_start3A_558 : memref<1x128xi32, #tpu.memory_space<vmem>> -> memref<128xi32, #tpu.memory_space<vmem>>
          %dma_start3A_560 = tpu.memref_slice %arg5[%mul3A_542] : memref<7680xi32, #tpu.memory_space<hbm>> -> memref<128xi32, #tpu.memory_space<hbm>>
          tpu.enqueue_dma source(%dma_start3A_560 : memref<128xi32, #tpu.memory_space<hbm>>) target(%dma_start3A_559 : memref<128xi32, #tpu.memory_space<vmem>>) target_semaphore(%arg20 : memref<!tpu.dma_semaphore, #tpu.memory_space<semaphore_mem>>)
        } else {
        }
        %mul3A_495 = arith.constant 4 : i32
        %mul3A_496 = arith.muli %add3A_479, %mul3A_495 : i32
        %add3A_497 = arith.addi %mul3A_20, %mul3A_496 : i32
        %add3A_498 = arith.constant 1 : i32
        %add3A_499 = arith.addi %add3A_497, %add3A_498 : i32
        %lt3A_500 = arith.constant 2500 : i32
        %lt3A_501 = arith.cmpi slt, %add3A_499, %lt3A_500 : i32
        %convert_element_type3A_502 = arith.extui %lt3A_501 : i1 to i32
        %cond3A_503 = arith.constant 0 : i32
        %cond3A_504 = arith.cmpi ne, %convert_element_type3A_502, %cond3A_503 : i32
        scf.if %cond3A_504 {
          %mul3A_540 = arith.constant 128 : i32
          %mul3A_541 = arith.muli %add3A_499, %mul3A_540 : i32
          %dma_start3A_542 = arith.constant 0 : i32
          %dma_start3A_543 = arith.constant 1 : i32
          %dma_start3A_544 = arith.constant 0 : i32
          %dma_start3A_545 = tpu.memref_slice %arg10[%dma_start3A_543, %dma_start3A_544] : memref<4x128xi32, #tpu.memory_space<vmem>> -> memref<1x128xi32, #tpu.memory_space<vmem>>
          %dma_start3A_546 = tpu.memref_squeeze %dma_start3A_545 : memref<1x128xi32, #tpu.memory_space<vmem>> -> memref<128xi32, #tpu.memory_space<vmem>>
          %dma_start3A_547 = tpu.memref_slice %arg3[%dma_start3A_542, %mul3A_541] : memref<2x320000xi32, #tpu.memory_space<hbm>> -> memref<1x128xi32, #tpu.memory_space<hbm>>
          %dma_start3A_548 = tpu.memref_squeeze %dma_start3A_547 : memref<1x128xi32, #tpu.memory_space<hbm>> -> memref<128xi32, #tpu.memory_space<hbm>>
          %dma_start3A_549 = arith.constant 0 : i32
          %dma_start3A_550 = tpu.memref_slice %arg10[%dma_start3A_543, %dma_start3A_549] : memref<4x128xi32, #tpu.memory_space<vmem>> -> memref<1x128xi32, #tpu.memory_space<vmem>>
          %dma_start3A_551 = tpu.memref_squeeze %dma_start3A_550 : memref<1x128xi32, #tpu.memory_space<vmem>> -> memref<128xi32, #tpu.memory_space<vmem>>
          %dma_start3A_552 = tpu.memref_slice %arg3[%dma_start3A_542, %mul3A_541] : memref<2x320000xi32, #tpu.memory_space<hbm>> -> memref<1x128xi32, #tpu.memory_space<hbm>>
          %dma_start3A_553 = tpu.memref_squeeze %dma_start3A_552 : memref<1x128xi32, #tpu.memory_space<hbm>> -> memref<128xi32, #tpu.memory_space<hbm>>
          tpu.enqueue_dma source(%dma_start3A_553 : memref<128xi32, #tpu.memory_space<hbm>>) target(%dma_start3A_551 : memref<128xi32, #tpu.memory_space<vmem>>) target_semaphore(%arg20 : memref<!tpu.dma_semaphore, #tpu.memory_space<semaphore_mem>>)
          %dma_start3A_554 = arith.constant 1 : i32
          %dma_start3A_555 = arith.constant 1 : i32
          %dma_start3A_556 = arith.constant 0 : i32
          %dma_start3A_557 = tpu.memref_slice %arg11[%dma_start3A_555, %dma_start3A_556] : memref<4x128xi32, #tpu.memory_space<vmem>> -> memref<1x128xi32, #tpu.memory_space<vmem>>
          %dma_start3A_558 = tpu.memref_squeeze %dma_start3A_557 : memref<1x128xi32, #tpu.memory_space<vmem>> -> memref<128xi32, #tpu.memory_space<vmem>>
          %dma_start3A_559 = tpu.memref_slice %arg3[%dma_start3A_554, %mul3A_541] : memref<2x320000xi32, #tpu.memory_space<hbm>> -> memref<1x128xi32, #tpu.memory_space<hbm>>
          %dma_start3A_560 = tpu.memref_squeeze %dma_start3A_559 : memref<1x128xi32, #tpu.memory_space<hbm>> -> memref<128xi32, #tpu.memory_space<hbm>>
          %dma_start3A_561 = arith.constant 0 : i32
          %dma_start3A_562 = tpu.memref_slice %arg11[%dma_start3A_555, %dma_start3A_561] : memref<4x128xi32, #tpu.memory_space<vmem>> -> memref<1x128xi32, #tpu.memory_space<vmem>>
          %dma_start3A_563 = tpu.memref_squeeze %dma_start3A_562 : memref<1x128xi32, #tpu.memory_space<vmem>> -> memref<128xi32, #tpu.memory_space<vmem>>
          %dma_start3A_564 = tpu.memref_slice %arg3[%dma_start3A_554, %mul3A_541] : memref<2x320000xi32, #tpu.memory_space<hbm>> -> memref<1x128xi32, #tpu.memory_space<hbm>>
          %dma_start3A_565 = tpu.memref_squeeze %dma_start3A_564 : memref<1x128xi32, #tpu.memory_space<hbm>> -> memref<128xi32, #tpu.memory_space<hbm>>
          tpu.enqueue_dma source(%dma_start3A_565 : memref<128xi32, #tpu.memory_space<hbm>>) target(%dma_start3A_563 : memref<128xi32, #tpu.memory_space<vmem>>) target_semaphore(%arg20 : memref<!tpu.dma_semaphore, #tpu.memory_space<semaphore_mem>>)
        } else {
        }
        %ge3A_505 = arith.constant 2500 : i32
        %ge3A_506 = arith.cmpi sge, %add3A_499, %ge3A_505 : i32
        %convert_element_type3A_507 = arith.extui %ge3A_506 : i1 to i32
        %cond3A_508 = arith.constant 0 : i32
        %cond3A_509 = arith.cmpi ne, %convert_element_type3A_507, %cond3A_508 : i32
        scf.if %cond3A_509 {
          %sub3A = arith.constant 2500 : i32
          %sub3A_540 = arith.subi %add3A_499, %sub3A : i32
          %mul3A_541 = arith.constant 128 : i32
          %mul3A_542 = arith.muli %sub3A_540, %mul3A_541 : i32
          %dma_start3A_543 = arith.constant 1 : i32
          %dma_start3A_544 = arith.constant 0 : i32
          %dma_start3A_545 = tpu.memref_slice %arg10[%dma_start3A_543, %dma_start3A_544] : memref<4x128xi32, #tpu.memory_space<vmem>> -> memref<1x128xi32, #tpu.memory_space<vmem>>
          %dma_start3A_546 = tpu.memref_squeeze %dma_start3A_545 : memref<1x128xi32, #tpu.memory_space<vmem>> -> memref<128xi32, #tpu.memory_space<vmem>>
          %dma_start3A_547 = tpu.memref_slice %arg4[%mul3A_542] : memref<7680xi32, #tpu.memory_space<hbm>> -> memref<128xi32, #tpu.memory_space<hbm>>
          %dma_start3A_548 = arith.constant 0 : i32
          %dma_start3A_549 = tpu.memref_slice %arg10[%dma_start3A_543, %dma_start3A_548] : memref<4x128xi32, #tpu.memory_space<vmem>> -> memref<1x128xi32, #tpu.memory_space<vmem>>
          %dma_start3A_550 = tpu.memref_squeeze %dma_start3A_549 : memref<1x128xi32, #tpu.memory_space<vmem>> -> memref<128xi32, #tpu.memory_space<vmem>>
          %dma_start3A_551 = tpu.memref_slice %arg4[%mul3A_542] : memref<7680xi32, #tpu.memory_space<hbm>> -> memref<128xi32, #tpu.memory_space<hbm>>
          tpu.enqueue_dma source(%dma_start3A_551 : memref<128xi32, #tpu.memory_space<hbm>>) target(%dma_start3A_550 : memref<128xi32, #tpu.memory_space<vmem>>) target_semaphore(%arg20 : memref<!tpu.dma_semaphore, #tpu.memory_space<semaphore_mem>>)
          %dma_start3A_552 = arith.constant 1 : i32
          %dma_start3A_553 = arith.constant 0 : i32
          %dma_start3A_554 = tpu.memref_slice %arg11[%dma_start3A_552, %dma_start3A_553] : memref<4x128xi32, #tpu.memory_space<vmem>> -> memref<1x128xi32, #tpu.memory_space<vmem>>
          %dma_start3A_555 = tpu.memref_squeeze %dma_start3A_554 : memref<1x128xi32, #tpu.memory_space<vmem>> -> memref<128xi32, #tpu.memory_space<vmem>>
          %dma_start3A_556 = tpu.memref_slice %arg5[%mul3A_542] : memref<7680xi32, #tpu.memory_space<hbm>> -> memref<128xi32, #tpu.memory_space<hbm>>
          %dma_start3A_557 = arith.constant 0 : i32
          %dma_start3A_558 = tpu.memref_slice %arg11[%dma_start3A_552, %dma_start3A_557] : memref<4x128xi32, #tpu.memory_space<vmem>> -> memref<1x128xi32, #tpu.memory_space<vmem>>
          %dma_start3A_559 = tpu.memref_squeeze %dma_start3A_558 : memref<1x128xi32, #tpu.memory_space<vmem>> -> memref<128xi32, #tpu.memory_space<vmem>>
          %dma_start3A_560 = tpu.memref_slice %arg5[%mul3A_542] : memref<7680xi32, #tpu.memory_space<hbm>> -> memref<128xi32, #tpu.memory_space<hbm>>
          tpu.enqueue_dma source(%dma_start3A_560 : memref<128xi32, #tpu.memory_space<hbm>>) target(%dma_start3A_559 : memref<128xi32, #tpu.memory_space<vmem>>) target_semaphore(%arg20 : memref<!tpu.dma_semaphore, #tpu.memory_space<semaphore_mem>>)
        } else {
        }
        %mul3A_510 = arith.constant 4 : i32
        %mul3A_511 = arith.muli %add3A_479, %mul3A_510 : i32
        %add3A_512 = arith.addi %mul3A_20, %mul3A_511 : i32
        %add3A_513 = arith.constant 2 : i32
        %add3A_514 = arith.addi %add3A_512, %add3A_513 : i32
        %lt3A_515 = arith.constant 2500 : i32
        %lt3A_516 = arith.cmpi slt, %add3A_514, %lt3A_515 : i32
        %convert_element_type3A_517 = arith.extui %lt3A_516 : i1 to i32
        %cond3A_518 = arith.constant 0 : i32
        %cond3A_519 = arith.cmpi ne, %convert_element_type3A_517, %cond3A_518 : i32
        scf.if %cond3A_519 {
          %mul3A_540 = arith.constant 128 : i32
          %mul3A_541 = arith.muli %add3A_514, %mul3A_540 : i32
          %dma_start3A_542 = arith.constant 0 : i32
          %dma_start3A_543 = arith.constant 2 : i32
          %dma_start3A_544 = arith.constant 0 : i32
          %dma_start3A_545 = tpu.memref_slice %arg10[%dma_start3A_543, %dma_start3A_544] : memref<4x128xi32, #tpu.memory_space<vmem>> -> memref<1x128xi32, #tpu.memory_space<vmem>>
          %dma_start3A_546 = tpu.memref_squeeze %dma_start3A_545 : memref<1x128xi32, #tpu.memory_space<vmem>> -> memref<128xi32, #tpu.memory_space<vmem>>
          %dma_start3A_547 = tpu.memref_slice %arg3[%dma_start3A_542, %mul3A_541] : memref<2x320000xi32, #tpu.memory_space<hbm>> -> memref<1x128xi32, #tpu.memory_space<hbm>>
          %dma_start3A_548 = tpu.memref_squeeze %dma_start3A_547 : memref<1x128xi32, #tpu.memory_space<hbm>> -> memref<128xi32, #tpu.memory_space<hbm>>
          %dma_start3A_549 = arith.constant 0 : i32
          %dma_start3A_550 = tpu.memref_slice %arg10[%dma_start3A_543, %dma_start3A_549] : memref<4x128xi32, #tpu.memory_space<vmem>> -> memref<1x128xi32, #tpu.memory_space<vmem>>
          %dma_start3A_551 = tpu.memref_squeeze %dma_start3A_550 : memref<1x128xi32, #tpu.memory_space<vmem>> -> memref<128xi32, #tpu.memory_space<vmem>>
          %dma_start3A_552 = tpu.memref_slice %arg3[%dma_start3A_542, %mul3A_541] : memref<2x320000xi32, #tpu.memory_space<hbm>> -> memref<1x128xi32, #tpu.memory_space<hbm>>
          %dma_start3A_553 = tpu.memref_squeeze %dma_start3A_552 : memref<1x128xi32, #tpu.memory_space<hbm>> -> memref<128xi32, #tpu.memory_space<hbm>>
          tpu.enqueue_dma source(%dma_start3A_553 : memref<128xi32, #tpu.memory_space<hbm>>) target(%dma_start3A_551 : memref<128xi32, #tpu.memory_space<vmem>>) target_semaphore(%arg20 : memref<!tpu.dma_semaphore, #tpu.memory_space<semaphore_mem>>)
          %dma_start3A_554 = arith.constant 1 : i32
          %dma_start3A_555 = arith.constant 2 : i32
          %dma_start3A_556 = arith.constant 0 : i32
          %dma_start3A_557 = tpu.memref_slice %arg11[%dma_start3A_555, %dma_start3A_556] : memref<4x128xi32, #tpu.memory_space<vmem>> -> memref<1x128xi32, #tpu.memory_space<vmem>>
          %dma_start3A_558 = tpu.memref_squeeze %dma_start3A_557 : memref<1x128xi32, #tpu.memory_space<vmem>> -> memref<128xi32, #tpu.memory_space<vmem>>
          %dma_start3A_559 = tpu.memref_slice %arg3[%dma_start3A_554, %mul3A_541] : memref<2x320000xi32, #tpu.memory_space<hbm>> -> memref<1x128xi32, #tpu.memory_space<hbm>>
          %dma_start3A_560 = tpu.memref_squeeze %dma_start3A_559 : memref<1x128xi32, #tpu.memory_space<hbm>> -> memref<128xi32, #tpu.memory_space<hbm>>
          %dma_start3A_561 = arith.constant 0 : i32
          %dma_start3A_562 = tpu.memref_slice %arg11[%dma_start3A_555, %dma_start3A_561] : memref<4x128xi32, #tpu.memory_space<vmem>> -> memref<1x128xi32, #tpu.memory_space<vmem>>
          %dma_start3A_563 = tpu.memref_squeeze %dma_start3A_562 : memref<1x128xi32, #tpu.memory_space<vmem>> -> memref<128xi32, #tpu.memory_space<vmem>>
          %dma_start3A_564 = tpu.memref_slice %arg3[%dma_start3A_554, %mul3A_541] : memref<2x320000xi32, #tpu.memory_space<hbm>> -> memref<1x128xi32, #tpu.memory_space<hbm>>
          %dma_start3A_565 = tpu.memref_squeeze %dma_start3A_564 : memref<1x128xi32, #tpu.memory_space<hbm>> -> memref<128xi32, #tpu.memory_space<hbm>>
          tpu.enqueue_dma source(%dma_start3A_565 : memref<128xi32, #tpu.memory_space<hbm>>) target(%dma_start3A_563 : memref<128xi32, #tpu.memory_space<vmem>>) target_semaphore(%arg20 : memref<!tpu.dma_semaphore, #tpu.memory_space<semaphore_mem>>)
        } else {
        }
        %ge3A_520 = arith.constant 2500 : i32
        %ge3A_521 = arith.cmpi sge, %add3A_514, %ge3A_520 : i32
        %convert_element_type3A_522 = arith.extui %ge3A_521 : i1 to i32
        %cond3A_523 = arith.constant 0 : i32
        %cond3A_524 = arith.cmpi ne, %convert_element_type3A_522, %cond3A_523 : i32
        scf.if %cond3A_524 {
          %sub3A = arith.constant 2500 : i32
          %sub3A_540 = arith.subi %add3A_514, %sub3A : i32
          %mul3A_541 = arith.constant 128 : i32
          %mul3A_542 = arith.muli %sub3A_540, %mul3A_541 : i32
          %dma_start3A_543 = arith.constant 2 : i32
          %dma_start3A_544 = arith.constant 0 : i32
          %dma_start3A_545 = tpu.memref_slice %arg10[%dma_start3A_543, %dma_start3A_544] : memref<4x128xi32, #tpu.memory_space<vmem>> -> memref<1x128xi32, #tpu.memory_space<vmem>>
          %dma_start3A_546 = tpu.memref_squeeze %dma_start3A_545 : memref<1x128xi32, #tpu.memory_space<vmem>> -> memref<128xi32, #tpu.memory_space<vmem>>
          %dma_start3A_547 = tpu.memref_slice %arg4[%mul3A_542] : memref<7680xi32, #tpu.memory_space<hbm>> -> memref<128xi32, #tpu.memory_space<hbm>>
          %dma_start3A_548 = arith.constant 0 : i32
          %dma_start3A_549 = tpu.memref_slice %arg10[%dma_start3A_543, %dma_start3A_548] : memref<4x128xi32, #tpu.memory_space<vmem>> -> memref<1x128xi32, #tpu.memory_space<vmem>>
          %dma_start3A_550 = tpu.memref_squeeze %dma_start3A_549 : memref<1x128xi32, #tpu.memory_space<vmem>> -> memref<128xi32, #tpu.memory_space<vmem>>
          %dma_start3A_551 = tpu.memref_slice %arg4[%mul3A_542] : memref<7680xi32, #tpu.memory_space<hbm>> -> memref<128xi32, #tpu.memory_space<hbm>>
          tpu.enqueue_dma source(%dma_start3A_551 : memref<128xi32, #tpu.memory_space<hbm>>) target(%dma_start3A_550 : memref<128xi32, #tpu.memory_space<vmem>>) target_semaphore(%arg20 : memref<!tpu.dma_semaphore, #tpu.memory_space<semaphore_mem>>)
          %dma_start3A_552 = arith.constant 2 : i32
          %dma_start3A_553 = arith.constant 0 : i32
          %dma_start3A_554 = tpu.memref_slice %arg11[%dma_start3A_552, %dma_start3A_553] : memref<4x128xi32, #tpu.memory_space<vmem>> -> memref<1x128xi32, #tpu.memory_space<vmem>>
          %dma_start3A_555 = tpu.memref_squeeze %dma_start3A_554 : memref<1x128xi32, #tpu.memory_space<vmem>> -> memref<128xi32, #tpu.memory_space<vmem>>
          %dma_start3A_556 = tpu.memref_slice %arg5[%mul3A_542] : memref<7680xi32, #tpu.memory_space<hbm>> -> memref<128xi32, #tpu.memory_space<hbm>>
          %dma_start3A_557 = arith.constant 0 : i32
          %dma_start3A_558 = tpu.memref_slice %arg11[%dma_start3A_552, %dma_start3A_557] : memref<4x128xi32, #tpu.memory_space<vmem>> -> memref<1x128xi32, #tpu.memory_space<vmem>>
          %dma_start3A_559 = tpu.memref_squeeze %dma_start3A_558 : memref<1x128xi32, #tpu.memory_space<vmem>> -> memref<128xi32, #tpu.memory_space<vmem>>
          %dma_start3A_560 = tpu.memref_slice %arg5[%mul3A_542] : memref<7680xi32, #tpu.memory_space<hbm>> -> memref<128xi32, #tpu.memory_space<hbm>>
          tpu.enqueue_dma source(%dma_start3A_560 : memref<128xi32, #tpu.memory_space<hbm>>) target(%dma_start3A_559 : memref<128xi32, #tpu.memory_space<vmem>>) target_semaphore(%arg20 : memref<!tpu.dma_semaphore, #tpu.memory_space<semaphore_mem>>)
        } else {
        }
        %mul3A_525 = arith.constant 4 : i32
        %mul3A_526 = arith.muli %add3A_479, %mul3A_525 : i32
        %add3A_527 = arith.addi %mul3A_20, %mul3A_526 : i32
        %add3A_528 = arith.constant 3 : i32
        %add3A_529 = arith.addi %add3A_527, %add3A_528 : i32
        %lt3A_530 = arith.constant 2500 : i32
        %lt3A_531 = arith.cmpi slt, %add3A_529, %lt3A_530 : i32
        %convert_element_type3A_532 = arith.extui %lt3A_531 : i1 to i32
        %cond3A_533 = arith.constant 0 : i32
        %cond3A_534 = arith.cmpi ne, %convert_element_type3A_532, %cond3A_533 : i32
        scf.if %cond3A_534 {
          %mul3A_540 = arith.constant 128 : i32
          %mul3A_541 = arith.muli %add3A_529, %mul3A_540 : i32
          %dma_start3A_542 = arith.constant 0 : i32
          %dma_start3A_543 = arith.constant 3 : i32
          %dma_start3A_544 = arith.constant 0 : i32
          %dma_start3A_545 = tpu.memref_slice %arg10[%dma_start3A_543, %dma_start3A_544] : memref<4x128xi32, #tpu.memory_space<vmem>> -> memref<1x128xi32, #tpu.memory_space<vmem>>
          %dma_start3A_546 = tpu.memref_squeeze %dma_start3A_545 : memref<1x128xi32, #tpu.memory_space<vmem>> -> memref<128xi32, #tpu.memory_space<vmem>>
          %dma_start3A_547 = tpu.memref_slice %arg3[%dma_start3A_542, %mul3A_541] : memref<2x320000xi32, #tpu.memory_space<hbm>> -> memref<1x128xi32, #tpu.memory_space<hbm>>
          %dma_start3A_548 = tpu.memref_squeeze %dma_start3A_547 : memref<1x128xi32, #tpu.memory_space<hbm>> -> memref<128xi32, #tpu.memory_space<hbm>>
          %dma_start3A_549 = arith.constant 0 : i32
          %dma_start3A_550 = tpu.memref_slice %arg10[%dma_start3A_543, %dma_start3A_549] : memref<4x128xi32, #tpu.memory_space<vmem>> -> memref<1x128xi32, #tpu.memory_space<vmem>>
          %dma_start3A_551 = tpu.memref_squeeze %dma_start3A_550 : memref<1x128xi32, #tpu.memory_space<vmem>> -> memref<128xi32, #tpu.memory_space<vmem>>
          %dma_start3A_552 = tpu.memref_slice %arg3[%dma_start3A_542, %mul3A_541] : memref<2x320000xi32, #tpu.memory_space<hbm>> -> memref<1x128xi32, #tpu.memory_space<hbm>>
          %dma_start3A_553 = tpu.memref_squeeze %dma_start3A_552 : memref<1x128xi32, #tpu.memory_space<hbm>> -> memref<128xi32, #tpu.memory_space<hbm>>
          tpu.enqueue_dma source(%dma_start3A_553 : memref<128xi32, #tpu.memory_space<hbm>>) target(%dma_start3A_551 : memref<128xi32, #tpu.memory_space<vmem>>) target_semaphore(%arg20 : memref<!tpu.dma_semaphore, #tpu.memory_space<semaphore_mem>>)
          %dma_start3A_554 = arith.constant 1 : i32
          %dma_start3A_555 = arith.constant 3 : i32
          %dma_start3A_556 = arith.constant 0 : i32
          %dma_start3A_557 = tpu.memref_slice %arg11[%dma_start3A_555, %dma_start3A_556] : memref<4x128xi32, #tpu.memory_space<vmem>> -> memref<1x128xi32, #tpu.memory_space<vmem>>
          %dma_start3A_558 = tpu.memref_squeeze %dma_start3A_557 : memref<1x128xi32, #tpu.memory_space<vmem>> -> memref<128xi32, #tpu.memory_space<vmem>>
          %dma_start3A_559 = tpu.memref_slice %arg3[%dma_start3A_554, %mul3A_541] : memref<2x320000xi32, #tpu.memory_space<hbm>> -> memref<1x128xi32, #tpu.memory_space<hbm>>
          %dma_start3A_560 = tpu.memref_squeeze %dma_start3A_559 : memref<1x128xi32, #tpu.memory_space<hbm>> -> memref<128xi32, #tpu.memory_space<hbm>>
          %dma_start3A_561 = arith.constant 0 : i32
          %dma_start3A_562 = tpu.memref_slice %arg11[%dma_start3A_555, %dma_start3A_561] : memref<4x128xi32, #tpu.memory_space<vmem>> -> memref<1x128xi32, #tpu.memory_space<vmem>>
          %dma_start3A_563 = tpu.memref_squeeze %dma_start3A_562 : memref<1x128xi32, #tpu.memory_space<vmem>> -> memref<128xi32, #tpu.memory_space<vmem>>
          %dma_start3A_564 = tpu.memref_slice %arg3[%dma_start3A_554, %mul3A_541] : memref<2x320000xi32, #tpu.memory_space<hbm>> -> memref<1x128xi32, #tpu.memory_space<hbm>>
          %dma_start3A_565 = tpu.memref_squeeze %dma_start3A_564 : memref<1x128xi32, #tpu.memory_space<hbm>> -> memref<128xi32, #tpu.memory_space<hbm>>
          tpu.enqueue_dma source(%dma_start3A_565 : memref<128xi32, #tpu.memory_space<hbm>>) target(%dma_start3A_563 : memref<128xi32, #tpu.memory_space<vmem>>) target_semaphore(%arg20 : memref<!tpu.dma_semaphore, #tpu.memory_space<semaphore_mem>>)
        } else {
        }
        %ge3A_535 = arith.constant 2500 : i32
        %ge3A_536 = arith.cmpi sge, %add3A_529, %ge3A_535 : i32
        %convert_element_type3A_537 = arith.extui %ge3A_536 : i1 to i32
        %cond3A_538 = arith.constant 0 : i32
        %cond3A_539 = arith.cmpi ne, %convert_element_type3A_537, %cond3A_538 : i32
        scf.if %cond3A_539 {
          %sub3A = arith.constant 2500 : i32
          %sub3A_540 = arith.subi %add3A_529, %sub3A : i32
          %mul3A_541 = arith.constant 128 : i32
          %mul3A_542 = arith.muli %sub3A_540, %mul3A_541 : i32
          %dma_start3A_543 = arith.constant 3 : i32
          %dma_start3A_544 = arith.constant 0 : i32
          %dma_start3A_545 = tpu.memref_slice %arg10[%dma_start3A_543, %dma_start3A_544] : memref<4x128xi32, #tpu.memory_space<vmem>> -> memref<1x128xi32, #tpu.memory_space<vmem>>
          %dma_start3A_546 = tpu.memref_squeeze %dma_start3A_545 : memref<1x128xi32, #tpu.memory_space<vmem>> -> memref<128xi32, #tpu.memory_space<vmem>>
          %dma_start3A_547 = tpu.memref_slice %arg4[%mul3A_542] : memref<7680xi32, #tpu.memory_space<hbm>> -> memref<128xi32, #tpu.memory_space<hbm>>
          %dma_start3A_548 = arith.constant 0 : i32
          %dma_start3A_549 = tpu.memref_slice %arg10[%dma_start3A_543, %dma_start3A_548] : memref<4x128xi32, #tpu.memory_space<vmem>> -> memref<1x128xi32, #tpu.memory_space<vmem>>
          %dma_start3A_550 = tpu.memref_squeeze %dma_start3A_549 : memref<1x128xi32, #tpu.memory_space<vmem>> -> memref<128xi32, #tpu.memory_space<vmem>>
          %dma_start3A_551 = tpu.memref_slice %arg4[%mul3A_542] : memref<7680xi32, #tpu.memory_space<hbm>> -> memref<128xi32, #tpu.memory_space<hbm>>
          tpu.enqueue_dma source(%dma_start3A_551 : memref<128xi32, #tpu.memory_space<hbm>>) target(%dma_start3A_550 : memref<128xi32, #tpu.memory_space<vmem>>) target_semaphore(%arg20 : memref<!tpu.dma_semaphore, #tpu.memory_space<semaphore_mem>>)
          %dma_start3A_552 = arith.constant 3 : i32
          %dma_start3A_553 = arith.constant 0 : i32
          %dma_start3A_554 = tpu.memref_slice %arg11[%dma_start3A_552, %dma_start3A_553] : memref<4x128xi32, #tpu.memory_space<vmem>> -> memref<1x128xi32, #tpu.memory_space<vmem>>
          %dma_start3A_555 = tpu.memref_squeeze %dma_start3A_554 : memref<1x128xi32, #tpu.memory_space<vmem>> -> memref<128xi32, #tpu.memory_space<vmem>>
          %dma_start3A_556 = tpu.memref_slice %arg5[%mul3A_542] : memref<7680xi32, #tpu.memory_space<hbm>> -> memref<128xi32, #tpu.memory_space<hbm>>
          %dma_start3A_557 = arith.constant 0 : i32
          %dma_start3A_558 = tpu.memref_slice %arg11[%dma_start3A_552, %dma_start3A_557] : memref<4x128xi32, #tpu.memory_space<vmem>> -> memref<1x128xi32, #tpu.memory_space<vmem>>
          %dma_start3A_559 = tpu.memref_squeeze %dma_start3A_558 : memref<1x128xi32, #tpu.memory_space<vmem>> -> memref<128xi32, #tpu.memory_space<vmem>>
          %dma_start3A_560 = tpu.memref_slice %arg5[%mul3A_542] : memref<7680xi32, #tpu.memory_space<hbm>> -> memref<128xi32, #tpu.memory_space<hbm>>
          tpu.enqueue_dma source(%dma_start3A_560 : memref<128xi32, #tpu.memory_space<hbm>>) target(%dma_start3A_559 : memref<128xi32, #tpu.memory_space<vmem>>) target_semaphore(%arg20 : memref<!tpu.dma_semaphore, #tpu.memory_space<semaphore_mem>>)
        } else {
        }
      } else {
      }
      %dma_wait3A_271 = arith.constant 0 : i32
      %dma_wait3A_272 = arith.constant 0 : i32
      %dma_wait3A_273 = arith.constant 0 : i32
      %dma_wait3A_274 = tpu.memref_slice %arg12[%dma_wait3A_272, %dma_wait3A_273] : memref<128x128xf32, #tpu.memory_space<vmem>> -> memref<128x128xf32, #tpu.memory_space<vmem>>
      %dma_wait3A_275 = arith.constant 0 : i32
      %dma_wait3A_276 = tpu.memref_slice %arg8[%dma_wait3A_271, %dma_wait3A_275] : memref<4x128xi32, #tpu.memory_space<vmem>> -> memref<1x128xi32, #tpu.memory_space<vmem>>
      %dma_wait3A_277 = tpu.memref_squeeze %dma_wait3A_276 : memref<1x128xi32, #tpu.memory_space<vmem>> -> memref<128xi32, #tpu.memory_space<vmem>>
      %dma_wait3A_278 = arith.constant 0 : i32
      %dma_wait3A_279 = arith.constant 0 : i32
      %dma_wait3A_280 = tpu.memref_slice %arg2[%dma_wait3A_278, %dma_wait3A_279] : memref<10000x128xf32, #tpu.memory_space<hbm>> -> memref<10000x128xf32, #tpu.memory_space<hbm>>
      tpu.wait_indirect_dma semaphore(%arg15 : memref<!tpu.dma_semaphore, #tpu.memory_space<semaphore_mem>>) src(%dma_wait3A_280 : memref<10000x128xf32, #tpu.memory_space<hbm>>) dst(%dma_wait3A_274 : memref<128x128xf32, #tpu.memory_space<vmem>>)
      %dma_wait3A_281 = arith.constant 0 : i32
      %dma_wait3A_282 = arith.constant 0 : i32
      %dma_wait3A_283 = tpu.memref_slice %arg9[%dma_wait3A_281, %dma_wait3A_282] : memref<4x128xi32, #tpu.memory_space<vmem>> -> memref<1x128xi32, #tpu.memory_space<vmem>>
      %dma_wait3A_284 = tpu.memref_squeeze %dma_wait3A_283 : memref<1x128xi32, #tpu.memory_space<vmem>> -> memref<128xi32, #tpu.memory_space<vmem>>
      %dma_wait3A_285 = arith.constant 0 : i32
      %dma_wait3A_286 = arith.constant 0 : i32
      %dma_wait3A_287 = tpu.memref_slice %arg14[%dma_wait3A_285, %dma_wait3A_286] : memref<10112x128xf32, #tpu.memory_space<vmem_shared>> -> memref<10112x128xf32, #tpu.memory_space<vmem_shared>>
      tpu.wait_indirect_dma semaphore(%arg18 : memref<!tpu.dma_semaphore, #tpu.memory_space<semaphore_mem>>) src(%arg13 : memref<128x128xf32, #tpu.memory_space<vmem>>) dst(%dma_wait3A_287 : memref<10112x128xf32, #tpu.memory_space<vmem_shared>>)
      %dma_start3A_288 = arith.constant 3 : i32
      %dma_start3A_289 = arith.constant 0 : i32
      %dma_start3A_290 = arith.constant 0 : i32
      %dma_start3A_291 = tpu.memref_slice %arg13[%dma_start3A_289, %dma_start3A_290] : memref<128x128xf32, #tpu.memory_space<vmem>> -> memref<128x128xf32, #tpu.memory_space<vmem>>
      %dma_start3A_292 = arith.constant 0 : i32
      %dma_start3A_293 = tpu.memref_slice %arg8[%dma_start3A_288, %dma_start3A_292] : memref<4x128xi32, #tpu.memory_space<vmem>> -> memref<1x128xi32, #tpu.memory_space<vmem>>
      %dma_start3A_294 = tpu.memref_squeeze %dma_start3A_293 : memref<1x128xi32, #tpu.memory_space<vmem>> -> memref<128xi32, #tpu.memory_space<vmem>>
      %dma_start3A_295 = arith.constant 0 : i32
      %dma_start3A_296 = arith.constant 0 : i32
      %dma_start3A_297 = tpu.memref_slice %arg2[%dma_start3A_295, %dma_start3A_296] : memref<10000x128xf32, #tpu.memory_space<hbm>> -> memref<10000x128xf32, #tpu.memory_space<hbm>>
      tpu.enqueue_indirect_dma source(%dma_start3A_297 : memref<10000x128xf32, #tpu.memory_space<hbm>>) target(%dma_start3A_291 : memref<128x128xf32, #tpu.memory_space<vmem>>) offsets(%dma_start3A_294 : memref<128xi32, #tpu.memory_space<vmem>>) semaphore(%arg16 : memref<!tpu.dma_semaphore, #tpu.memory_space<semaphore_mem>>)
      %dma_start3A_298 = arith.constant 2 : i32
      %dma_start3A_299 = arith.constant 0 : i32
      %dma_start3A_300 = tpu.memref_slice %arg9[%dma_start3A_298, %dma_start3A_299] : memref<4x128xi32, #tpu.memory_space<vmem>> -> memref<1x128xi32, #tpu.memory_space<vmem>>
      %dma_start3A_301 = tpu.memref_squeeze %dma_start3A_300 : memref<1x128xi32, #tpu.memory_space<vmem>> -> memref<128xi32, #tpu.memory_space<vmem>>
      %dma_start3A_302 = arith.constant 0 : i32
      %dma_start3A_303 = arith.constant 0 : i32
      %dma_start3A_304 = tpu.memref_slice %arg14[%dma_start3A_302, %dma_start3A_303] : memref<10112x128xf32, #tpu.memory_space<vmem_shared>> -> memref<10112x128xf32, #tpu.memory_space<vmem_shared>>
      tpu.enqueue_indirect_dma source(%arg12 : memref<128x128xf32, #tpu.memory_space<vmem>>) target(%dma_start3A_304 : memref<10112x128xf32, #tpu.memory_space<vmem_shared>>) offsets(%dma_start3A_301 : memref<128xi32, #tpu.memory_space<vmem>>) semaphore(%arg17 : memref<!tpu.dma_semaphore, #tpu.memory_space<semaphore_mem>>) {add = true}
      %dma_wait3A_305 = arith.constant 0 : i32
      %dma_wait3A_306 = arith.constant 0 : i32
      %dma_wait3A_307 = arith.constant 0 : i32
      %dma_wait3A_308 = tpu.memref_slice %arg13[%dma_wait3A_306, %dma_wait3A_307] : memref<128x128xf32, #tpu.memory_space<vmem>> -> memref<128x128xf32, #tpu.memory_space<vmem>>
      %dma_wait3A_309 = arith.constant 0 : i32
      %dma_wait3A_310 = tpu.memref_slice %arg8[%dma_wait3A_305, %dma_wait3A_309] : memref<4x128xi32, #tpu.memory_space<vmem>> -> memref<1x128xi32, #tpu.memory_space<vmem>>
      %dma_wait3A_311 = tpu.memref_squeeze %dma_wait3A_310 : memref<1x128xi32, #tpu.memory_space<vmem>> -> memref<128xi32, #tpu.memory_space<vmem>>
      %dma_wait3A_312 = arith.constant 0 : i32
      %dma_wait3A_313 = arith.constant 0 : i32
      %dma_wait3A_314 = tpu.memref_slice %arg2[%dma_wait3A_312, %dma_wait3A_313] : memref<10000x128xf32, #tpu.memory_space<hbm>> -> memref<10000x128xf32, #tpu.memory_space<hbm>>
      tpu.wait_indirect_dma semaphore(%arg16 : memref<!tpu.dma_semaphore, #tpu.memory_space<semaphore_mem>>) src(%dma_wait3A_314 : memref<10000x128xf32, #tpu.memory_space<hbm>>) dst(%dma_wait3A_308 : memref<128x128xf32, #tpu.memory_space<vmem>>)
      %dma_wait3A_315 = arith.constant 0 : i32
      %dma_wait3A_316 = arith.constant 0 : i32
      %dma_wait3A_317 = tpu.memref_slice %arg9[%dma_wait3A_315, %dma_wait3A_316] : memref<4x128xi32, #tpu.memory_space<vmem>> -> memref<1x128xi32, #tpu.memory_space<vmem>>
      %dma_wait3A_318 = tpu.memref_squeeze %dma_wait3A_317 : memref<1x128xi32, #tpu.memory_space<vmem>> -> memref<128xi32, #tpu.memory_space<vmem>>
      %dma_wait3A_319 = arith.constant 0 : i32
      %dma_wait3A_320 = arith.constant 0 : i32
      %dma_wait3A_321 = tpu.memref_slice %arg14[%dma_wait3A_319, %dma_wait3A_320] : memref<10112x128xf32, #tpu.memory_space<vmem_shared>> -> memref<10112x128xf32, #tpu.memory_space<vmem_shared>>
      tpu.wait_indirect_dma semaphore(%arg17 : memref<!tpu.dma_semaphore, #tpu.memory_space<semaphore_mem>>) src(%arg12 : memref<128x128xf32, #tpu.memory_space<vmem>>) dst(%dma_wait3A_321 : memref<10112x128xf32, #tpu.memory_space<vmem_shared>>)
      %add3A_322 = arith.constant 1 : i32
      %add3A_323 = arith.addi %mul3A_198, %add3A_322 : i32
      %lt3A_324 = arith.constant 20 : i32
      %lt3A_325 = arith.cmpi slt, %add3A_323, %lt3A_324 : i32
      %convert_element_type3A_326 = arith.extui %lt3A_325 : i1 to i32
      %cond3A_327 = arith.constant 0 : i32
      %cond3A_328 = arith.cmpi ne, %convert_element_type3A_326, %cond3A_327 : i32
      scf.if %cond3A_328 {
        %dma_wait3A_478 = arith.constant 0 : i32
        %dma_wait3A_479 = arith.constant 0 : i32
        %dma_wait3A_480 = tpu.memref_slice %arg10[%dma_wait3A_478, %dma_wait3A_479] : memref<4x128xi32, #tpu.memory_space<vmem>> -> memref<1x128xi32, #tpu.memory_space<vmem>>
        %dma_wait3A_481 = tpu.memref_squeeze %dma_wait3A_480 : memref<1x128xi32, #tpu.memory_space<vmem>> -> memref<128xi32, #tpu.memory_space<vmem>>
        %dma_wait3A_482 = arith.constant 0 : i32
        %dma_wait3A_483 = tpu.memref_slice %arg4[%dma_wait3A_482] : memref<7680xi32, #tpu.memory_space<hbm>> -> memref<128xi32, #tpu.memory_space<hbm>>
        %dma_wait3A_484 = arith.constant 0 : i32
        %dma_wait3A_485 = tpu.memref_slice %arg10[%dma_wait3A_478, %dma_wait3A_484] : memref<4x128xi32, #tpu.memory_space<vmem>> -> memref<1x128xi32, #tpu.memory_space<vmem>>
        %dma_wait3A_486 = tpu.memref_squeeze %dma_wait3A_485 : memref<1x128xi32, #tpu.memory_space<vmem>> -> memref<128xi32, #tpu.memory_space<vmem>>
        %dma_wait3A_487 = arith.constant 0 : i32
        %dma_wait3A_488 = tpu.memref_slice %arg4[%dma_wait3A_487] : memref<7680xi32, #tpu.memory_space<hbm>> -> memref<128xi32, #tpu.memory_space<hbm>>
        tpu.wait_dma2 semaphore(%arg20 : memref<!tpu.dma_semaphore, #tpu.memory_space<semaphore_mem>>) src(%dma_wait3A_488 : memref<128xi32, #tpu.memory_space<hbm>>) dst(%dma_wait3A_486 : memref<128xi32, #tpu.memory_space<vmem>>)
        %dma_wait3A_489 = arith.constant 0 : i32
        %dma_wait3A_490 = arith.constant 0 : i32
        %dma_wait3A_491 = tpu.memref_slice %arg11[%dma_wait3A_489, %dma_wait3A_490] : memref<4x128xi32, #tpu.memory_space<vmem>> -> memref<1x128xi32, #tpu.memory_space<vmem>>
        %dma_wait3A_492 = tpu.memref_squeeze %dma_wait3A_491 : memref<1x128xi32, #tpu.memory_space<vmem>> -> memref<128xi32, #tpu.memory_space<vmem>>
        %dma_wait3A_493 = arith.constant 0 : i32
        %dma_wait3A_494 = tpu.memref_slice %arg4[%dma_wait3A_493] : memref<7680xi32, #tpu.memory_space<hbm>> -> memref<128xi32, #tpu.memory_space<hbm>>
        %dma_wait3A_495 = arith.constant 0 : i32
        %dma_wait3A_496 = tpu.memref_slice %arg11[%dma_wait3A_489, %dma_wait3A_495] : memref<4x128xi32, #tpu.memory_space<vmem>> -> memref<1x128xi32, #tpu.memory_space<vmem>>
        %dma_wait3A_497 = tpu.memref_squeeze %dma_wait3A_496 : memref<1x128xi32, #tpu.memory_space<vmem>> -> memref<128xi32, #tpu.memory_space<vmem>>
        %dma_wait3A_498 = arith.constant 0 : i32
        %dma_wait3A_499 = tpu.memref_slice %arg4[%dma_wait3A_498] : memref<7680xi32, #tpu.memory_space<hbm>> -> memref<128xi32, #tpu.memory_space<hbm>>
        tpu.wait_dma2 semaphore(%arg20 : memref<!tpu.dma_semaphore, #tpu.memory_space<semaphore_mem>>) src(%dma_wait3A_499 : memref<128xi32, #tpu.memory_space<hbm>>) dst(%dma_wait3A_497 : memref<128xi32, #tpu.memory_space<vmem>>)
        %dma_wait3A_500 = arith.constant 1 : i32
        %dma_wait3A_501 = arith.constant 0 : i32
        %dma_wait3A_502 = tpu.memref_slice %arg10[%dma_wait3A_500, %dma_wait3A_501] : memref<4x128xi32, #tpu.memory_space<vmem>> -> memref<1x128xi32, #tpu.memory_space<vmem>>
        %dma_wait3A_503 = tpu.memref_squeeze %dma_wait3A_502 : memref<1x128xi32, #tpu.memory_space<vmem>> -> memref<128xi32, #tpu.memory_space<vmem>>
        %dma_wait3A_504 = arith.constant 0 : i32
        %dma_wait3A_505 = tpu.memref_slice %arg4[%dma_wait3A_504] : memref<7680xi32, #tpu.memory_space<hbm>> -> memref<128xi32, #tpu.memory_space<hbm>>
        %dma_wait3A_506 = arith.constant 0 : i32
        %dma_wait3A_507 = tpu.memref_slice %arg10[%dma_wait3A_500, %dma_wait3A_506] : memref<4x128xi32, #tpu.memory_space<vmem>> -> memref<1x128xi32, #tpu.memory_space<vmem>>
        %dma_wait3A_508 = tpu.memref_squeeze %dma_wait3A_507 : memref<1x128xi32, #tpu.memory_space<vmem>> -> memref<128xi32, #tpu.memory_space<vmem>>
        %dma_wait3A_509 = arith.constant 0 : i32
        %dma_wait3A_510 = tpu.memref_slice %arg4[%dma_wait3A_509] : memref<7680xi32, #tpu.memory_space<hbm>> -> memref<128xi32, #tpu.memory_space<hbm>>
        tpu.wait_dma2 semaphore(%arg20 : memref<!tpu.dma_semaphore, #tpu.memory_space<semaphore_mem>>) src(%dma_wait3A_510 : memref<128xi32, #tpu.memory_space<hbm>>) dst(%dma_wait3A_508 : memref<128xi32, #tpu.memory_space<vmem>>)
        %dma_wait3A_511 = arith.constant 1 : i32
        %dma_wait3A_512 = arith.constant 0 : i32
        %dma_wait3A_513 = tpu.memref_slice %arg11[%dma_wait3A_511, %dma_wait3A_512] : memref<4x128xi32, #tpu.memory_space<vmem>> -> memref<1x128xi32, #tpu.memory_space<vmem>>
        %dma_wait3A_514 = tpu.memref_squeeze %dma_wait3A_513 : memref<1x128xi32, #tpu.memory_space<vmem>> -> memref<128xi32, #tpu.memory_space<vmem>>
        %dma_wait3A_515 = arith.constant 0 : i32
        %dma_wait3A_516 = tpu.memref_slice %arg4[%dma_wait3A_515] : memref<7680xi32, #tpu.memory_space<hbm>> -> memref<128xi32, #tpu.memory_space<hbm>>
        %dma_wait3A_517 = arith.constant 0 : i32
        %dma_wait3A_518 = tpu.memref_slice %arg11[%dma_wait3A_511, %dma_wait3A_517] : memref<4x128xi32, #tpu.memory_space<vmem>> -> memref<1x128xi32, #tpu.memory_space<vmem>>
        %dma_wait3A_519 = tpu.memref_squeeze %dma_wait3A_518 : memref<1x128xi32, #tpu.memory_space<vmem>> -> memref<128xi32, #tpu.memory_space<vmem>>
        %dma_wait3A_520 = arith.constant 0 : i32
        %dma_wait3A_521 = tpu.memref_slice %arg4[%dma_wait3A_520] : memref<7680xi32, #tpu.memory_space<hbm>> -> memref<128xi32, #tpu.memory_space<hbm>>
        tpu.wait_dma2 semaphore(%arg20 : memref<!tpu.dma_semaphore, #tpu.memory_space<semaphore_mem>>) src(%dma_wait3A_521 : memref<128xi32, #tpu.memory_space<hbm>>) dst(%dma_wait3A_519 : memref<128xi32, #tpu.memory_space<vmem>>)
        %dma_wait3A_522 = arith.constant 2 : i32
        %dma_wait3A_523 = arith.constant 0 : i32
        %dma_wait3A_524 = tpu.memref_slice %arg10[%dma_wait3A_522, %dma_wait3A_523] : memref<4x128xi32, #tpu.memory_space<vmem>> -> memref<1x128xi32, #tpu.memory_space<vmem>>
        %dma_wait3A_525 = tpu.memref_squeeze %dma_wait3A_524 : memref<1x128xi32, #tpu.memory_space<vmem>> -> memref<128xi32, #tpu.memory_space<vmem>>
        %dma_wait3A_526 = arith.constant 0 : i32
        %dma_wait3A_527 = tpu.memref_slice %arg4[%dma_wait3A_526] : memref<7680xi32, #tpu.memory_space<hbm>> -> memref<128xi32, #tpu.memory_space<hbm>>
        %dma_wait3A_528 = arith.constant 0 : i32
        %dma_wait3A_529 = tpu.memref_slice %arg10[%dma_wait3A_522, %dma_wait3A_528] : memref<4x128xi32, #tpu.memory_space<vmem>> -> memref<1x128xi32, #tpu.memory_space<vmem>>
        %dma_wait3A_530 = tpu.memref_squeeze %dma_wait3A_529 : memref<1x128xi32, #tpu.memory_space<vmem>> -> memref<128xi32, #tpu.memory_space<vmem>>
        %dma_wait3A_531 = arith.constant 0 : i32
        %dma_wait3A_532 = tpu.memref_slice %arg4[%dma_wait3A_531] : memref<7680xi32, #tpu.memory_space<hbm>> -> memref<128xi32, #tpu.memory_space<hbm>>
        tpu.wait_dma2 semaphore(%arg20 : memref<!tpu.dma_semaphore, #tpu.memory_space<semaphore_mem>>) src(%dma_wait3A_532 : memref<128xi32, #tpu.memory_space<hbm>>) dst(%dma_wait3A_530 : memref<128xi32, #tpu.memory_space<vmem>>)
        %dma_wait3A_533 = arith.constant 2 : i32
        %dma_wait3A_534 = arith.constant 0 : i32
        %dma_wait3A_535 = tpu.memref_slice %arg11[%dma_wait3A_533, %dma_wait3A_534] : memref<4x128xi32, #tpu.memory_space<vmem>> -> memref<1x128xi32, #tpu.memory_space<vmem>>
        %dma_wait3A_536 = tpu.memref_squeeze %dma_wait3A_535 : memref<1x128xi32, #tpu.memory_space<vmem>> -> memref<128xi32, #tpu.memory_space<vmem>>
        %dma_wait3A_537 = arith.constant 0 : i32
        %dma_wait3A_538 = tpu.memref_slice %arg4[%dma_wait3A_537] : memref<7680xi32, #tpu.memory_space<hbm>> -> memref<128xi32, #tpu.memory_space<hbm>>
        %dma_wait3A_539 = arith.constant 0 : i32
        %dma_wait3A_540 = tpu.memref_slice %arg11[%dma_wait3A_533, %dma_wait3A_539] : memref<4x128xi32, #tpu.memory_space<vmem>> -> memref<1x128xi32, #tpu.memory_space<vmem>>
        %dma_wait3A_541 = tpu.memref_squeeze %dma_wait3A_540 : memref<1x128xi32, #tpu.memory_space<vmem>> -> memref<128xi32, #tpu.memory_space<vmem>>
        %dma_wait3A_542 = arith.constant 0 : i32
        %dma_wait3A_543 = tpu.memref_slice %arg4[%dma_wait3A_542] : memref<7680xi32, #tpu.memory_space<hbm>> -> memref<128xi32, #tpu.memory_space<hbm>>
        tpu.wait_dma2 semaphore(%arg20 : memref<!tpu.dma_semaphore, #tpu.memory_space<semaphore_mem>>) src(%dma_wait3A_543 : memref<128xi32, #tpu.memory_space<hbm>>) dst(%dma_wait3A_541 : memref<128xi32, #tpu.memory_space<vmem>>)
        %dma_wait3A_544 = arith.constant 3 : i32
        %dma_wait3A_545 = arith.constant 0 : i32
        %dma_wait3A_546 = tpu.memref_slice %arg10[%dma_wait3A_544, %dma_wait3A_545] : memref<4x128xi32, #tpu.memory_space<vmem>> -> memref<1x128xi32, #tpu.memory_space<vmem>>
        %dma_wait3A_547 = tpu.memref_squeeze %dma_wait3A_546 : memref<1x128xi32, #tpu.memory_space<vmem>> -> memref<128xi32, #tpu.memory_space<vmem>>
        %dma_wait3A_548 = arith.constant 0 : i32
        %dma_wait3A_549 = tpu.memref_slice %arg4[%dma_wait3A_548] : memref<7680xi32, #tpu.memory_space<hbm>> -> memref<128xi32, #tpu.memory_space<hbm>>
        %dma_wait3A_550 = arith.constant 0 : i32
        %dma_wait3A_551 = tpu.memref_slice %arg10[%dma_wait3A_544, %dma_wait3A_550] : memref<4x128xi32, #tpu.memory_space<vmem>> -> memref<1x128xi32, #tpu.memory_space<vmem>>
        %dma_wait3A_552 = tpu.memref_squeeze %dma_wait3A_551 : memref<1x128xi32, #tpu.memory_space<vmem>> -> memref<128xi32, #tpu.memory_space<vmem>>
        %dma_wait3A_553 = arith.constant 0 : i32
        %dma_wait3A_554 = tpu.memref_slice %arg4[%dma_wait3A_553] : memref<7680xi32, #tpu.memory_space<hbm>> -> memref<128xi32, #tpu.memory_space<hbm>>
        tpu.wait_dma2 semaphore(%arg20 : memref<!tpu.dma_semaphore, #tpu.memory_space<semaphore_mem>>) src(%dma_wait3A_554 : memref<128xi32, #tpu.memory_space<hbm>>) dst(%dma_wait3A_552 : memref<128xi32, #tpu.memory_space<vmem>>)
        %dma_wait3A_555 = arith.constant 3 : i32
        %dma_wait3A_556 = arith.constant 0 : i32
        %dma_wait3A_557 = tpu.memref_slice %arg11[%dma_wait3A_555, %dma_wait3A_556] : memref<4x128xi32, #tpu.memory_space<vmem>> -> memref<1x128xi32, #tpu.memory_space<vmem>>
        %dma_wait3A_558 = tpu.memref_squeeze %dma_wait3A_557 : memref<1x128xi32, #tpu.memory_space<vmem>> -> memref<128xi32, #tpu.memory_space<vmem>>
        %dma_wait3A_559 = arith.constant 0 : i32
        %dma_wait3A_560 = tpu.memref_slice %arg4[%dma_wait3A_559] : memref<7680xi32, #tpu.memory_space<hbm>> -> memref<128xi32, #tpu.memory_space<hbm>>
        %dma_wait3A_561 = arith.constant 0 : i32
        %dma_wait3A_562 = tpu.memref_slice %arg11[%dma_wait3A_555, %dma_wait3A_561] : memref<4x128xi32, #tpu.memory_space<vmem>> -> memref<1x128xi32, #tpu.memory_space<vmem>>
        %dma_wait3A_563 = tpu.memref_squeeze %dma_wait3A_562 : memref<1x128xi32, #tpu.memory_space<vmem>> -> memref<128xi32, #tpu.memory_space<vmem>>
        %dma_wait3A_564 = arith.constant 0 : i32
        %dma_wait3A_565 = tpu.memref_slice %arg4[%dma_wait3A_564] : memref<7680xi32, #tpu.memory_space<hbm>> -> memref<128xi32, #tpu.memory_space<hbm>>
        tpu.wait_dma2 semaphore(%arg20 : memref<!tpu.dma_semaphore, #tpu.memory_space<semaphore_mem>>) src(%dma_wait3A_565 : memref<128xi32, #tpu.memory_space<hbm>>) dst(%dma_wait3A_563 : memref<128xi32, #tpu.memory_space<vmem>>)
        %dma_start3A_566 = arith.constant 0 : i32
        %dma_start3A_567 = arith.constant 0 : i32
        %dma_start3A_568 = arith.constant 0 : i32
        %dma_start3A_569 = tpu.memref_slice %arg12[%dma_start3A_567, %dma_start3A_568] : memref<128x128xf32, #tpu.memory_space<vmem>> -> memref<128x128xf32, #tpu.memory_space<vmem>>
        %dma_start3A_570 = arith.constant 0 : i32
        %dma_start3A_571 = tpu.memref_slice %arg10[%dma_start3A_566, %dma_start3A_570] : memref<4x128xi32, #tpu.memory_space<vmem>> -> memref<1x128xi32, #tpu.memory_space<vmem>>
        %dma_start3A_572 = tpu.memref_squeeze %dma_start3A_571 : memref<1x128xi32, #tpu.memory_space<vmem>> -> memref<128xi32, #tpu.memory_space<vmem>>
        %dma_start3A_573 = arith.constant 0 : i32
        %dma_start3A_574 = arith.constant 0 : i32
        %dma_start3A_575 = tpu.memref_slice %arg2[%dma_start3A_573, %dma_start3A_574] : memref<10000x128xf32, #tpu.memory_space<hbm>> -> memref<10000x128xf32, #tpu.memory_space<hbm>>
        tpu.enqueue_indirect_dma source(%dma_start3A_575 : memref<10000x128xf32, #tpu.memory_space<hbm>>) target(%dma_start3A_569 : memref<128x128xf32, #tpu.memory_space<vmem>>) offsets(%dma_start3A_572 : memref<128xi32, #tpu.memory_space<vmem>>) semaphore(%arg15 : memref<!tpu.dma_semaphore, #tpu.memory_space<semaphore_mem>>)
      } else {
      }
      %dma_start3A_329 = arith.constant 3 : i32
      %dma_start3A_330 = arith.constant 0 : i32
      %dma_start3A_331 = tpu.memref_slice %arg9[%dma_start3A_329, %dma_start3A_330] : memref<4x128xi32, #tpu.memory_space<vmem>> -> memref<1x128xi32, #tpu.memory_space<vmem>>
      %dma_start3A_332 = tpu.memref_squeeze %dma_start3A_331 : memref<1x128xi32, #tpu.memory_space<vmem>> -> memref<128xi32, #tpu.memory_space<vmem>>
      %dma_start3A_333 = arith.constant 0 : i32
      %dma_start3A_334 = arith.constant 0 : i32
      %dma_start3A_335 = tpu.memref_slice %arg14[%dma_start3A_333, %dma_start3A_334] : memref<10112x128xf32, #tpu.memory_space<vmem_shared>> -> memref<10112x128xf32, #tpu.memory_space<vmem_shared>>
      tpu.enqueue_indirect_dma source(%arg13 : memref<128x128xf32, #tpu.memory_space<vmem>>) target(%dma_start3A_335 : memref<10112x128xf32, #tpu.memory_space<vmem_shared>>) offsets(%dma_start3A_332 : memref<128xi32, #tpu.memory_space<vmem>>) semaphore(%arg18 : memref<!tpu.dma_semaphore, #tpu.memory_space<semaphore_mem>>) {add = true}
      %mul3A_336 = arith.constant 2 : i32
      %mul3A_337 = arith.muli %mul3A_336, %scan3A_196 : i32
      %add3A_338 = arith.constant 1 : i32
      %add3A_339 = arith.addi %mul3A_337, %add3A_338 : i32
      %dma_wait3A_340 = arith.constant 0 : i32
      %dma_wait3A_341 = arith.constant 0 : i32
      %dma_wait3A_342 = arith.constant 0 : i32
      %dma_wait3A_343 = tpu.memref_slice %arg12[%dma_wait3A_341, %dma_wait3A_342] : memref<128x128xf32, #tpu.memory_space<vmem>> -> memref<128x128xf32, #tpu.memory_space<vmem>>
      %dma_wait3A_344 = arith.constant 0 : i32
      %dma_wait3A_345 = tpu.memref_slice %arg8[%dma_wait3A_340, %dma_wait3A_344] : memref<4x128xi32, #tpu.memory_space<vmem>> -> memref<1x128xi32, #tpu.memory_space<vmem>>
      %dma_wait3A_346 = tpu.memref_squeeze %dma_wait3A_345 : memref<1x128xi32, #tpu.memory_space<vmem>> -> memref<128xi32, #tpu.memory_space<vmem>>
      %dma_wait3A_347 = arith.constant 0 : i32
      %dma_wait3A_348 = arith.constant 0 : i32
      %dma_wait3A_349 = tpu.memref_slice %arg2[%dma_wait3A_347, %dma_wait3A_348] : memref<10000x128xf32, #tpu.memory_space<hbm>> -> memref<10000x128xf32, #tpu.memory_space<hbm>>
      tpu.wait_indirect_dma semaphore(%arg15 : memref<!tpu.dma_semaphore, #tpu.memory_space<semaphore_mem>>) src(%dma_wait3A_349 : memref<10000x128xf32, #tpu.memory_space<hbm>>) dst(%dma_wait3A_343 : memref<128x128xf32, #tpu.memory_space<vmem>>)
      %gt3A_350 = arith.constant 0 : i32
      %gt3A_351 = arith.cmpi sgt, %add3A_339, %gt3A_350 : i32
      %convert_element_type3A_352 = arith.extui %gt3A_351 : i1 to i32
      %cond3A_353 = arith.constant 0 : i32
      %cond3A_354 = arith.cmpi ne, %convert_element_type3A_352, %cond3A_353 : i32
      scf.if %cond3A_354 {
        %dma_wait3A_478 = arith.constant 0 : i32
        %dma_wait3A_479 = arith.constant 0 : i32
        %dma_wait3A_480 = tpu.memref_slice %arg9[%dma_wait3A_478, %dma_wait3A_479] : memref<4x128xi32, #tpu.memory_space<vmem>> -> memref<1x128xi32, #tpu.memory_space<vmem>>
        %dma_wait3A_481 = tpu.memref_squeeze %dma_wait3A_480 : memref<1x128xi32, #tpu.memory_space<vmem>> -> memref<128xi32, #tpu.memory_space<vmem>>
        %dma_wait3A_482 = arith.constant 0 : i32
        %dma_wait3A_483 = arith.constant 0 : i32
        %dma_wait3A_484 = tpu.memref_slice %arg14[%dma_wait3A_482, %dma_wait3A_483] : memref<10112x128xf32, #tpu.memory_space<vmem_shared>> -> memref<10112x128xf32, #tpu.memory_space<vmem_shared>>
        tpu.wait_indirect_dma semaphore(%arg18 : memref<!tpu.dma_semaphore, #tpu.memory_space<semaphore_mem>>) src(%arg13 : memref<128x128xf32, #tpu.memory_space<vmem>>) dst(%dma_wait3A_484 : memref<10112x128xf32, #tpu.memory_space<vmem_shared>>)
      } else {
      }
      %dma_start3A_355 = arith.constant 1 : i32
      %dma_start3A_356 = arith.constant 0 : i32
      %dma_start3A_357 = arith.constant 0 : i32
      %dma_start3A_358 = tpu.memref_slice %arg13[%dma_start3A_356, %dma_start3A_357] : memref<128x128xf32, #tpu.memory_space<vmem>> -> memref<128x128xf32, #tpu.memory_space<vmem>>
      %dma_start3A_359 = arith.constant 0 : i32
      %dma_start3A_360 = tpu.memref_slice %arg10[%dma_start3A_355, %dma_start3A_359] : memref<4x128xi32, #tpu.memory_space<vmem>> -> memref<1x128xi32, #tpu.memory_space<vmem>>
      %dma_start3A_361 = tpu.memref_squeeze %dma_start3A_360 : memref<1x128xi32, #tpu.memory_space<vmem>> -> memref<128xi32, #tpu.memory_space<vmem>>
      %dma_start3A_362 = arith.constant 0 : i32
      %dma_start3A_363 = arith.constant 0 : i32
      %dma_start3A_364 = tpu.memref_slice %arg2[%dma_start3A_362, %dma_start3A_363] : memref<10000x128xf32, #tpu.memory_space<hbm>> -> memref<10000x128xf32, #tpu.memory_space<hbm>>
      tpu.enqueue_indirect_dma source(%dma_start3A_364 : memref<10000x128xf32, #tpu.memory_space<hbm>>) target(%dma_start3A_358 : memref<128x128xf32, #tpu.memory_space<vmem>>) offsets(%dma_start3A_361 : memref<128xi32, #tpu.memory_space<vmem>>) semaphore(%arg16 : memref<!tpu.dma_semaphore, #tpu.memory_space<semaphore_mem>>)
      %dma_start3A_365 = arith.constant 0 : i32
      %dma_start3A_366 = arith.constant 0 : i32
      %dma_start3A_367 = tpu.memref_slice %arg11[%dma_start3A_365, %dma_start3A_366] : memref<4x128xi32, #tpu.memory_space<vmem>> -> memref<1x128xi32, #tpu.memory_space<vmem>>
      %dma_start3A_368 = tpu.memref_squeeze %dma_start3A_367 : memref<1x128xi32, #tpu.memory_space<vmem>> -> memref<128xi32, #tpu.memory_space<vmem>>
      %dma_start3A_369 = arith.constant 0 : i32
      %dma_start3A_370 = arith.constant 0 : i32
      %dma_start3A_371 = tpu.memref_slice %arg14[%dma_start3A_369, %dma_start3A_370] : memref<10112x128xf32, #tpu.memory_space<vmem_shared>> -> memref<10112x128xf32, #tpu.memory_space<vmem_shared>>
      tpu.enqueue_indirect_dma source(%arg12 : memref<128x128xf32, #tpu.memory_space<vmem>>) target(%dma_start3A_371 : memref<10112x128xf32, #tpu.memory_space<vmem_shared>>) offsets(%dma_start3A_368 : memref<128xi32, #tpu.memory_space<vmem>>) semaphore(%arg17 : memref<!tpu.dma_semaphore, #tpu.memory_space<semaphore_mem>>) {add = true}
      %dma_wait3A_372 = arith.constant 0 : i32
      %dma_wait3A_373 = arith.constant 0 : i32
      %dma_wait3A_374 = arith.constant 0 : i32
      %dma_wait3A_375 = tpu.memref_slice %arg13[%dma_wait3A_373, %dma_wait3A_374] : memref<128x128xf32, #tpu.memory_space<vmem>> -> memref<128x128xf32, #tpu.memory_space<vmem>>
      %dma_wait3A_376 = arith.constant 0 : i32
      %dma_wait3A_377 = tpu.memref_slice %arg8[%dma_wait3A_372, %dma_wait3A_376] : memref<4x128xi32, #tpu.memory_space<vmem>> -> memref<1x128xi32, #tpu.memory_space<vmem>>
      %dma_wait3A_378 = tpu.memref_squeeze %dma_wait3A_377 : memref<1x128xi32, #tpu.memory_space<vmem>> -> memref<128xi32, #tpu.memory_space<vmem>>
      %dma_wait3A_379 = arith.constant 0 : i32
      %dma_wait3A_380 = arith.constant 0 : i32
      %dma_wait3A_381 = tpu.memref_slice %arg2[%dma_wait3A_379, %dma_wait3A_380] : memref<10000x128xf32, #tpu.memory_space<hbm>> -> memref<10000x128xf32, #tpu.memory_space<hbm>>
      tpu.wait_indirect_dma semaphore(%arg16 : memref<!tpu.dma_semaphore, #tpu.memory_space<semaphore_mem>>) src(%dma_wait3A_381 : memref<10000x128xf32, #tpu.memory_space<hbm>>) dst(%dma_wait3A_375 : memref<128x128xf32, #tpu.memory_space<vmem>>)
      %dma_wait3A_382 = arith.constant 0 : i32
      %dma_wait3A_383 = arith.constant 0 : i32
      %dma_wait3A_384 = tpu.memref_slice %arg9[%dma_wait3A_382, %dma_wait3A_383] : memref<4x128xi32, #tpu.memory_space<vmem>> -> memref<1x128xi32, #tpu.memory_space<vmem>>
      %dma_wait3A_385 = tpu.memref_squeeze %dma_wait3A_384 : memref<1x128xi32, #tpu.memory_space<vmem>> -> memref<128xi32, #tpu.memory_space<vmem>>
      %dma_wait3A_386 = arith.constant 0 : i32
      %dma_wait3A_387 = arith.constant 0 : i32
      %dma_wait3A_388 = tpu.memref_slice %arg14[%dma_wait3A_386, %dma_wait3A_387] : memref<10112x128xf32, #tpu.memory_space<vmem_shared>> -> memref<10112x128xf32, #tpu.memory_space<vmem_shared>>
      tpu.wait_indirect_dma semaphore(%arg17 : memref<!tpu.dma_semaphore, #tpu.memory_space<semaphore_mem>>) src(%arg12 : memref<128x128xf32, #tpu.memory_space<vmem>>) dst(%dma_wait3A_388 : memref<10112x128xf32, #tpu.memory_space<vmem_shared>>)
      %dma_start3A_389 = arith.constant 2 : i32
      %dma_start3A_390 = arith.constant 0 : i32
      %dma_start3A_391 = arith.constant 0 : i32
      %dma_start3A_392 = tpu.memref_slice %arg12[%dma_start3A_390, %dma_start3A_391] : memref<128x128xf32, #tpu.memory_space<vmem>> -> memref<128x128xf32, #tpu.memory_space<vmem>>
      %dma_start3A_393 = arith.constant 0 : i32
      %dma_start3A_394 = tpu.memref_slice %arg10[%dma_start3A_389, %dma_start3A_393] : memref<4x128xi32, #tpu.memory_space<vmem>> -> memref<1x128xi32, #tpu.memory_space<vmem>>
      %dma_start3A_395 = tpu.memref_squeeze %dma_start3A_394 : memref<1x128xi32, #tpu.memory_space<vmem>> -> memref<128xi32, #tpu.memory_space<vmem>>
      %dma_start3A_396 = arith.constant 0 : i32
      %dma_start3A_397 = arith.constant 0 : i32
      %dma_start3A_398 = tpu.memref_slice %arg2[%dma_start3A_396, %dma_start3A_397] : memref<10000x128xf32, #tpu.memory_space<hbm>> -> memref<10000x128xf32, #tpu.memory_space<hbm>>
      tpu.enqueue_indirect_dma source(%dma_start3A_398 : memref<10000x128xf32, #tpu.memory_space<hbm>>) target(%dma_start3A_392 : memref<128x128xf32, #tpu.memory_space<vmem>>) offsets(%dma_start3A_395 : memref<128xi32, #tpu.memory_space<vmem>>) semaphore(%arg15 : memref<!tpu.dma_semaphore, #tpu.memory_space<semaphore_mem>>)
      %dma_start3A_399 = arith.constant 1 : i32
      %dma_start3A_400 = arith.constant 0 : i32
      %dma_start3A_401 = tpu.memref_slice %arg11[%dma_start3A_399, %dma_start3A_400] : memref<4x128xi32, #tpu.memory_space<vmem>> -> memref<1x128xi32, #tpu.memory_space<vmem>>
      %dma_start3A_402 = tpu.memref_squeeze %dma_start3A_401 : memref<1x128xi32, #tpu.memory_space<vmem>> -> memref<128xi32, #tpu.memory_space<vmem>>
      %dma_start3A_403 = arith.constant 0 : i32
      %dma_start3A_404 = arith.constant 0 : i32
      %dma_start3A_405 = tpu.memref_slice %arg14[%dma_start3A_403, %dma_start3A_404] : memref<10112x128xf32, #tpu.memory_space<vmem_shared>> -> memref<10112x128xf32, #tpu.memory_space<vmem_shared>>
      tpu.enqueue_indirect_dma source(%arg13 : memref<128x128xf32, #tpu.memory_space<vmem>>) target(%dma_start3A_405 : memref<10112x128xf32, #tpu.memory_space<vmem_shared>>) offsets(%dma_start3A_402 : memref<128xi32, #tpu.memory_space<vmem>>) semaphore(%arg18 : memref<!tpu.dma_semaphore, #tpu.memory_space<semaphore_mem>>) {add = true}
      %add3A_406 = arith.constant 1 : i32
      %add3A_407 = arith.addi %add3A_339, %add3A_406 : i32
      %lt3A_408 = arith.constant 20 : i32
      %lt3A_409 = arith.cmpi slt, %add3A_407, %lt3A_408 : i32
      %convert_element_type3A_410 = arith.extui %lt3A_409 : i1 to i32
      %cond3A_411 = arith.constant 0 : i32
      %cond3A_412 = arith.cmpi ne, %convert_element_type3A_410, %cond3A_411 : i32
      scf.if %cond3A_412 {
        %add3A_478 = arith.constant 1 : i32
        %add3A_479 = arith.addi %add3A_339, %add3A_478 : i32
        %mul3A_480 = arith.constant 4 : i32
        %mul3A_481 = arith.muli %add3A_479, %mul3A_480 : i32
        %add3A_482 = arith.addi %mul3A_20, %mul3A_481 : i32
        %add3A_483 = arith.constant 0 : i32
        %add3A_484 = arith.addi %add3A_482, %add3A_483 : i32
        %lt3A_485 = arith.constant 2500 : i32
        %lt3A_486 = arith.cmpi slt, %add3A_484, %lt3A_485 : i32
        %convert_element_type3A_487 = arith.extui %lt3A_486 : i1 to i32
        %cond3A_488 = arith.constant 0 : i32
        %cond3A_489 = arith.cmpi ne, %convert_element_type3A_487, %cond3A_488 : i32
        scf.if %cond3A_489 {
          %mul3A_540 = arith.constant 128 : i32
          %mul3A_541 = arith.muli %add3A_484, %mul3A_540 : i32
          %dma_start3A_542 = arith.constant 0 : i32
          %dma_start3A_543 = arith.constant 0 : i32
          %dma_start3A_544 = arith.constant 0 : i32
          %dma_start3A_545 = tpu.memref_slice %arg8[%dma_start3A_543, %dma_start3A_544] : memref<4x128xi32, #tpu.memory_space<vmem>> -> memref<1x128xi32, #tpu.memory_space<vmem>>
          %dma_start3A_546 = tpu.memref_squeeze %dma_start3A_545 : memref<1x128xi32, #tpu.memory_space<vmem>> -> memref<128xi32, #tpu.memory_space<vmem>>
          %dma_start3A_547 = tpu.memref_slice %arg3[%dma_start3A_542, %mul3A_541] : memref<2x320000xi32, #tpu.memory_space<hbm>> -> memref<1x128xi32, #tpu.memory_space<hbm>>
          %dma_start3A_548 = tpu.memref_squeeze %dma_start3A_547 : memref<1x128xi32, #tpu.memory_space<hbm>> -> memref<128xi32, #tpu.memory_space<hbm>>
          %dma_start3A_549 = arith.constant 0 : i32
          %dma_start3A_550 = tpu.memref_slice %arg8[%dma_start3A_543, %dma_start3A_549] : memref<4x128xi32, #tpu.memory_space<vmem>> -> memref<1x128xi32, #tpu.memory_space<vmem>>
          %dma_start3A_551 = tpu.memref_squeeze %dma_start3A_550 : memref<1x128xi32, #tpu.memory_space<vmem>> -> memref<128xi32, #tpu.memory_space<vmem>>
          %dma_start3A_552 = tpu.memref_slice %arg3[%dma_start3A_542, %mul3A_541] : memref<2x320000xi32, #tpu.memory_space<hbm>> -> memref<1x128xi32, #tpu.memory_space<hbm>>
          %dma_start3A_553 = tpu.memref_squeeze %dma_start3A_552 : memref<1x128xi32, #tpu.memory_space<hbm>> -> memref<128xi32, #tpu.memory_space<hbm>>
          tpu.enqueue_dma source(%dma_start3A_553 : memref<128xi32, #tpu.memory_space<hbm>>) target(%dma_start3A_551 : memref<128xi32, #tpu.memory_space<vmem>>) target_semaphore(%arg19 : memref<!tpu.dma_semaphore, #tpu.memory_space<semaphore_mem>>)
          %dma_start3A_554 = arith.constant 1 : i32
          %dma_start3A_555 = arith.constant 0 : i32
          %dma_start3A_556 = arith.constant 0 : i32
          %dma_start3A_557 = tpu.memref_slice %arg9[%dma_start3A_555, %dma_start3A_556] : memref<4x128xi32, #tpu.memory_space<vmem>> -> memref<1x128xi32, #tpu.memory_space<vmem>>
          %dma_start3A_558 = tpu.memref_squeeze %dma_start3A_557 : memref<1x128xi32, #tpu.memory_space<vmem>> -> memref<128xi32, #tpu.memory_space<vmem>>
          %dma_start3A_559 = tpu.memref_slice %arg3[%dma_start3A_554, %mul3A_541] : memref<2x320000xi32, #tpu.memory_space<hbm>> -> memref<1x128xi32, #tpu.memory_space<hbm>>
          %dma_start3A_560 = tpu.memref_squeeze %dma_start3A_559 : memref<1x128xi32, #tpu.memory_space<hbm>> -> memref<128xi32, #tpu.memory_space<hbm>>
          %dma_start3A_561 = arith.constant 0 : i32
          %dma_start3A_562 = tpu.memref_slice %arg9[%dma_start3A_555, %dma_start3A_561] : memref<4x128xi32, #tpu.memory_space<vmem>> -> memref<1x128xi32, #tpu.memory_space<vmem>>
          %dma_start3A_563 = tpu.memref_squeeze %dma_start3A_562 : memref<1x128xi32, #tpu.memory_space<vmem>> -> memref<128xi32, #tpu.memory_space<vmem>>
          %dma_start3A_564 = tpu.memref_slice %arg3[%dma_start3A_554, %mul3A_541] : memref<2x320000xi32, #tpu.memory_space<hbm>> -> memref<1x128xi32, #tpu.memory_space<hbm>>
          %dma_start3A_565 = tpu.memref_squeeze %dma_start3A_564 : memref<1x128xi32, #tpu.memory_space<hbm>> -> memref<128xi32, #tpu.memory_space<hbm>>
          tpu.enqueue_dma source(%dma_start3A_565 : memref<128xi32, #tpu.memory_space<hbm>>) target(%dma_start3A_563 : memref<128xi32, #tpu.memory_space<vmem>>) target_semaphore(%arg19 : memref<!tpu.dma_semaphore, #tpu.memory_space<semaphore_mem>>)
        } else {
        }
        %ge3A_490 = arith.constant 2500 : i32
        %ge3A_491 = arith.cmpi sge, %add3A_484, %ge3A_490 : i32
        %convert_element_type3A_492 = arith.extui %ge3A_491 : i1 to i32
        %cond3A_493 = arith.constant 0 : i32
        %cond3A_494 = arith.cmpi ne, %convert_element_type3A_492, %cond3A_493 : i32
        scf.if %cond3A_494 {
          %sub3A = arith.constant 2500 : i32
          %sub3A_540 = arith.subi %add3A_484, %sub3A : i32
          %mul3A_541 = arith.constant 128 : i32
          %mul3A_542 = arith.muli %sub3A_540, %mul3A_541 : i32
          %dma_start3A_543 = arith.constant 0 : i32
          %dma_start3A_544 = arith.constant 0 : i32
          %dma_start3A_545 = tpu.memref_slice %arg8[%dma_start3A_543, %dma_start3A_544] : memref<4x128xi32, #tpu.memory_space<vmem>> -> memref<1x128xi32, #tpu.memory_space<vmem>>
          %dma_start3A_546 = tpu.memref_squeeze %dma_start3A_545 : memref<1x128xi32, #tpu.memory_space<vmem>> -> memref<128xi32, #tpu.memory_space<vmem>>
          %dma_start3A_547 = tpu.memref_slice %arg4[%mul3A_542] : memref<7680xi32, #tpu.memory_space<hbm>> -> memref<128xi32, #tpu.memory_space<hbm>>
          %dma_start3A_548 = arith.constant 0 : i32
          %dma_start3A_549 = tpu.memref_slice %arg8[%dma_start3A_543, %dma_start3A_548] : memref<4x128xi32, #tpu.memory_space<vmem>> -> memref<1x128xi32, #tpu.memory_space<vmem>>
          %dma_start3A_550 = tpu.memref_squeeze %dma_start3A_549 : memref<1x128xi32, #tpu.memory_space<vmem>> -> memref<128xi32, #tpu.memory_space<vmem>>
          %dma_start3A_551 = tpu.memref_slice %arg4[%mul3A_542] : memref<7680xi32, #tpu.memory_space<hbm>> -> memref<128xi32, #tpu.memory_space<hbm>>
          tpu.enqueue_dma source(%dma_start3A_551 : memref<128xi32, #tpu.memory_space<hbm>>) target(%dma_start3A_550 : memref<128xi32, #tpu.memory_space<vmem>>) target_semaphore(%arg19 : memref<!tpu.dma_semaphore, #tpu.memory_space<semaphore_mem>>)
          %dma_start3A_552 = arith.constant 0 : i32
          %dma_start3A_553 = arith.constant 0 : i32
          %dma_start3A_554 = tpu.memref_slice %arg9[%dma_start3A_552, %dma_start3A_553] : memref<4x128xi32, #tpu.memory_space<vmem>> -> memref<1x128xi32, #tpu.memory_space<vmem>>
          %dma_start3A_555 = tpu.memref_squeeze %dma_start3A_554 : memref<1x128xi32, #tpu.memory_space<vmem>> -> memref<128xi32, #tpu.memory_space<vmem>>
          %dma_start3A_556 = tpu.memref_slice %arg5[%mul3A_542] : memref<7680xi32, #tpu.memory_space<hbm>> -> memref<128xi32, #tpu.memory_space<hbm>>
          %dma_start3A_557 = arith.constant 0 : i32
          %dma_start3A_558 = tpu.memref_slice %arg9[%dma_start3A_552, %dma_start3A_557] : memref<4x128xi32, #tpu.memory_space<vmem>> -> memref<1x128xi32, #tpu.memory_space<vmem>>
          %dma_start3A_559 = tpu.memref_squeeze %dma_start3A_558 : memref<1x128xi32, #tpu.memory_space<vmem>> -> memref<128xi32, #tpu.memory_space<vmem>>
          %dma_start3A_560 = tpu.memref_slice %arg5[%mul3A_542] : memref<7680xi32, #tpu.memory_space<hbm>> -> memref<128xi32, #tpu.memory_space<hbm>>
          tpu.enqueue_dma source(%dma_start3A_560 : memref<128xi32, #tpu.memory_space<hbm>>) target(%dma_start3A_559 : memref<128xi32, #tpu.memory_space<vmem>>) target_semaphore(%arg19 : memref<!tpu.dma_semaphore, #tpu.memory_space<semaphore_mem>>)
        } else {
        }
        %mul3A_495 = arith.constant 4 : i32
        %mul3A_496 = arith.muli %add3A_479, %mul3A_495 : i32
        %add3A_497 = arith.addi %mul3A_20, %mul3A_496 : i32
        %add3A_498 = arith.constant 1 : i32
        %add3A_499 = arith.addi %add3A_497, %add3A_498 : i32
        %lt3A_500 = arith.constant 2500 : i32
        %lt3A_501 = arith.cmpi slt, %add3A_499, %lt3A_500 : i32
        %convert_element_type3A_502 = arith.extui %lt3A_501 : i1 to i32
        %cond3A_503 = arith.constant 0 : i32
        %cond3A_504 = arith.cmpi ne, %convert_element_type3A_502, %cond3A_503 : i32
        scf.if %cond3A_504 {
          %mul3A_540 = arith.constant 128 : i32
          %mul3A_541 = arith.muli %add3A_499, %mul3A_540 : i32
          %dma_start3A_542 = arith.constant 0 : i32
          %dma_start3A_543 = arith.constant 1 : i32
          %dma_start3A_544 = arith.constant 0 : i32
          %dma_start3A_545 = tpu.memref_slice %arg8[%dma_start3A_543, %dma_start3A_544] : memref<4x128xi32, #tpu.memory_space<vmem>> -> memref<1x128xi32, #tpu.memory_space<vmem>>
          %dma_start3A_546 = tpu.memref_squeeze %dma_start3A_545 : memref<1x128xi32, #tpu.memory_space<vmem>> -> memref<128xi32, #tpu.memory_space<vmem>>
          %dma_start3A_547 = tpu.memref_slice %arg3[%dma_start3A_542, %mul3A_541] : memref<2x320000xi32, #tpu.memory_space<hbm>> -> memref<1x128xi32, #tpu.memory_space<hbm>>
          %dma_start3A_548 = tpu.memref_squeeze %dma_start3A_547 : memref<1x128xi32, #tpu.memory_space<hbm>> -> memref<128xi32, #tpu.memory_space<hbm>>
          %dma_start3A_549 = arith.constant 0 : i32
          %dma_start3A_550 = tpu.memref_slice %arg8[%dma_start3A_543, %dma_start3A_549] : memref<4x128xi32, #tpu.memory_space<vmem>> -> memref<1x128xi32, #tpu.memory_space<vmem>>
          %dma_start3A_551 = tpu.memref_squeeze %dma_start3A_550 : memref<1x128xi32, #tpu.memory_space<vmem>> -> memref<128xi32, #tpu.memory_space<vmem>>
          %dma_start3A_552 = tpu.memref_slice %arg3[%dma_start3A_542, %mul3A_541] : memref<2x320000xi32, #tpu.memory_space<hbm>> -> memref<1x128xi32, #tpu.memory_space<hbm>>
          %dma_start3A_553 = tpu.memref_squeeze %dma_start3A_552 : memref<1x128xi32, #tpu.memory_space<hbm>> -> memref<128xi32, #tpu.memory_space<hbm>>
          tpu.enqueue_dma source(%dma_start3A_553 : memref<128xi32, #tpu.memory_space<hbm>>) target(%dma_start3A_551 : memref<128xi32, #tpu.memory_space<vmem>>) target_semaphore(%arg19 : memref<!tpu.dma_semaphore, #tpu.memory_space<semaphore_mem>>)
          %dma_start3A_554 = arith.constant 1 : i32
          %dma_start3A_555 = arith.constant 1 : i32
          %dma_start3A_556 = arith.constant 0 : i32
          %dma_start3A_557 = tpu.memref_slice %arg9[%dma_start3A_555, %dma_start3A_556] : memref<4x128xi32, #tpu.memory_space<vmem>> -> memref<1x128xi32, #tpu.memory_space<vmem>>
          %dma_start3A_558 = tpu.memref_squeeze %dma_start3A_557 : memref<1x128xi32, #tpu.memory_space<vmem>> -> memref<128xi32, #tpu.memory_space<vmem>>
          %dma_start3A_559 = tpu.memref_slice %arg3[%dma_start3A_554, %mul3A_541] : memref<2x320000xi32, #tpu.memory_space<hbm>> -> memref<1x128xi32, #tpu.memory_space<hbm>>
          %dma_start3A_560 = tpu.memref_squeeze %dma_start3A_559 : memref<1x128xi32, #tpu.memory_space<hbm>> -> memref<128xi32, #tpu.memory_space<hbm>>
          %dma_start3A_561 = arith.constant 0 : i32
          %dma_start3A_562 = tpu.memref_slice %arg9[%dma_start3A_555, %dma_start3A_561] : memref<4x128xi32, #tpu.memory_space<vmem>> -> memref<1x128xi32, #tpu.memory_space<vmem>>
          %dma_start3A_563 = tpu.memref_squeeze %dma_start3A_562 : memref<1x128xi32, #tpu.memory_space<vmem>> -> memref<128xi32, #tpu.memory_space<vmem>>
          %dma_start3A_564 = tpu.memref_slice %arg3[%dma_start3A_554, %mul3A_541] : memref<2x320000xi32, #tpu.memory_space<hbm>> -> memref<1x128xi32, #tpu.memory_space<hbm>>
          %dma_start3A_565 = tpu.memref_squeeze %dma_start3A_564 : memref<1x128xi32, #tpu.memory_space<hbm>> -> memref<128xi32, #tpu.memory_space<hbm>>
          tpu.enqueue_dma source(%dma_start3A_565 : memref<128xi32, #tpu.memory_space<hbm>>) target(%dma_start3A_563 : memref<128xi32, #tpu.memory_space<vmem>>) target_semaphore(%arg19 : memref<!tpu.dma_semaphore, #tpu.memory_space<semaphore_mem>>)
        } else {
        }
        %ge3A_505 = arith.constant 2500 : i32
        %ge3A_506 = arith.cmpi sge, %add3A_499, %ge3A_505 : i32
        %convert_element_type3A_507 = arith.extui %ge3A_506 : i1 to i32
        %cond3A_508 = arith.constant 0 : i32
        %cond3A_509 = arith.cmpi ne, %convert_element_type3A_507, %cond3A_508 : i32
        scf.if %cond3A_509 {
          %sub3A = arith.constant 2500 : i32
          %sub3A_540 = arith.subi %add3A_499, %sub3A : i32
          %mul3A_541 = arith.constant 128 : i32
          %mul3A_542 = arith.muli %sub3A_540, %mul3A_541 : i32
          %dma_start3A_543 = arith.constant 1 : i32
          %dma_start3A_544 = arith.constant 0 : i32
          %dma_start3A_545 = tpu.memref_slice %arg8[%dma_start3A_543, %dma_start3A_544] : memref<4x128xi32, #tpu.memory_space<vmem>> -> memref<1x128xi32, #tpu.memory_space<vmem>>
          %dma_start3A_546 = tpu.memref_squeeze %dma_start3A_545 : memref<1x128xi32, #tpu.memory_space<vmem>> -> memref<128xi32, #tpu.memory_space<vmem>>
          %dma_start3A_547 = tpu.memref_slice %arg4[%mul3A_542] : memref<7680xi32, #tpu.memory_space<hbm>> -> memref<128xi32, #tpu.memory_space<hbm>>
          %dma_start3A_548 = arith.constant 0 : i32
          %dma_start3A_549 = tpu.memref_slice %arg8[%dma_start3A_543, %dma_start3A_548] : memref<4x128xi32, #tpu.memory_space<vmem>> -> memref<1x128xi32, #tpu.memory_space<vmem>>
          %dma_start3A_550 = tpu.memref_squeeze %dma_start3A_549 : memref<1x128xi32, #tpu.memory_space<vmem>> -> memref<128xi32, #tpu.memory_space<vmem>>
          %dma_start3A_551 = tpu.memref_slice %arg4[%mul3A_542] : memref<7680xi32, #tpu.memory_space<hbm>> -> memref<128xi32, #tpu.memory_space<hbm>>
          tpu.enqueue_dma source(%dma_start3A_551 : memref<128xi32, #tpu.memory_space<hbm>>) target(%dma_start3A_550 : memref<128xi32, #tpu.memory_space<vmem>>) target_semaphore(%arg19 : memref<!tpu.dma_semaphore, #tpu.memory_space<semaphore_mem>>)
          %dma_start3A_552 = arith.constant 1 : i32
          %dma_start3A_553 = arith.constant 0 : i32
          %dma_start3A_554 = tpu.memref_slice %arg9[%dma_start3A_552, %dma_start3A_553] : memref<4x128xi32, #tpu.memory_space<vmem>> -> memref<1x128xi32, #tpu.memory_space<vmem>>
          %dma_start3A_555 = tpu.memref_squeeze %dma_start3A_554 : memref<1x128xi32, #tpu.memory_space<vmem>> -> memref<128xi32, #tpu.memory_space<vmem>>
          %dma_start3A_556 = tpu.memref_slice %arg5[%mul3A_542] : memref<7680xi32, #tpu.memory_space<hbm>> -> memref<128xi32, #tpu.memory_space<hbm>>
          %dma_start3A_557 = arith.constant 0 : i32
          %dma_start3A_558 = tpu.memref_slice %arg9[%dma_start3A_552, %dma_start3A_557] : memref<4x128xi32, #tpu.memory_space<vmem>> -> memref<1x128xi32, #tpu.memory_space<vmem>>
          %dma_start3A_559 = tpu.memref_squeeze %dma_start3A_558 : memref<1x128xi32, #tpu.memory_space<vmem>> -> memref<128xi32, #tpu.memory_space<vmem>>
          %dma_start3A_560 = tpu.memref_slice %arg5[%mul3A_542] : memref<7680xi32, #tpu.memory_space<hbm>> -> memref<128xi32, #tpu.memory_space<hbm>>
          tpu.enqueue_dma source(%dma_start3A_560 : memref<128xi32, #tpu.memory_space<hbm>>) target(%dma_start3A_559 : memref<128xi32, #tpu.memory_space<vmem>>) target_semaphore(%arg19 : memref<!tpu.dma_semaphore, #tpu.memory_space<semaphore_mem>>)
        } else {
        }
        %mul3A_510 = arith.constant 4 : i32
        %mul3A_511 = arith.muli %add3A_479, %mul3A_510 : i32
        %add3A_512 = arith.addi %mul3A_20, %mul3A_511 : i32
        %add3A_513 = arith.constant 2 : i32
        %add3A_514 = arith.addi %add3A_512, %add3A_513 : i32
        %lt3A_515 = arith.constant 2500 : i32
        %lt3A_516 = arith.cmpi slt, %add3A_514, %lt3A_515 : i32
        %convert_element_type3A_517 = arith.extui %lt3A_516 : i1 to i32
        %cond3A_518 = arith.constant 0 : i32
        %cond3A_519 = arith.cmpi ne, %convert_element_type3A_517, %cond3A_518 : i32
        scf.if %cond3A_519 {
          %mul3A_540 = arith.constant 128 : i32
          %mul3A_541 = arith.muli %add3A_514, %mul3A_540 : i32
          %dma_start3A_542 = arith.constant 0 : i32
          %dma_start3A_543 = arith.constant 2 : i32
          %dma_start3A_544 = arith.constant 0 : i32
          %dma_start3A_545 = tpu.memref_slice %arg8[%dma_start3A_543, %dma_start3A_544] : memref<4x128xi32, #tpu.memory_space<vmem>> -> memref<1x128xi32, #tpu.memory_space<vmem>>
          %dma_start3A_546 = tpu.memref_squeeze %dma_start3A_545 : memref<1x128xi32, #tpu.memory_space<vmem>> -> memref<128xi32, #tpu.memory_space<vmem>>
          %dma_start3A_547 = tpu.memref_slice %arg3[%dma_start3A_542, %mul3A_541] : memref<2x320000xi32, #tpu.memory_space<hbm>> -> memref<1x128xi32, #tpu.memory_space<hbm>>
          %dma_start3A_548 = tpu.memref_squeeze %dma_start3A_547 : memref<1x128xi32, #tpu.memory_space<hbm>> -> memref<128xi32, #tpu.memory_space<hbm>>
          %dma_start3A_549 = arith.constant 0 : i32
          %dma_start3A_550 = tpu.memref_slice %arg8[%dma_start3A_543, %dma_start3A_549] : memref<4x128xi32, #tpu.memory_space<vmem>> -> memref<1x128xi32, #tpu.memory_space<vmem>>
          %dma_start3A_551 = tpu.memref_squeeze %dma_start3A_550 : memref<1x128xi32, #tpu.memory_space<vmem>> -> memref<128xi32, #tpu.memory_space<vmem>>
          %dma_start3A_552 = tpu.memref_slice %arg3[%dma_start3A_542, %mul3A_541] : memref<2x320000xi32, #tpu.memory_space<hbm>> -> memref<1x128xi32, #tpu.memory_space<hbm>>
          %dma_start3A_553 = tpu.memref_squeeze %dma_start3A_552 : memref<1x128xi32, #tpu.memory_space<hbm>> -> memref<128xi32, #tpu.memory_space<hbm>>
          tpu.enqueue_dma source(%dma_start3A_553 : memref<128xi32, #tpu.memory_space<hbm>>) target(%dma_start3A_551 : memref<128xi32, #tpu.memory_space<vmem>>) target_semaphore(%arg19 : memref<!tpu.dma_semaphore, #tpu.memory_space<semaphore_mem>>)
          %dma_start3A_554 = arith.constant 1 : i32
          %dma_start3A_555 = arith.constant 2 : i32
          %dma_start3A_556 = arith.constant 0 : i32
          %dma_start3A_557 = tpu.memref_slice %arg9[%dma_start3A_555, %dma_start3A_556] : memref<4x128xi32, #tpu.memory_space<vmem>> -> memref<1x128xi32, #tpu.memory_space<vmem>>
          %dma_start3A_558 = tpu.memref_squeeze %dma_start3A_557 : memref<1x128xi32, #tpu.memory_space<vmem>> -> memref<128xi32, #tpu.memory_space<vmem>>
          %dma_start3A_559 = tpu.memref_slice %arg3[%dma_start3A_554, %mul3A_541] : memref<2x320000xi32, #tpu.memory_space<hbm>> -> memref<1x128xi32, #tpu.memory_space<hbm>>
          %dma_start3A_560 = tpu.memref_squeeze %dma_start3A_559 : memref<1x128xi32, #tpu.memory_space<hbm>> -> memref<128xi32, #tpu.memory_space<hbm>>
          %dma_start3A_561 = arith.constant 0 : i32
          %dma_start3A_562 = tpu.memref_slice %arg9[%dma_start3A_555, %dma_start3A_561] : memref<4x128xi32, #tpu.memory_space<vmem>> -> memref<1x128xi32, #tpu.memory_space<vmem>>
          %dma_start3A_563 = tpu.memref_squeeze %dma_start3A_562 : memref<1x128xi32, #tpu.memory_space<vmem>> -> memref<128xi32, #tpu.memory_space<vmem>>
          %dma_start3A_564 = tpu.memref_slice %arg3[%dma_start3A_554, %mul3A_541] : memref<2x320000xi32, #tpu.memory_space<hbm>> -> memref<1x128xi32, #tpu.memory_space<hbm>>
          %dma_start3A_565 = tpu.memref_squeeze %dma_start3A_564 : memref<1x128xi32, #tpu.memory_space<hbm>> -> memref<128xi32, #tpu.memory_space<hbm>>
          tpu.enqueue_dma source(%dma_start3A_565 : memref<128xi32, #tpu.memory_space<hbm>>) target(%dma_start3A_563 : memref<128xi32, #tpu.memory_space<vmem>>) target_semaphore(%arg19 : memref<!tpu.dma_semaphore, #tpu.memory_space<semaphore_mem>>)
        } else {
        }
        %ge3A_520 = arith.constant 2500 : i32
        %ge3A_521 = arith.cmpi sge, %add3A_514, %ge3A_520 : i32
        %convert_element_type3A_522 = arith.extui %ge3A_521 : i1 to i32
        %cond3A_523 = arith.constant 0 : i32
        %cond3A_524 = arith.cmpi ne, %convert_element_type3A_522, %cond3A_523 : i32
        scf.if %cond3A_524 {
          %sub3A = arith.constant 2500 : i32
          %sub3A_540 = arith.subi %add3A_514, %sub3A : i32
          %mul3A_541 = arith.constant 128 : i32
          %mul3A_542 = arith.muli %sub3A_540, %mul3A_541 : i32
          %dma_start3A_543 = arith.constant 2 : i32
          %dma_start3A_544 = arith.constant 0 : i32
          %dma_start3A_545 = tpu.memref_slice %arg8[%dma_start3A_543, %dma_start3A_544] : memref<4x128xi32, #tpu.memory_space<vmem>> -> memref<1x128xi32, #tpu.memory_space<vmem>>
          %dma_start3A_546 = tpu.memref_squeeze %dma_start3A_545 : memref<1x128xi32, #tpu.memory_space<vmem>> -> memref<128xi32, #tpu.memory_space<vmem>>
          %dma_start3A_547 = tpu.memref_slice %arg4[%mul3A_542] : memref<7680xi32, #tpu.memory_space<hbm>> -> memref<128xi32, #tpu.memory_space<hbm>>
          %dma_start3A_548 = arith.constant 0 : i32
          %dma_start3A_549 = tpu.memref_slice %arg8[%dma_start3A_543, %dma_start3A_548] : memref<4x128xi32, #tpu.memory_space<vmem>> -> memref<1x128xi32, #tpu.memory_space<vmem>>
          %dma_start3A_550 = tpu.memref_squeeze %dma_start3A_549 : memref<1x128xi32, #tpu.memory_space<vmem>> -> memref<128xi32, #tpu.memory_space<vmem>>
          %dma_start3A_551 = tpu.memref_slice %arg4[%mul3A_542] : memref<7680xi32, #tpu.memory_space<hbm>> -> memref<128xi32, #tpu.memory_space<hbm>>
          tpu.enqueue_dma source(%dma_start3A_551 : memref<128xi32, #tpu.memory_space<hbm>>) target(%dma_start3A_550 : memref<128xi32, #tpu.memory_space<vmem>>) target_semaphore(%arg19 : memref<!tpu.dma_semaphore, #tpu.memory_space<semaphore_mem>>)
          %dma_start3A_552 = arith.constant 2 : i32
          %dma_start3A_553 = arith.constant 0 : i32
          %dma_start3A_554 = tpu.memref_slice %arg9[%dma_start3A_552, %dma_start3A_553] : memref<4x128xi32, #tpu.memory_space<vmem>> -> memref<1x128xi32, #tpu.memory_space<vmem>>
          %dma_start3A_555 = tpu.memref_squeeze %dma_start3A_554 : memref<1x128xi32, #tpu.memory_space<vmem>> -> memref<128xi32, #tpu.memory_space<vmem>>
          %dma_start3A_556 = tpu.memref_slice %arg5[%mul3A_542] : memref<7680xi32, #tpu.memory_space<hbm>> -> memref<128xi32, #tpu.memory_space<hbm>>
          %dma_start3A_557 = arith.constant 0 : i32
          %dma_start3A_558 = tpu.memref_slice %arg9[%dma_start3A_552, %dma_start3A_557] : memref<4x128xi32, #tpu.memory_space<vmem>> -> memref<1x128xi32, #tpu.memory_space<vmem>>
          %dma_start3A_559 = tpu.memref_squeeze %dma_start3A_558 : memref<1x128xi32, #tpu.memory_space<vmem>> -> memref<128xi32, #tpu.memory_space<vmem>>
          %dma_start3A_560 = tpu.memref_slice %arg5[%mul3A_542] : memref<7680xi32, #tpu.memory_space<hbm>> -> memref<128xi32, #tpu.memory_space<hbm>>
          tpu.enqueue_dma source(%dma_start3A_560 : memref<128xi32, #tpu.memory_space<hbm>>) target(%dma_start3A_559 : memref<128xi32, #tpu.memory_space<vmem>>) target_semaphore(%arg19 : memref<!tpu.dma_semaphore, #tpu.memory_space<semaphore_mem>>)
        } else {
        }
        %mul3A_525 = arith.constant 4 : i32
        %mul3A_526 = arith.muli %add3A_479, %mul3A_525 : i32
        %add3A_527 = arith.addi %mul3A_20, %mul3A_526 : i32
        %add3A_528 = arith.constant 3 : i32
        %add3A_529 = arith.addi %add3A_527, %add3A_528 : i32
        %lt3A_530 = arith.constant 2500 : i32
        %lt3A_531 = arith.cmpi slt, %add3A_529, %lt3A_530 : i32
        %convert_element_type3A_532 = arith.extui %lt3A_531 : i1 to i32
        %cond3A_533 = arith.constant 0 : i32
        %cond3A_534 = arith.cmpi ne, %convert_element_type3A_532, %cond3A_533 : i32
        scf.if %cond3A_534 {
          %mul3A_540 = arith.constant 128 : i32
          %mul3A_541 = arith.muli %add3A_529, %mul3A_540 : i32
          %dma_start3A_542 = arith.constant 0 : i32
          %dma_start3A_543 = arith.constant 3 : i32
          %dma_start3A_544 = arith.constant 0 : i32
          %dma_start3A_545 = tpu.memref_slice %arg8[%dma_start3A_543, %dma_start3A_544] : memref<4x128xi32, #tpu.memory_space<vmem>> -> memref<1x128xi32, #tpu.memory_space<vmem>>
          %dma_start3A_546 = tpu.memref_squeeze %dma_start3A_545 : memref<1x128xi32, #tpu.memory_space<vmem>> -> memref<128xi32, #tpu.memory_space<vmem>>
          %dma_start3A_547 = tpu.memref_slice %arg3[%dma_start3A_542, %mul3A_541] : memref<2x320000xi32, #tpu.memory_space<hbm>> -> memref<1x128xi32, #tpu.memory_space<hbm>>
          %dma_start3A_548 = tpu.memref_squeeze %dma_start3A_547 : memref<1x128xi32, #tpu.memory_space<hbm>> -> memref<128xi32, #tpu.memory_space<hbm>>
          %dma_start3A_549 = arith.constant 0 : i32
          %dma_start3A_550 = tpu.memref_slice %arg8[%dma_start3A_543, %dma_start3A_549] : memref<4x128xi32, #tpu.memory_space<vmem>> -> memref<1x128xi32, #tpu.memory_space<vmem>>
          %dma_start3A_551 = tpu.memref_squeeze %dma_start3A_550 : memref<1x128xi32, #tpu.memory_space<vmem>> -> memref<128xi32, #tpu.memory_space<vmem>>
          %dma_start3A_552 = tpu.memref_slice %arg3[%dma_start3A_542, %mul3A_541] : memref<2x320000xi32, #tpu.memory_space<hbm>> -> memref<1x128xi32, #tpu.memory_space<hbm>>
          %dma_start3A_553 = tpu.memref_squeeze %dma_start3A_552 : memref<1x128xi32, #tpu.memory_space<hbm>> -> memref<128xi32, #tpu.memory_space<hbm>>
          tpu.enqueue_dma source(%dma_start3A_553 : memref<128xi32, #tpu.memory_space<hbm>>) target(%dma_start3A_551 : memref<128xi32, #tpu.memory_space<vmem>>) target_semaphore(%arg19 : memref<!tpu.dma_semaphore, #tpu.memory_space<semaphore_mem>>)
          %dma_start3A_554 = arith.constant 1 : i32
          %dma_start3A_555 = arith.constant 3 : i32
          %dma_start3A_556 = arith.constant 0 : i32
          %dma_start3A_557 = tpu.memref_slice %arg9[%dma_start3A_555, %dma_start3A_556] : memref<4x128xi32, #tpu.memory_space<vmem>> -> memref<1x128xi32, #tpu.memory_space<vmem>>
          %dma_start3A_558 = tpu.memref_squeeze %dma_start3A_557 : memref<1x128xi32, #tpu.memory_space<vmem>> -> memref<128xi32, #tpu.memory_space<vmem>>
          %dma_start3A_559 = tpu.memref_slice %arg3[%dma_start3A_554, %mul3A_541] : memref<2x320000xi32, #tpu.memory_space<hbm>> -> memref<1x128xi32, #tpu.memory_space<hbm>>
          %dma_start3A_560 = tpu.memref_squeeze %dma_start3A_559 : memref<1x128xi32, #tpu.memory_space<hbm>> -> memref<128xi32, #tpu.memory_space<hbm>>
          %dma_start3A_561 = arith.constant 0 : i32
          %dma_start3A_562 = tpu.memref_slice %arg9[%dma_start3A_555, %dma_start3A_561] : memref<4x128xi32, #tpu.memory_space<vmem>> -> memref<1x128xi32, #tpu.memory_space<vmem>>
          %dma_start3A_563 = tpu.memref_squeeze %dma_start3A_562 : memref<1x128xi32, #tpu.memory_space<vmem>> -> memref<128xi32, #tpu.memory_space<vmem>>
          %dma_start3A_564 = tpu.memref_slice %arg3[%dma_start3A_554, %mul3A_541] : memref<2x320000xi32, #tpu.memory_space<hbm>> -> memref<1x128xi32, #tpu.memory_space<hbm>>
          %dma_start3A_565 = tpu.memref_squeeze %dma_start3A_564 : memref<1x128xi32, #tpu.memory_space<hbm>> -> memref<128xi32, #tpu.memory_space<hbm>>
          tpu.enqueue_dma source(%dma_start3A_565 : memref<128xi32, #tpu.memory_space<hbm>>) target(%dma_start3A_563 : memref<128xi32, #tpu.memory_space<vmem>>) target_semaphore(%arg19 : memref<!tpu.dma_semaphore, #tpu.memory_space<semaphore_mem>>)
        } else {
        }
        %ge3A_535 = arith.constant 2500 : i32
        %ge3A_536 = arith.cmpi sge, %add3A_529, %ge3A_535 : i32
        %convert_element_type3A_537 = arith.extui %ge3A_536 : i1 to i32
        %cond3A_538 = arith.constant 0 : i32
        %cond3A_539 = arith.cmpi ne, %convert_element_type3A_537, %cond3A_538 : i32
        scf.if %cond3A_539 {
          %sub3A = arith.constant 2500 : i32
          %sub3A_540 = arith.subi %add3A_529, %sub3A : i32
          %mul3A_541 = arith.constant 128 : i32
          %mul3A_542 = arith.muli %sub3A_540, %mul3A_541 : i32
          %dma_start3A_543 = arith.constant 3 : i32
          %dma_start3A_544 = arith.constant 0 : i32
          %dma_start3A_545 = tpu.memref_slice %arg8[%dma_start3A_543, %dma_start3A_544] : memref<4x128xi32, #tpu.memory_space<vmem>> -> memref<1x128xi32, #tpu.memory_space<vmem>>
          %dma_start3A_546 = tpu.memref_squeeze %dma_start3A_545 : memref<1x128xi32, #tpu.memory_space<vmem>> -> memref<128xi32, #tpu.memory_space<vmem>>
          %dma_start3A_547 = tpu.memref_slice %arg4[%mul3A_542] : memref<7680xi32, #tpu.memory_space<hbm>> -> memref<128xi32, #tpu.memory_space<hbm>>
          %dma_start3A_548 = arith.constant 0 : i32
          %dma_start3A_549 = tpu.memref_slice %arg8[%dma_start3A_543, %dma_start3A_548] : memref<4x128xi32, #tpu.memory_space<vmem>> -> memref<1x128xi32, #tpu.memory_space<vmem>>
          %dma_start3A_550 = tpu.memref_squeeze %dma_start3A_549 : memref<1x128xi32, #tpu.memory_space<vmem>> -> memref<128xi32, #tpu.memory_space<vmem>>
          %dma_start3A_551 = tpu.memref_slice %arg4[%mul3A_542] : memref<7680xi32, #tpu.memory_space<hbm>> -> memref<128xi32, #tpu.memory_space<hbm>>
          tpu.enqueue_dma source(%dma_start3A_551 : memref<128xi32, #tpu.memory_space<hbm>>) target(%dma_start3A_550 : memref<128xi32, #tpu.memory_space<vmem>>) target_semaphore(%arg19 : memref<!tpu.dma_semaphore, #tpu.memory_space<semaphore_mem>>)
          %dma_start3A_552 = arith.constant 3 : i32
          %dma_start3A_553 = arith.constant 0 : i32
          %dma_start3A_554 = tpu.memref_slice %arg9[%dma_start3A_552, %dma_start3A_553] : memref<4x128xi32, #tpu.memory_space<vmem>> -> memref<1x128xi32, #tpu.memory_space<vmem>>
          %dma_start3A_555 = tpu.memref_squeeze %dma_start3A_554 : memref<1x128xi32, #tpu.memory_space<vmem>> -> memref<128xi32, #tpu.memory_space<vmem>>
          %dma_start3A_556 = tpu.memref_slice %arg5[%mul3A_542] : memref<7680xi32, #tpu.memory_space<hbm>> -> memref<128xi32, #tpu.memory_space<hbm>>
          %dma_start3A_557 = arith.constant 0 : i32
          %dma_start3A_558 = tpu.memref_slice %arg9[%dma_start3A_552, %dma_start3A_557] : memref<4x128xi32, #tpu.memory_space<vmem>> -> memref<1x128xi32, #tpu.memory_space<vmem>>
          %dma_start3A_559 = tpu.memref_squeeze %dma_start3A_558 : memref<1x128xi32, #tpu.memory_space<vmem>> -> memref<128xi32, #tpu.memory_space<vmem>>
          %dma_start3A_560 = tpu.memref_slice %arg5[%mul3A_542] : memref<7680xi32, #tpu.memory_space<hbm>> -> memref<128xi32, #tpu.memory_space<hbm>>
          tpu.enqueue_dma source(%dma_start3A_560 : memref<128xi32, #tpu.memory_space<hbm>>) target(%dma_start3A_559 : memref<128xi32, #tpu.memory_space<vmem>>) target_semaphore(%arg19 : memref<!tpu.dma_semaphore, #tpu.memory_space<semaphore_mem>>)
        } else {
        }
      } else {
      }
      %dma_wait3A_413 = arith.constant 0 : i32
      %dma_wait3A_414 = arith.constant 0 : i32
      %dma_wait3A_415 = arith.constant 0 : i32
      %dma_wait3A_416 = tpu.memref_slice %arg12[%dma_wait3A_414, %dma_wait3A_415] : memref<128x128xf32, #tpu.memory_space<vmem>> -> memref<128x128xf32, #tpu.memory_space<vmem>>
      %dma_wait3A_417 = arith.constant 0 : i32
      %dma_wait3A_418 = tpu.memref_slice %arg8[%dma_wait3A_413, %dma_wait3A_417] : memref<4x128xi32, #tpu.memory_space<vmem>> -> memref<1x128xi32, #tpu.memory_space<vmem>>
      %dma_wait3A_419 = tpu.memref_squeeze %dma_wait3A_418 : memref<1x128xi32, #tpu.memory_space<vmem>> -> memref<128xi32, #tpu.memory_space<vmem>>
      %dma_wait3A_420 = arith.constant 0 : i32
      %dma_wait3A_421 = arith.constant 0 : i32
      %dma_wait3A_422 = tpu.memref_slice %arg2[%dma_wait3A_420, %dma_wait3A_421] : memref<10000x128xf32, #tpu.memory_space<hbm>> -> memref<10000x128xf32, #tpu.memory_space<hbm>>
      tpu.wait_indirect_dma semaphore(%arg15 : memref<!tpu.dma_semaphore, #tpu.memory_space<semaphore_mem>>) src(%dma_wait3A_422 : memref<10000x128xf32, #tpu.memory_space<hbm>>) dst(%dma_wait3A_416 : memref<128x128xf32, #tpu.memory_space<vmem>>)
      %dma_wait3A_423 = arith.constant 0 : i32
      %dma_wait3A_424 = arith.constant 0 : i32
      %dma_wait3A_425 = tpu.memref_slice %arg9[%dma_wait3A_423, %dma_wait3A_424] : memref<4x128xi32, #tpu.memory_space<vmem>> -> memref<1x128xi32, #tpu.memory_space<vmem>>
      %dma_wait3A_426 = tpu.memref_squeeze %dma_wait3A_425 : memref<1x128xi32, #tpu.memory_space<vmem>> -> memref<128xi32, #tpu.memory_space<vmem>>
      %dma_wait3A_427 = arith.constant 0 : i32
      %dma_wait3A_428 = arith.constant 0 : i32
      %dma_wait3A_429 = tpu.memref_slice %arg14[%dma_wait3A_427, %dma_wait3A_428] : memref<10112x128xf32, #tpu.memory_space<vmem_shared>> -> memref<10112x128xf32, #tpu.memory_space<vmem_shared>>
      tpu.wait_indirect_dma semaphore(%arg18 : memref<!tpu.dma_semaphore, #tpu.memory_space<semaphore_mem>>) src(%arg13 : memref<128x128xf32, #tpu.memory_space<vmem>>) dst(%dma_wait3A_429 : memref<10112x128xf32, #tpu.memory_space<vmem_shared>>)
      %dma_start3A_430 = arith.constant 3 : i32
      %dma_start3A_431 = arith.constant 0 : i32
      %dma_start3A_432 = arith.constant 0 : i32
      %dma_start3A_433 = tpu.memref_slice %arg13[%dma_start3A_431, %dma_start3A_432] : memref<128x128xf32, #tpu.memory_space<vmem>> -> memref<128x128xf32, #tpu.memory_space<vmem>>
      %dma_start3A_434 = arith.constant 0 : i32
      %dma_start3A_435 = tpu.memref_slice %arg10[%dma_start3A_430, %dma_start3A_434] : memref<4x128xi32, #tpu.memory_space<vmem>> -> memref<1x128xi32, #tpu.memory_space<vmem>>
      %dma_start3A_436 = tpu.memref_squeeze %dma_start3A_435 : memref<1x128xi32, #tpu.memory_space<vmem>> -> memref<128xi32, #tpu.memory_space<vmem>>
      %dma_start3A_437 = arith.constant 0 : i32
      %dma_start3A_438 = arith.constant 0 : i32
      %dma_start3A_439 = tpu.memref_slice %arg2[%dma_start3A_437, %dma_start3A_438] : memref<10000x128xf32, #tpu.memory_space<hbm>> -> memref<10000x128xf32, #tpu.memory_space<hbm>>
      tpu.enqueue_indirect_dma source(%dma_start3A_439 : memref<10000x128xf32, #tpu.memory_space<hbm>>) target(%dma_start3A_433 : memref<128x128xf32, #tpu.memory_space<vmem>>) offsets(%dma_start3A_436 : memref<128xi32, #tpu.memory_space<vmem>>) semaphore(%arg16 : memref<!tpu.dma_semaphore, #tpu.memory_space<semaphore_mem>>)
      %dma_start3A_440 = arith.constant 2 : i32
      %dma_start3A_441 = arith.constant 0 : i32
      %dma_start3A_442 = tpu.memref_slice %arg11[%dma_start3A_440, %dma_start3A_441] : memref<4x128xi32, #tpu.memory_space<vmem>> -> memref<1x128xi32, #tpu.memory_space<vmem>>
      %dma_start3A_443 = tpu.memref_squeeze %dma_start3A_442 : memref<1x128xi32, #tpu.memory_space<vmem>> -> memref<128xi32, #tpu.memory_space<vmem>>
      %dma_start3A_444 = arith.constant 0 : i32
      %dma_start3A_445 = arith.constant 0 : i32
      %dma_start3A_446 = tpu.memref_slice %arg14[%dma_start3A_444, %dma_start3A_445] : memref<10112x128xf32, #tpu.memory_space<vmem_shared>> -> memref<10112x128xf32, #tpu.memory_space<vmem_shared>>
      tpu.enqueue_indirect_dma source(%arg12 : memref<128x128xf32, #tpu.memory_space<vmem>>) target(%dma_start3A_446 : memref<10112x128xf32, #tpu.memory_space<vmem_shared>>) offsets(%dma_start3A_443 : memref<128xi32, #tpu.memory_space<vmem>>) semaphore(%arg17 : memref<!tpu.dma_semaphore, #tpu.memory_space<semaphore_mem>>) {add = true}
      %dma_wait3A_447 = arith.constant 0 : i32
      %dma_wait3A_448 = arith.constant 0 : i32
      %dma_wait3A_449 = arith.constant 0 : i32
      %dma_wait3A_450 = tpu.memref_slice %arg13[%dma_wait3A_448, %dma_wait3A_449] : memref<128x128xf32, #tpu.memory_space<vmem>> -> memref<128x128xf32, #tpu.memory_space<vmem>>
      %dma_wait3A_451 = arith.constant 0 : i32
      %dma_wait3A_452 = tpu.memref_slice %arg8[%dma_wait3A_447, %dma_wait3A_451] : memref<4x128xi32, #tpu.memory_space<vmem>> -> memref<1x128xi32, #tpu.memory_space<vmem>>
      %dma_wait3A_453 = tpu.memref_squeeze %dma_wait3A_452 : memref<1x128xi32, #tpu.memory_space<vmem>> -> memref<128xi32, #tpu.memory_space<vmem>>
      %dma_wait3A_454 = arith.constant 0 : i32
      %dma_wait3A_455 = arith.constant 0 : i32
      %dma_wait3A_456 = tpu.memref_slice %arg2[%dma_wait3A_454, %dma_wait3A_455] : memref<10000x128xf32, #tpu.memory_space<hbm>> -> memref<10000x128xf32, #tpu.memory_space<hbm>>
      tpu.wait_indirect_dma semaphore(%arg16 : memref<!tpu.dma_semaphore, #tpu.memory_space<semaphore_mem>>) src(%dma_wait3A_456 : memref<10000x128xf32, #tpu.memory_space<hbm>>) dst(%dma_wait3A_450 : memref<128x128xf32, #tpu.memory_space<vmem>>)
      %dma_wait3A_457 = arith.constant 0 : i32
      %dma_wait3A_458 = arith.constant 0 : i32
      %dma_wait3A_459 = tpu.memref_slice %arg9[%dma_wait3A_457, %dma_wait3A_458] : memref<4x128xi32, #tpu.memory_space<vmem>> -> memref<1x128xi32, #tpu.memory_space<vmem>>
      %dma_wait3A_460 = tpu.memref_squeeze %dma_wait3A_459 : memref<1x128xi32, #tpu.memory_space<vmem>> -> memref<128xi32, #tpu.memory_space<vmem>>
      %dma_wait3A_461 = arith.constant 0 : i32
      %dma_wait3A_462 = arith.constant 0 : i32
      %dma_wait3A_463 = tpu.memref_slice %arg14[%dma_wait3A_461, %dma_wait3A_462] : memref<10112x128xf32, #tpu.memory_space<vmem_shared>> -> memref<10112x128xf32, #tpu.memory_space<vmem_shared>>
      tpu.wait_indirect_dma semaphore(%arg17 : memref<!tpu.dma_semaphore, #tpu.memory_space<semaphore_mem>>) src(%arg12 : memref<128x128xf32, #tpu.memory_space<vmem>>) dst(%dma_wait3A_463 : memref<10112x128xf32, #tpu.memory_space<vmem_shared>>)
      %add3A_464 = arith.constant 1 : i32
      %add3A_465 = arith.addi %add3A_339, %add3A_464 : i32
      %lt3A_466 = arith.constant 20 : i32
      %lt3A_467 = arith.cmpi slt, %add3A_465, %lt3A_466 : i32
      %convert_element_type3A_468 = arith.extui %lt3A_467 : i1 to i32
      %cond3A_469 = arith.constant 0 : i32
      %cond3A_470 = arith.cmpi ne, %convert_element_type3A_468, %cond3A_469 : i32
      scf.if %cond3A_470 {
        %dma_wait3A_478 = arith.constant 0 : i32
        %dma_wait3A_479 = arith.constant 0 : i32
        %dma_wait3A_480 = tpu.memref_slice %arg8[%dma_wait3A_478, %dma_wait3A_479] : memref<4x128xi32, #tpu.memory_space<vmem>> -> memref<1x128xi32, #tpu.memory_space<vmem>>
        %dma_wait3A_481 = tpu.memref_squeeze %dma_wait3A_480 : memref<1x128xi32, #tpu.memory_space<vmem>> -> memref<128xi32, #tpu.memory_space<vmem>>
        %dma_wait3A_482 = arith.constant 0 : i32
        %dma_wait3A_483 = tpu.memref_slice %arg4[%dma_wait3A_482] : memref<7680xi32, #tpu.memory_space<hbm>> -> memref<128xi32, #tpu.memory_space<hbm>>
        %dma_wait3A_484 = arith.constant 0 : i32
        %dma_wait3A_485 = tpu.memref_slice %arg8[%dma_wait3A_478, %dma_wait3A_484] : memref<4x128xi32, #tpu.memory_space<vmem>> -> memref<1x128xi32, #tpu.memory_space<vmem>>
        %dma_wait3A_486 = tpu.memref_squeeze %dma_wait3A_485 : memref<1x128xi32, #tpu.memory_space<vmem>> -> memref<128xi32, #tpu.memory_space<vmem>>
        %dma_wait3A_487 = arith.constant 0 : i32
        %dma_wait3A_488 = tpu.memref_slice %arg4[%dma_wait3A_487] : memref<7680xi32, #tpu.memory_space<hbm>> -> memref<128xi32, #tpu.memory_space<hbm>>
        tpu.wait_dma2 semaphore(%arg19 : memref<!tpu.dma_semaphore, #tpu.memory_space<semaphore_mem>>) src(%dma_wait3A_488 : memref<128xi32, #tpu.memory_space<hbm>>) dst(%dma_wait3A_486 : memref<128xi32, #tpu.memory_space<vmem>>)
        %dma_wait3A_489 = arith.constant 0 : i32
        %dma_wait3A_490 = arith.constant 0 : i32
        %dma_wait3A_491 = tpu.memref_slice %arg9[%dma_wait3A_489, %dma_wait3A_490] : memref<4x128xi32, #tpu.memory_space<vmem>> -> memref<1x128xi32, #tpu.memory_space<vmem>>
        %dma_wait3A_492 = tpu.memref_squeeze %dma_wait3A_491 : memref<1x128xi32, #tpu.memory_space<vmem>> -> memref<128xi32, #tpu.memory_space<vmem>>
        %dma_wait3A_493 = arith.constant 0 : i32
        %dma_wait3A_494 = tpu.memref_slice %arg4[%dma_wait3A_493] : memref<7680xi32, #tpu.memory_space<hbm>> -> memref<128xi32, #tpu.memory_space<hbm>>
        %dma_wait3A_495 = arith.constant 0 : i32
        %dma_wait3A_496 = tpu.memref_slice %arg9[%dma_wait3A_489, %dma_wait3A_495] : memref<4x128xi32, #tpu.memory_space<vmem>> -> memref<1x128xi32, #tpu.memory_space<vmem>>
        %dma_wait3A_497 = tpu.memref_squeeze %dma_wait3A_496 : memref<1x128xi32, #tpu.memory_space<vmem>> -> memref<128xi32, #tpu.memory_space<vmem>>
        %dma_wait3A_498 = arith.constant 0 : i32
        %dma_wait3A_499 = tpu.memref_slice %arg4[%dma_wait3A_498] : memref<7680xi32, #tpu.memory_space<hbm>> -> memref<128xi32, #tpu.memory_space<hbm>>
        tpu.wait_dma2 semaphore(%arg19 : memref<!tpu.dma_semaphore, #tpu.memory_space<semaphore_mem>>) src(%dma_wait3A_499 : memref<128xi32, #tpu.memory_space<hbm>>) dst(%dma_wait3A_497 : memref<128xi32, #tpu.memory_space<vmem>>)
        %dma_wait3A_500 = arith.constant 1 : i32
        %dma_wait3A_501 = arith.constant 0 : i32
        %dma_wait3A_502 = tpu.memref_slice %arg8[%dma_wait3A_500, %dma_wait3A_501] : memref<4x128xi32, #tpu.memory_space<vmem>> -> memref<1x128xi32, #tpu.memory_space<vmem>>
        %dma_wait3A_503 = tpu.memref_squeeze %dma_wait3A_502 : memref<1x128xi32, #tpu.memory_space<vmem>> -> memref<128xi32, #tpu.memory_space<vmem>>
        %dma_wait3A_504 = arith.constant 0 : i32
        %dma_wait3A_505 = tpu.memref_slice %arg4[%dma_wait3A_504] : memref<7680xi32, #tpu.memory_space<hbm>> -> memref<128xi32, #tpu.memory_space<hbm>>
        %dma_wait3A_506 = arith.constant 0 : i32
        %dma_wait3A_507 = tpu.memref_slice %arg8[%dma_wait3A_500, %dma_wait3A_506] : memref<4x128xi32, #tpu.memory_space<vmem>> -> memref<1x128xi32, #tpu.memory_space<vmem>>
        %dma_wait3A_508 = tpu.memref_squeeze %dma_wait3A_507 : memref<1x128xi32, #tpu.memory_space<vmem>> -> memref<128xi32, #tpu.memory_space<vmem>>
        %dma_wait3A_509 = arith.constant 0 : i32
        %dma_wait3A_510 = tpu.memref_slice %arg4[%dma_wait3A_509] : memref<7680xi32, #tpu.memory_space<hbm>> -> memref<128xi32, #tpu.memory_space<hbm>>
        tpu.wait_dma2 semaphore(%arg19 : memref<!tpu.dma_semaphore, #tpu.memory_space<semaphore_mem>>) src(%dma_wait3A_510 : memref<128xi32, #tpu.memory_space<hbm>>) dst(%dma_wait3A_508 : memref<128xi32, #tpu.memory_space<vmem>>)
        %dma_wait3A_511 = arith.constant 1 : i32
        %dma_wait3A_512 = arith.constant 0 : i32
        %dma_wait3A_513 = tpu.memref_slice %arg9[%dma_wait3A_511, %dma_wait3A_512] : memref<4x128xi32, #tpu.memory_space<vmem>> -> memref<1x128xi32, #tpu.memory_space<vmem>>
        %dma_wait3A_514 = tpu.memref_squeeze %dma_wait3A_513 : memref<1x128xi32, #tpu.memory_space<vmem>> -> memref<128xi32, #tpu.memory_space<vmem>>
        %dma_wait3A_515 = arith.constant 0 : i32
        %dma_wait3A_516 = tpu.memref_slice %arg4[%dma_wait3A_515] : memref<7680xi32, #tpu.memory_space<hbm>> -> memref<128xi32, #tpu.memory_space<hbm>>
        %dma_wait3A_517 = arith.constant 0 : i32
        %dma_wait3A_518 = tpu.memref_slice %arg9[%dma_wait3A_511, %dma_wait3A_517] : memref<4x128xi32, #tpu.memory_space<vmem>> -> memref<1x128xi32, #tpu.memory_space<vmem>>
        %dma_wait3A_519 = tpu.memref_squeeze %dma_wait3A_518 : memref<1x128xi32, #tpu.memory_space<vmem>> -> memref<128xi32, #tpu.memory_space<vmem>>
        %dma_wait3A_520 = arith.constant 0 : i32
        %dma_wait3A_521 = tpu.memref_slice %arg4[%dma_wait3A_520] : memref<7680xi32, #tpu.memory_space<hbm>> -> memref<128xi32, #tpu.memory_space<hbm>>
        tpu.wait_dma2 semaphore(%arg19 : memref<!tpu.dma_semaphore, #tpu.memory_space<semaphore_mem>>) src(%dma_wait3A_521 : memref<128xi32, #tpu.memory_space<hbm>>) dst(%dma_wait3A_519 : memref<128xi32, #tpu.memory_space<vmem>>)
        %dma_wait3A_522 = arith.constant 2 : i32
        %dma_wait3A_523 = arith.constant 0 : i32
        %dma_wait3A_524 = tpu.memref_slice %arg8[%dma_wait3A_522, %dma_wait3A_523] : memref<4x128xi32, #tpu.memory_space<vmem>> -> memref<1x128xi32, #tpu.memory_space<vmem>>
        %dma_wait3A_525 = tpu.memref_squeeze %dma_wait3A_524 : memref<1x128xi32, #tpu.memory_space<vmem>> -> memref<128xi32, #tpu.memory_space<vmem>>
        %dma_wait3A_526 = arith.constant 0 : i32
        %dma_wait3A_527 = tpu.memref_slice %arg4[%dma_wait3A_526] : memref<7680xi32, #tpu.memory_space<hbm>> -> memref<128xi32, #tpu.memory_space<hbm>>
        %dma_wait3A_528 = arith.constant 0 : i32
        %dma_wait3A_529 = tpu.memref_slice %arg8[%dma_wait3A_522, %dma_wait3A_528] : memref<4x128xi32, #tpu.memory_space<vmem>> -> memref<1x128xi32, #tpu.memory_space<vmem>>
        %dma_wait3A_530 = tpu.memref_squeeze %dma_wait3A_529 : memref<1x128xi32, #tpu.memory_space<vmem>> -> memref<128xi32, #tpu.memory_space<vmem>>
        %dma_wait3A_531 = arith.constant 0 : i32
        %dma_wait3A_532 = tpu.memref_slice %arg4[%dma_wait3A_531] : memref<7680xi32, #tpu.memory_space<hbm>> -> memref<128xi32, #tpu.memory_space<hbm>>
        tpu.wait_dma2 semaphore(%arg19 : memref<!tpu.dma_semaphore, #tpu.memory_space<semaphore_mem>>) src(%dma_wait3A_532 : memref<128xi32, #tpu.memory_space<hbm>>) dst(%dma_wait3A_530 : memref<128xi32, #tpu.memory_space<vmem>>)
        %dma_wait3A_533 = arith.constant 2 : i32
        %dma_wait3A_534 = arith.constant 0 : i32
        %dma_wait3A_535 = tpu.memref_slice %arg9[%dma_wait3A_533, %dma_wait3A_534] : memref<4x128xi32, #tpu.memory_space<vmem>> -> memref<1x128xi32, #tpu.memory_space<vmem>>
        %dma_wait3A_536 = tpu.memref_squeeze %dma_wait3A_535 : memref<1x128xi32, #tpu.memory_space<vmem>> -> memref<128xi32, #tpu.memory_space<vmem>>
        %dma_wait3A_537 = arith.constant 0 : i32
        %dma_wait3A_538 = tpu.memref_slice %arg4[%dma_wait3A_537] : memref<7680xi32, #tpu.memory_space<hbm>> -> memref<128xi32, #tpu.memory_space<hbm>>
        %dma_wait3A_539 = arith.constant 0 : i32
        %dma_wait3A_540 = tpu.memref_slice %arg9[%dma_wait3A_533, %dma_wait3A_539] : memref<4x128xi32, #tpu.memory_space<vmem>> -> memref<1x128xi32, #tpu.memory_space<vmem>>
        %dma_wait3A_541 = tpu.memref_squeeze %dma_wait3A_540 : memref<1x128xi32, #tpu.memory_space<vmem>> -> memref<128xi32, #tpu.memory_space<vmem>>
        %dma_wait3A_542 = arith.constant 0 : i32
        %dma_wait3A_543 = tpu.memref_slice %arg4[%dma_wait3A_542] : memref<7680xi32, #tpu.memory_space<hbm>> -> memref<128xi32, #tpu.memory_space<hbm>>
        tpu.wait_dma2 semaphore(%arg19 : memref<!tpu.dma_semaphore, #tpu.memory_space<semaphore_mem>>) src(%dma_wait3A_543 : memref<128xi32, #tpu.memory_space<hbm>>) dst(%dma_wait3A_541 : memref<128xi32, #tpu.memory_space<vmem>>)
        %dma_wait3A_544 = arith.constant 3 : i32
        %dma_wait3A_545 = arith.constant 0 : i32
        %dma_wait3A_546 = tpu.memref_slice %arg8[%dma_wait3A_544, %dma_wait3A_545] : memref<4x128xi32, #tpu.memory_space<vmem>> -> memref<1x128xi32, #tpu.memory_space<vmem>>
        %dma_wait3A_547 = tpu.memref_squeeze %dma_wait3A_546 : memref<1x128xi32, #tpu.memory_space<vmem>> -> memref<128xi32, #tpu.memory_space<vmem>>
        %dma_wait3A_548 = arith.constant 0 : i32
        %dma_wait3A_549 = tpu.memref_slice %arg4[%dma_wait3A_548] : memref<7680xi32, #tpu.memory_space<hbm>> -> memref<128xi32, #tpu.memory_space<hbm>>
        %dma_wait3A_550 = arith.constant 0 : i32
        %dma_wait3A_551 = tpu.memref_slice %arg8[%dma_wait3A_544, %dma_wait3A_550] : memref<4x128xi32, #tpu.memory_space<vmem>> -> memref<1x128xi32, #tpu.memory_space<vmem>>
        %dma_wait3A_552 = tpu.memref_squeeze %dma_wait3A_551 : memref<1x128xi32, #tpu.memory_space<vmem>> -> memref<128xi32, #tpu.memory_space<vmem>>
        %dma_wait3A_553 = arith.constant 0 : i32
        %dma_wait3A_554 = tpu.memref_slice %arg4[%dma_wait3A_553] : memref<7680xi32, #tpu.memory_space<hbm>> -> memref<128xi32, #tpu.memory_space<hbm>>
        tpu.wait_dma2 semaphore(%arg19 : memref<!tpu.dma_semaphore, #tpu.memory_space<semaphore_mem>>) src(%dma_wait3A_554 : memref<128xi32, #tpu.memory_space<hbm>>) dst(%dma_wait3A_552 : memref<128xi32, #tpu.memory_space<vmem>>)
        %dma_wait3A_555 = arith.constant 3 : i32
        %dma_wait3A_556 = arith.constant 0 : i32
        %dma_wait3A_557 = tpu.memref_slice %arg9[%dma_wait3A_555, %dma_wait3A_556] : memref<4x128xi32, #tpu.memory_space<vmem>> -> memref<1x128xi32, #tpu.memory_space<vmem>>
        %dma_wait3A_558 = tpu.memref_squeeze %dma_wait3A_557 : memref<1x128xi32, #tpu.memory_space<vmem>> -> memref<128xi32, #tpu.memory_space<vmem>>
        %dma_wait3A_559 = arith.constant 0 : i32
        %dma_wait3A_560 = tpu.memref_slice %arg4[%dma_wait3A_559] : memref<7680xi32, #tpu.memory_space<hbm>> -> memref<128xi32, #tpu.memory_space<hbm>>
        %dma_wait3A_561 = arith.constant 0 : i32
        %dma_wait3A_562 = tpu.memref_slice %arg9[%dma_wait3A_555, %dma_wait3A_561] : memref<4x128xi32, #tpu.memory_space<vmem>> -> memref<1x128xi32, #tpu.memory_space<vmem>>
        %dma_wait3A_563 = tpu.memref_squeeze %dma_wait3A_562 : memref<1x128xi32, #tpu.memory_space<vmem>> -> memref<128xi32, #tpu.memory_space<vmem>>
        %dma_wait3A_564 = arith.constant 0 : i32
        %dma_wait3A_565 = tpu.memref_slice %arg4[%dma_wait3A_564] : memref<7680xi32, #tpu.memory_space<hbm>> -> memref<128xi32, #tpu.memory_space<hbm>>
        tpu.wait_dma2 semaphore(%arg19 : memref<!tpu.dma_semaphore, #tpu.memory_space<semaphore_mem>>) src(%dma_wait3A_565 : memref<128xi32, #tpu.memory_space<hbm>>) dst(%dma_wait3A_563 : memref<128xi32, #tpu.memory_space<vmem>>)
        %dma_start3A_566 = arith.constant 0 : i32
        %dma_start3A_567 = arith.constant 0 : i32
        %dma_start3A_568 = arith.constant 0 : i32
        %dma_start3A_569 = tpu.memref_slice %arg12[%dma_start3A_567, %dma_start3A_568] : memref<128x128xf32, #tpu.memory_space<vmem>> -> memref<128x128xf32, #tpu.memory_space<vmem>>
        %dma_start3A_570 = arith.constant 0 : i32
        %dma_start3A_571 = tpu.memref_slice %arg8[%dma_start3A_566, %dma_start3A_570] : memref<4x128xi32, #tpu.memory_space<vmem>> -> memref<1x128xi32, #tpu.memory_space<vmem>>
        %dma_start3A_572 = tpu.memref_squeeze %dma_start3A_571 : memref<1x128xi32, #tpu.memory_space<vmem>> -> memref<128xi32, #tpu.memory_space<vmem>>
        %dma_start3A_573 = arith.constant 0 : i32
        %dma_start3A_574 = arith.constant 0 : i32
        %dma_start3A_575 = tpu.memref_slice %arg2[%dma_start3A_573, %dma_start3A_574] : memref<10000x128xf32, #tpu.memory_space<hbm>> -> memref<10000x128xf32, #tpu.memory_space<hbm>>
        tpu.enqueue_indirect_dma source(%dma_start3A_575 : memref<10000x128xf32, #tpu.memory_space<hbm>>) target(%dma_start3A_569 : memref<128x128xf32, #tpu.memory_space<vmem>>) offsets(%dma_start3A_572 : memref<128xi32, #tpu.memory_space<vmem>>) semaphore(%arg15 : memref<!tpu.dma_semaphore, #tpu.memory_space<semaphore_mem>>)
      } else {
      }
      %dma_start3A_471 = arith.constant 3 : i32
      %dma_start3A_472 = arith.constant 0 : i32
      %dma_start3A_473 = tpu.memref_slice %arg11[%dma_start3A_471, %dma_start3A_472] : memref<4x128xi32, #tpu.memory_space<vmem>> -> memref<1x128xi32, #tpu.memory_space<vmem>>
      %dma_start3A_474 = tpu.memref_squeeze %dma_start3A_473 : memref<1x128xi32, #tpu.memory_space<vmem>> -> memref<128xi32, #tpu.memory_space<vmem>>
      %dma_start3A_475 = arith.constant 0 : i32
      %dma_start3A_476 = arith.constant 0 : i32
      %dma_start3A_477 = tpu.memref_slice %arg14[%dma_start3A_475, %dma_start3A_476] : memref<10112x128xf32, #tpu.memory_space<vmem_shared>> -> memref<10112x128xf32, #tpu.memory_space<vmem_shared>>
      tpu.enqueue_indirect_dma source(%arg13 : memref<128x128xf32, #tpu.memory_space<vmem>>) target(%dma_start3A_477 : memref<10112x128xf32, #tpu.memory_space<vmem_shared>>) offsets(%dma_start3A_474 : memref<128xi32, #tpu.memory_space<vmem>>) semaphore(%arg18 : memref<!tpu.dma_semaphore, #tpu.memory_space<semaphore_mem>>) {add = true}
    }
    %scan3A_174 = arith.constant 10 : i32
    %dma_wait3A_175 = arith.constant 0 : i32
    %dma_wait3A_176 = arith.constant 0 : i32
    %dma_wait3A_177 = tpu.memref_slice %arg9[%dma_wait3A_175, %dma_wait3A_176] : memref<4x128xi32, #tpu.memory_space<vmem>> -> memref<1x128xi32, #tpu.memory_space<vmem>>
    %dma_wait3A_178 = tpu.memref_squeeze %dma_wait3A_177 : memref<1x128xi32, #tpu.memory_space<vmem>> -> memref<128xi32, #tpu.memory_space<vmem>>
    %dma_wait3A_179 = arith.constant 0 : i32
    %dma_wait3A_180 = arith.constant 0 : i32
    %dma_wait3A_181 = tpu.memref_slice %arg14[%dma_wait3A_179, %dma_wait3A_180] : memref<10112x128xf32, #tpu.memory_space<vmem_shared>> -> memref<10112x128xf32, #tpu.memory_space<vmem_shared>>
    tpu.wait_indirect_dma semaphore(%arg18 : memref<!tpu.dma_semaphore, #tpu.memory_space<semaphore_mem>>) src(%arg13 : memref<128x128xf32, #tpu.memory_space<vmem>>) dst(%dma_wait3A_181 : memref<10112x128xf32, #tpu.memory_space<vmem_shared>>)
    %barrier3A_182 = arith.constant 0 : index
    tpu.barrier barrier_id(%barrier3A_182)
    %mul3A_183 = arith.constant 632 : i32
    %mul3A_184 = arith.muli %arg1, %mul3A_183 : i32
    %mul3A_185 = arith.constant 640 : i32
    %mul3A_186 = arith.muli %arg1, %mul3A_185 : i32
    %eq3A = arith.constant 0 : i32
    %eq3A_187 = arith.cmpi eq, %arg0, %eq3A : i32
    %convert_element_type3A_188 = arith.extui %eq3A_187 : i1 to i32
    %cond3A_189 = arith.constant 0 : i32
    %cond3A_190 = arith.cmpi ne, %convert_element_type3A_188, %cond3A_189 : i32
    scf.if %cond3A_190 {
      "tpu.region"() ({
        %run_scoped3A = tpu.sem_alloc : memref<!tpu.dma_semaphore, #tpu.memory_space<semaphore_mem>>
        %dma_start3A_196 = arith.constant 0 : i32
        %dma_start3A_197 = tpu.memref_slice %arg6[%mul3A_184, %dma_start3A_196] : memref<10112x128xf32, #tpu.memory_space<hbm>> -> memref<632x128xf32, #tpu.memory_space<hbm>>
        %dma_start3A_198 = arith.constant 0 : i32
        %dma_start3A_199 = tpu.memref_slice %arg14[%mul3A_184, %dma_start3A_198] : memref<10112x128xf32, #tpu.memory_space<vmem_shared>> -> memref<632x128xf32, #tpu.memory_space<vmem_shared>>
        tpu.enqueue_dma source(%dma_start3A_199 : memref<632x128xf32, #tpu.memory_space<vmem_shared>>) target(%dma_start3A_197 : memref<632x128xf32, #tpu.memory_space<hbm>>) target_semaphore(%run_scoped3A : memref<!tpu.dma_semaphore, #tpu.memory_space<semaphore_mem>>)
        %dma_wait3A_200 = arith.constant 0 : i32
        %dma_wait3A_201 = tpu.memref_slice %arg6[%mul3A_184, %dma_wait3A_200] : memref<10112x128xf32, #tpu.memory_space<hbm>> -> memref<632x128xf32, #tpu.memory_space<hbm>>
        %dma_wait3A_202 = arith.constant 0 : i32
        %dma_wait3A_203 = tpu.memref_slice %arg14[%mul3A_184, %dma_wait3A_202] : memref<10112x128xf32, #tpu.memory_space<vmem_shared>> -> memref<632x128xf32, #tpu.memory_space<vmem_shared>>
        tpu.wait_dma2 semaphore(%run_scoped3A : memref<!tpu.dma_semaphore, #tpu.memory_space<semaphore_mem>>) src(%dma_wait3A_203 : memref<632x128xf32, #tpu.memory_space<vmem_shared>>) dst(%dma_wait3A_201 : memref<632x128xf32, #tpu.memory_space<hbm>>)
        tpu.yield
      }) : () -> ()
    } else {
    }
    %eq3A_191 = arith.constant 1 : i32
    %eq3A_192 = arith.cmpi eq, %arg0, %eq3A_191 : i32
    %convert_element_type3A_193 = arith.extui %eq3A_192 : i1 to i32
    %cond3A_194 = arith.constant 0 : i32
    %cond3A_195 = arith.cmpi ne, %convert_element_type3A_193, %cond3A_194 : i32
    scf.if %cond3A_195 {
      "tpu.region"() ({
        %run_scoped3A = tpu.sem_alloc : memref<!tpu.dma_semaphore, #tpu.memory_space<semaphore_mem>>
        %dma_start3A_196 = arith.constant 0 : i32
        %dma_start3A_197 = tpu.memref_slice %arg7[%mul3A_184, %dma_start3A_196] : memref<10112x128xf32, #tpu.memory_space<hbm>> -> memref<632x128xf32, #tpu.memory_space<hbm>>
        %dma_start3A_198 = arith.constant 0 : i32
        %dma_start3A_199 = tpu.memref_slice %arg14[%mul3A_184, %dma_start3A_198] : memref<10112x128xf32, #tpu.memory_space<vmem_shared>> -> memref<632x128xf32, #tpu.memory_space<vmem_shared>>
        tpu.enqueue_dma source(%dma_start3A_199 : memref<632x128xf32, #tpu.memory_space<vmem_shared>>) target(%dma_start3A_197 : memref<632x128xf32, #tpu.memory_space<hbm>>) target_semaphore(%run_scoped3A : memref<!tpu.dma_semaphore, #tpu.memory_space<semaphore_mem>>)
        %dma_wait3A_200 = arith.constant 0 : i32
        %dma_wait3A_201 = tpu.memref_slice %arg7[%mul3A_184, %dma_wait3A_200] : memref<10112x128xf32, #tpu.memory_space<hbm>> -> memref<632x128xf32, #tpu.memory_space<hbm>>
        %dma_wait3A_202 = arith.constant 0 : i32
        %dma_wait3A_203 = tpu.memref_slice %arg14[%mul3A_184, %dma_wait3A_202] : memref<10112x128xf32, #tpu.memory_space<vmem_shared>> -> memref<632x128xf32, #tpu.memory_space<vmem_shared>>
        tpu.wait_dma2 semaphore(%run_scoped3A : memref<!tpu.dma_semaphore, #tpu.memory_space<semaphore_mem>>) src(%dma_wait3A_203 : memref<632x128xf32, #tpu.memory_space<vmem_shared>>) dst(%dma_wait3A_201 : memref<632x128xf32, #tpu.memory_space<hbm>>)
        tpu.yield
      }) : () -> ()
    } else {
    }
    return
  }
}

#map = affine_map<(d0, d1) -> (0, 0)>
#map1 = affine_map<(d0, d1) -> (0)>
module attributes {stable_mosaic.version = 14 : i64} {
  func.func @body(%arg0: i32, %arg1: i32, %arg2: memref<10000x128xf32, #tpu.memory_space<hbm>>, %arg3: memref<2x320000xi32, #tpu.memory_space<hbm>>, %arg4: memref<7680xi32, #tpu.memory_space<hbm>>, %arg5: memref<7680xi32, #tpu.memory_space<hbm>>, %arg6: memref<10112x128xf32, #tpu.memory_space<hbm>>, %arg7: memref<10112x128xf32, #tpu.memory_space<hbm>>, %arg8: memref<10240xf32, #tpu.memory_space<hbm>>, %arg9: memref<10240xf32, #tpu.memory_space<hbm>>, %arg10: memref<4x128xi32, #tpu.memory_space<vmem>>, %arg11: memref<4x128xi32, #tpu.memory_space<vmem>>, %arg12: memref<4x128xi32, #tpu.memory_space<vmem>>, %arg13: memref<4x128xi32, #tpu.memory_space<vmem>>, %arg14: memref<128x128xf32, #tpu.memory_space<vmem>>, %arg15: memref<128x128xf32, #tpu.memory_space<vmem>>, %arg16: memref<10112x128xf32, #tpu.memory_space<vmem_shared>>, %arg17: memref<!tpu.dma_semaphore, #tpu.memory_space<semaphore_mem>>, %arg18: memref<!tpu.dma_semaphore, #tpu.memory_space<semaphore_mem>>, %arg19: memref<!tpu.dma_semaphore, #tpu.memory_space<semaphore_mem>>, %arg20: memref<!tpu.dma_semaphore, #tpu.memory_space<semaphore_mem>>, %arg21: memref<!tpu.dma_semaphore, #tpu.memory_space<semaphore_mem>>, %arg22: memref<!tpu.dma_semaphore, #tpu.memory_space<semaphore_mem>>, %arg23: memref<128xf32, #tpu.memory_space<vmem>>, %arg24: memref<10240xf32, #tpu.memory_space<vmem_shared>>) attributes {dimension_semantics = [#tpu.dimension_semantics<core_parallel>, #tpu.dimension_semantics<subcore_parallel>], iteration_bounds = array<i64: 2, 16>, scalar_prefetch = 0 : i64, scratch_operands = 15 : i64, tpu.core_type = #tpu.core_type<sc_vector_subcore>, window_params = [{transform_indices = #map}, {transform_indices = #map}, {transform_indices = #map1}, {transform_indices = #map1}, {transform_indices = #map}, {transform_indices = #map}, {transform_indices = #map1}, {transform_indices = #map1}]} {
    %mul3A = arith.constant 16 : i32
    %mul3A_0 = arith.muli %arg0, %mul3A : i32
    %add3A = arith.addi %mul3A_0, %arg1 : i32
    %broadcast_in_dim3A = arith.constant 0.000000e+00 : f32
    %broadcast_in_dim3A_1 = vector.broadcast %broadcast_in_dim3A : f32 to vector<16xf32>
    %scan3A = arith.constant 0 : i32
    %scan3A_2 = arith.constant 0 : i32
    %scan3A_3 = arith.constant 128 : i32
    %scan3A_4 = arith.addi %scan3A_2, %scan3A_3 : i32
    %scan3A_5 = arith.constant 1 : i32
    scf.for %scan3A_238 = %scan3A_2 to %scan3A_4 step %scan3A_5  : i32 {
      %swap3A = arith.index_cast %scan3A_238 : i32 to index
      %swap3A_239 = arith.constant 0 : index
      %swap3A_240 = tpu.vector_load %arg14[%swap3A, %swap3A_239] {strides = array<i32>} : memref<128x128xf32, #tpu.memory_space<vmem>>, vector<1x16xf32>,
      %swap3A_241 = vector.shape_cast %swap3A_240 : vector<1x16xf32> to vector<16xf32>
      %swap3A_242 = vector.shape_cast %broadcast_in_dim3A_1 : vector<16xf32> to vector<1x16xf32>
      tpu.vector_store %arg14[%swap3A, %swap3A_239], %swap3A_242 {strides = array<i32>} : memref<128x128xf32, #tpu.memory_space<vmem>>, vector<1x16xf32>,
      %swap3A_243 = arith.index_cast %scan3A_238 : i32 to index
      %swap3A_244 = arith.constant 16 : index
      %swap3A_245 = tpu.vector_load %arg14[%swap3A_243, %swap3A_244] {strides = array<i32>} : memref<128x128xf32, #tpu.memory_space<vmem>>, vector<1x16xf32>,
      %swap3A_246 = vector.shape_cast %swap3A_245 : vector<1x16xf32> to vector<16xf32>
      %swap3A_247 = vector.shape_cast %broadcast_in_dim3A_1 : vector<16xf32> to vector<1x16xf32>
      tpu.vector_store %arg14[%swap3A_243, %swap3A_244], %swap3A_247 {strides = array<i32>} : memref<128x128xf32, #tpu.memory_space<vmem>>, vector<1x16xf32>,
      %swap3A_248 = arith.index_cast %scan3A_238 : i32 to index
      %swap3A_249 = arith.constant 32 : index
      %swap3A_250 = tpu.vector_load %arg14[%swap3A_248, %swap3A_249] {strides = array<i32>} : memref<128x128xf32, #tpu.memory_space<vmem>>, vector<1x16xf32>,
      %swap3A_251 = vector.shape_cast %swap3A_250 : vector<1x16xf32> to vector<16xf32>
      %swap3A_252 = vector.shape_cast %broadcast_in_dim3A_1 : vector<16xf32> to vector<1x16xf32>
      tpu.vector_store %arg14[%swap3A_248, %swap3A_249], %swap3A_252 {strides = array<i32>} : memref<128x128xf32, #tpu.memory_space<vmem>>, vector<1x16xf32>,
      %swap3A_253 = arith.index_cast %scan3A_238 : i32 to index
      %swap3A_254 = arith.constant 48 : index
      %swap3A_255 = tpu.vector_load %arg14[%swap3A_253, %swap3A_254] {strides = array<i32>} : memref<128x128xf32, #tpu.memory_space<vmem>>, vector<1x16xf32>,
      %swap3A_256 = vector.shape_cast %swap3A_255 : vector<1x16xf32> to vector<16xf32>
      %swap3A_257 = vector.shape_cast %broadcast_in_dim3A_1 : vector<16xf32> to vector<1x16xf32>
      tpu.vector_store %arg14[%swap3A_253, %swap3A_254], %swap3A_257 {strides = array<i32>} : memref<128x128xf32, #tpu.memory_space<vmem>>, vector<1x16xf32>,
      %swap3A_258 = arith.index_cast %scan3A_238 : i32 to index
      %swap3A_259 = arith.constant 64 : index
      %swap3A_260 = tpu.vector_load %arg14[%swap3A_258, %swap3A_259] {strides = array<i32>} : memref<128x128xf32, #tpu.memory_space<vmem>>, vector<1x16xf32>,
      %swap3A_261 = vector.shape_cast %swap3A_260 : vector<1x16xf32> to vector<16xf32>
      %swap3A_262 = vector.shape_cast %broadcast_in_dim3A_1 : vector<16xf32> to vector<1x16xf32>
      tpu.vector_store %arg14[%swap3A_258, %swap3A_259], %swap3A_262 {strides = array<i32>} : memref<128x128xf32, #tpu.memory_space<vmem>>, vector<1x16xf32>,
      %swap3A_263 = arith.index_cast %scan3A_238 : i32 to index
      %swap3A_264 = arith.constant 80 : index
      %swap3A_265 = tpu.vector_load %arg14[%swap3A_263, %swap3A_264] {strides = array<i32>} : memref<128x128xf32, #tpu.memory_space<vmem>>, vector<1x16xf32>,
      %swap3A_266 = vector.shape_cast %swap3A_265 : vector<1x16xf32> to vector<16xf32>
      %swap3A_267 = vector.shape_cast %broadcast_in_dim3A_1 : vector<16xf32> to vector<1x16xf32>
      tpu.vector_store %arg14[%swap3A_263, %swap3A_264], %swap3A_267 {strides = array<i32>} : memref<128x128xf32, #tpu.memory_space<vmem>>, vector<1x16xf32>,
      %swap3A_268 = arith.index_cast %scan3A_238 : i32 to index
      %swap3A_269 = arith.constant 96 : index
      %swap3A_270 = tpu.vector_load %arg14[%swap3A_268, %swap3A_269] {strides = array<i32>} : memref<128x128xf32, #tpu.memory_space<vmem>>, vector<1x16xf32>,
      %swap3A_271 = vector.shape_cast %swap3A_270 : vector<1x16xf32> to vector<16xf32>
      %swap3A_272 = vector.shape_cast %broadcast_in_dim3A_1 : vector<16xf32> to vector<1x16xf32>
      tpu.vector_store %arg14[%swap3A_268, %swap3A_269], %swap3A_272 {strides = array<i32>} : memref<128x128xf32, #tpu.memory_space<vmem>>, vector<1x16xf32>,
      %swap3A_273 = arith.index_cast %scan3A_238 : i32 to index
      %swap3A_274 = arith.constant 112 : index
      %swap3A_275 = tpu.vector_load %arg14[%swap3A_273, %swap3A_274] {strides = array<i32>} : memref<128x128xf32, #tpu.memory_space<vmem>>, vector<1x16xf32>,
      %swap3A_276 = vector.shape_cast %swap3A_275 : vector<1x16xf32> to vector<16xf32>
      %swap3A_277 = vector.shape_cast %broadcast_in_dim3A_1 : vector<16xf32> to vector<1x16xf32>
      tpu.vector_store %arg14[%swap3A_273, %swap3A_274], %swap3A_277 {strides = array<i32>} : memref<128x128xf32, #tpu.memory_space<vmem>>, vector<1x16xf32>,
    }
    %scan3A_6 = arith.constant 128 : i32
    %mul3A_7 = arith.constant 632 : i32
    %mul3A_8 = arith.muli %arg1, %mul3A_7 : i32
    %add3A_9 = arith.constant 0 : i32
    %add3A_10 = arith.addi %mul3A_8, %add3A_9 : i32
    "tpu.region"() ({
      %run_scoped3A = tpu.sem_alloc : memref<!tpu.dma_semaphore, #tpu.memory_space<semaphore_mem>>
      %dma_start3A_238 = arith.constant 0 : i32
      %dma_start3A_239 = tpu.memref_slice %arg16[%add3A_10, %dma_start3A_238] : memref<10112x128xf32, #tpu.memory_space<vmem_shared>> -> memref<128x128xf32, #tpu.memory_space<vmem_shared>>
      %dma_start3A_240 = arith.constant 0 : i32
      %dma_start3A_241 = tpu.memref_slice %arg16[%add3A_10, %dma_start3A_240] : memref<10112x128xf32, #tpu.memory_space<vmem_shared>> -> memref<128x128xf32, #tpu.memory_space<vmem_shared>>
      tpu.enqueue_dma source(%arg14 : memref<128x128xf32, #tpu.memory_space<vmem>>) target(%dma_start3A_241 : memref<128x128xf32, #tpu.memory_space<vmem_shared>>) target_semaphore(%run_scoped3A : memref<!tpu.dma_semaphore, #tpu.memory_space<semaphore_mem>>)
      %dma_wait3A_242 = arith.constant 0 : i32
      %dma_wait3A_243 = tpu.memref_slice %arg16[%add3A_10, %dma_wait3A_242] : memref<10112x128xf32, #tpu.memory_space<vmem_shared>> -> memref<128x128xf32, #tpu.memory_space<vmem_shared>>
      %dma_wait3A_244 = arith.constant 0 : i32
      %dma_wait3A_245 = tpu.memref_slice %arg16[%add3A_10, %dma_wait3A_244] : memref<10112x128xf32, #tpu.memory_space<vmem_shared>> -> memref<128x128xf32, #tpu.memory_space<vmem_shared>>
      tpu.wait_dma2 semaphore(%run_scoped3A : memref<!tpu.dma_semaphore, #tpu.memory_space<semaphore_mem>>) src(%arg14 : memref<128x128xf32, #tpu.memory_space<vmem>>) dst(%dma_wait3A_245 : memref<128x128xf32, #tpu.memory_space<vmem_shared>>)
      tpu.yield
    }) : () -> ()
    %add3A_11 = arith.constant 128 : i32
    %add3A_12 = arith.addi %mul3A_8, %add3A_11 : i32
    "tpu.region"() ({
      %run_scoped3A = tpu.sem_alloc : memref<!tpu.dma_semaphore, #tpu.memory_space<semaphore_mem>>
      %dma_start3A_238 = arith.constant 0 : i32
      %dma_start3A_239 = tpu.memref_slice %arg16[%add3A_12, %dma_start3A_238] : memref<10112x128xf32, #tpu.memory_space<vmem_shared>> -> memref<128x128xf32, #tpu.memory_space<vmem_shared>>
      %dma_start3A_240 = arith.constant 0 : i32
      %dma_start3A_241 = tpu.memref_slice %arg16[%add3A_12, %dma_start3A_240] : memref<10112x128xf32, #tpu.memory_space<vmem_shared>> -> memref<128x128xf32, #tpu.memory_space<vmem_shared>>
      tpu.enqueue_dma source(%arg14 : memref<128x128xf32, #tpu.memory_space<vmem>>) target(%dma_start3A_241 : memref<128x128xf32, #tpu.memory_space<vmem_shared>>) target_semaphore(%run_scoped3A : memref<!tpu.dma_semaphore, #tpu.memory_space<semaphore_mem>>)
      %dma_wait3A_242 = arith.constant 0 : i32
      %dma_wait3A_243 = tpu.memref_slice %arg16[%add3A_12, %dma_wait3A_242] : memref<10112x128xf32, #tpu.memory_space<vmem_shared>> -> memref<128x128xf32, #tpu.memory_space<vmem_shared>>
      %dma_wait3A_244 = arith.constant 0 : i32
      %dma_wait3A_245 = tpu.memref_slice %arg16[%add3A_12, %dma_wait3A_244] : memref<10112x128xf32, #tpu.memory_space<vmem_shared>> -> memref<128x128xf32, #tpu.memory_space<vmem_shared>>
      tpu.wait_dma2 semaphore(%run_scoped3A : memref<!tpu.dma_semaphore, #tpu.memory_space<semaphore_mem>>) src(%arg14 : memref<128x128xf32, #tpu.memory_space<vmem>>) dst(%dma_wait3A_245 : memref<128x128xf32, #tpu.memory_space<vmem_shared>>)
      tpu.yield
    }) : () -> ()
    %add3A_13 = arith.constant 256 : i32
    %add3A_14 = arith.addi %mul3A_8, %add3A_13 : i32
    "tpu.region"() ({
      %run_scoped3A = tpu.sem_alloc : memref<!tpu.dma_semaphore, #tpu.memory_space<semaphore_mem>>
      %dma_start3A_238 = arith.constant 0 : i32
      %dma_start3A_239 = tpu.memref_slice %arg16[%add3A_14, %dma_start3A_238] : memref<10112x128xf32, #tpu.memory_space<vmem_shared>> -> memref<128x128xf32, #tpu.memory_space<vmem_shared>>
      %dma_start3A_240 = arith.constant 0 : i32
      %dma_start3A_241 = tpu.memref_slice %arg16[%add3A_14, %dma_start3A_240] : memref<10112x128xf32, #tpu.memory_space<vmem_shared>> -> memref<128x128xf32, #tpu.memory_space<vmem_shared>>
      tpu.enqueue_dma source(%arg14 : memref<128x128xf32, #tpu.memory_space<vmem>>) target(%dma_start3A_241 : memref<128x128xf32, #tpu.memory_space<vmem_shared>>) target_semaphore(%run_scoped3A : memref<!tpu.dma_semaphore, #tpu.memory_space<semaphore_mem>>)
      %dma_wait3A_242 = arith.constant 0 : i32
      %dma_wait3A_243 = tpu.memref_slice %arg16[%add3A_14, %dma_wait3A_242] : memref<10112x128xf32, #tpu.memory_space<vmem_shared>> -> memref<128x128xf32, #tpu.memory_space<vmem_shared>>
      %dma_wait3A_244 = arith.constant 0 : i32
      %dma_wait3A_245 = tpu.memref_slice %arg16[%add3A_14, %dma_wait3A_244] : memref<10112x128xf32, #tpu.memory_space<vmem_shared>> -> memref<128x128xf32, #tpu.memory_space<vmem_shared>>
      tpu.wait_dma2 semaphore(%run_scoped3A : memref<!tpu.dma_semaphore, #tpu.memory_space<semaphore_mem>>) src(%arg14 : memref<128x128xf32, #tpu.memory_space<vmem>>) dst(%dma_wait3A_245 : memref<128x128xf32, #tpu.memory_space<vmem_shared>>)
      tpu.yield
    }) : () -> ()
    %add3A_15 = arith.constant 384 : i32
    %add3A_16 = arith.addi %mul3A_8, %add3A_15 : i32
    "tpu.region"() ({
      %run_scoped3A = tpu.sem_alloc : memref<!tpu.dma_semaphore, #tpu.memory_space<semaphore_mem>>
      %dma_start3A_238 = arith.constant 0 : i32
      %dma_start3A_239 = tpu.memref_slice %arg16[%add3A_16, %dma_start3A_238] : memref<10112x128xf32, #tpu.memory_space<vmem_shared>> -> memref<128x128xf32, #tpu.memory_space<vmem_shared>>
      %dma_start3A_240 = arith.constant 0 : i32
      %dma_start3A_241 = tpu.memref_slice %arg16[%add3A_16, %dma_start3A_240] : memref<10112x128xf32, #tpu.memory_space<vmem_shared>> -> memref<128x128xf32, #tpu.memory_space<vmem_shared>>
      tpu.enqueue_dma source(%arg14 : memref<128x128xf32, #tpu.memory_space<vmem>>) target(%dma_start3A_241 : memref<128x128xf32, #tpu.memory_space<vmem_shared>>) target_semaphore(%run_scoped3A : memref<!tpu.dma_semaphore, #tpu.memory_space<semaphore_mem>>)
      %dma_wait3A_242 = arith.constant 0 : i32
      %dma_wait3A_243 = tpu.memref_slice %arg16[%add3A_16, %dma_wait3A_242] : memref<10112x128xf32, #tpu.memory_space<vmem_shared>> -> memref<128x128xf32, #tpu.memory_space<vmem_shared>>
      %dma_wait3A_244 = arith.constant 0 : i32
      %dma_wait3A_245 = tpu.memref_slice %arg16[%add3A_16, %dma_wait3A_244] : memref<10112x128xf32, #tpu.memory_space<vmem_shared>> -> memref<128x128xf32, #tpu.memory_space<vmem_shared>>
      tpu.wait_dma2 semaphore(%run_scoped3A : memref<!tpu.dma_semaphore, #tpu.memory_space<semaphore_mem>>) src(%arg14 : memref<128x128xf32, #tpu.memory_space<vmem>>) dst(%dma_wait3A_245 : memref<128x128xf32, #tpu.memory_space<vmem_shared>>)
      tpu.yield
    }) : () -> ()
    %add3A_17 = arith.constant 512 : i32
    %add3A_18 = arith.addi %mul3A_8, %add3A_17 : i32
    "tpu.region"() ({
      %run_scoped3A = tpu.sem_alloc : memref<!tpu.dma_semaphore, #tpu.memory_space<semaphore_mem>>
      %dma_start3A_238 = arith.constant 0 : i32
      %dma_start3A_239 = arith.constant 0 : i32
      %dma_start3A_240 = tpu.memref_slice %arg14[%dma_start3A_238, %dma_start3A_239] : memref<128x128xf32, #tpu.memory_space<vmem>> -> memref<120x128xf32, #tpu.memory_space<vmem>>
      %dma_start3A_241 = arith.constant 0 : i32
      %dma_start3A_242 = tpu.memref_slice %arg16[%add3A_18, %dma_start3A_241] : memref<10112x128xf32, #tpu.memory_space<vmem_shared>> -> memref<120x128xf32, #tpu.memory_space<vmem_shared>>
      %dma_start3A_243 = arith.constant 0 : i32
      %dma_start3A_244 = tpu.memref_slice %arg16[%add3A_18, %dma_start3A_243] : memref<10112x128xf32, #tpu.memory_space<vmem_shared>> -> memref<120x128xf32, #tpu.memory_space<vmem_shared>>
      %dma_start3A_245 = arith.constant 0 : i32
      %dma_start3A_246 = arith.constant 0 : i32
      %dma_start3A_247 = tpu.memref_slice %arg14[%dma_start3A_245, %dma_start3A_246] : memref<128x128xf32, #tpu.memory_space<vmem>> -> memref<120x128xf32, #tpu.memory_space<vmem>>
      tpu.enqueue_dma source(%dma_start3A_247 : memref<120x128xf32, #tpu.memory_space<vmem>>) target(%dma_start3A_244 : memref<120x128xf32, #tpu.memory_space<vmem_shared>>) target_semaphore(%run_scoped3A : memref<!tpu.dma_semaphore, #tpu.memory_space<semaphore_mem>>)
      %dma_wait3A_248 = arith.constant 0 : i32
      %dma_wait3A_249 = arith.constant 0 : i32
      %dma_wait3A_250 = tpu.memref_slice %arg14[%dma_wait3A_248, %dma_wait3A_249] : memref<128x128xf32, #tpu.memory_space<vmem>> -> memref<120x128xf32, #tpu.memory_space<vmem>>
      %dma_wait3A_251 = arith.constant 0 : i32
      %dma_wait3A_252 = tpu.memref_slice %arg16[%add3A_18, %dma_wait3A_251] : memref<10112x128xf32, #tpu.memory_space<vmem_shared>> -> memref<120x128xf32, #tpu.memory_space<vmem_shared>>
      %dma_wait3A_253 = arith.constant 0 : i32
      %dma_wait3A_254 = tpu.memref_slice %arg16[%add3A_18, %dma_wait3A_253] : memref<10112x128xf32, #tpu.memory_space<vmem_shared>> -> memref<120x128xf32, #tpu.memory_space<vmem_shared>>
      %dma_wait3A_255 = arith.constant 0 : i32
      %dma_wait3A_256 = arith.constant 0 : i32
      %dma_wait3A_257 = tpu.memref_slice %arg14[%dma_wait3A_255, %dma_wait3A_256] : memref<128x128xf32, #tpu.memory_space<vmem>> -> memref<120x128xf32, #tpu.memory_space<vmem>>
      tpu.wait_dma2 semaphore(%run_scoped3A : memref<!tpu.dma_semaphore, #tpu.memory_space<semaphore_mem>>) src(%dma_wait3A_257 : memref<120x128xf32, #tpu.memory_space<vmem>>) dst(%dma_wait3A_254 : memref<120x128xf32, #tpu.memory_space<vmem_shared>>)
      tpu.yield
    }) : () -> ()
    %broadcast_in_dim3A_19 = arith.constant 0.000000e+00 : f32
    %broadcast_in_dim3A_20 = vector.broadcast %broadcast_in_dim3A_19 : f32 to vector<16xf32>
    %scan3A_21 = arith.constant 0 : i32
    %scan3A_22 = arith.constant 0 : i32
    %scan3A_23 = arith.constant 8 : i32
    %scan3A_24 = arith.addi %scan3A_22, %scan3A_23 : i32
    %scan3A_25 = arith.constant 1 : i32
    scf.for %scan3A_238 = %scan3A_22 to %scan3A_24 step %scan3A_25  : i32 {
      %mul3A_239 = arith.constant 16 : i32
      %mul3A_240 = arith.muli %scan3A_238, %mul3A_239 : i32
      %swap3A = arith.index_cast %mul3A_240 : i32 to index
      %swap3A_241 = tpu.vector_load %arg23[%swap3A] {strides = array<i32>} : memref<128xf32, #tpu.memory_space<vmem>>, vector<16xf32>,
      %swap3A_242 = vector.shape_cast %swap3A_241 : vector<16xf32> to vector<16xf32>
      %swap3A_243 = vector.shape_cast %broadcast_in_dim3A_20 : vector<16xf32> to vector<16xf32>
      tpu.vector_store %arg23[%swap3A], %swap3A_243 {strides = array<i32>} : memref<128xf32, #tpu.memory_space<vmem>>, vector<16xf32>,
    }
    %scan3A_26 = arith.constant 8 : i32
    %mul3A_27 = arith.constant 640 : i32
    %mul3A_28 = arith.muli %arg1, %mul3A_27 : i32
    %add3A_29 = arith.constant 0 : i32
    %add3A_30 = arith.addi %mul3A_28, %add3A_29 : i32
    "tpu.region"() ({
      %run_scoped3A = tpu.sem_alloc : memref<!tpu.dma_semaphore, #tpu.memory_space<semaphore_mem>>
      %dma_start3A_238 = tpu.memref_slice %arg24[%add3A_30] : memref<10240xf32, #tpu.memory_space<vmem_shared>> -> memref<128xf32, #tpu.memory_space<vmem_shared>>
      %dma_start3A_239 = tpu.memref_slice %arg24[%add3A_30] : memref<10240xf32, #tpu.memory_space<vmem_shared>> -> memref<128xf32, #tpu.memory_space<vmem_shared>>
      tpu.enqueue_dma source(%arg23 : memref<128xf32, #tpu.memory_space<vmem>>) target(%dma_start3A_239 : memref<128xf32, #tpu.memory_space<vmem_shared>>) target_semaphore(%run_scoped3A : memref<!tpu.dma_semaphore, #tpu.memory_space<semaphore_mem>>)
      %dma_wait3A_240 = tpu.memref_slice %arg24[%add3A_30] : memref<10240xf32, #tpu.memory_space<vmem_shared>> -> memref<128xf32, #tpu.memory_space<vmem_shared>>
      %dma_wait3A_241 = tpu.memref_slice %arg24[%add3A_30] : memref<10240xf32, #tpu.memory_space<vmem_shared>> -> memref<128xf32, #tpu.memory_space<vmem_shared>>
      tpu.wait_dma2 semaphore(%run_scoped3A : memref<!tpu.dma_semaphore, #tpu.memory_space<semaphore_mem>>) src(%arg23 : memref<128xf32, #tpu.memory_space<vmem>>) dst(%dma_wait3A_241 : memref<128xf32, #tpu.memory_space<vmem_shared>>)
      tpu.yield
    }) : () -> ()
    %mul3A_31 = arith.constant 640 : i32
    %mul3A_32 = arith.muli %arg1, %mul3A_31 : i32
    %add3A_33 = arith.constant 128 : i32
    %add3A_34 = arith.addi %mul3A_32, %add3A_33 : i32
    "tpu.region"() ({
      %run_scoped3A = tpu.sem_alloc : memref<!tpu.dma_semaphore, #tpu.memory_space<semaphore_mem>>
      %dma_start3A_238 = tpu.memref_slice %arg24[%add3A_34] : memref<10240xf32, #tpu.memory_space<vmem_shared>> -> memref<128xf32, #tpu.memory_space<vmem_shared>>
      %dma_start3A_239 = tpu.memref_slice %arg24[%add3A_34] : memref<10240xf32, #tpu.memory_space<vmem_shared>> -> memref<128xf32, #tpu.memory_space<vmem_shared>>
      tpu.enqueue_dma source(%arg23 : memref<128xf32, #tpu.memory_space<vmem>>) target(%dma_start3A_239 : memref<128xf32, #tpu.memory_space<vmem_shared>>) target_semaphore(%run_scoped3A : memref<!tpu.dma_semaphore, #tpu.memory_space<semaphore_mem>>)
      %dma_wait3A_240 = tpu.memref_slice %arg24[%add3A_34] : memref<10240xf32, #tpu.memory_space<vmem_shared>> -> memref<128xf32, #tpu.memory_space<vmem_shared>>
      %dma_wait3A_241 = tpu.memref_slice %arg24[%add3A_34] : memref<10240xf32, #tpu.memory_space<vmem_shared>> -> memref<128xf32, #tpu.memory_space<vmem_shared>>
      tpu.wait_dma2 semaphore(%run_scoped3A : memref<!tpu.dma_semaphore, #tpu.memory_space<semaphore_mem>>) src(%arg23 : memref<128xf32, #tpu.memory_space<vmem>>) dst(%dma_wait3A_241 : memref<128xf32, #tpu.memory_space<vmem_shared>>)
      tpu.yield
    }) : () -> ()
    %mul3A_35 = arith.constant 640 : i32
    %mul3A_36 = arith.muli %arg1, %mul3A_35 : i32
    %add3A_37 = arith.constant 256 : i32
    %add3A_38 = arith.addi %mul3A_36, %add3A_37 : i32
    "tpu.region"() ({
      %run_scoped3A = tpu.sem_alloc : memref<!tpu.dma_semaphore, #tpu.memory_space<semaphore_mem>>
      %dma_start3A_238 = tpu.memref_slice %arg24[%add3A_38] : memref<10240xf32, #tpu.memory_space<vmem_shared>> -> memref<128xf32, #tpu.memory_space<vmem_shared>>
      %dma_start3A_239 = tpu.memref_slice %arg24[%add3A_38] : memref<10240xf32, #tpu.memory_space<vmem_shared>> -> memref<128xf32, #tpu.memory_space<vmem_shared>>
      tpu.enqueue_dma source(%arg23 : memref<128xf32, #tpu.memory_space<vmem>>) target(%dma_start3A_239 : memref<128xf32, #tpu.memory_space<vmem_shared>>) target_semaphore(%run_scoped3A : memref<!tpu.dma_semaphore, #tpu.memory_space<semaphore_mem>>)
      %dma_wait3A_240 = tpu.memref_slice %arg24[%add3A_38] : memref<10240xf32, #tpu.memory_space<vmem_shared>> -> memref<128xf32, #tpu.memory_space<vmem_shared>>
      %dma_wait3A_241 = tpu.memref_slice %arg24[%add3A_38] : memref<10240xf32, #tpu.memory_space<vmem_shared>> -> memref<128xf32, #tpu.memory_space<vmem_shared>>
      tpu.wait_dma2 semaphore(%run_scoped3A : memref<!tpu.dma_semaphore, #tpu.memory_space<semaphore_mem>>) src(%arg23 : memref<128xf32, #tpu.memory_space<vmem>>) dst(%dma_wait3A_241 : memref<128xf32, #tpu.memory_space<vmem_shared>>)
      tpu.yield
    }) : () -> ()
    %mul3A_39 = arith.constant 640 : i32
    %mul3A_40 = arith.muli %arg1, %mul3A_39 : i32
    %add3A_41 = arith.constant 384 : i32
    %add3A_42 = arith.addi %mul3A_40, %add3A_41 : i32
    "tpu.region"() ({
      %run_scoped3A = tpu.sem_alloc : memref<!tpu.dma_semaphore, #tpu.memory_space<semaphore_mem>>
      %dma_start3A_238 = tpu.memref_slice %arg24[%add3A_42] : memref<10240xf32, #tpu.memory_space<vmem_shared>> -> memref<128xf32, #tpu.memory_space<vmem_shared>>
      %dma_start3A_239 = tpu.memref_slice %arg24[%add3A_42] : memref<10240xf32, #tpu.memory_space<vmem_shared>> -> memref<128xf32, #tpu.memory_space<vmem_shared>>
      tpu.enqueue_dma source(%arg23 : memref<128xf32, #tpu.memory_space<vmem>>) target(%dma_start3A_239 : memref<128xf32, #tpu.memory_space<vmem_shared>>) target_semaphore(%run_scoped3A : memref<!tpu.dma_semaphore, #tpu.memory_space<semaphore_mem>>)
      %dma_wait3A_240 = tpu.memref_slice %arg24[%add3A_42] : memref<10240xf32, #tpu.memory_space<vmem_shared>> -> memref<128xf32, #tpu.memory_space<vmem_shared>>
      %dma_wait3A_241 = tpu.memref_slice %arg24[%add3A_42] : memref<10240xf32, #tpu.memory_space<vmem_shared>> -> memref<128xf32, #tpu.memory_space<vmem_shared>>
      tpu.wait_dma2 semaphore(%run_scoped3A : memref<!tpu.dma_semaphore, #tpu.memory_space<semaphore_mem>>) src(%arg23 : memref<128xf32, #tpu.memory_space<vmem>>) dst(%dma_wait3A_241 : memref<128xf32, #tpu.memory_space<vmem_shared>>)
      tpu.yield
    }) : () -> ()
    %mul3A_43 = arith.constant 640 : i32
    %mul3A_44 = arith.muli %arg1, %mul3A_43 : i32
    %add3A_45 = arith.constant 512 : i32
    %add3A_46 = arith.addi %mul3A_44, %add3A_45 : i32
    "tpu.region"() ({
      %run_scoped3A = tpu.sem_alloc : memref<!tpu.dma_semaphore, #tpu.memory_space<semaphore_mem>>
      %dma_start3A_238 = tpu.memref_slice %arg24[%add3A_46] : memref<10240xf32, #tpu.memory_space<vmem_shared>> -> memref<128xf32, #tpu.memory_space<vmem_shared>>
      %dma_start3A_239 = tpu.memref_slice %arg24[%add3A_46] : memref<10240xf32, #tpu.memory_space<vmem_shared>> -> memref<128xf32, #tpu.memory_space<vmem_shared>>
      tpu.enqueue_dma source(%arg23 : memref<128xf32, #tpu.memory_space<vmem>>) target(%dma_start3A_239 : memref<128xf32, #tpu.memory_space<vmem_shared>>) target_semaphore(%run_scoped3A : memref<!tpu.dma_semaphore, #tpu.memory_space<semaphore_mem>>)
      %dma_wait3A_240 = tpu.memref_slice %arg24[%add3A_46] : memref<10240xf32, #tpu.memory_space<vmem_shared>> -> memref<128xf32, #tpu.memory_space<vmem_shared>>
      %dma_wait3A_241 = tpu.memref_slice %arg24[%add3A_46] : memref<10240xf32, #tpu.memory_space<vmem_shared>> -> memref<128xf32, #tpu.memory_space<vmem_shared>>
      tpu.wait_dma2 semaphore(%run_scoped3A : memref<!tpu.dma_semaphore, #tpu.memory_space<semaphore_mem>>) src(%arg23 : memref<128xf32, #tpu.memory_space<vmem>>) dst(%dma_wait3A_241 : memref<128xf32, #tpu.memory_space<vmem_shared>>)
      tpu.yield
    }) : () -> ()
    %broadcast_in_dim3A_47 = arith.constant 1.000000e+00 : f32
    %broadcast_in_dim3A_48 = vector.broadcast %broadcast_in_dim3A_47 : f32 to vector<16xf32>
    %scan3A_49 = arith.constant 0 : i32
    %scan3A_50 = arith.constant 0 : i32
    %scan3A_51 = arith.constant 8 : i32
    %scan3A_52 = arith.addi %scan3A_50, %scan3A_51 : i32
    %scan3A_53 = arith.constant 1 : i32
    scf.for %scan3A_238 = %scan3A_50 to %scan3A_52 step %scan3A_53  : i32 {
      %mul3A_239 = arith.constant 16 : i32
      %mul3A_240 = arith.muli %scan3A_238, %mul3A_239 : i32
      %swap3A = arith.index_cast %mul3A_240 : i32 to index
      %swap3A_241 = tpu.vector_load %arg23[%swap3A] {strides = array<i32>} : memref<128xf32, #tpu.memory_space<vmem>>, vector<16xf32>,
      %swap3A_242 = vector.shape_cast %swap3A_241 : vector<16xf32> to vector<16xf32>
      %swap3A_243 = vector.shape_cast %broadcast_in_dim3A_48 : vector<16xf32> to vector<16xf32>
      tpu.vector_store %arg23[%swap3A], %swap3A_243 {strides = array<i32>} : memref<128xf32, #tpu.memory_space<vmem>>, vector<16xf32>,
    }
    %scan3A_54 = arith.constant 8 : i32
    %barrier3A = arith.constant 0 : index
    tpu.barrier barrier_id(%barrier3A)
    %mul3A_55 = arith.constant 80 : i32
    %mul3A_56 = arith.muli %add3A, %mul3A_55 : i32
    %add3A_57 = arith.constant 0 : i32
    %add3A_58 = arith.addi %mul3A_56, %add3A_57 : i32
    %add3A_59 = arith.constant 0 : i32
    %add3A_60 = arith.addi %add3A_58, %add3A_59 : i32
    %lt3A = arith.constant 2500 : i32
    %lt3A_61 = arith.cmpi slt, %add3A_60, %lt3A : i32
    %convert_element_type3A = arith.extui %lt3A_61 : i1 to i32
    %cond3A = arith.constant 0 : i32
    %cond3A_62 = arith.cmpi ne, %convert_element_type3A, %cond3A : i32
    scf.if %cond3A_62 {
      %mul3A_238 = arith.constant 128 : i32
      %mul3A_239 = arith.muli %add3A_60, %mul3A_238 : i32
      %dma_start3A_240 = arith.constant 0 : i32
      %dma_start3A_241 = arith.constant 0 : i32
      %dma_start3A_242 = arith.constant 0 : i32
      %dma_start3A_243 = tpu.memref_slice %arg10[%dma_start3A_241, %dma_start3A_242] : memref<4x128xi32, #tpu.memory_space<vmem>> -> memref<1x128xi32, #tpu.memory_space<vmem>>
      %dma_start3A_244 = tpu.memref_squeeze %dma_start3A_243 : memref<1x128xi32, #tpu.memory_space<vmem>> -> memref<128xi32, #tpu.memory_space<vmem>>
      %dma_start3A_245 = tpu.memref_slice %arg3[%dma_start3A_240, %mul3A_239] : memref<2x320000xi32, #tpu.memory_space<hbm>> -> memref<1x128xi32, #tpu.memory_space<hbm>>
      %dma_start3A_246 = tpu.memref_squeeze %dma_start3A_245 : memref<1x128xi32, #tpu.memory_space<hbm>> -> memref<128xi32, #tpu.memory_space<hbm>>
      %dma_start3A_247 = arith.constant 0 : i32
      %dma_start3A_248 = tpu.memref_slice %arg10[%dma_start3A_241, %dma_start3A_247] : memref<4x128xi32, #tpu.memory_space<vmem>> -> memref<1x128xi32, #tpu.memory_space<vmem>>
      %dma_start3A_249 = tpu.memref_squeeze %dma_start3A_248 : memref<1x128xi32, #tpu.memory_space<vmem>> -> memref<128xi32, #tpu.memory_space<vmem>>
      %dma_start3A_250 = tpu.memref_slice %arg3[%dma_start3A_240, %mul3A_239] : memref<2x320000xi32, #tpu.memory_space<hbm>> -> memref<1x128xi32, #tpu.memory_space<hbm>>
      %dma_start3A_251 = tpu.memref_squeeze %dma_start3A_250 : memref<1x128xi32, #tpu.memory_space<hbm>> -> memref<128xi32, #tpu.memory_space<hbm>>
      tpu.enqueue_dma source(%dma_start3A_251 : memref<128xi32, #tpu.memory_space<hbm>>) target(%dma_start3A_249 : memref<128xi32, #tpu.memory_space<vmem>>) target_semaphore(%arg21 : memref<!tpu.dma_semaphore, #tpu.memory_space<semaphore_mem>>)
      %dma_start3A_252 = arith.constant 1 : i32
      %dma_start3A_253 = arith.constant 0 : i32
      %dma_start3A_254 = arith.constant 0 : i32
      %dma_start3A_255 = tpu.memref_slice %arg11[%dma_start3A_253, %dma_start3A_254] : memref<4x128xi32, #tpu.memory_space<vmem>> -> memref<1x128xi32, #tpu.memory_space<vmem>>
      %dma_start3A_256 = tpu.memref_squeeze %dma_start3A_255 : memref<1x128xi32, #tpu.memory_space<vmem>> -> memref<128xi32, #tpu.memory_space<vmem>>
      %dma_start3A_257 = tpu.memref_slice %arg3[%dma_start3A_252, %mul3A_239] : memref<2x320000xi32, #tpu.memory_space<hbm>> -> memref<1x128xi32, #tpu.memory_space<hbm>>
      %dma_start3A_258 = tpu.memref_squeeze %dma_start3A_257 : memref<1x128xi32, #tpu.memory_space<hbm>> -> memref<128xi32, #tpu.memory_space<hbm>>
      %dma_start3A_259 = arith.constant 0 : i32
      %dma_start3A_260 = tpu.memref_slice %arg11[%dma_start3A_253, %dma_start3A_259] : memref<4x128xi32, #tpu.memory_space<vmem>> -> memref<1x128xi32, #tpu.memory_space<vmem>>
      %dma_start3A_261 = tpu.memref_squeeze %dma_start3A_260 : memref<1x128xi32, #tpu.memory_space<vmem>> -> memref<128xi32, #tpu.memory_space<vmem>>
      %dma_start3A_262 = tpu.memref_slice %arg3[%dma_start3A_252, %mul3A_239] : memref<2x320000xi32, #tpu.memory_space<hbm>> -> memref<1x128xi32, #tpu.memory_space<hbm>>
      %dma_start3A_263 = tpu.memref_squeeze %dma_start3A_262 : memref<1x128xi32, #tpu.memory_space<hbm>> -> memref<128xi32, #tpu.memory_space<hbm>>
      tpu.enqueue_dma source(%dma_start3A_263 : memref<128xi32, #tpu.memory_space<hbm>>) target(%dma_start3A_261 : memref<128xi32, #tpu.memory_space<vmem>>) target_semaphore(%arg21 : memref<!tpu.dma_semaphore, #tpu.memory_space<semaphore_mem>>)
    } else {
    }
    %ge3A = arith.constant 2500 : i32
    %ge3A_63 = arith.cmpi sge, %add3A_60, %ge3A : i32
    %convert_element_type3A_64 = arith.extui %ge3A_63 : i1 to i32
    %cond3A_65 = arith.constant 0 : i32
    %cond3A_66 = arith.cmpi ne, %convert_element_type3A_64, %cond3A_65 : i32
    scf.if %cond3A_66 {
      %sub3A = arith.constant 2500 : i32
      %sub3A_238 = arith.subi %add3A_60, %sub3A : i32
      %mul3A_239 = arith.constant 128 : i32
      %mul3A_240 = arith.muli %sub3A_238, %mul3A_239 : i32
      %dma_start3A_241 = arith.constant 0 : i32
      %dma_start3A_242 = arith.constant 0 : i32
      %dma_start3A_243 = tpu.memref_slice %arg10[%dma_start3A_241, %dma_start3A_242] : memref<4x128xi32, #tpu.memory_space<vmem>> -> memref<1x128xi32, #tpu.memory_space<vmem>>
      %dma_start3A_244 = tpu.memref_squeeze %dma_start3A_243 : memref<1x128xi32, #tpu.memory_space<vmem>> -> memref<128xi32, #tpu.memory_space<vmem>>
      %dma_start3A_245 = tpu.memref_slice %arg4[%mul3A_240] : memref<7680xi32, #tpu.memory_space<hbm>> -> memref<128xi32, #tpu.memory_space<hbm>>
      %dma_start3A_246 = arith.constant 0 : i32
      %dma_start3A_247 = tpu.memref_slice %arg10[%dma_start3A_241, %dma_start3A_246] : memref<4x128xi32, #tpu.memory_space<vmem>> -> memref<1x128xi32, #tpu.memory_space<vmem>>
      %dma_start3A_248 = tpu.memref_squeeze %dma_start3A_247 : memref<1x128xi32, #tpu.memory_space<vmem>> -> memref<128xi32, #tpu.memory_space<vmem>>
      %dma_start3A_249 = tpu.memref_slice %arg4[%mul3A_240] : memref<7680xi32, #tpu.memory_space<hbm>> -> memref<128xi32, #tpu.memory_space<hbm>>
      tpu.enqueue_dma source(%dma_start3A_249 : memref<128xi32, #tpu.memory_space<hbm>>) target(%dma_start3A_248 : memref<128xi32, #tpu.memory_space<vmem>>) target_semaphore(%arg21 : memref<!tpu.dma_semaphore, #tpu.memory_space<semaphore_mem>>)
      %dma_start3A_250 = arith.constant 0 : i32
      %dma_start3A_251 = arith.constant 0 : i32
      %dma_start3A_252 = tpu.memref_slice %arg11[%dma_start3A_250, %dma_start3A_251] : memref<4x128xi32, #tpu.memory_space<vmem>> -> memref<1x128xi32, #tpu.memory_space<vmem>>
      %dma_start3A_253 = tpu.memref_squeeze %dma_start3A_252 : memref<1x128xi32, #tpu.memory_space<vmem>> -> memref<128xi32, #tpu.memory_space<vmem>>
      %dma_start3A_254 = tpu.memref_slice %arg5[%mul3A_240] : memref<7680xi32, #tpu.memory_space<hbm>> -> memref<128xi32, #tpu.memory_space<hbm>>
      %dma_start3A_255 = arith.constant 0 : i32
      %dma_start3A_256 = tpu.memref_slice %arg11[%dma_start3A_250, %dma_start3A_255] : memref<4x128xi32, #tpu.memory_space<vmem>> -> memref<1x128xi32, #tpu.memory_space<vmem>>
      %dma_start3A_257 = tpu.memref_squeeze %dma_start3A_256 : memref<1x128xi32, #tpu.memory_space<vmem>> -> memref<128xi32, #tpu.memory_space<vmem>>
      %dma_start3A_258 = tpu.memref_slice %arg5[%mul3A_240] : memref<7680xi32, #tpu.memory_space<hbm>> -> memref<128xi32, #tpu.memory_space<hbm>>
      tpu.enqueue_dma source(%dma_start3A_258 : memref<128xi32, #tpu.memory_space<hbm>>) target(%dma_start3A_257 : memref<128xi32, #tpu.memory_space<vmem>>) target_semaphore(%arg21 : memref<!tpu.dma_semaphore, #tpu.memory_space<semaphore_mem>>)
    } else {
    }
    %add3A_67 = arith.constant 0 : i32
    %add3A_68 = arith.addi %mul3A_56, %add3A_67 : i32
    %add3A_69 = arith.constant 1 : i32
    %add3A_70 = arith.addi %add3A_68, %add3A_69 : i32
    %lt3A_71 = arith.constant 2500 : i32
    %lt3A_72 = arith.cmpi slt, %add3A_70, %lt3A_71 : i32
    %convert_element_type3A_73 = arith.extui %lt3A_72 : i1 to i32
    %cond3A_74 = arith.constant 0 : i32
    %cond3A_75 = arith.cmpi ne, %convert_element_type3A_73, %cond3A_74 : i32
    scf.if %cond3A_75 {
      %mul3A_238 = arith.constant 128 : i32
      %mul3A_239 = arith.muli %add3A_70, %mul3A_238 : i32
      %dma_start3A_240 = arith.constant 0 : i32
      %dma_start3A_241 = arith.constant 1 : i32
      %dma_start3A_242 = arith.constant 0 : i32
      %dma_start3A_243 = tpu.memref_slice %arg10[%dma_start3A_241, %dma_start3A_242] : memref<4x128xi32, #tpu.memory_space<vmem>> -> memref<1x128xi32, #tpu.memory_space<vmem>>
      %dma_start3A_244 = tpu.memref_squeeze %dma_start3A_243 : memref<1x128xi32, #tpu.memory_space<vmem>> -> memref<128xi32, #tpu.memory_space<vmem>>
      %dma_start3A_245 = tpu.memref_slice %arg3[%dma_start3A_240, %mul3A_239] : memref<2x320000xi32, #tpu.memory_space<hbm>> -> memref<1x128xi32, #tpu.memory_space<hbm>>
      %dma_start3A_246 = tpu.memref_squeeze %dma_start3A_245 : memref<1x128xi32, #tpu.memory_space<hbm>> -> memref<128xi32, #tpu.memory_space<hbm>>
      %dma_start3A_247 = arith.constant 0 : i32
      %dma_start3A_248 = tpu.memref_slice %arg10[%dma_start3A_241, %dma_start3A_247] : memref<4x128xi32, #tpu.memory_space<vmem>> -> memref<1x128xi32, #tpu.memory_space<vmem>>
      %dma_start3A_249 = tpu.memref_squeeze %dma_start3A_248 : memref<1x128xi32, #tpu.memory_space<vmem>> -> memref<128xi32, #tpu.memory_space<vmem>>
      %dma_start3A_250 = tpu.memref_slice %arg3[%dma_start3A_240, %mul3A_239] : memref<2x320000xi32, #tpu.memory_space<hbm>> -> memref<1x128xi32, #tpu.memory_space<hbm>>
      %dma_start3A_251 = tpu.memref_squeeze %dma_start3A_250 : memref<1x128xi32, #tpu.memory_space<hbm>> -> memref<128xi32, #tpu.memory_space<hbm>>
      tpu.enqueue_dma source(%dma_start3A_251 : memref<128xi32, #tpu.memory_space<hbm>>) target(%dma_start3A_249 : memref<128xi32, #tpu.memory_space<vmem>>) target_semaphore(%arg21 : memref<!tpu.dma_semaphore, #tpu.memory_space<semaphore_mem>>)
      %dma_start3A_252 = arith.constant 1 : i32
      %dma_start3A_253 = arith.constant 1 : i32
      %dma_start3A_254 = arith.constant 0 : i32
      %dma_start3A_255 = tpu.memref_slice %arg11[%dma_start3A_253, %dma_start3A_254] : memref<4x128xi32, #tpu.memory_space<vmem>> -> memref<1x128xi32, #tpu.memory_space<vmem>>
      %dma_start3A_256 = tpu.memref_squeeze %dma_start3A_255 : memref<1x128xi32, #tpu.memory_space<vmem>> -> memref<128xi32, #tpu.memory_space<vmem>>
      %dma_start3A_257 = tpu.memref_slice %arg3[%dma_start3A_252, %mul3A_239] : memref<2x320000xi32, #tpu.memory_space<hbm>> -> memref<1x128xi32, #tpu.memory_space<hbm>>
      %dma_start3A_258 = tpu.memref_squeeze %dma_start3A_257 : memref<1x128xi32, #tpu.memory_space<hbm>> -> memref<128xi32, #tpu.memory_space<hbm>>
      %dma_start3A_259 = arith.constant 0 : i32
      %dma_start3A_260 = tpu.memref_slice %arg11[%dma_start3A_253, %dma_start3A_259] : memref<4x128xi32, #tpu.memory_space<vmem>> -> memref<1x128xi32, #tpu.memory_space<vmem>>
      %dma_start3A_261 = tpu.memref_squeeze %dma_start3A_260 : memref<1x128xi32, #tpu.memory_space<vmem>> -> memref<128xi32, #tpu.memory_space<vmem>>
      %dma_start3A_262 = tpu.memref_slice %arg3[%dma_start3A_252, %mul3A_239] : memref<2x320000xi32, #tpu.memory_space<hbm>> -> memref<1x128xi32, #tpu.memory_space<hbm>>
      %dma_start3A_263 = tpu.memref_squeeze %dma_start3A_262 : memref<1x128xi32, #tpu.memory_space<hbm>> -> memref<128xi32, #tpu.memory_space<hbm>>
      tpu.enqueue_dma source(%dma_start3A_263 : memref<128xi32, #tpu.memory_space<hbm>>) target(%dma_start3A_261 : memref<128xi32, #tpu.memory_space<vmem>>) target_semaphore(%arg21 : memref<!tpu.dma_semaphore, #tpu.memory_space<semaphore_mem>>)
    } else {
    }
    %ge3A_76 = arith.constant 2500 : i32
    %ge3A_77 = arith.cmpi sge, %add3A_70, %ge3A_76 : i32
    %convert_element_type3A_78 = arith.extui %ge3A_77 : i1 to i32
    %cond3A_79 = arith.constant 0 : i32
    %cond3A_80 = arith.cmpi ne, %convert_element_type3A_78, %cond3A_79 : i32
    scf.if %cond3A_80 {
      %sub3A = arith.constant 2500 : i32
      %sub3A_238 = arith.subi %add3A_70, %sub3A : i32
      %mul3A_239 = arith.constant 128 : i32
      %mul3A_240 = arith.muli %sub3A_238, %mul3A_239 : i32
      %dma_start3A_241 = arith.constant 1 : i32
      %dma_start3A_242 = arith.constant 0 : i32
      %dma_start3A_243 = tpu.memref_slice %arg10[%dma_start3A_241, %dma_start3A_242] : memref<4x128xi32, #tpu.memory_space<vmem>> -> memref<1x128xi32, #tpu.memory_space<vmem>>
      %dma_start3A_244 = tpu.memref_squeeze %dma_start3A_243 : memref<1x128xi32, #tpu.memory_space<vmem>> -> memref<128xi32, #tpu.memory_space<vmem>>
      %dma_start3A_245 = tpu.memref_slice %arg4[%mul3A_240] : memref<7680xi32, #tpu.memory_space<hbm>> -> memref<128xi32, #tpu.memory_space<hbm>>
      %dma_start3A_246 = arith.constant 0 : i32
      %dma_start3A_247 = tpu.memref_slice %arg10[%dma_start3A_241, %dma_start3A_246] : memref<4x128xi32, #tpu.memory_space<vmem>> -> memref<1x128xi32, #tpu.memory_space<vmem>>
      %dma_start3A_248 = tpu.memref_squeeze %dma_start3A_247 : memref<1x128xi32, #tpu.memory_space<vmem>> -> memref<128xi32, #tpu.memory_space<vmem>>
      %dma_start3A_249 = tpu.memref_slice %arg4[%mul3A_240] : memref<7680xi32, #tpu.memory_space<hbm>> -> memref<128xi32, #tpu.memory_space<hbm>>
      tpu.enqueue_dma source(%dma_start3A_249 : memref<128xi32, #tpu.memory_space<hbm>>) target(%dma_start3A_248 : memref<128xi32, #tpu.memory_space<vmem>>) target_semaphore(%arg21 : memref<!tpu.dma_semaphore, #tpu.memory_space<semaphore_mem>>)
      %dma_start3A_250 = arith.constant 1 : i32
      %dma_start3A_251 = arith.constant 0 : i32
      %dma_start3A_252 = tpu.memref_slice %arg11[%dma_start3A_250, %dma_start3A_251] : memref<4x128xi32, #tpu.memory_space<vmem>> -> memref<1x128xi32, #tpu.memory_space<vmem>>
      %dma_start3A_253 = tpu.memref_squeeze %dma_start3A_252 : memref<1x128xi32, #tpu.memory_space<vmem>> -> memref<128xi32, #tpu.memory_space<vmem>>
      %dma_start3A_254 = tpu.memref_slice %arg5[%mul3A_240] : memref<7680xi32, #tpu.memory_space<hbm>> -> memref<128xi32, #tpu.memory_space<hbm>>
      %dma_start3A_255 = arith.constant 0 : i32
      %dma_start3A_256 = tpu.memref_slice %arg11[%dma_start3A_250, %dma_start3A_255] : memref<4x128xi32, #tpu.memory_space<vmem>> -> memref<1x128xi32, #tpu.memory_space<vmem>>
      %dma_start3A_257 = tpu.memref_squeeze %dma_start3A_256 : memref<1x128xi32, #tpu.memory_space<vmem>> -> memref<128xi32, #tpu.memory_space<vmem>>
      %dma_start3A_258 = tpu.memref_slice %arg5[%mul3A_240] : memref<7680xi32, #tpu.memory_space<hbm>> -> memref<128xi32, #tpu.memory_space<hbm>>
      tpu.enqueue_dma source(%dma_start3A_258 : memref<128xi32, #tpu.memory_space<hbm>>) target(%dma_start3A_257 : memref<128xi32, #tpu.memory_space<vmem>>) target_semaphore(%arg21 : memref<!tpu.dma_semaphore, #tpu.memory_space<semaphore_mem>>)
    } else {
    }
    %add3A_81 = arith.constant 0 : i32
    %add3A_82 = arith.addi %mul3A_56, %add3A_81 : i32
    %add3A_83 = arith.constant 2 : i32
    %add3A_84 = arith.addi %add3A_82, %add3A_83 : i32
    %lt3A_85 = arith.constant 2500 : i32
    %lt3A_86 = arith.cmpi slt, %add3A_84, %lt3A_85 : i32
    %convert_element_type3A_87 = arith.extui %lt3A_86 : i1 to i32
    %cond3A_88 = arith.constant 0 : i32
    %cond3A_89 = arith.cmpi ne, %convert_element_type3A_87, %cond3A_88 : i32
    scf.if %cond3A_89 {
      %mul3A_238 = arith.constant 128 : i32
      %mul3A_239 = arith.muli %add3A_84, %mul3A_238 : i32
      %dma_start3A_240 = arith.constant 0 : i32
      %dma_start3A_241 = arith.constant 2 : i32
      %dma_start3A_242 = arith.constant 0 : i32
      %dma_start3A_243 = tpu.memref_slice %arg10[%dma_start3A_241, %dma_start3A_242] : memref<4x128xi32, #tpu.memory_space<vmem>> -> memref<1x128xi32, #tpu.memory_space<vmem>>
      %dma_start3A_244 = tpu.memref_squeeze %dma_start3A_243 : memref<1x128xi32, #tpu.memory_space<vmem>> -> memref<128xi32, #tpu.memory_space<vmem>>
      %dma_start3A_245 = tpu.memref_slice %arg3[%dma_start3A_240, %mul3A_239] : memref<2x320000xi32, #tpu.memory_space<hbm>> -> memref<1x128xi32, #tpu.memory_space<hbm>>
      %dma_start3A_246 = tpu.memref_squeeze %dma_start3A_245 : memref<1x128xi32, #tpu.memory_space<hbm>> -> memref<128xi32, #tpu.memory_space<hbm>>
      %dma_start3A_247 = arith.constant 0 : i32
      %dma_start3A_248 = tpu.memref_slice %arg10[%dma_start3A_241, %dma_start3A_247] : memref<4x128xi32, #tpu.memory_space<vmem>> -> memref<1x128xi32, #tpu.memory_space<vmem>>
      %dma_start3A_249 = tpu.memref_squeeze %dma_start3A_248 : memref<1x128xi32, #tpu.memory_space<vmem>> -> memref<128xi32, #tpu.memory_space<vmem>>
      %dma_start3A_250 = tpu.memref_slice %arg3[%dma_start3A_240, %mul3A_239] : memref<2x320000xi32, #tpu.memory_space<hbm>> -> memref<1x128xi32, #tpu.memory_space<hbm>>
      %dma_start3A_251 = tpu.memref_squeeze %dma_start3A_250 : memref<1x128xi32, #tpu.memory_space<hbm>> -> memref<128xi32, #tpu.memory_space<hbm>>
      tpu.enqueue_dma source(%dma_start3A_251 : memref<128xi32, #tpu.memory_space<hbm>>) target(%dma_start3A_249 : memref<128xi32, #tpu.memory_space<vmem>>) target_semaphore(%arg21 : memref<!tpu.dma_semaphore, #tpu.memory_space<semaphore_mem>>)
      %dma_start3A_252 = arith.constant 1 : i32
      %dma_start3A_253 = arith.constant 2 : i32
      %dma_start3A_254 = arith.constant 0 : i32
      %dma_start3A_255 = tpu.memref_slice %arg11[%dma_start3A_253, %dma_start3A_254] : memref<4x128xi32, #tpu.memory_space<vmem>> -> memref<1x128xi32, #tpu.memory_space<vmem>>
      %dma_start3A_256 = tpu.memref_squeeze %dma_start3A_255 : memref<1x128xi32, #tpu.memory_space<vmem>> -> memref<128xi32, #tpu.memory_space<vmem>>
      %dma_start3A_257 = tpu.memref_slice %arg3[%dma_start3A_252, %mul3A_239] : memref<2x320000xi32, #tpu.memory_space<hbm>> -> memref<1x128xi32, #tpu.memory_space<hbm>>
      %dma_start3A_258 = tpu.memref_squeeze %dma_start3A_257 : memref<1x128xi32, #tpu.memory_space<hbm>> -> memref<128xi32, #tpu.memory_space<hbm>>
      %dma_start3A_259 = arith.constant 0 : i32
      %dma_start3A_260 = tpu.memref_slice %arg11[%dma_start3A_253, %dma_start3A_259] : memref<4x128xi32, #tpu.memory_space<vmem>> -> memref<1x128xi32, #tpu.memory_space<vmem>>
      %dma_start3A_261 = tpu.memref_squeeze %dma_start3A_260 : memref<1x128xi32, #tpu.memory_space<vmem>> -> memref<128xi32, #tpu.memory_space<vmem>>
      %dma_start3A_262 = tpu.memref_slice %arg3[%dma_start3A_252, %mul3A_239] : memref<2x320000xi32, #tpu.memory_space<hbm>> -> memref<1x128xi32, #tpu.memory_space<hbm>>
      %dma_start3A_263 = tpu.memref_squeeze %dma_start3A_262 : memref<1x128xi32, #tpu.memory_space<hbm>> -> memref<128xi32, #tpu.memory_space<hbm>>
      tpu.enqueue_dma source(%dma_start3A_263 : memref<128xi32, #tpu.memory_space<hbm>>) target(%dma_start3A_261 : memref<128xi32, #tpu.memory_space<vmem>>) target_semaphore(%arg21 : memref<!tpu.dma_semaphore, #tpu.memory_space<semaphore_mem>>)
    } else {
    }
    %ge3A_90 = arith.constant 2500 : i32
    %ge3A_91 = arith.cmpi sge, %add3A_84, %ge3A_90 : i32
    %convert_element_type3A_92 = arith.extui %ge3A_91 : i1 to i32
    %cond3A_93 = arith.constant 0 : i32
    %cond3A_94 = arith.cmpi ne, %convert_element_type3A_92, %cond3A_93 : i32
    scf.if %cond3A_94 {
      %sub3A = arith.constant 2500 : i32
      %sub3A_238 = arith.subi %add3A_84, %sub3A : i32
      %mul3A_239 = arith.constant 128 : i32
      %mul3A_240 = arith.muli %sub3A_238, %mul3A_239 : i32
      %dma_start3A_241 = arith.constant 2 : i32
      %dma_start3A_242 = arith.constant 0 : i32
      %dma_start3A_243 = tpu.memref_slice %arg10[%dma_start3A_241, %dma_start3A_242] : memref<4x128xi32, #tpu.memory_space<vmem>> -> memref<1x128xi32, #tpu.memory_space<vmem>>
      %dma_start3A_244 = tpu.memref_squeeze %dma_start3A_243 : memref<1x128xi32, #tpu.memory_space<vmem>> -> memref<128xi32, #tpu.memory_space<vmem>>
      %dma_start3A_245 = tpu.memref_slice %arg4[%mul3A_240] : memref<7680xi32, #tpu.memory_space<hbm>> -> memref<128xi32, #tpu.memory_space<hbm>>
      %dma_start3A_246 = arith.constant 0 : i32
      %dma_start3A_247 = tpu.memref_slice %arg10[%dma_start3A_241, %dma_start3A_246] : memref<4x128xi32, #tpu.memory_space<vmem>> -> memref<1x128xi32, #tpu.memory_space<vmem>>
      %dma_start3A_248 = tpu.memref_squeeze %dma_start3A_247 : memref<1x128xi32, #tpu.memory_space<vmem>> -> memref<128xi32, #tpu.memory_space<vmem>>
      %dma_start3A_249 = tpu.memref_slice %arg4[%mul3A_240] : memref<7680xi32, #tpu.memory_space<hbm>> -> memref<128xi32, #tpu.memory_space<hbm>>
      tpu.enqueue_dma source(%dma_start3A_249 : memref<128xi32, #tpu.memory_space<hbm>>) target(%dma_start3A_248 : memref<128xi32, #tpu.memory_space<vmem>>) target_semaphore(%arg21 : memref<!tpu.dma_semaphore, #tpu.memory_space<semaphore_mem>>)
      %dma_start3A_250 = arith.constant 2 : i32
      %dma_start3A_251 = arith.constant 0 : i32
      %dma_start3A_252 = tpu.memref_slice %arg11[%dma_start3A_250, %dma_start3A_251] : memref<4x128xi32, #tpu.memory_space<vmem>> -> memref<1x128xi32, #tpu.memory_space<vmem>>
      %dma_start3A_253 = tpu.memref_squeeze %dma_start3A_252 : memref<1x128xi32, #tpu.memory_space<vmem>> -> memref<128xi32, #tpu.memory_space<vmem>>
      %dma_start3A_254 = tpu.memref_slice %arg5[%mul3A_240] : memref<7680xi32, #tpu.memory_space<hbm>> -> memref<128xi32, #tpu.memory_space<hbm>>
      %dma_start3A_255 = arith.constant 0 : i32
      %dma_start3A_256 = tpu.memref_slice %arg11[%dma_start3A_250, %dma_start3A_255] : memref<4x128xi32, #tpu.memory_space<vmem>> -> memref<1x128xi32, #tpu.memory_space<vmem>>
      %dma_start3A_257 = tpu.memref_squeeze %dma_start3A_256 : memref<1x128xi32, #tpu.memory_space<vmem>> -> memref<128xi32, #tpu.memory_space<vmem>>
      %dma_start3A_258 = tpu.memref_slice %arg5[%mul3A_240] : memref<7680xi32, #tpu.memory_space<hbm>> -> memref<128xi32, #tpu.memory_space<hbm>>
      tpu.enqueue_dma source(%dma_start3A_258 : memref<128xi32, #tpu.memory_space<hbm>>) target(%dma_start3A_257 : memref<128xi32, #tpu.memory_space<vmem>>) target_semaphore(%arg21 : memref<!tpu.dma_semaphore, #tpu.memory_space<semaphore_mem>>)
    } else {
    }
    %add3A_95 = arith.constant 0 : i32
    %add3A_96 = arith.addi %mul3A_56, %add3A_95 : i32
    %add3A_97 = arith.constant 3 : i32
    %add3A_98 = arith.addi %add3A_96, %add3A_97 : i32
    %lt3A_99 = arith.constant 2500 : i32
    %lt3A_100 = arith.cmpi slt, %add3A_98, %lt3A_99 : i32
    %convert_element_type3A_101 = arith.extui %lt3A_100 : i1 to i32
    %cond3A_102 = arith.constant 0 : i32
    %cond3A_103 = arith.cmpi ne, %convert_element_type3A_101, %cond3A_102 : i32
    scf.if %cond3A_103 {
      %mul3A_238 = arith.constant 128 : i32
      %mul3A_239 = arith.muli %add3A_98, %mul3A_238 : i32
      %dma_start3A_240 = arith.constant 0 : i32
      %dma_start3A_241 = arith.constant 3 : i32
      %dma_start3A_242 = arith.constant 0 : i32
      %dma_start3A_243 = tpu.memref_slice %arg10[%dma_start3A_241, %dma_start3A_242] : memref<4x128xi32, #tpu.memory_space<vmem>> -> memref<1x128xi32, #tpu.memory_space<vmem>>
      %dma_start3A_244 = tpu.memref_squeeze %dma_start3A_243 : memref<1x128xi32, #tpu.memory_space<vmem>> -> memref<128xi32, #tpu.memory_space<vmem>>
      %dma_start3A_245 = tpu.memref_slice %arg3[%dma_start3A_240, %mul3A_239] : memref<2x320000xi32, #tpu.memory_space<hbm>> -> memref<1x128xi32, #tpu.memory_space<hbm>>
      %dma_start3A_246 = tpu.memref_squeeze %dma_start3A_245 : memref<1x128xi32, #tpu.memory_space<hbm>> -> memref<128xi32, #tpu.memory_space<hbm>>
      %dma_start3A_247 = arith.constant 0 : i32
      %dma_start3A_248 = tpu.memref_slice %arg10[%dma_start3A_241, %dma_start3A_247] : memref<4x128xi32, #tpu.memory_space<vmem>> -> memref<1x128xi32, #tpu.memory_space<vmem>>
      %dma_start3A_249 = tpu.memref_squeeze %dma_start3A_248 : memref<1x128xi32, #tpu.memory_space<vmem>> -> memref<128xi32, #tpu.memory_space<vmem>>
      %dma_start3A_250 = tpu.memref_slice %arg3[%dma_start3A_240, %mul3A_239] : memref<2x320000xi32, #tpu.memory_space<hbm>> -> memref<1x128xi32, #tpu.memory_space<hbm>>
      %dma_start3A_251 = tpu.memref_squeeze %dma_start3A_250 : memref<1x128xi32, #tpu.memory_space<hbm>> -> memref<128xi32, #tpu.memory_space<hbm>>
      tpu.enqueue_dma source(%dma_start3A_251 : memref<128xi32, #tpu.memory_space<hbm>>) target(%dma_start3A_249 : memref<128xi32, #tpu.memory_space<vmem>>) target_semaphore(%arg21 : memref<!tpu.dma_semaphore, #tpu.memory_space<semaphore_mem>>)
      %dma_start3A_252 = arith.constant 1 : i32
      %dma_start3A_253 = arith.constant 3 : i32
      %dma_start3A_254 = arith.constant 0 : i32
      %dma_start3A_255 = tpu.memref_slice %arg11[%dma_start3A_253, %dma_start3A_254] : memref<4x128xi32, #tpu.memory_space<vmem>> -> memref<1x128xi32, #tpu.memory_space<vmem>>
      %dma_start3A_256 = tpu.memref_squeeze %dma_start3A_255 : memref<1x128xi32, #tpu.memory_space<vmem>> -> memref<128xi32, #tpu.memory_space<vmem>>
      %dma_start3A_257 = tpu.memref_slice %arg3[%dma_start3A_252, %mul3A_239] : memref<2x320000xi32, #tpu.memory_space<hbm>> -> memref<1x128xi32, #tpu.memory_space<hbm>>
      %dma_start3A_258 = tpu.memref_squeeze %dma_start3A_257 : memref<1x128xi32, #tpu.memory_space<hbm>> -> memref<128xi32, #tpu.memory_space<hbm>>
      %dma_start3A_259 = arith.constant 0 : i32
      %dma_start3A_260 = tpu.memref_slice %arg11[%dma_start3A_253, %dma_start3A_259] : memref<4x128xi32, #tpu.memory_space<vmem>> -> memref<1x128xi32, #tpu.memory_space<vmem>>
      %dma_start3A_261 = tpu.memref_squeeze %dma_start3A_260 : memref<1x128xi32, #tpu.memory_space<vmem>> -> memref<128xi32, #tpu.memory_space<vmem>>
      %dma_start3A_262 = tpu.memref_slice %arg3[%dma_start3A_252, %mul3A_239] : memref<2x320000xi32, #tpu.memory_space<hbm>> -> memref<1x128xi32, #tpu.memory_space<hbm>>
      %dma_start3A_263 = tpu.memref_squeeze %dma_start3A_262 : memref<1x128xi32, #tpu.memory_space<hbm>> -> memref<128xi32, #tpu.memory_space<hbm>>
      tpu.enqueue_dma source(%dma_start3A_263 : memref<128xi32, #tpu.memory_space<hbm>>) target(%dma_start3A_261 : memref<128xi32, #tpu.memory_space<vmem>>) target_semaphore(%arg21 : memref<!tpu.dma_semaphore, #tpu.memory_space<semaphore_mem>>)
    } else {
    }
    %ge3A_104 = arith.constant 2500 : i32
    %ge3A_105 = arith.cmpi sge, %add3A_98, %ge3A_104 : i32
    %convert_element_type3A_106 = arith.extui %ge3A_105 : i1 to i32
    %cond3A_107 = arith.constant 0 : i32
    %cond3A_108 = arith.cmpi ne, %convert_element_type3A_106, %cond3A_107 : i32
    scf.if %cond3A_108 {
      %sub3A = arith.constant 2500 : i32
      %sub3A_238 = arith.subi %add3A_98, %sub3A : i32
      %mul3A_239 = arith.constant 128 : i32
      %mul3A_240 = arith.muli %sub3A_238, %mul3A_239 : i32
      %dma_start3A_241 = arith.constant 3 : i32
      %dma_start3A_242 = arith.constant 0 : i32
      %dma_start3A_243 = tpu.memref_slice %arg10[%dma_start3A_241, %dma_start3A_242] : memref<4x128xi32, #tpu.memory_space<vmem>> -> memref<1x128xi32, #tpu.memory_space<vmem>>
      %dma_start3A_244 = tpu.memref_squeeze %dma_start3A_243 : memref<1x128xi32, #tpu.memory_space<vmem>> -> memref<128xi32, #tpu.memory_space<vmem>>
      %dma_start3A_245 = tpu.memref_slice %arg4[%mul3A_240] : memref<7680xi32, #tpu.memory_space<hbm>> -> memref<128xi32, #tpu.memory_space<hbm>>
      %dma_start3A_246 = arith.constant 0 : i32
      %dma_start3A_247 = tpu.memref_slice %arg10[%dma_start3A_241, %dma_start3A_246] : memref<4x128xi32, #tpu.memory_space<vmem>> -> memref<1x128xi32, #tpu.memory_space<vmem>>
      %dma_start3A_248 = tpu.memref_squeeze %dma_start3A_247 : memref<1x128xi32, #tpu.memory_space<vmem>> -> memref<128xi32, #tpu.memory_space<vmem>>
      %dma_start3A_249 = tpu.memref_slice %arg4[%mul3A_240] : memref<7680xi32, #tpu.memory_space<hbm>> -> memref<128xi32, #tpu.memory_space<hbm>>
      tpu.enqueue_dma source(%dma_start3A_249 : memref<128xi32, #tpu.memory_space<hbm>>) target(%dma_start3A_248 : memref<128xi32, #tpu.memory_space<vmem>>) target_semaphore(%arg21 : memref<!tpu.dma_semaphore, #tpu.memory_space<semaphore_mem>>)
      %dma_start3A_250 = arith.constant 3 : i32
      %dma_start3A_251 = arith.constant 0 : i32
      %dma_start3A_252 = tpu.memref_slice %arg11[%dma_start3A_250, %dma_start3A_251] : memref<4x128xi32, #tpu.memory_space<vmem>> -> memref<1x128xi32, #tpu.memory_space<vmem>>
      %dma_start3A_253 = tpu.memref_squeeze %dma_start3A_252 : memref<1x128xi32, #tpu.memory_space<vmem>> -> memref<128xi32, #tpu.memory_space<vmem>>
      %dma_start3A_254 = tpu.memref_slice %arg5[%mul3A_240] : memref<7680xi32, #tpu.memory_space<hbm>> -> memref<128xi32, #tpu.memory_space<hbm>>
      %dma_start3A_255 = arith.constant 0 : i32
      %dma_start3A_256 = tpu.memref_slice %arg11[%dma_start3A_250, %dma_start3A_255] : memref<4x128xi32, #tpu.memory_space<vmem>> -> memref<1x128xi32, #tpu.memory_space<vmem>>
      %dma_start3A_257 = tpu.memref_squeeze %dma_start3A_256 : memref<1x128xi32, #tpu.memory_space<vmem>> -> memref<128xi32, #tpu.memory_space<vmem>>
      %dma_start3A_258 = tpu.memref_slice %arg5[%mul3A_240] : memref<7680xi32, #tpu.memory_space<hbm>> -> memref<128xi32, #tpu.memory_space<hbm>>
      tpu.enqueue_dma source(%dma_start3A_258 : memref<128xi32, #tpu.memory_space<hbm>>) target(%dma_start3A_257 : memref<128xi32, #tpu.memory_space<vmem>>) target_semaphore(%arg21 : memref<!tpu.dma_semaphore, #tpu.memory_space<semaphore_mem>>)
    } else {
    }
    %dma_wait3A = arith.constant 0 : i32
    %dma_wait3A_109 = arith.constant 0 : i32
    %dma_wait3A_110 = tpu.memref_slice %arg10[%dma_wait3A, %dma_wait3A_109] : memref<4x128xi32, #tpu.memory_space<vmem>> -> memref<1x128xi32, #tpu.memory_space<vmem>>
    %dma_wait3A_111 = tpu.memref_squeeze %dma_wait3A_110 : memref<1x128xi32, #tpu.memory_space<vmem>> -> memref<128xi32, #tpu.memory_space<vmem>>
    %dma_wait3A_112 = arith.constant 0 : i32
    %dma_wait3A_113 = tpu.memref_slice %arg4[%dma_wait3A_112] : memref<7680xi32, #tpu.memory_space<hbm>> -> memref<128xi32, #tpu.memory_space<hbm>>
    %dma_wait3A_114 = arith.constant 0 : i32
    %dma_wait3A_115 = tpu.memref_slice %arg10[%dma_wait3A, %dma_wait3A_114] : memref<4x128xi32, #tpu.memory_space<vmem>> -> memref<1x128xi32, #tpu.memory_space<vmem>>
    %dma_wait3A_116 = tpu.memref_squeeze %dma_wait3A_115 : memref<1x128xi32, #tpu.memory_space<vmem>> -> memref<128xi32, #tpu.memory_space<vmem>>
    %dma_wait3A_117 = arith.constant 0 : i32
    %dma_wait3A_118 = tpu.memref_slice %arg4[%dma_wait3A_117] : memref<7680xi32, #tpu.memory_space<hbm>> -> memref<128xi32, #tpu.memory_space<hbm>>
    tpu.wait_dma2 semaphore(%arg21 : memref<!tpu.dma_semaphore, #tpu.memory_space<semaphore_mem>>) src(%dma_wait3A_118 : memref<128xi32, #tpu.memory_space<hbm>>) dst(%dma_wait3A_116 : memref<128xi32, #tpu.memory_space<vmem>>)
    %dma_wait3A_119 = arith.constant 0 : i32
    %dma_wait3A_120 = arith.constant 0 : i32
    %dma_wait3A_121 = tpu.memref_slice %arg11[%dma_wait3A_119, %dma_wait3A_120] : memref<4x128xi32, #tpu.memory_space<vmem>> -> memref<1x128xi32, #tpu.memory_space<vmem>>
    %dma_wait3A_122 = tpu.memref_squeeze %dma_wait3A_121 : memref<1x128xi32, #tpu.memory_space<vmem>> -> memref<128xi32, #tpu.memory_space<vmem>>
    %dma_wait3A_123 = arith.constant 0 : i32
    %dma_wait3A_124 = tpu.memref_slice %arg4[%dma_wait3A_123] : memref<7680xi32, #tpu.memory_space<hbm>> -> memref<128xi32, #tpu.memory_space<hbm>>
    %dma_wait3A_125 = arith.constant 0 : i32
    %dma_wait3A_126 = tpu.memref_slice %arg11[%dma_wait3A_119, %dma_wait3A_125] : memref<4x128xi32, #tpu.memory_space<vmem>> -> memref<1x128xi32, #tpu.memory_space<vmem>>
    %dma_wait3A_127 = tpu.memref_squeeze %dma_wait3A_126 : memref<1x128xi32, #tpu.memory_space<vmem>> -> memref<128xi32, #tpu.memory_space<vmem>>
    %dma_wait3A_128 = arith.constant 0 : i32
    %dma_wait3A_129 = tpu.memref_slice %arg4[%dma_wait3A_128] : memref<7680xi32, #tpu.memory_space<hbm>> -> memref<128xi32, #tpu.memory_space<hbm>>
    tpu.wait_dma2 semaphore(%arg21 : memref<!tpu.dma_semaphore, #tpu.memory_space<semaphore_mem>>) src(%dma_wait3A_129 : memref<128xi32, #tpu.memory_space<hbm>>) dst(%dma_wait3A_127 : memref<128xi32, #tpu.memory_space<vmem>>)
    %dma_wait3A_130 = arith.constant 1 : i32
    %dma_wait3A_131 = arith.constant 0 : i32
    %dma_wait3A_132 = tpu.memref_slice %arg10[%dma_wait3A_130, %dma_wait3A_131] : memref<4x128xi32, #tpu.memory_space<vmem>> -> memref<1x128xi32, #tpu.memory_space<vmem>>
    %dma_wait3A_133 = tpu.memref_squeeze %dma_wait3A_132 : memref<1x128xi32, #tpu.memory_space<vmem>> -> memref<128xi32, #tpu.memory_space<vmem>>
    %dma_wait3A_134 = arith.constant 0 : i32
    %dma_wait3A_135 = tpu.memref_slice %arg4[%dma_wait3A_134] : memref<7680xi32, #tpu.memory_space<hbm>> -> memref<128xi32, #tpu.memory_space<hbm>>
    %dma_wait3A_136 = arith.constant 0 : i32
    %dma_wait3A_137 = tpu.memref_slice %arg10[%dma_wait3A_130, %dma_wait3A_136] : memref<4x128xi32, #tpu.memory_space<vmem>> -> memref<1x128xi32, #tpu.memory_space<vmem>>
    %dma_wait3A_138 = tpu.memref_squeeze %dma_wait3A_137 : memref<1x128xi32, #tpu.memory_space<vmem>> -> memref<128xi32, #tpu.memory_space<vmem>>
    %dma_wait3A_139 = arith.constant 0 : i32
    %dma_wait3A_140 = tpu.memref_slice %arg4[%dma_wait3A_139] : memref<7680xi32, #tpu.memory_space<hbm>> -> memref<128xi32, #tpu.memory_space<hbm>>
    tpu.wait_dma2 semaphore(%arg21 : memref<!tpu.dma_semaphore, #tpu.memory_space<semaphore_mem>>) src(%dma_wait3A_140 : memref<128xi32, #tpu.memory_space<hbm>>) dst(%dma_wait3A_138 : memref<128xi32, #tpu.memory_space<vmem>>)
    %dma_wait3A_141 = arith.constant 1 : i32
    %dma_wait3A_142 = arith.constant 0 : i32
    %dma_wait3A_143 = tpu.memref_slice %arg11[%dma_wait3A_141, %dma_wait3A_142] : memref<4x128xi32, #tpu.memory_space<vmem>> -> memref<1x128xi32, #tpu.memory_space<vmem>>
    %dma_wait3A_144 = tpu.memref_squeeze %dma_wait3A_143 : memref<1x128xi32, #tpu.memory_space<vmem>> -> memref<128xi32, #tpu.memory_space<vmem>>
    %dma_wait3A_145 = arith.constant 0 : i32
    %dma_wait3A_146 = tpu.memref_slice %arg4[%dma_wait3A_145] : memref<7680xi32, #tpu.memory_space<hbm>> -> memref<128xi32, #tpu.memory_space<hbm>>
    %dma_wait3A_147 = arith.constant 0 : i32
    %dma_wait3A_148 = tpu.memref_slice %arg11[%dma_wait3A_141, %dma_wait3A_147] : memref<4x128xi32, #tpu.memory_space<vmem>> -> memref<1x128xi32, #tpu.memory_space<vmem>>
    %dma_wait3A_149 = tpu.memref_squeeze %dma_wait3A_148 : memref<1x128xi32, #tpu.memory_space<vmem>> -> memref<128xi32, #tpu.memory_space<vmem>>
    %dma_wait3A_150 = arith.constant 0 : i32
    %dma_wait3A_151 = tpu.memref_slice %arg4[%dma_wait3A_150] : memref<7680xi32, #tpu.memory_space<hbm>> -> memref<128xi32, #tpu.memory_space<hbm>>
    tpu.wait_dma2 semaphore(%arg21 : memref<!tpu.dma_semaphore, #tpu.memory_space<semaphore_mem>>) src(%dma_wait3A_151 : memref<128xi32, #tpu.memory_space<hbm>>) dst(%dma_wait3A_149 : memref<128xi32, #tpu.memory_space<vmem>>)
    %dma_wait3A_152 = arith.constant 2 : i32
    %dma_wait3A_153 = arith.constant 0 : i32
    %dma_wait3A_154 = tpu.memref_slice %arg10[%dma_wait3A_152, %dma_wait3A_153] : memref<4x128xi32, #tpu.memory_space<vmem>> -> memref<1x128xi32, #tpu.memory_space<vmem>>
    %dma_wait3A_155 = tpu.memref_squeeze %dma_wait3A_154 : memref<1x128xi32, #tpu.memory_space<vmem>> -> memref<128xi32, #tpu.memory_space<vmem>>
    %dma_wait3A_156 = arith.constant 0 : i32
    %dma_wait3A_157 = tpu.memref_slice %arg4[%dma_wait3A_156] : memref<7680xi32, #tpu.memory_space<hbm>> -> memref<128xi32, #tpu.memory_space<hbm>>
    %dma_wait3A_158 = arith.constant 0 : i32
    %dma_wait3A_159 = tpu.memref_slice %arg10[%dma_wait3A_152, %dma_wait3A_158] : memref<4x128xi32, #tpu.memory_space<vmem>> -> memref<1x128xi32, #tpu.memory_space<vmem>>
    %dma_wait3A_160 = tpu.memref_squeeze %dma_wait3A_159 : memref<1x128xi32, #tpu.memory_space<vmem>> -> memref<128xi32, #tpu.memory_space<vmem>>
    %dma_wait3A_161 = arith.constant 0 : i32
    %dma_wait3A_162 = tpu.memref_slice %arg4[%dma_wait3A_161] : memref<7680xi32, #tpu.memory_space<hbm>> -> memref<128xi32, #tpu.memory_space<hbm>>
    tpu.wait_dma2 semaphore(%arg21 : memref<!tpu.dma_semaphore, #tpu.memory_space<semaphore_mem>>) src(%dma_wait3A_162 : memref<128xi32, #tpu.memory_space<hbm>>) dst(%dma_wait3A_160 : memref<128xi32, #tpu.memory_space<vmem>>)
    %dma_wait3A_163 = arith.constant 2 : i32
    %dma_wait3A_164 = arith.constant 0 : i32
    %dma_wait3A_165 = tpu.memref_slice %arg11[%dma_wait3A_163, %dma_wait3A_164] : memref<4x128xi32, #tpu.memory_space<vmem>> -> memref<1x128xi32, #tpu.memory_space<vmem>>
    %dma_wait3A_166 = tpu.memref_squeeze %dma_wait3A_165 : memref<1x128xi32, #tpu.memory_space<vmem>> -> memref<128xi32, #tpu.memory_space<vmem>>
    %dma_wait3A_167 = arith.constant 0 : i32
    %dma_wait3A_168 = tpu.memref_slice %arg4[%dma_wait3A_167] : memref<7680xi32, #tpu.memory_space<hbm>> -> memref<128xi32, #tpu.memory_space<hbm>>
    %dma_wait3A_169 = arith.constant 0 : i32
    %dma_wait3A_170 = tpu.memref_slice %arg11[%dma_wait3A_163, %dma_wait3A_169] : memref<4x128xi32, #tpu.memory_space<vmem>> -> memref<1x128xi32, #tpu.memory_space<vmem>>
    %dma_wait3A_171 = tpu.memref_squeeze %dma_wait3A_170 : memref<1x128xi32, #tpu.memory_space<vmem>> -> memref<128xi32, #tpu.memory_space<vmem>>
    %dma_wait3A_172 = arith.constant 0 : i32
    %dma_wait3A_173 = tpu.memref_slice %arg4[%dma_wait3A_172] : memref<7680xi32, #tpu.memory_space<hbm>> -> memref<128xi32, #tpu.memory_space<hbm>>
    tpu.wait_dma2 semaphore(%arg21 : memref<!tpu.dma_semaphore, #tpu.memory_space<semaphore_mem>>) src(%dma_wait3A_173 : memref<128xi32, #tpu.memory_space<hbm>>) dst(%dma_wait3A_171 : memref<128xi32, #tpu.memory_space<vmem>>)
    %dma_wait3A_174 = arith.constant 3 : i32
    %dma_wait3A_175 = arith.constant 0 : i32
    %dma_wait3A_176 = tpu.memref_slice %arg10[%dma_wait3A_174, %dma_wait3A_175] : memref<4x128xi32, #tpu.memory_space<vmem>> -> memref<1x128xi32, #tpu.memory_space<vmem>>
    %dma_wait3A_177 = tpu.memref_squeeze %dma_wait3A_176 : memref<1x128xi32, #tpu.memory_space<vmem>> -> memref<128xi32, #tpu.memory_space<vmem>>
    %dma_wait3A_178 = arith.constant 0 : i32
    %dma_wait3A_179 = tpu.memref_slice %arg4[%dma_wait3A_178] : memref<7680xi32, #tpu.memory_space<hbm>> -> memref<128xi32, #tpu.memory_space<hbm>>
    %dma_wait3A_180 = arith.constant 0 : i32
    %dma_wait3A_181 = tpu.memref_slice %arg10[%dma_wait3A_174, %dma_wait3A_180] : memref<4x128xi32, #tpu.memory_space<vmem>> -> memref<1x128xi32, #tpu.memory_space<vmem>>
    %dma_wait3A_182 = tpu.memref_squeeze %dma_wait3A_181 : memref<1x128xi32, #tpu.memory_space<vmem>> -> memref<128xi32, #tpu.memory_space<vmem>>
    %dma_wait3A_183 = arith.constant 0 : i32
    %dma_wait3A_184 = tpu.memref_slice %arg4[%dma_wait3A_183] : memref<7680xi32, #tpu.memory_space<hbm>> -> memref<128xi32, #tpu.memory_space<hbm>>
    tpu.wait_dma2 semaphore(%arg21 : memref<!tpu.dma_semaphore, #tpu.memory_space<semaphore_mem>>) src(%dma_wait3A_184 : memref<128xi32, #tpu.memory_space<hbm>>) dst(%dma_wait3A_182 : memref<128xi32, #tpu.memory_space<vmem>>)
    %dma_wait3A_185 = arith.constant 3 : i32
    %dma_wait3A_186 = arith.constant 0 : i32
    %dma_wait3A_187 = tpu.memref_slice %arg11[%dma_wait3A_185, %dma_wait3A_186] : memref<4x128xi32, #tpu.memory_space<vmem>> -> memref<1x128xi32, #tpu.memory_space<vmem>>
    %dma_wait3A_188 = tpu.memref_squeeze %dma_wait3A_187 : memref<1x128xi32, #tpu.memory_space<vmem>> -> memref<128xi32, #tpu.memory_space<vmem>>
    %dma_wait3A_189 = arith.constant 0 : i32
    %dma_wait3A_190 = tpu.memref_slice %arg4[%dma_wait3A_189] : memref<7680xi32, #tpu.memory_space<hbm>> -> memref<128xi32, #tpu.memory_space<hbm>>
    %dma_wait3A_191 = arith.constant 0 : i32
    %dma_wait3A_192 = tpu.memref_slice %arg11[%dma_wait3A_185, %dma_wait3A_191] : memref<4x128xi32, #tpu.memory_space<vmem>> -> memref<1x128xi32, #tpu.memory_space<vmem>>
    %dma_wait3A_193 = tpu.memref_squeeze %dma_wait3A_192 : memref<1x128xi32, #tpu.memory_space<vmem>> -> memref<128xi32, #tpu.memory_space<vmem>>
    %dma_wait3A_194 = arith.constant 0 : i32
    %dma_wait3A_195 = tpu.memref_slice %arg4[%dma_wait3A_194] : memref<7680xi32, #tpu.memory_space<hbm>> -> memref<128xi32, #tpu.memory_space<hbm>>
    tpu.wait_dma2 semaphore(%arg21 : memref<!tpu.dma_semaphore, #tpu.memory_space<semaphore_mem>>) src(%dma_wait3A_195 : memref<128xi32, #tpu.memory_space<hbm>>) dst(%dma_wait3A_193 : memref<128xi32, #tpu.memory_space<vmem>>)
    %dma_start3A = arith.constant 0 : i32
    %dma_start3A_196 = arith.constant 0 : i32
    %dma_start3A_197 = arith.constant 0 : i32
    %dma_start3A_198 = tpu.memref_slice %arg14[%dma_start3A_196, %dma_start3A_197] : memref<128x128xf32, #tpu.memory_space<vmem>> -> memref<128x128xf32, #tpu.memory_space<vmem>>
    %dma_start3A_199 = arith.constant 0 : i32
    %dma_start3A_200 = tpu.memref_slice %arg10[%dma_start3A, %dma_start3A_199] : memref<4x128xi32, #tpu.memory_space<vmem>> -> memref<1x128xi32, #tpu.memory_space<vmem>>
    %dma_start3A_201 = tpu.memref_squeeze %dma_start3A_200 : memref<1x128xi32, #tpu.memory_space<vmem>> -> memref<128xi32, #tpu.memory_space<vmem>>
    %dma_start3A_202 = arith.constant 0 : i32
    %dma_start3A_203 = arith.constant 0 : i32
    %dma_start3A_204 = tpu.memref_slice %arg2[%dma_start3A_202, %dma_start3A_203] : memref<10000x128xf32, #tpu.memory_space<hbm>> -> memref<10000x128xf32, #tpu.memory_space<hbm>>
    tpu.enqueue_indirect_dma source(%dma_start3A_204 : memref<10000x128xf32, #tpu.memory_space<hbm>>) target(%dma_start3A_198 : memref<128x128xf32, #tpu.memory_space<vmem>>) offsets(%dma_start3A_201 : memref<128xi32, #tpu.memory_space<vmem>>) semaphore(%arg17 : memref<!tpu.dma_semaphore, #tpu.memory_space<semaphore_mem>>)
    %scan3A_205 = arith.constant 0 : i32
    %scan3A_206 = arith.constant 0 : i32
    %scan3A_207 = arith.constant 10 : i32
    %scan3A_208 = arith.addi %scan3A_206, %scan3A_207 : i32
    %scan3A_209 = arith.constant 1 : i32
    scf.for %scan3A_238 = %scan3A_206 to %scan3A_208 step %scan3A_209  : i32 {
      %mul3A_239 = arith.constant 2 : i32
      %mul3A_240 = arith.muli %mul3A_239, %scan3A_238 : i32
      %dma_wait3A_241 = arith.constant 0 : i32
      %dma_wait3A_242 = arith.constant 0 : i32
      %dma_wait3A_243 = arith.constant 0 : i32
      %dma_wait3A_244 = tpu.memref_slice %arg14[%dma_wait3A_242, %dma_wait3A_243] : memref<128x128xf32, #tpu.memory_space<vmem>> -> memref<128x128xf32, #tpu.memory_space<vmem>>
      %dma_wait3A_245 = arith.constant 0 : i32
      %dma_wait3A_246 = tpu.memref_slice %arg10[%dma_wait3A_241, %dma_wait3A_245] : memref<4x128xi32, #tpu.memory_space<vmem>> -> memref<1x128xi32, #tpu.memory_space<vmem>>
      %dma_wait3A_247 = tpu.memref_squeeze %dma_wait3A_246 : memref<1x128xi32, #tpu.memory_space<vmem>> -> memref<128xi32, #tpu.memory_space<vmem>>
      %dma_wait3A_248 = arith.constant 0 : i32
      %dma_wait3A_249 = arith.constant 0 : i32
      %dma_wait3A_250 = tpu.memref_slice %arg2[%dma_wait3A_248, %dma_wait3A_249] : memref<10000x128xf32, #tpu.memory_space<hbm>> -> memref<10000x128xf32, #tpu.memory_space<hbm>>
      tpu.wait_indirect_dma semaphore(%arg17 : memref<!tpu.dma_semaphore, #tpu.memory_space<semaphore_mem>>) src(%dma_wait3A_250 : memref<10000x128xf32, #tpu.memory_space<hbm>>) dst(%dma_wait3A_244 : memref<128x128xf32, #tpu.memory_space<vmem>>)
      %gt3A = arith.constant 0 : i32
      %gt3A_251 = arith.cmpi sgt, %mul3A_240, %gt3A : i32
      %convert_element_type3A_252 = arith.extui %gt3A_251 : i1 to i32
      %cond3A_253 = arith.constant 0 : i32
      %cond3A_254 = arith.cmpi ne, %convert_element_type3A_252, %cond3A_253 : i32
      scf.if %cond3A_254 {
        %dma_wait3A_604 = arith.constant 0 : i32
        %dma_wait3A_605 = arith.constant 0 : i32
        %dma_wait3A_606 = tpu.memref_slice %arg11[%dma_wait3A_604, %dma_wait3A_605] : memref<4x128xi32, #tpu.memory_space<vmem>> -> memref<1x128xi32, #tpu.memory_space<vmem>>
        %dma_wait3A_607 = tpu.memref_squeeze %dma_wait3A_606 : memref<1x128xi32, #tpu.memory_space<vmem>> -> memref<128xi32, #tpu.memory_space<vmem>>
        %dma_wait3A_608 = arith.constant 0 : i32
        %dma_wait3A_609 = arith.constant 0 : i32
        %dma_wait3A_610 = tpu.memref_slice %arg16[%dma_wait3A_608, %dma_wait3A_609] : memref<10112x128xf32, #tpu.memory_space<vmem_shared>> -> memref<10112x128xf32, #tpu.memory_space<vmem_shared>>
        tpu.wait_indirect_dma semaphore(%arg20 : memref<!tpu.dma_semaphore, #tpu.memory_space<semaphore_mem>>) src(%arg15 : memref<128x128xf32, #tpu.memory_space<vmem>>) dst(%dma_wait3A_610 : memref<10112x128xf32, #tpu.memory_space<vmem_shared>>)
        %dma_wait3A_611 = arith.constant 0 : i32
        %dma_wait3A_612 = arith.constant 0 : i32
        %dma_wait3A_613 = tpu.memref_slice %arg11[%dma_wait3A_611, %dma_wait3A_612] : memref<4x128xi32, #tpu.memory_space<vmem>> -> memref<1x128xi32, #tpu.memory_space<vmem>>
        %dma_wait3A_614 = tpu.memref_squeeze %dma_wait3A_613 : memref<1x128xi32, #tpu.memory_space<vmem>> -> memref<128xi32, #tpu.memory_space<vmem>>
        %dma_wait3A_615 = arith.constant 0 : i32
        %dma_wait3A_616 = tpu.memref_slice %arg24[%dma_wait3A_615] : memref<10240xf32, #tpu.memory_space<vmem_shared>> -> memref<10240xf32, #tpu.memory_space<vmem_shared>>
        tpu.wait_indirect_dma semaphore(%arg20 : memref<!tpu.dma_semaphore, #tpu.memory_space<semaphore_mem>>) src(%arg23 : memref<128xf32, #tpu.memory_space<vmem>>) dst(%dma_wait3A_616 : memref<10240xf32, #tpu.memory_space<vmem_shared>>)
      } else {
      }
      %dma_start3A_255 = arith.constant 1 : i32
      %dma_start3A_256 = arith.constant 0 : i32
      %dma_start3A_257 = arith.constant 0 : i32
      %dma_start3A_258 = tpu.memref_slice %arg15[%dma_start3A_256, %dma_start3A_257] : memref<128x128xf32, #tpu.memory_space<vmem>> -> memref<128x128xf32, #tpu.memory_space<vmem>>
      %dma_start3A_259 = arith.constant 0 : i32
      %dma_start3A_260 = tpu.memref_slice %arg10[%dma_start3A_255, %dma_start3A_259] : memref<4x128xi32, #tpu.memory_space<vmem>> -> memref<1x128xi32, #tpu.memory_space<vmem>>
      %dma_start3A_261 = tpu.memref_squeeze %dma_start3A_260 : memref<1x128xi32, #tpu.memory_space<vmem>> -> memref<128xi32, #tpu.memory_space<vmem>>
      %dma_start3A_262 = arith.constant 0 : i32
      %dma_start3A_263 = arith.constant 0 : i32
      %dma_start3A_264 = tpu.memref_slice %arg2[%dma_start3A_262, %dma_start3A_263] : memref<10000x128xf32, #tpu.memory_space<hbm>> -> memref<10000x128xf32, #tpu.memory_space<hbm>>
      tpu.enqueue_indirect_dma source(%dma_start3A_264 : memref<10000x128xf32, #tpu.memory_space<hbm>>) target(%dma_start3A_258 : memref<128x128xf32, #tpu.memory_space<vmem>>) offsets(%dma_start3A_261 : memref<128xi32, #tpu.memory_space<vmem>>) semaphore(%arg18 : memref<!tpu.dma_semaphore, #tpu.memory_space<semaphore_mem>>)
      %dma_start3A_265 = arith.constant 0 : i32
      %dma_start3A_266 = arith.constant 0 : i32
      %dma_start3A_267 = tpu.memref_slice %arg11[%dma_start3A_265, %dma_start3A_266] : memref<4x128xi32, #tpu.memory_space<vmem>> -> memref<1x128xi32, #tpu.memory_space<vmem>>
      %dma_start3A_268 = tpu.memref_squeeze %dma_start3A_267 : memref<1x128xi32, #tpu.memory_space<vmem>> -> memref<128xi32, #tpu.memory_space<vmem>>
      %dma_start3A_269 = arith.constant 0 : i32
      %dma_start3A_270 = arith.constant 0 : i32
      %dma_start3A_271 = tpu.memref_slice %arg16[%dma_start3A_269, %dma_start3A_270] : memref<10112x128xf32, #tpu.memory_space<vmem_shared>> -> memref<10112x128xf32, #tpu.memory_space<vmem_shared>>
      tpu.enqueue_indirect_dma source(%arg14 : memref<128x128xf32, #tpu.memory_space<vmem>>) target(%dma_start3A_271 : memref<10112x128xf32, #tpu.memory_space<vmem_shared>>) offsets(%dma_start3A_268 : memref<128xi32, #tpu.memory_space<vmem>>) semaphore(%arg19 : memref<!tpu.dma_semaphore, #tpu.memory_space<semaphore_mem>>) {add = true}
      %dma_start3A_272 = arith.constant 0 : i32
      %dma_start3A_273 = arith.constant 0 : i32
      %dma_start3A_274 = tpu.memref_slice %arg11[%dma_start3A_272, %dma_start3A_273] : memref<4x128xi32, #tpu.memory_space<vmem>> -> memref<1x128xi32, #tpu.memory_space<vmem>>
      %dma_start3A_275 = tpu.memref_squeeze %dma_start3A_274 : memref<1x128xi32, #tpu.memory_space<vmem>> -> memref<128xi32, #tpu.memory_space<vmem>>
      %dma_start3A_276 = arith.constant 0 : i32
      %dma_start3A_277 = tpu.memref_slice %arg24[%dma_start3A_276] : memref<10240xf32, #tpu.memory_space<vmem_shared>> -> memref<10240xf32, #tpu.memory_space<vmem_shared>>
      tpu.enqueue_indirect_dma source(%arg23 : memref<128xf32, #tpu.memory_space<vmem>>) target(%dma_start3A_277 : memref<10240xf32, #tpu.memory_space<vmem_shared>>) offsets(%dma_start3A_275 : memref<128xi32, #tpu.memory_space<vmem>>) semaphore(%arg19 : memref<!tpu.dma_semaphore, #tpu.memory_space<semaphore_mem>>) {add = true}
      %dma_wait3A_278 = arith.constant 0 : i32
      %dma_wait3A_279 = arith.constant 0 : i32
      %dma_wait3A_280 = arith.constant 0 : i32
      %dma_wait3A_281 = tpu.memref_slice %arg15[%dma_wait3A_279, %dma_wait3A_280] : memref<128x128xf32, #tpu.memory_space<vmem>> -> memref<128x128xf32, #tpu.memory_space<vmem>>
      %dma_wait3A_282 = arith.constant 0 : i32
      %dma_wait3A_283 = tpu.memref_slice %arg10[%dma_wait3A_278, %dma_wait3A_282] : memref<4x128xi32, #tpu.memory_space<vmem>> -> memref<1x128xi32, #tpu.memory_space<vmem>>
      %dma_wait3A_284 = tpu.memref_squeeze %dma_wait3A_283 : memref<1x128xi32, #tpu.memory_space<vmem>> -> memref<128xi32, #tpu.memory_space<vmem>>
      %dma_wait3A_285 = arith.constant 0 : i32
      %dma_wait3A_286 = arith.constant 0 : i32
      %dma_wait3A_287 = tpu.memref_slice %arg2[%dma_wait3A_285, %dma_wait3A_286] : memref<10000x128xf32, #tpu.memory_space<hbm>> -> memref<10000x128xf32, #tpu.memory_space<hbm>>
      tpu.wait_indirect_dma semaphore(%arg18 : memref<!tpu.dma_semaphore, #tpu.memory_space<semaphore_mem>>) src(%dma_wait3A_287 : memref<10000x128xf32, #tpu.memory_space<hbm>>) dst(%dma_wait3A_281 : memref<128x128xf32, #tpu.memory_space<vmem>>)
      %dma_wait3A_288 = arith.constant 0 : i32
      %dma_wait3A_289 = arith.constant 0 : i32
      %dma_wait3A_290 = tpu.memref_slice %arg11[%dma_wait3A_288, %dma_wait3A_289] : memref<4x128xi32, #tpu.memory_space<vmem>> -> memref<1x128xi32, #tpu.memory_space<vmem>>
      %dma_wait3A_291 = tpu.memref_squeeze %dma_wait3A_290 : memref<1x128xi32, #tpu.memory_space<vmem>> -> memref<128xi32, #tpu.memory_space<vmem>>
      %dma_wait3A_292 = arith.constant 0 : i32
      %dma_wait3A_293 = arith.constant 0 : i32
      %dma_wait3A_294 = tpu.memref_slice %arg16[%dma_wait3A_292, %dma_wait3A_293] : memref<10112x128xf32, #tpu.memory_space<vmem_shared>> -> memref<10112x128xf32, #tpu.memory_space<vmem_shared>>
      tpu.wait_indirect_dma semaphore(%arg19 : memref<!tpu.dma_semaphore, #tpu.memory_space<semaphore_mem>>) src(%arg14 : memref<128x128xf32, #tpu.memory_space<vmem>>) dst(%dma_wait3A_294 : memref<10112x128xf32, #tpu.memory_space<vmem_shared>>)
      %dma_wait3A_295 = arith.constant 0 : i32
      %dma_wait3A_296 = arith.constant 0 : i32
      %dma_wait3A_297 = tpu.memref_slice %arg11[%dma_wait3A_295, %dma_wait3A_296] : memref<4x128xi32, #tpu.memory_space<vmem>> -> memref<1x128xi32, #tpu.memory_space<vmem>>
      %dma_wait3A_298 = tpu.memref_squeeze %dma_wait3A_297 : memref<1x128xi32, #tpu.memory_space<vmem>> -> memref<128xi32, #tpu.memory_space<vmem>>
      %dma_wait3A_299 = arith.constant 0 : i32
      %dma_wait3A_300 = tpu.memref_slice %arg24[%dma_wait3A_299] : memref<10240xf32, #tpu.memory_space<vmem_shared>> -> memref<10240xf32, #tpu.memory_space<vmem_shared>>
      tpu.wait_indirect_dma semaphore(%arg19 : memref<!tpu.dma_semaphore, #tpu.memory_space<semaphore_mem>>) src(%arg23 : memref<128xf32, #tpu.memory_space<vmem>>) dst(%dma_wait3A_300 : memref<10240xf32, #tpu.memory_space<vmem_shared>>)
      %dma_start3A_301 = arith.constant 2 : i32
      %dma_start3A_302 = arith.constant 0 : i32
      %dma_start3A_303 = arith.constant 0 : i32
      %dma_start3A_304 = tpu.memref_slice %arg14[%dma_start3A_302, %dma_start3A_303] : memref<128x128xf32, #tpu.memory_space<vmem>> -> memref<128x128xf32, #tpu.memory_space<vmem>>
      %dma_start3A_305 = arith.constant 0 : i32
      %dma_start3A_306 = tpu.memref_slice %arg10[%dma_start3A_301, %dma_start3A_305] : memref<4x128xi32, #tpu.memory_space<vmem>> -> memref<1x128xi32, #tpu.memory_space<vmem>>
      %dma_start3A_307 = tpu.memref_squeeze %dma_start3A_306 : memref<1x128xi32, #tpu.memory_space<vmem>> -> memref<128xi32, #tpu.memory_space<vmem>>
      %dma_start3A_308 = arith.constant 0 : i32
      %dma_start3A_309 = arith.constant 0 : i32
      %dma_start3A_310 = tpu.memref_slice %arg2[%dma_start3A_308, %dma_start3A_309] : memref<10000x128xf32, #tpu.memory_space<hbm>> -> memref<10000x128xf32, #tpu.memory_space<hbm>>
      tpu.enqueue_indirect_dma source(%dma_start3A_310 : memref<10000x128xf32, #tpu.memory_space<hbm>>) target(%dma_start3A_304 : memref<128x128xf32, #tpu.memory_space<vmem>>) offsets(%dma_start3A_307 : memref<128xi32, #tpu.memory_space<vmem>>) semaphore(%arg17 : memref<!tpu.dma_semaphore, #tpu.memory_space<semaphore_mem>>)
      %dma_start3A_311 = arith.constant 1 : i32
      %dma_start3A_312 = arith.constant 0 : i32
      %dma_start3A_313 = tpu.memref_slice %arg11[%dma_start3A_311, %dma_start3A_312] : memref<4x128xi32, #tpu.memory_space<vmem>> -> memref<1x128xi32, #tpu.memory_space<vmem>>
      %dma_start3A_314 = tpu.memref_squeeze %dma_start3A_313 : memref<1x128xi32, #tpu.memory_space<vmem>> -> memref<128xi32, #tpu.memory_space<vmem>>
      %dma_start3A_315 = arith.constant 0 : i32
      %dma_start3A_316 = arith.constant 0 : i32
      %dma_start3A_317 = tpu.memref_slice %arg16[%dma_start3A_315, %dma_start3A_316] : memref<10112x128xf32, #tpu.memory_space<vmem_shared>> -> memref<10112x128xf32, #tpu.memory_space<vmem_shared>>
      tpu.enqueue_indirect_dma source(%arg15 : memref<128x128xf32, #tpu.memory_space<vmem>>) target(%dma_start3A_317 : memref<10112x128xf32, #tpu.memory_space<vmem_shared>>) offsets(%dma_start3A_314 : memref<128xi32, #tpu.memory_space<vmem>>) semaphore(%arg20 : memref<!tpu.dma_semaphore, #tpu.memory_space<semaphore_mem>>) {add = true}
      %dma_start3A_318 = arith.constant 1 : i32
      %dma_start3A_319 = arith.constant 0 : i32
      %dma_start3A_320 = tpu.memref_slice %arg11[%dma_start3A_318, %dma_start3A_319] : memref<4x128xi32, #tpu.memory_space<vmem>> -> memref<1x128xi32, #tpu.memory_space<vmem>>
      %dma_start3A_321 = tpu.memref_squeeze %dma_start3A_320 : memref<1x128xi32, #tpu.memory_space<vmem>> -> memref<128xi32, #tpu.memory_space<vmem>>
      %dma_start3A_322 = arith.constant 0 : i32
      %dma_start3A_323 = tpu.memref_slice %arg24[%dma_start3A_322] : memref<10240xf32, #tpu.memory_space<vmem_shared>> -> memref<10240xf32, #tpu.memory_space<vmem_shared>>
      tpu.enqueue_indirect_dma source(%arg23 : memref<128xf32, #tpu.memory_space<vmem>>) target(%dma_start3A_323 : memref<10240xf32, #tpu.memory_space<vmem_shared>>) offsets(%dma_start3A_321 : memref<128xi32, #tpu.memory_space<vmem>>) semaphore(%arg20 : memref<!tpu.dma_semaphore, #tpu.memory_space<semaphore_mem>>) {add = true}
      %add3A_324 = arith.constant 1 : i32
      %add3A_325 = arith.addi %mul3A_240, %add3A_324 : i32
      %lt3A_326 = arith.constant 20 : i32
      %lt3A_327 = arith.cmpi slt, %add3A_325, %lt3A_326 : i32
      %convert_element_type3A_328 = arith.extui %lt3A_327 : i1 to i32
      %cond3A_329 = arith.constant 0 : i32
      %cond3A_330 = arith.cmpi ne, %convert_element_type3A_328, %cond3A_329 : i32
      scf.if %cond3A_330 {
        %add3A_604 = arith.constant 1 : i32
        %add3A_605 = arith.addi %mul3A_240, %add3A_604 : i32
        %mul3A_606 = arith.constant 4 : i32
        %mul3A_607 = arith.muli %add3A_605, %mul3A_606 : i32
        %add3A_608 = arith.addi %mul3A_56, %mul3A_607 : i32
        %add3A_609 = arith.constant 0 : i32
        %add3A_610 = arith.addi %add3A_608, %add3A_609 : i32
        %lt3A_611 = arith.constant 2500 : i32
        %lt3A_612 = arith.cmpi slt, %add3A_610, %lt3A_611 : i32
        %convert_element_type3A_613 = arith.extui %lt3A_612 : i1 to i32
        %cond3A_614 = arith.constant 0 : i32
        %cond3A_615 = arith.cmpi ne, %convert_element_type3A_613, %cond3A_614 : i32
        scf.if %cond3A_615 {
          %mul3A_666 = arith.constant 128 : i32
          %mul3A_667 = arith.muli %add3A_610, %mul3A_666 : i32
          %dma_start3A_668 = arith.constant 0 : i32
          %dma_start3A_669 = arith.constant 0 : i32
          %dma_start3A_670 = arith.constant 0 : i32
          %dma_start3A_671 = tpu.memref_slice %arg12[%dma_start3A_669, %dma_start3A_670] : memref<4x128xi32, #tpu.memory_space<vmem>> -> memref<1x128xi32, #tpu.memory_space<vmem>>
          %dma_start3A_672 = tpu.memref_squeeze %dma_start3A_671 : memref<1x128xi32, #tpu.memory_space<vmem>> -> memref<128xi32, #tpu.memory_space<vmem>>
          %dma_start3A_673 = tpu.memref_slice %arg3[%dma_start3A_668, %mul3A_667] : memref<2x320000xi32, #tpu.memory_space<hbm>> -> memref<1x128xi32, #tpu.memory_space<hbm>>
          %dma_start3A_674 = tpu.memref_squeeze %dma_start3A_673 : memref<1x128xi32, #tpu.memory_space<hbm>> -> memref<128xi32, #tpu.memory_space<hbm>>
          %dma_start3A_675 = arith.constant 0 : i32
          %dma_start3A_676 = tpu.memref_slice %arg12[%dma_start3A_669, %dma_start3A_675] : memref<4x128xi32, #tpu.memory_space<vmem>> -> memref<1x128xi32, #tpu.memory_space<vmem>>
          %dma_start3A_677 = tpu.memref_squeeze %dma_start3A_676 : memref<1x128xi32, #tpu.memory_space<vmem>> -> memref<128xi32, #tpu.memory_space<vmem>>
          %dma_start3A_678 = tpu.memref_slice %arg3[%dma_start3A_668, %mul3A_667] : memref<2x320000xi32, #tpu.memory_space<hbm>> -> memref<1x128xi32, #tpu.memory_space<hbm>>
          %dma_start3A_679 = tpu.memref_squeeze %dma_start3A_678 : memref<1x128xi32, #tpu.memory_space<hbm>> -> memref<128xi32, #tpu.memory_space<hbm>>
          tpu.enqueue_dma source(%dma_start3A_679 : memref<128xi32, #tpu.memory_space<hbm>>) target(%dma_start3A_677 : memref<128xi32, #tpu.memory_space<vmem>>) target_semaphore(%arg22 : memref<!tpu.dma_semaphore, #tpu.memory_space<semaphore_mem>>)
          %dma_start3A_680 = arith.constant 1 : i32
          %dma_start3A_681 = arith.constant 0 : i32
          %dma_start3A_682 = arith.constant 0 : i32
          %dma_start3A_683 = tpu.memref_slice %arg13[%dma_start3A_681, %dma_start3A_682] : memref<4x128xi32, #tpu.memory_space<vmem>> -> memref<1x128xi32, #tpu.memory_space<vmem>>
          %dma_start3A_684 = tpu.memref_squeeze %dma_start3A_683 : memref<1x128xi32, #tpu.memory_space<vmem>> -> memref<128xi32, #tpu.memory_space<vmem>>
          %dma_start3A_685 = tpu.memref_slice %arg3[%dma_start3A_680, %mul3A_667] : memref<2x320000xi32, #tpu.memory_space<hbm>> -> memref<1x128xi32, #tpu.memory_space<hbm>>
          %dma_start3A_686 = tpu.memref_squeeze %dma_start3A_685 : memref<1x128xi32, #tpu.memory_space<hbm>> -> memref<128xi32, #tpu.memory_space<hbm>>
          %dma_start3A_687 = arith.constant 0 : i32
          %dma_start3A_688 = tpu.memref_slice %arg13[%dma_start3A_681, %dma_start3A_687] : memref<4x128xi32, #tpu.memory_space<vmem>> -> memref<1x128xi32, #tpu.memory_space<vmem>>
          %dma_start3A_689 = tpu.memref_squeeze %dma_start3A_688 : memref<1x128xi32, #tpu.memory_space<vmem>> -> memref<128xi32, #tpu.memory_space<vmem>>
          %dma_start3A_690 = tpu.memref_slice %arg3[%dma_start3A_680, %mul3A_667] : memref<2x320000xi32, #tpu.memory_space<hbm>> -> memref<1x128xi32, #tpu.memory_space<hbm>>
          %dma_start3A_691 = tpu.memref_squeeze %dma_start3A_690 : memref<1x128xi32, #tpu.memory_space<hbm>> -> memref<128xi32, #tpu.memory_space<hbm>>
          tpu.enqueue_dma source(%dma_start3A_691 : memref<128xi32, #tpu.memory_space<hbm>>) target(%dma_start3A_689 : memref<128xi32, #tpu.memory_space<vmem>>) target_semaphore(%arg22 : memref<!tpu.dma_semaphore, #tpu.memory_space<semaphore_mem>>)
        } else {
        }
        %ge3A_616 = arith.constant 2500 : i32
        %ge3A_617 = arith.cmpi sge, %add3A_610, %ge3A_616 : i32
        %convert_element_type3A_618 = arith.extui %ge3A_617 : i1 to i32
        %cond3A_619 = arith.constant 0 : i32
        %cond3A_620 = arith.cmpi ne, %convert_element_type3A_618, %cond3A_619 : i32
        scf.if %cond3A_620 {
          %sub3A = arith.constant 2500 : i32
          %sub3A_666 = arith.subi %add3A_610, %sub3A : i32
          %mul3A_667 = arith.constant 128 : i32
          %mul3A_668 = arith.muli %sub3A_666, %mul3A_667 : i32
          %dma_start3A_669 = arith.constant 0 : i32
          %dma_start3A_670 = arith.constant 0 : i32
          %dma_start3A_671 = tpu.memref_slice %arg12[%dma_start3A_669, %dma_start3A_670] : memref<4x128xi32, #tpu.memory_space<vmem>> -> memref<1x128xi32, #tpu.memory_space<vmem>>
          %dma_start3A_672 = tpu.memref_squeeze %dma_start3A_671 : memref<1x128xi32, #tpu.memory_space<vmem>> -> memref<128xi32, #tpu.memory_space<vmem>>
          %dma_start3A_673 = tpu.memref_slice %arg4[%mul3A_668] : memref<7680xi32, #tpu.memory_space<hbm>> -> memref<128xi32, #tpu.memory_space<hbm>>
          %dma_start3A_674 = arith.constant 0 : i32
          %dma_start3A_675 = tpu.memref_slice %arg12[%dma_start3A_669, %dma_start3A_674] : memref<4x128xi32, #tpu.memory_space<vmem>> -> memref<1x128xi32, #tpu.memory_space<vmem>>
          %dma_start3A_676 = tpu.memref_squeeze %dma_start3A_675 : memref<1x128xi32, #tpu.memory_space<vmem>> -> memref<128xi32, #tpu.memory_space<vmem>>
          %dma_start3A_677 = tpu.memref_slice %arg4[%mul3A_668] : memref<7680xi32, #tpu.memory_space<hbm>> -> memref<128xi32, #tpu.memory_space<hbm>>
          tpu.enqueue_dma source(%dma_start3A_677 : memref<128xi32, #tpu.memory_space<hbm>>) target(%dma_start3A_676 : memref<128xi32, #tpu.memory_space<vmem>>) target_semaphore(%arg22 : memref<!tpu.dma_semaphore, #tpu.memory_space<semaphore_mem>>)
          %dma_start3A_678 = arith.constant 0 : i32
          %dma_start3A_679 = arith.constant 0 : i32
          %dma_start3A_680 = tpu.memref_slice %arg13[%dma_start3A_678, %dma_start3A_679] : memref<4x128xi32, #tpu.memory_space<vmem>> -> memref<1x128xi32, #tpu.memory_space<vmem>>
          %dma_start3A_681 = tpu.memref_squeeze %dma_start3A_680 : memref<1x128xi32, #tpu.memory_space<vmem>> -> memref<128xi32, #tpu.memory_space<vmem>>
          %dma_start3A_682 = tpu.memref_slice %arg5[%mul3A_668] : memref<7680xi32, #tpu.memory_space<hbm>> -> memref<128xi32, #tpu.memory_space<hbm>>
          %dma_start3A_683 = arith.constant 0 : i32
          %dma_start3A_684 = tpu.memref_slice %arg13[%dma_start3A_678, %dma_start3A_683] : memref<4x128xi32, #tpu.memory_space<vmem>> -> memref<1x128xi32, #tpu.memory_space<vmem>>
          %dma_start3A_685 = tpu.memref_squeeze %dma_start3A_684 : memref<1x128xi32, #tpu.memory_space<vmem>> -> memref<128xi32, #tpu.memory_space<vmem>>
          %dma_start3A_686 = tpu.memref_slice %arg5[%mul3A_668] : memref<7680xi32, #tpu.memory_space<hbm>> -> memref<128xi32, #tpu.memory_space<hbm>>
          tpu.enqueue_dma source(%dma_start3A_686 : memref<128xi32, #tpu.memory_space<hbm>>) target(%dma_start3A_685 : memref<128xi32, #tpu.memory_space<vmem>>) target_semaphore(%arg22 : memref<!tpu.dma_semaphore, #tpu.memory_space<semaphore_mem>>)
        } else {
        }
        %mul3A_621 = arith.constant 4 : i32
        %mul3A_622 = arith.muli %add3A_605, %mul3A_621 : i32
        %add3A_623 = arith.addi %mul3A_56, %mul3A_622 : i32
        %add3A_624 = arith.constant 1 : i32
        %add3A_625 = arith.addi %add3A_623, %add3A_624 : i32
        %lt3A_626 = arith.constant 2500 : i32
        %lt3A_627 = arith.cmpi slt, %add3A_625, %lt3A_626 : i32
        %convert_element_type3A_628 = arith.extui %lt3A_627 : i1 to i32
        %cond3A_629 = arith.constant 0 : i32
        %cond3A_630 = arith.cmpi ne, %convert_element_type3A_628, %cond3A_629 : i32
        scf.if %cond3A_630 {
          %mul3A_666 = arith.constant 128 : i32
          %mul3A_667 = arith.muli %add3A_625, %mul3A_666 : i32
          %dma_start3A_668 = arith.constant 0 : i32
          %dma_start3A_669 = arith.constant 1 : i32
          %dma_start3A_670 = arith.constant 0 : i32
          %dma_start3A_671 = tpu.memref_slice %arg12[%dma_start3A_669, %dma_start3A_670] : memref<4x128xi32, #tpu.memory_space<vmem>> -> memref<1x128xi32, #tpu.memory_space<vmem>>
          %dma_start3A_672 = tpu.memref_squeeze %dma_start3A_671 : memref<1x128xi32, #tpu.memory_space<vmem>> -> memref<128xi32, #tpu.memory_space<vmem>>
          %dma_start3A_673 = tpu.memref_slice %arg3[%dma_start3A_668, %mul3A_667] : memref<2x320000xi32, #tpu.memory_space<hbm>> -> memref<1x128xi32, #tpu.memory_space<hbm>>
          %dma_start3A_674 = tpu.memref_squeeze %dma_start3A_673 : memref<1x128xi32, #tpu.memory_space<hbm>> -> memref<128xi32, #tpu.memory_space<hbm>>
          %dma_start3A_675 = arith.constant 0 : i32
          %dma_start3A_676 = tpu.memref_slice %arg12[%dma_start3A_669, %dma_start3A_675] : memref<4x128xi32, #tpu.memory_space<vmem>> -> memref<1x128xi32, #tpu.memory_space<vmem>>
          %dma_start3A_677 = tpu.memref_squeeze %dma_start3A_676 : memref<1x128xi32, #tpu.memory_space<vmem>> -> memref<128xi32, #tpu.memory_space<vmem>>
          %dma_start3A_678 = tpu.memref_slice %arg3[%dma_start3A_668, %mul3A_667] : memref<2x320000xi32, #tpu.memory_space<hbm>> -> memref<1x128xi32, #tpu.memory_space<hbm>>
          %dma_start3A_679 = tpu.memref_squeeze %dma_start3A_678 : memref<1x128xi32, #tpu.memory_space<hbm>> -> memref<128xi32, #tpu.memory_space<hbm>>
          tpu.enqueue_dma source(%dma_start3A_679 : memref<128xi32, #tpu.memory_space<hbm>>) target(%dma_start3A_677 : memref<128xi32, #tpu.memory_space<vmem>>) target_semaphore(%arg22 : memref<!tpu.dma_semaphore, #tpu.memory_space<semaphore_mem>>)
          %dma_start3A_680 = arith.constant 1 : i32
          %dma_start3A_681 = arith.constant 1 : i32
          %dma_start3A_682 = arith.constant 0 : i32
          %dma_start3A_683 = tpu.memref_slice %arg13[%dma_start3A_681, %dma_start3A_682] : memref<4x128xi32, #tpu.memory_space<vmem>> -> memref<1x128xi32, #tpu.memory_space<vmem>>
          %dma_start3A_684 = tpu.memref_squeeze %dma_start3A_683 : memref<1x128xi32, #tpu.memory_space<vmem>> -> memref<128xi32, #tpu.memory_space<vmem>>
          %dma_start3A_685 = tpu.memref_slice %arg3[%dma_start3A_680, %mul3A_667] : memref<2x320000xi32, #tpu.memory_space<hbm>> -> memref<1x128xi32, #tpu.memory_space<hbm>>
          %dma_start3A_686 = tpu.memref_squeeze %dma_start3A_685 : memref<1x128xi32, #tpu.memory_space<hbm>> -> memref<128xi32, #tpu.memory_space<hbm>>
          %dma_start3A_687 = arith.constant 0 : i32
          %dma_start3A_688 = tpu.memref_slice %arg13[%dma_start3A_681, %dma_start3A_687] : memref<4x128xi32, #tpu.memory_space<vmem>> -> memref<1x128xi32, #tpu.memory_space<vmem>>
          %dma_start3A_689 = tpu.memref_squeeze %dma_start3A_688 : memref<1x128xi32, #tpu.memory_space<vmem>> -> memref<128xi32, #tpu.memory_space<vmem>>
          %dma_start3A_690 = tpu.memref_slice %arg3[%dma_start3A_680, %mul3A_667] : memref<2x320000xi32, #tpu.memory_space<hbm>> -> memref<1x128xi32, #tpu.memory_space<hbm>>
          %dma_start3A_691 = tpu.memref_squeeze %dma_start3A_690 : memref<1x128xi32, #tpu.memory_space<hbm>> -> memref<128xi32, #tpu.memory_space<hbm>>
          tpu.enqueue_dma source(%dma_start3A_691 : memref<128xi32, #tpu.memory_space<hbm>>) target(%dma_start3A_689 : memref<128xi32, #tpu.memory_space<vmem>>) target_semaphore(%arg22 : memref<!tpu.dma_semaphore, #tpu.memory_space<semaphore_mem>>)
        } else {
        }
        %ge3A_631 = arith.constant 2500 : i32
        %ge3A_632 = arith.cmpi sge, %add3A_625, %ge3A_631 : i32
        %convert_element_type3A_633 = arith.extui %ge3A_632 : i1 to i32
        %cond3A_634 = arith.constant 0 : i32
        %cond3A_635 = arith.cmpi ne, %convert_element_type3A_633, %cond3A_634 : i32
        scf.if %cond3A_635 {
          %sub3A = arith.constant 2500 : i32
          %sub3A_666 = arith.subi %add3A_625, %sub3A : i32
          %mul3A_667 = arith.constant 128 : i32
          %mul3A_668 = arith.muli %sub3A_666, %mul3A_667 : i32
          %dma_start3A_669 = arith.constant 1 : i32
          %dma_start3A_670 = arith.constant 0 : i32
          %dma_start3A_671 = tpu.memref_slice %arg12[%dma_start3A_669, %dma_start3A_670] : memref<4x128xi32, #tpu.memory_space<vmem>> -> memref<1x128xi32, #tpu.memory_space<vmem>>
          %dma_start3A_672 = tpu.memref_squeeze %dma_start3A_671 : memref<1x128xi32, #tpu.memory_space<vmem>> -> memref<128xi32, #tpu.memory_space<vmem>>
          %dma_start3A_673 = tpu.memref_slice %arg4[%mul3A_668] : memref<7680xi32, #tpu.memory_space<hbm>> -> memref<128xi32, #tpu.memory_space<hbm>>
          %dma_start3A_674 = arith.constant 0 : i32
          %dma_start3A_675 = tpu.memref_slice %arg12[%dma_start3A_669, %dma_start3A_674] : memref<4x128xi32, #tpu.memory_space<vmem>> -> memref<1x128xi32, #tpu.memory_space<vmem>>
          %dma_start3A_676 = tpu.memref_squeeze %dma_start3A_675 : memref<1x128xi32, #tpu.memory_space<vmem>> -> memref<128xi32, #tpu.memory_space<vmem>>
          %dma_start3A_677 = tpu.memref_slice %arg4[%mul3A_668] : memref<7680xi32, #tpu.memory_space<hbm>> -> memref<128xi32, #tpu.memory_space<hbm>>
          tpu.enqueue_dma source(%dma_start3A_677 : memref<128xi32, #tpu.memory_space<hbm>>) target(%dma_start3A_676 : memref<128xi32, #tpu.memory_space<vmem>>) target_semaphore(%arg22 : memref<!tpu.dma_semaphore, #tpu.memory_space<semaphore_mem>>)
          %dma_start3A_678 = arith.constant 1 : i32
          %dma_start3A_679 = arith.constant 0 : i32
          %dma_start3A_680 = tpu.memref_slice %arg13[%dma_start3A_678, %dma_start3A_679] : memref<4x128xi32, #tpu.memory_space<vmem>> -> memref<1x128xi32, #tpu.memory_space<vmem>>
          %dma_start3A_681 = tpu.memref_squeeze %dma_start3A_680 : memref<1x128xi32, #tpu.memory_space<vmem>> -> memref<128xi32, #tpu.memory_space<vmem>>
          %dma_start3A_682 = tpu.memref_slice %arg5[%mul3A_668] : memref<7680xi32, #tpu.memory_space<hbm>> -> memref<128xi32, #tpu.memory_space<hbm>>
          %dma_start3A_683 = arith.constant 0 : i32
          %dma_start3A_684 = tpu.memref_slice %arg13[%dma_start3A_678, %dma_start3A_683] : memref<4x128xi32, #tpu.memory_space<vmem>> -> memref<1x128xi32, #tpu.memory_space<vmem>>
          %dma_start3A_685 = tpu.memref_squeeze %dma_start3A_684 : memref<1x128xi32, #tpu.memory_space<vmem>> -> memref<128xi32, #tpu.memory_space<vmem>>
          %dma_start3A_686 = tpu.memref_slice %arg5[%mul3A_668] : memref<7680xi32, #tpu.memory_space<hbm>> -> memref<128xi32, #tpu.memory_space<hbm>>
          tpu.enqueue_dma source(%dma_start3A_686 : memref<128xi32, #tpu.memory_space<hbm>>) target(%dma_start3A_685 : memref<128xi32, #tpu.memory_space<vmem>>) target_semaphore(%arg22 : memref<!tpu.dma_semaphore, #tpu.memory_space<semaphore_mem>>)
        } else {
        }
        %mul3A_636 = arith.constant 4 : i32
        %mul3A_637 = arith.muli %add3A_605, %mul3A_636 : i32
        %add3A_638 = arith.addi %mul3A_56, %mul3A_637 : i32
        %add3A_639 = arith.constant 2 : i32
        %add3A_640 = arith.addi %add3A_638, %add3A_639 : i32
        %lt3A_641 = arith.constant 2500 : i32
        %lt3A_642 = arith.cmpi slt, %add3A_640, %lt3A_641 : i32
        %convert_element_type3A_643 = arith.extui %lt3A_642 : i1 to i32
        %cond3A_644 = arith.constant 0 : i32
        %cond3A_645 = arith.cmpi ne, %convert_element_type3A_643, %cond3A_644 : i32
        scf.if %cond3A_645 {
          %mul3A_666 = arith.constant 128 : i32
          %mul3A_667 = arith.muli %add3A_640, %mul3A_666 : i32
          %dma_start3A_668 = arith.constant 0 : i32
          %dma_start3A_669 = arith.constant 2 : i32
          %dma_start3A_670 = arith.constant 0 : i32
          %dma_start3A_671 = tpu.memref_slice %arg12[%dma_start3A_669, %dma_start3A_670] : memref<4x128xi32, #tpu.memory_space<vmem>> -> memref<1x128xi32, #tpu.memory_space<vmem>>
          %dma_start3A_672 = tpu.memref_squeeze %dma_start3A_671 : memref<1x128xi32, #tpu.memory_space<vmem>> -> memref<128xi32, #tpu.memory_space<vmem>>
          %dma_start3A_673 = tpu.memref_slice %arg3[%dma_start3A_668, %mul3A_667] : memref<2x320000xi32, #tpu.memory_space<hbm>> -> memref<1x128xi32, #tpu.memory_space<hbm>>
          %dma_start3A_674 = tpu.memref_squeeze %dma_start3A_673 : memref<1x128xi32, #tpu.memory_space<hbm>> -> memref<128xi32, #tpu.memory_space<hbm>>
          %dma_start3A_675 = arith.constant 0 : i32
          %dma_start3A_676 = tpu.memref_slice %arg12[%dma_start3A_669, %dma_start3A_675] : memref<4x128xi32, #tpu.memory_space<vmem>> -> memref<1x128xi32, #tpu.memory_space<vmem>>
          %dma_start3A_677 = tpu.memref_squeeze %dma_start3A_676 : memref<1x128xi32, #tpu.memory_space<vmem>> -> memref<128xi32, #tpu.memory_space<vmem>>
          %dma_start3A_678 = tpu.memref_slice %arg3[%dma_start3A_668, %mul3A_667] : memref<2x320000xi32, #tpu.memory_space<hbm>> -> memref<1x128xi32, #tpu.memory_space<hbm>>
          %dma_start3A_679 = tpu.memref_squeeze %dma_start3A_678 : memref<1x128xi32, #tpu.memory_space<hbm>> -> memref<128xi32, #tpu.memory_space<hbm>>
          tpu.enqueue_dma source(%dma_start3A_679 : memref<128xi32, #tpu.memory_space<hbm>>) target(%dma_start3A_677 : memref<128xi32, #tpu.memory_space<vmem>>) target_semaphore(%arg22 : memref<!tpu.dma_semaphore, #tpu.memory_space<semaphore_mem>>)
          %dma_start3A_680 = arith.constant 1 : i32
          %dma_start3A_681 = arith.constant 2 : i32
          %dma_start3A_682 = arith.constant 0 : i32
          %dma_start3A_683 = tpu.memref_slice %arg13[%dma_start3A_681, %dma_start3A_682] : memref<4x128xi32, #tpu.memory_space<vmem>> -> memref<1x128xi32, #tpu.memory_space<vmem>>
          %dma_start3A_684 = tpu.memref_squeeze %dma_start3A_683 : memref<1x128xi32, #tpu.memory_space<vmem>> -> memref<128xi32, #tpu.memory_space<vmem>>
          %dma_start3A_685 = tpu.memref_slice %arg3[%dma_start3A_680, %mul3A_667] : memref<2x320000xi32, #tpu.memory_space<hbm>> -> memref<1x128xi32, #tpu.memory_space<hbm>>
          %dma_start3A_686 = tpu.memref_squeeze %dma_start3A_685 : memref<1x128xi32, #tpu.memory_space<hbm>> -> memref<128xi32, #tpu.memory_space<hbm>>
          %dma_start3A_687 = arith.constant 0 : i32
          %dma_start3A_688 = tpu.memref_slice %arg13[%dma_start3A_681, %dma_start3A_687] : memref<4x128xi32, #tpu.memory_space<vmem>> -> memref<1x128xi32, #tpu.memory_space<vmem>>
          %dma_start3A_689 = tpu.memref_squeeze %dma_start3A_688 : memref<1x128xi32, #tpu.memory_space<vmem>> -> memref<128xi32, #tpu.memory_space<vmem>>
          %dma_start3A_690 = tpu.memref_slice %arg3[%dma_start3A_680, %mul3A_667] : memref<2x320000xi32, #tpu.memory_space<hbm>> -> memref<1x128xi32, #tpu.memory_space<hbm>>
          %dma_start3A_691 = tpu.memref_squeeze %dma_start3A_690 : memref<1x128xi32, #tpu.memory_space<hbm>> -> memref<128xi32, #tpu.memory_space<hbm>>
          tpu.enqueue_dma source(%dma_start3A_691 : memref<128xi32, #tpu.memory_space<hbm>>) target(%dma_start3A_689 : memref<128xi32, #tpu.memory_space<vmem>>) target_semaphore(%arg22 : memref<!tpu.dma_semaphore, #tpu.memory_space<semaphore_mem>>)
        } else {
        }
        %ge3A_646 = arith.constant 2500 : i32
        %ge3A_647 = arith.cmpi sge, %add3A_640, %ge3A_646 : i32
        %convert_element_type3A_648 = arith.extui %ge3A_647 : i1 to i32
        %cond3A_649 = arith.constant 0 : i32
        %cond3A_650 = arith.cmpi ne, %convert_element_type3A_648, %cond3A_649 : i32
        scf.if %cond3A_650 {
          %sub3A = arith.constant 2500 : i32
          %sub3A_666 = arith.subi %add3A_640, %sub3A : i32
          %mul3A_667 = arith.constant 128 : i32
          %mul3A_668 = arith.muli %sub3A_666, %mul3A_667 : i32
          %dma_start3A_669 = arith.constant 2 : i32
          %dma_start3A_670 = arith.constant 0 : i32
          %dma_start3A_671 = tpu.memref_slice %arg12[%dma_start3A_669, %dma_start3A_670] : memref<4x128xi32, #tpu.memory_space<vmem>> -> memref<1x128xi32, #tpu.memory_space<vmem>>
          %dma_start3A_672 = tpu.memref_squeeze %dma_start3A_671 : memref<1x128xi32, #tpu.memory_space<vmem>> -> memref<128xi32, #tpu.memory_space<vmem>>
          %dma_start3A_673 = tpu.memref_slice %arg4[%mul3A_668] : memref<7680xi32, #tpu.memory_space<hbm>> -> memref<128xi32, #tpu.memory_space<hbm>>
          %dma_start3A_674 = arith.constant 0 : i32
          %dma_start3A_675 = tpu.memref_slice %arg12[%dma_start3A_669, %dma_start3A_674] : memref<4x128xi32, #tpu.memory_space<vmem>> -> memref<1x128xi32, #tpu.memory_space<vmem>>
          %dma_start3A_676 = tpu.memref_squeeze %dma_start3A_675 : memref<1x128xi32, #tpu.memory_space<vmem>> -> memref<128xi32, #tpu.memory_space<vmem>>
          %dma_start3A_677 = tpu.memref_slice %arg4[%mul3A_668] : memref<7680xi32, #tpu.memory_space<hbm>> -> memref<128xi32, #tpu.memory_space<hbm>>
          tpu.enqueue_dma source(%dma_start3A_677 : memref<128xi32, #tpu.memory_space<hbm>>) target(%dma_start3A_676 : memref<128xi32, #tpu.memory_space<vmem>>) target_semaphore(%arg22 : memref<!tpu.dma_semaphore, #tpu.memory_space<semaphore_mem>>)
          %dma_start3A_678 = arith.constant 2 : i32
          %dma_start3A_679 = arith.constant 0 : i32
          %dma_start3A_680 = tpu.memref_slice %arg13[%dma_start3A_678, %dma_start3A_679] : memref<4x128xi32, #tpu.memory_space<vmem>> -> memref<1x128xi32, #tpu.memory_space<vmem>>
          %dma_start3A_681 = tpu.memref_squeeze %dma_start3A_680 : memref<1x128xi32, #tpu.memory_space<vmem>> -> memref<128xi32, #tpu.memory_space<vmem>>
          %dma_start3A_682 = tpu.memref_slice %arg5[%mul3A_668] : memref<7680xi32, #tpu.memory_space<hbm>> -> memref<128xi32, #tpu.memory_space<hbm>>
          %dma_start3A_683 = arith.constant 0 : i32
          %dma_start3A_684 = tpu.memref_slice %arg13[%dma_start3A_678, %dma_start3A_683] : memref<4x128xi32, #tpu.memory_space<vmem>> -> memref<1x128xi32, #tpu.memory_space<vmem>>
          %dma_start3A_685 = tpu.memref_squeeze %dma_start3A_684 : memref<1x128xi32, #tpu.memory_space<vmem>> -> memref<128xi32, #tpu.memory_space<vmem>>
          %dma_start3A_686 = tpu.memref_slice %arg5[%mul3A_668] : memref<7680xi32, #tpu.memory_space<hbm>> -> memref<128xi32, #tpu.memory_space<hbm>>
          tpu.enqueue_dma source(%dma_start3A_686 : memref<128xi32, #tpu.memory_space<hbm>>) target(%dma_start3A_685 : memref<128xi32, #tpu.memory_space<vmem>>) target_semaphore(%arg22 : memref<!tpu.dma_semaphore, #tpu.memory_space<semaphore_mem>>)
        } else {
        }
        %mul3A_651 = arith.constant 4 : i32
        %mul3A_652 = arith.muli %add3A_605, %mul3A_651 : i32
        %add3A_653 = arith.addi %mul3A_56, %mul3A_652 : i32
        %add3A_654 = arith.constant 3 : i32
        %add3A_655 = arith.addi %add3A_653, %add3A_654 : i32
        %lt3A_656 = arith.constant 2500 : i32
        %lt3A_657 = arith.cmpi slt, %add3A_655, %lt3A_656 : i32
        %convert_element_type3A_658 = arith.extui %lt3A_657 : i1 to i32
        %cond3A_659 = arith.constant 0 : i32
        %cond3A_660 = arith.cmpi ne, %convert_element_type3A_658, %cond3A_659 : i32
        scf.if %cond3A_660 {
          %mul3A_666 = arith.constant 128 : i32
          %mul3A_667 = arith.muli %add3A_655, %mul3A_666 : i32
          %dma_start3A_668 = arith.constant 0 : i32
          %dma_start3A_669 = arith.constant 3 : i32
          %dma_start3A_670 = arith.constant 0 : i32
          %dma_start3A_671 = tpu.memref_slice %arg12[%dma_start3A_669, %dma_start3A_670] : memref<4x128xi32, #tpu.memory_space<vmem>> -> memref<1x128xi32, #tpu.memory_space<vmem>>
          %dma_start3A_672 = tpu.memref_squeeze %dma_start3A_671 : memref<1x128xi32, #tpu.memory_space<vmem>> -> memref<128xi32, #tpu.memory_space<vmem>>
          %dma_start3A_673 = tpu.memref_slice %arg3[%dma_start3A_668, %mul3A_667] : memref<2x320000xi32, #tpu.memory_space<hbm>> -> memref<1x128xi32, #tpu.memory_space<hbm>>
          %dma_start3A_674 = tpu.memref_squeeze %dma_start3A_673 : memref<1x128xi32, #tpu.memory_space<hbm>> -> memref<128xi32, #tpu.memory_space<hbm>>
          %dma_start3A_675 = arith.constant 0 : i32
          %dma_start3A_676 = tpu.memref_slice %arg12[%dma_start3A_669, %dma_start3A_675] : memref<4x128xi32, #tpu.memory_space<vmem>> -> memref<1x128xi32, #tpu.memory_space<vmem>>
          %dma_start3A_677 = tpu.memref_squeeze %dma_start3A_676 : memref<1x128xi32, #tpu.memory_space<vmem>> -> memref<128xi32, #tpu.memory_space<vmem>>
          %dma_start3A_678 = tpu.memref_slice %arg3[%dma_start3A_668, %mul3A_667] : memref<2x320000xi32, #tpu.memory_space<hbm>> -> memref<1x128xi32, #tpu.memory_space<hbm>>
          %dma_start3A_679 = tpu.memref_squeeze %dma_start3A_678 : memref<1x128xi32, #tpu.memory_space<hbm>> -> memref<128xi32, #tpu.memory_space<hbm>>
          tpu.enqueue_dma source(%dma_start3A_679 : memref<128xi32, #tpu.memory_space<hbm>>) target(%dma_start3A_677 : memref<128xi32, #tpu.memory_space<vmem>>) target_semaphore(%arg22 : memref<!tpu.dma_semaphore, #tpu.memory_space<semaphore_mem>>)
          %dma_start3A_680 = arith.constant 1 : i32
          %dma_start3A_681 = arith.constant 3 : i32
          %dma_start3A_682 = arith.constant 0 : i32
          %dma_start3A_683 = tpu.memref_slice %arg13[%dma_start3A_681, %dma_start3A_682] : memref<4x128xi32, #tpu.memory_space<vmem>> -> memref<1x128xi32, #tpu.memory_space<vmem>>
          %dma_start3A_684 = tpu.memref_squeeze %dma_start3A_683 : memref<1x128xi32, #tpu.memory_space<vmem>> -> memref<128xi32, #tpu.memory_space<vmem>>
          %dma_start3A_685 = tpu.memref_slice %arg3[%dma_start3A_680, %mul3A_667] : memref<2x320000xi32, #tpu.memory_space<hbm>> -> memref<1x128xi32, #tpu.memory_space<hbm>>
          %dma_start3A_686 = tpu.memref_squeeze %dma_start3A_685 : memref<1x128xi32, #tpu.memory_space<hbm>> -> memref<128xi32, #tpu.memory_space<hbm>>
          %dma_start3A_687 = arith.constant 0 : i32
          %dma_start3A_688 = tpu.memref_slice %arg13[%dma_start3A_681, %dma_start3A_687] : memref<4x128xi32, #tpu.memory_space<vmem>> -> memref<1x128xi32, #tpu.memory_space<vmem>>
          %dma_start3A_689 = tpu.memref_squeeze %dma_start3A_688 : memref<1x128xi32, #tpu.memory_space<vmem>> -> memref<128xi32, #tpu.memory_space<vmem>>
          %dma_start3A_690 = tpu.memref_slice %arg3[%dma_start3A_680, %mul3A_667] : memref<2x320000xi32, #tpu.memory_space<hbm>> -> memref<1x128xi32, #tpu.memory_space<hbm>>
          %dma_start3A_691 = tpu.memref_squeeze %dma_start3A_690 : memref<1x128xi32, #tpu.memory_space<hbm>> -> memref<128xi32, #tpu.memory_space<hbm>>
          tpu.enqueue_dma source(%dma_start3A_691 : memref<128xi32, #tpu.memory_space<hbm>>) target(%dma_start3A_689 : memref<128xi32, #tpu.memory_space<vmem>>) target_semaphore(%arg22 : memref<!tpu.dma_semaphore, #tpu.memory_space<semaphore_mem>>)
        } else {
        }
        %ge3A_661 = arith.constant 2500 : i32
        %ge3A_662 = arith.cmpi sge, %add3A_655, %ge3A_661 : i32
        %convert_element_type3A_663 = arith.extui %ge3A_662 : i1 to i32
        %cond3A_664 = arith.constant 0 : i32
        %cond3A_665 = arith.cmpi ne, %convert_element_type3A_663, %cond3A_664 : i32
        scf.if %cond3A_665 {
          %sub3A = arith.constant 2500 : i32
          %sub3A_666 = arith.subi %add3A_655, %sub3A : i32
          %mul3A_667 = arith.constant 128 : i32
          %mul3A_668 = arith.muli %sub3A_666, %mul3A_667 : i32
          %dma_start3A_669 = arith.constant 3 : i32
          %dma_start3A_670 = arith.constant 0 : i32
          %dma_start3A_671 = tpu.memref_slice %arg12[%dma_start3A_669, %dma_start3A_670] : memref<4x128xi32, #tpu.memory_space<vmem>> -> memref<1x128xi32, #tpu.memory_space<vmem>>
          %dma_start3A_672 = tpu.memref_squeeze %dma_start3A_671 : memref<1x128xi32, #tpu.memory_space<vmem>> -> memref<128xi32, #tpu.memory_space<vmem>>
          %dma_start3A_673 = tpu.memref_slice %arg4[%mul3A_668] : memref<7680xi32, #tpu.memory_space<hbm>> -> memref<128xi32, #tpu.memory_space<hbm>>
          %dma_start3A_674 = arith.constant 0 : i32
          %dma_start3A_675 = tpu.memref_slice %arg12[%dma_start3A_669, %dma_start3A_674] : memref<4x128xi32, #tpu.memory_space<vmem>> -> memref<1x128xi32, #tpu.memory_space<vmem>>
          %dma_start3A_676 = tpu.memref_squeeze %dma_start3A_675 : memref<1x128xi32, #tpu.memory_space<vmem>> -> memref<128xi32, #tpu.memory_space<vmem>>
          %dma_start3A_677 = tpu.memref_slice %arg4[%mul3A_668] : memref<7680xi32, #tpu.memory_space<hbm>> -> memref<128xi32, #tpu.memory_space<hbm>>
          tpu.enqueue_dma source(%dma_start3A_677 : memref<128xi32, #tpu.memory_space<hbm>>) target(%dma_start3A_676 : memref<128xi32, #tpu.memory_space<vmem>>) target_semaphore(%arg22 : memref<!tpu.dma_semaphore, #tpu.memory_space<semaphore_mem>>)
          %dma_start3A_678 = arith.constant 3 : i32
          %dma_start3A_679 = arith.constant 0 : i32
          %dma_start3A_680 = tpu.memref_slice %arg13[%dma_start3A_678, %dma_start3A_679] : memref<4x128xi32, #tpu.memory_space<vmem>> -> memref<1x128xi32, #tpu.memory_space<vmem>>
          %dma_start3A_681 = tpu.memref_squeeze %dma_start3A_680 : memref<1x128xi32, #tpu.memory_space<vmem>> -> memref<128xi32, #tpu.memory_space<vmem>>
          %dma_start3A_682 = tpu.memref_slice %arg5[%mul3A_668] : memref<7680xi32, #tpu.memory_space<hbm>> -> memref<128xi32, #tpu.memory_space<hbm>>
          %dma_start3A_683 = arith.constant 0 : i32
          %dma_start3A_684 = tpu.memref_slice %arg13[%dma_start3A_678, %dma_start3A_683] : memref<4x128xi32, #tpu.memory_space<vmem>> -> memref<1x128xi32, #tpu.memory_space<vmem>>
          %dma_start3A_685 = tpu.memref_squeeze %dma_start3A_684 : memref<1x128xi32, #tpu.memory_space<vmem>> -> memref<128xi32, #tpu.memory_space<vmem>>
          %dma_start3A_686 = tpu.memref_slice %arg5[%mul3A_668] : memref<7680xi32, #tpu.memory_space<hbm>> -> memref<128xi32, #tpu.memory_space<hbm>>
          tpu.enqueue_dma source(%dma_start3A_686 : memref<128xi32, #tpu.memory_space<hbm>>) target(%dma_start3A_685 : memref<128xi32, #tpu.memory_space<vmem>>) target_semaphore(%arg22 : memref<!tpu.dma_semaphore, #tpu.memory_space<semaphore_mem>>)
        } else {
        }
      } else {
      }
      %dma_wait3A_331 = arith.constant 0 : i32
      %dma_wait3A_332 = arith.constant 0 : i32
      %dma_wait3A_333 = arith.constant 0 : i32
      %dma_wait3A_334 = tpu.memref_slice %arg14[%dma_wait3A_332, %dma_wait3A_333] : memref<128x128xf32, #tpu.memory_space<vmem>> -> memref<128x128xf32, #tpu.memory_space<vmem>>
      %dma_wait3A_335 = arith.constant 0 : i32
      %dma_wait3A_336 = tpu.memref_slice %arg10[%dma_wait3A_331, %dma_wait3A_335] : memref<4x128xi32, #tpu.memory_space<vmem>> -> memref<1x128xi32, #tpu.memory_space<vmem>>
      %dma_wait3A_337 = tpu.memref_squeeze %dma_wait3A_336 : memref<1x128xi32, #tpu.memory_space<vmem>> -> memref<128xi32, #tpu.memory_space<vmem>>
      %dma_wait3A_338 = arith.constant 0 : i32
      %dma_wait3A_339 = arith.constant 0 : i32
      %dma_wait3A_340 = tpu.memref_slice %arg2[%dma_wait3A_338, %dma_wait3A_339] : memref<10000x128xf32, #tpu.memory_space<hbm>> -> memref<10000x128xf32, #tpu.memory_space<hbm>>
      tpu.wait_indirect_dma semaphore(%arg17 : memref<!tpu.dma_semaphore, #tpu.memory_space<semaphore_mem>>) src(%dma_wait3A_340 : memref<10000x128xf32, #tpu.memory_space<hbm>>) dst(%dma_wait3A_334 : memref<128x128xf32, #tpu.memory_space<vmem>>)
      %dma_wait3A_341 = arith.constant 0 : i32
      %dma_wait3A_342 = arith.constant 0 : i32
      %dma_wait3A_343 = tpu.memref_slice %arg11[%dma_wait3A_341, %dma_wait3A_342] : memref<4x128xi32, #tpu.memory_space<vmem>> -> memref<1x128xi32, #tpu.memory_space<vmem>>
      %dma_wait3A_344 = tpu.memref_squeeze %dma_wait3A_343 : memref<1x128xi32, #tpu.memory_space<vmem>> -> memref<128xi32, #tpu.memory_space<vmem>>
      %dma_wait3A_345 = arith.constant 0 : i32
      %dma_wait3A_346 = arith.constant 0 : i32
      %dma_wait3A_347 = tpu.memref_slice %arg16[%dma_wait3A_345, %dma_wait3A_346] : memref<10112x128xf32, #tpu.memory_space<vmem_shared>> -> memref<10112x128xf32, #tpu.memory_space<vmem_shared>>
      tpu.wait_indirect_dma semaphore(%arg20 : memref<!tpu.dma_semaphore, #tpu.memory_space<semaphore_mem>>) src(%arg15 : memref<128x128xf32, #tpu.memory_space<vmem>>) dst(%dma_wait3A_347 : memref<10112x128xf32, #tpu.memory_space<vmem_shared>>)
      %dma_wait3A_348 = arith.constant 0 : i32
      %dma_wait3A_349 = arith.constant 0 : i32
      %dma_wait3A_350 = tpu.memref_slice %arg11[%dma_wait3A_348, %dma_wait3A_349] : memref<4x128xi32, #tpu.memory_space<vmem>> -> memref<1x128xi32, #tpu.memory_space<vmem>>
      %dma_wait3A_351 = tpu.memref_squeeze %dma_wait3A_350 : memref<1x128xi32, #tpu.memory_space<vmem>> -> memref<128xi32, #tpu.memory_space<vmem>>
      %dma_wait3A_352 = arith.constant 0 : i32
      %dma_wait3A_353 = tpu.memref_slice %arg24[%dma_wait3A_352] : memref<10240xf32, #tpu.memory_space<vmem_shared>> -> memref<10240xf32, #tpu.memory_space<vmem_shared>>
      tpu.wait_indirect_dma semaphore(%arg20 : memref<!tpu.dma_semaphore, #tpu.memory_space<semaphore_mem>>) src(%arg23 : memref<128xf32, #tpu.memory_space<vmem>>) dst(%dma_wait3A_353 : memref<10240xf32, #tpu.memory_space<vmem_shared>>)
      %dma_start3A_354 = arith.constant 3 : i32
      %dma_start3A_355 = arith.constant 0 : i32
      %dma_start3A_356 = arith.constant 0 : i32
      %dma_start3A_357 = tpu.memref_slice %arg15[%dma_start3A_355, %dma_start3A_356] : memref<128x128xf32, #tpu.memory_space<vmem>> -> memref<128x128xf32, #tpu.memory_space<vmem>>
      %dma_start3A_358 = arith.constant 0 : i32
      %dma_start3A_359 = tpu.memref_slice %arg10[%dma_start3A_354, %dma_start3A_358] : memref<4x128xi32, #tpu.memory_space<vmem>> -> memref<1x128xi32, #tpu.memory_space<vmem>>
      %dma_start3A_360 = tpu.memref_squeeze %dma_start3A_359 : memref<1x128xi32, #tpu.memory_space<vmem>> -> memref<128xi32, #tpu.memory_space<vmem>>
      %dma_start3A_361 = arith.constant 0 : i32
      %dma_start3A_362 = arith.constant 0 : i32
      %dma_start3A_363 = tpu.memref_slice %arg2[%dma_start3A_361, %dma_start3A_362] : memref<10000x128xf32, #tpu.memory_space<hbm>> -> memref<10000x128xf32, #tpu.memory_space<hbm>>
      tpu.enqueue_indirect_dma source(%dma_start3A_363 : memref<10000x128xf32, #tpu.memory_space<hbm>>) target(%dma_start3A_357 : memref<128x128xf32, #tpu.memory_space<vmem>>) offsets(%dma_start3A_360 : memref<128xi32, #tpu.memory_space<vmem>>) semaphore(%arg18 : memref<!tpu.dma_semaphore, #tpu.memory_space<semaphore_mem>>)
      %dma_start3A_364 = arith.constant 2 : i32
      %dma_start3A_365 = arith.constant 0 : i32
      %dma_start3A_366 = tpu.memref_slice %arg11[%dma_start3A_364, %dma_start3A_365] : memref<4x128xi32, #tpu.memory_space<vmem>> -> memref<1x128xi32, #tpu.memory_space<vmem>>
      %dma_start3A_367 = tpu.memref_squeeze %dma_start3A_366 : memref<1x128xi32, #tpu.memory_space<vmem>> -> memref<128xi32, #tpu.memory_space<vmem>>
      %dma_start3A_368 = arith.constant 0 : i32
      %dma_start3A_369 = arith.constant 0 : i32
      %dma_start3A_370 = tpu.memref_slice %arg16[%dma_start3A_368, %dma_start3A_369] : memref<10112x128xf32, #tpu.memory_space<vmem_shared>> -> memref<10112x128xf32, #tpu.memory_space<vmem_shared>>
      tpu.enqueue_indirect_dma source(%arg14 : memref<128x128xf32, #tpu.memory_space<vmem>>) target(%dma_start3A_370 : memref<10112x128xf32, #tpu.memory_space<vmem_shared>>) offsets(%dma_start3A_367 : memref<128xi32, #tpu.memory_space<vmem>>) semaphore(%arg19 : memref<!tpu.dma_semaphore, #tpu.memory_space<semaphore_mem>>) {add = true}
      %dma_start3A_371 = arith.constant 2 : i32
      %dma_start3A_372 = arith.constant 0 : i32
      %dma_start3A_373 = tpu.memref_slice %arg11[%dma_start3A_371, %dma_start3A_372] : memref<4x128xi32, #tpu.memory_space<vmem>> -> memref<1x128xi32, #tpu.memory_space<vmem>>
      %dma_start3A_374 = tpu.memref_squeeze %dma_start3A_373 : memref<1x128xi32, #tpu.memory_space<vmem>> -> memref<128xi32, #tpu.memory_space<vmem>>
      %dma_start3A_375 = arith.constant 0 : i32
      %dma_start3A_376 = tpu.memref_slice %arg24[%dma_start3A_375] : memref<10240xf32, #tpu.memory_space<vmem_shared>> -> memref<10240xf32, #tpu.memory_space<vmem_shared>>
      tpu.enqueue_indirect_dma source(%arg23 : memref<128xf32, #tpu.memory_space<vmem>>) target(%dma_start3A_376 : memref<10240xf32, #tpu.memory_space<vmem_shared>>) offsets(%dma_start3A_374 : memref<128xi32, #tpu.memory_space<vmem>>) semaphore(%arg19 : memref<!tpu.dma_semaphore, #tpu.memory_space<semaphore_mem>>) {add = true}
      %dma_wait3A_377 = arith.constant 0 : i32
      %dma_wait3A_378 = arith.constant 0 : i32
      %dma_wait3A_379 = arith.constant 0 : i32
      %dma_wait3A_380 = tpu.memref_slice %arg15[%dma_wait3A_378, %dma_wait3A_379] : memref<128x128xf32, #tpu.memory_space<vmem>> -> memref<128x128xf32, #tpu.memory_space<vmem>>
      %dma_wait3A_381 = arith.constant 0 : i32
      %dma_wait3A_382 = tpu.memref_slice %arg10[%dma_wait3A_377, %dma_wait3A_381] : memref<4x128xi32, #tpu.memory_space<vmem>> -> memref<1x128xi32, #tpu.memory_space<vmem>>
      %dma_wait3A_383 = tpu.memref_squeeze %dma_wait3A_382 : memref<1x128xi32, #tpu.memory_space<vmem>> -> memref<128xi32, #tpu.memory_space<vmem>>
      %dma_wait3A_384 = arith.constant 0 : i32
      %dma_wait3A_385 = arith.constant 0 : i32
      %dma_wait3A_386 = tpu.memref_slice %arg2[%dma_wait3A_384, %dma_wait3A_385] : memref<10000x128xf32, #tpu.memory_space<hbm>> -> memref<10000x128xf32, #tpu.memory_space<hbm>>
      tpu.wait_indirect_dma semaphore(%arg18 : memref<!tpu.dma_semaphore, #tpu.memory_space<semaphore_mem>>) src(%dma_wait3A_386 : memref<10000x128xf32, #tpu.memory_space<hbm>>) dst(%dma_wait3A_380 : memref<128x128xf32, #tpu.memory_space<vmem>>)
      %dma_wait3A_387 = arith.constant 0 : i32
      %dma_wait3A_388 = arith.constant 0 : i32
      %dma_wait3A_389 = tpu.memref_slice %arg11[%dma_wait3A_387, %dma_wait3A_388] : memref<4x128xi32, #tpu.memory_space<vmem>> -> memref<1x128xi32, #tpu.memory_space<vmem>>
      %dma_wait3A_390 = tpu.memref_squeeze %dma_wait3A_389 : memref<1x128xi32, #tpu.memory_space<vmem>> -> memref<128xi32, #tpu.memory_space<vmem>>
      %dma_wait3A_391 = arith.constant 0 : i32
      %dma_wait3A_392 = arith.constant 0 : i32
      %dma_wait3A_393 = tpu.memref_slice %arg16[%dma_wait3A_391, %dma_wait3A_392] : memref<10112x128xf32, #tpu.memory_space<vmem_shared>> -> memref<10112x128xf32, #tpu.memory_space<vmem_shared>>
      tpu.wait_indirect_dma semaphore(%arg19 : memref<!tpu.dma_semaphore, #tpu.memory_space<semaphore_mem>>) src(%arg14 : memref<128x128xf32, #tpu.memory_space<vmem>>) dst(%dma_wait3A_393 : memref<10112x128xf32, #tpu.memory_space<vmem_shared>>)
      %dma_wait3A_394 = arith.constant 0 : i32
      %dma_wait3A_395 = arith.constant 0 : i32
      %dma_wait3A_396 = tpu.memref_slice %arg11[%dma_wait3A_394, %dma_wait3A_395] : memref<4x128xi32, #tpu.memory_space<vmem>> -> memref<1x128xi32, #tpu.memory_space<vmem>>
      %dma_wait3A_397 = tpu.memref_squeeze %dma_wait3A_396 : memref<1x128xi32, #tpu.memory_space<vmem>> -> memref<128xi32, #tpu.memory_space<vmem>>
      %dma_wait3A_398 = arith.constant 0 : i32
      %dma_wait3A_399 = tpu.memref_slice %arg24[%dma_wait3A_398] : memref<10240xf32, #tpu.memory_space<vmem_shared>> -> memref<10240xf32, #tpu.memory_space<vmem_shared>>
      tpu.wait_indirect_dma semaphore(%arg19 : memref<!tpu.dma_semaphore, #tpu.memory_space<semaphore_mem>>) src(%arg23 : memref<128xf32, #tpu.memory_space<vmem>>) dst(%dma_wait3A_399 : memref<10240xf32, #tpu.memory_space<vmem_shared>>)
      %add3A_400 = arith.constant 1 : i32
      %add3A_401 = arith.addi %mul3A_240, %add3A_400 : i32
      %lt3A_402 = arith.constant 20 : i32
      %lt3A_403 = arith.cmpi slt, %add3A_401, %lt3A_402 : i32
      %convert_element_type3A_404 = arith.extui %lt3A_403 : i1 to i32
      %cond3A_405 = arith.constant 0 : i32
      %cond3A_406 = arith.cmpi ne, %convert_element_type3A_404, %cond3A_405 : i32
      scf.if %cond3A_406 {
        %dma_wait3A_604 = arith.constant 0 : i32
        %dma_wait3A_605 = arith.constant 0 : i32
        %dma_wait3A_606 = tpu.memref_slice %arg12[%dma_wait3A_604, %dma_wait3A_605] : memref<4x128xi32, #tpu.memory_space<vmem>> -> memref<1x128xi32, #tpu.memory_space<vmem>>
        %dma_wait3A_607 = tpu.memref_squeeze %dma_wait3A_606 : memref<1x128xi32, #tpu.memory_space<vmem>> -> memref<128xi32, #tpu.memory_space<vmem>>
        %dma_wait3A_608 = arith.constant 0 : i32
        %dma_wait3A_609 = tpu.memref_slice %arg4[%dma_wait3A_608] : memref<7680xi32, #tpu.memory_space<hbm>> -> memref<128xi32, #tpu.memory_space<hbm>>
        %dma_wait3A_610 = arith.constant 0 : i32
        %dma_wait3A_611 = tpu.memref_slice %arg12[%dma_wait3A_604, %dma_wait3A_610] : memref<4x128xi32, #tpu.memory_space<vmem>> -> memref<1x128xi32, #tpu.memory_space<vmem>>
        %dma_wait3A_612 = tpu.memref_squeeze %dma_wait3A_611 : memref<1x128xi32, #tpu.memory_space<vmem>> -> memref<128xi32, #tpu.memory_space<vmem>>
        %dma_wait3A_613 = arith.constant 0 : i32
        %dma_wait3A_614 = tpu.memref_slice %arg4[%dma_wait3A_613] : memref<7680xi32, #tpu.memory_space<hbm>> -> memref<128xi32, #tpu.memory_space<hbm>>
        tpu.wait_dma2 semaphore(%arg22 : memref<!tpu.dma_semaphore, #tpu.memory_space<semaphore_mem>>) src(%dma_wait3A_614 : memref<128xi32, #tpu.memory_space<hbm>>) dst(%dma_wait3A_612 : memref<128xi32, #tpu.memory_space<vmem>>)
        %dma_wait3A_615 = arith.constant 0 : i32
        %dma_wait3A_616 = arith.constant 0 : i32
        %dma_wait3A_617 = tpu.memref_slice %arg13[%dma_wait3A_615, %dma_wait3A_616] : memref<4x128xi32, #tpu.memory_space<vmem>> -> memref<1x128xi32, #tpu.memory_space<vmem>>
        %dma_wait3A_618 = tpu.memref_squeeze %dma_wait3A_617 : memref<1x128xi32, #tpu.memory_space<vmem>> -> memref<128xi32, #tpu.memory_space<vmem>>
        %dma_wait3A_619 = arith.constant 0 : i32
        %dma_wait3A_620 = tpu.memref_slice %arg4[%dma_wait3A_619] : memref<7680xi32, #tpu.memory_space<hbm>> -> memref<128xi32, #tpu.memory_space<hbm>>
        %dma_wait3A_621 = arith.constant 0 : i32
        %dma_wait3A_622 = tpu.memref_slice %arg13[%dma_wait3A_615, %dma_wait3A_621] : memref<4x128xi32, #tpu.memory_space<vmem>> -> memref<1x128xi32, #tpu.memory_space<vmem>>
        %dma_wait3A_623 = tpu.memref_squeeze %dma_wait3A_622 : memref<1x128xi32, #tpu.memory_space<vmem>> -> memref<128xi32, #tpu.memory_space<vmem>>
        %dma_wait3A_624 = arith.constant 0 : i32
        %dma_wait3A_625 = tpu.memref_slice %arg4[%dma_wait3A_624] : memref<7680xi32, #tpu.memory_space<hbm>> -> memref<128xi32, #tpu.memory_space<hbm>>
        tpu.wait_dma2 semaphore(%arg22 : memref<!tpu.dma_semaphore, #tpu.memory_space<semaphore_mem>>) src(%dma_wait3A_625 : memref<128xi32, #tpu.memory_space<hbm>>) dst(%dma_wait3A_623 : memref<128xi32, #tpu.memory_space<vmem>>)
        %dma_wait3A_626 = arith.constant 1 : i32
        %dma_wait3A_627 = arith.constant 0 : i32
        %dma_wait3A_628 = tpu.memref_slice %arg12[%dma_wait3A_626, %dma_wait3A_627] : memref<4x128xi32, #tpu.memory_space<vmem>> -> memref<1x128xi32, #tpu.memory_space<vmem>>
        %dma_wait3A_629 = tpu.memref_squeeze %dma_wait3A_628 : memref<1x128xi32, #tpu.memory_space<vmem>> -> memref<128xi32, #tpu.memory_space<vmem>>
        %dma_wait3A_630 = arith.constant 0 : i32
        %dma_wait3A_631 = tpu.memref_slice %arg4[%dma_wait3A_630] : memref<7680xi32, #tpu.memory_space<hbm>> -> memref<128xi32, #tpu.memory_space<hbm>>
        %dma_wait3A_632 = arith.constant 0 : i32
        %dma_wait3A_633 = tpu.memref_slice %arg12[%dma_wait3A_626, %dma_wait3A_632] : memref<4x128xi32, #tpu.memory_space<vmem>> -> memref<1x128xi32, #tpu.memory_space<vmem>>
        %dma_wait3A_634 = tpu.memref_squeeze %dma_wait3A_633 : memref<1x128xi32, #tpu.memory_space<vmem>> -> memref<128xi32, #tpu.memory_space<vmem>>
        %dma_wait3A_635 = arith.constant 0 : i32
        %dma_wait3A_636 = tpu.memref_slice %arg4[%dma_wait3A_635] : memref<7680xi32, #tpu.memory_space<hbm>> -> memref<128xi32, #tpu.memory_space<hbm>>
        tpu.wait_dma2 semaphore(%arg22 : memref<!tpu.dma_semaphore, #tpu.memory_space<semaphore_mem>>) src(%dma_wait3A_636 : memref<128xi32, #tpu.memory_space<hbm>>) dst(%dma_wait3A_634 : memref<128xi32, #tpu.memory_space<vmem>>)
        %dma_wait3A_637 = arith.constant 1 : i32
        %dma_wait3A_638 = arith.constant 0 : i32
        %dma_wait3A_639 = tpu.memref_slice %arg13[%dma_wait3A_637, %dma_wait3A_638] : memref<4x128xi32, #tpu.memory_space<vmem>> -> memref<1x128xi32, #tpu.memory_space<vmem>>
        %dma_wait3A_640 = tpu.memref_squeeze %dma_wait3A_639 : memref<1x128xi32, #tpu.memory_space<vmem>> -> memref<128xi32, #tpu.memory_space<vmem>>
        %dma_wait3A_641 = arith.constant 0 : i32
        %dma_wait3A_642 = tpu.memref_slice %arg4[%dma_wait3A_641] : memref<7680xi32, #tpu.memory_space<hbm>> -> memref<128xi32, #tpu.memory_space<hbm>>
        %dma_wait3A_643 = arith.constant 0 : i32
        %dma_wait3A_644 = tpu.memref_slice %arg13[%dma_wait3A_637, %dma_wait3A_643] : memref<4x128xi32, #tpu.memory_space<vmem>> -> memref<1x128xi32, #tpu.memory_space<vmem>>
        %dma_wait3A_645 = tpu.memref_squeeze %dma_wait3A_644 : memref<1x128xi32, #tpu.memory_space<vmem>> -> memref<128xi32, #tpu.memory_space<vmem>>
        %dma_wait3A_646 = arith.constant 0 : i32
        %dma_wait3A_647 = tpu.memref_slice %arg4[%dma_wait3A_646] : memref<7680xi32, #tpu.memory_space<hbm>> -> memref<128xi32, #tpu.memory_space<hbm>>
        tpu.wait_dma2 semaphore(%arg22 : memref<!tpu.dma_semaphore, #tpu.memory_space<semaphore_mem>>) src(%dma_wait3A_647 : memref<128xi32, #tpu.memory_space<hbm>>) dst(%dma_wait3A_645 : memref<128xi32, #tpu.memory_space<vmem>>)
        %dma_wait3A_648 = arith.constant 2 : i32
        %dma_wait3A_649 = arith.constant 0 : i32
        %dma_wait3A_650 = tpu.memref_slice %arg12[%dma_wait3A_648, %dma_wait3A_649] : memref<4x128xi32, #tpu.memory_space<vmem>> -> memref<1x128xi32, #tpu.memory_space<vmem>>
        %dma_wait3A_651 = tpu.memref_squeeze %dma_wait3A_650 : memref<1x128xi32, #tpu.memory_space<vmem>> -> memref<128xi32, #tpu.memory_space<vmem>>
        %dma_wait3A_652 = arith.constant 0 : i32
        %dma_wait3A_653 = tpu.memref_slice %arg4[%dma_wait3A_652] : memref<7680xi32, #tpu.memory_space<hbm>> -> memref<128xi32, #tpu.memory_space<hbm>>
        %dma_wait3A_654 = arith.constant 0 : i32
        %dma_wait3A_655 = tpu.memref_slice %arg12[%dma_wait3A_648, %dma_wait3A_654] : memref<4x128xi32, #tpu.memory_space<vmem>> -> memref<1x128xi32, #tpu.memory_space<vmem>>
        %dma_wait3A_656 = tpu.memref_squeeze %dma_wait3A_655 : memref<1x128xi32, #tpu.memory_space<vmem>> -> memref<128xi32, #tpu.memory_space<vmem>>
        %dma_wait3A_657 = arith.constant 0 : i32
        %dma_wait3A_658 = tpu.memref_slice %arg4[%dma_wait3A_657] : memref<7680xi32, #tpu.memory_space<hbm>> -> memref<128xi32, #tpu.memory_space<hbm>>
        tpu.wait_dma2 semaphore(%arg22 : memref<!tpu.dma_semaphore, #tpu.memory_space<semaphore_mem>>) src(%dma_wait3A_658 : memref<128xi32, #tpu.memory_space<hbm>>) dst(%dma_wait3A_656 : memref<128xi32, #tpu.memory_space<vmem>>)
        %dma_wait3A_659 = arith.constant 2 : i32
        %dma_wait3A_660 = arith.constant 0 : i32
        %dma_wait3A_661 = tpu.memref_slice %arg13[%dma_wait3A_659, %dma_wait3A_660] : memref<4x128xi32, #tpu.memory_space<vmem>> -> memref<1x128xi32, #tpu.memory_space<vmem>>
        %dma_wait3A_662 = tpu.memref_squeeze %dma_wait3A_661 : memref<1x128xi32, #tpu.memory_space<vmem>> -> memref<128xi32, #tpu.memory_space<vmem>>
        %dma_wait3A_663 = arith.constant 0 : i32
        %dma_wait3A_664 = tpu.memref_slice %arg4[%dma_wait3A_663] : memref<7680xi32, #tpu.memory_space<hbm>> -> memref<128xi32, #tpu.memory_space<hbm>>
        %dma_wait3A_665 = arith.constant 0 : i32
        %dma_wait3A_666 = tpu.memref_slice %arg13[%dma_wait3A_659, %dma_wait3A_665] : memref<4x128xi32, #tpu.memory_space<vmem>> -> memref<1x128xi32, #tpu.memory_space<vmem>>
        %dma_wait3A_667 = tpu.memref_squeeze %dma_wait3A_666 : memref<1x128xi32, #tpu.memory_space<vmem>> -> memref<128xi32, #tpu.memory_space<vmem>>
        %dma_wait3A_668 = arith.constant 0 : i32
        %dma_wait3A_669 = tpu.memref_slice %arg4[%dma_wait3A_668] : memref<7680xi32, #tpu.memory_space<hbm>> -> memref<128xi32, #tpu.memory_space<hbm>>
        tpu.wait_dma2 semaphore(%arg22 : memref<!tpu.dma_semaphore, #tpu.memory_space<semaphore_mem>>) src(%dma_wait3A_669 : memref<128xi32, #tpu.memory_space<hbm>>) dst(%dma_wait3A_667 : memref<128xi32, #tpu.memory_space<vmem>>)
        %dma_wait3A_670 = arith.constant 3 : i32
        %dma_wait3A_671 = arith.constant 0 : i32
        %dma_wait3A_672 = tpu.memref_slice %arg12[%dma_wait3A_670, %dma_wait3A_671] : memref<4x128xi32, #tpu.memory_space<vmem>> -> memref<1x128xi32, #tpu.memory_space<vmem>>
        %dma_wait3A_673 = tpu.memref_squeeze %dma_wait3A_672 : memref<1x128xi32, #tpu.memory_space<vmem>> -> memref<128xi32, #tpu.memory_space<vmem>>
        %dma_wait3A_674 = arith.constant 0 : i32
        %dma_wait3A_675 = tpu.memref_slice %arg4[%dma_wait3A_674] : memref<7680xi32, #tpu.memory_space<hbm>> -> memref<128xi32, #tpu.memory_space<hbm>>
        %dma_wait3A_676 = arith.constant 0 : i32
        %dma_wait3A_677 = tpu.memref_slice %arg12[%dma_wait3A_670, %dma_wait3A_676] : memref<4x128xi32, #tpu.memory_space<vmem>> -> memref<1x128xi32, #tpu.memory_space<vmem>>
        %dma_wait3A_678 = tpu.memref_squeeze %dma_wait3A_677 : memref<1x128xi32, #tpu.memory_space<vmem>> -> memref<128xi32, #tpu.memory_space<vmem>>
        %dma_wait3A_679 = arith.constant 0 : i32
        %dma_wait3A_680 = tpu.memref_slice %arg4[%dma_wait3A_679] : memref<7680xi32, #tpu.memory_space<hbm>> -> memref<128xi32, #tpu.memory_space<hbm>>
        tpu.wait_dma2 semaphore(%arg22 : memref<!tpu.dma_semaphore, #tpu.memory_space<semaphore_mem>>) src(%dma_wait3A_680 : memref<128xi32, #tpu.memory_space<hbm>>) dst(%dma_wait3A_678 : memref<128xi32, #tpu.memory_space<vmem>>)
        %dma_wait3A_681 = arith.constant 3 : i32
        %dma_wait3A_682 = arith.constant 0 : i32
        %dma_wait3A_683 = tpu.memref_slice %arg13[%dma_wait3A_681, %dma_wait3A_682] : memref<4x128xi32, #tpu.memory_space<vmem>> -> memref<1x128xi32, #tpu.memory_space<vmem>>
        %dma_wait3A_684 = tpu.memref_squeeze %dma_wait3A_683 : memref<1x128xi32, #tpu.memory_space<vmem>> -> memref<128xi32, #tpu.memory_space<vmem>>
        %dma_wait3A_685 = arith.constant 0 : i32
        %dma_wait3A_686 = tpu.memref_slice %arg4[%dma_wait3A_685] : memref<7680xi32, #tpu.memory_space<hbm>> -> memref<128xi32, #tpu.memory_space<hbm>>
        %dma_wait3A_687 = arith.constant 0 : i32
        %dma_wait3A_688 = tpu.memref_slice %arg13[%dma_wait3A_681, %dma_wait3A_687] : memref<4x128xi32, #tpu.memory_space<vmem>> -> memref<1x128xi32, #tpu.memory_space<vmem>>
        %dma_wait3A_689 = tpu.memref_squeeze %dma_wait3A_688 : memref<1x128xi32, #tpu.memory_space<vmem>> -> memref<128xi32, #tpu.memory_space<vmem>>
        %dma_wait3A_690 = arith.constant 0 : i32
        %dma_wait3A_691 = tpu.memref_slice %arg4[%dma_wait3A_690] : memref<7680xi32, #tpu.memory_space<hbm>> -> memref<128xi32, #tpu.memory_space<hbm>>
        tpu.wait_dma2 semaphore(%arg22 : memref<!tpu.dma_semaphore, #tpu.memory_space<semaphore_mem>>) src(%dma_wait3A_691 : memref<128xi32, #tpu.memory_space<hbm>>) dst(%dma_wait3A_689 : memref<128xi32, #tpu.memory_space<vmem>>)
        %dma_start3A_692 = arith.constant 0 : i32
        %dma_start3A_693 = arith.constant 0 : i32
        %dma_start3A_694 = arith.constant 0 : i32
        %dma_start3A_695 = tpu.memref_slice %arg14[%dma_start3A_693, %dma_start3A_694] : memref<128x128xf32, #tpu.memory_space<vmem>> -> memref<128x128xf32, #tpu.memory_space<vmem>>
        %dma_start3A_696 = arith.constant 0 : i32
        %dma_start3A_697 = tpu.memref_slice %arg12[%dma_start3A_692, %dma_start3A_696] : memref<4x128xi32, #tpu.memory_space<vmem>> -> memref<1x128xi32, #tpu.memory_space<vmem>>
        %dma_start3A_698 = tpu.memref_squeeze %dma_start3A_697 : memref<1x128xi32, #tpu.memory_space<vmem>> -> memref<128xi32, #tpu.memory_space<vmem>>
        %dma_start3A_699 = arith.constant 0 : i32
        %dma_start3A_700 = arith.constant 0 : i32
        %dma_start3A_701 = tpu.memref_slice %arg2[%dma_start3A_699, %dma_start3A_700] : memref<10000x128xf32, #tpu.memory_space<hbm>> -> memref<10000x128xf32, #tpu.memory_space<hbm>>
        tpu.enqueue_indirect_dma source(%dma_start3A_701 : memref<10000x128xf32, #tpu.memory_space<hbm>>) target(%dma_start3A_695 : memref<128x128xf32, #tpu.memory_space<vmem>>) offsets(%dma_start3A_698 : memref<128xi32, #tpu.memory_space<vmem>>) semaphore(%arg17 : memref<!tpu.dma_semaphore, #tpu.memory_space<semaphore_mem>>)
      } else {
      }
      %dma_start3A_407 = arith.constant 3 : i32
      %dma_start3A_408 = arith.constant 0 : i32
      %dma_start3A_409 = tpu.memref_slice %arg11[%dma_start3A_407, %dma_start3A_408] : memref<4x128xi32, #tpu.memory_space<vmem>> -> memref<1x128xi32, #tpu.memory_space<vmem>>
      %dma_start3A_410 = tpu.memref_squeeze %dma_start3A_409 : memref<1x128xi32, #tpu.memory_space<vmem>> -> memref<128xi32, #tpu.memory_space<vmem>>
      %dma_start3A_411 = arith.constant 0 : i32
      %dma_start3A_412 = arith.constant 0 : i32
      %dma_start3A_413 = tpu.memref_slice %arg16[%dma_start3A_411, %dma_start3A_412] : memref<10112x128xf32, #tpu.memory_space<vmem_shared>> -> memref<10112x128xf32, #tpu.memory_space<vmem_shared>>
      tpu.enqueue_indirect_dma source(%arg15 : memref<128x128xf32, #tpu.memory_space<vmem>>) target(%dma_start3A_413 : memref<10112x128xf32, #tpu.memory_space<vmem_shared>>) offsets(%dma_start3A_410 : memref<128xi32, #tpu.memory_space<vmem>>) semaphore(%arg20 : memref<!tpu.dma_semaphore, #tpu.memory_space<semaphore_mem>>) {add = true}
      %dma_start3A_414 = arith.constant 3 : i32
      %dma_start3A_415 = arith.constant 0 : i32
      %dma_start3A_416 = tpu.memref_slice %arg11[%dma_start3A_414, %dma_start3A_415] : memref<4x128xi32, #tpu.memory_space<vmem>> -> memref<1x128xi32, #tpu.memory_space<vmem>>
      %dma_start3A_417 = tpu.memref_squeeze %dma_start3A_416 : memref<1x128xi32, #tpu.memory_space<vmem>> -> memref<128xi32, #tpu.memory_space<vmem>>
      %dma_start3A_418 = arith.constant 0 : i32
      %dma_start3A_419 = tpu.memref_slice %arg24[%dma_start3A_418] : memref<10240xf32, #tpu.memory_space<vmem_shared>> -> memref<10240xf32, #tpu.memory_space<vmem_shared>>
      tpu.enqueue_indirect_dma source(%arg23 : memref<128xf32, #tpu.memory_space<vmem>>) target(%dma_start3A_419 : memref<10240xf32, #tpu.memory_space<vmem_shared>>) offsets(%dma_start3A_417 : memref<128xi32, #tpu.memory_space<vmem>>) semaphore(%arg20 : memref<!tpu.dma_semaphore, #tpu.memory_space<semaphore_mem>>) {add = true}
      %mul3A_420 = arith.constant 2 : i32
      %mul3A_421 = arith.muli %mul3A_420, %scan3A_238 : i32
      %add3A_422 = arith.constant 1 : i32
      %add3A_423 = arith.addi %mul3A_421, %add3A_422 : i32
      %dma_wait3A_424 = arith.constant 0 : i32
      %dma_wait3A_425 = arith.constant 0 : i32
      %dma_wait3A_426 = arith.constant 0 : i32
      %dma_wait3A_427 = tpu.memref_slice %arg14[%dma_wait3A_425, %dma_wait3A_426] : memref<128x128xf32, #tpu.memory_space<vmem>> -> memref<128x128xf32, #tpu.memory_space<vmem>>
      %dma_wait3A_428 = arith.constant 0 : i32
      %dma_wait3A_429 = tpu.memref_slice %arg10[%dma_wait3A_424, %dma_wait3A_428] : memref<4x128xi32, #tpu.memory_space<vmem>> -> memref<1x128xi32, #tpu.memory_space<vmem>>
      %dma_wait3A_430 = tpu.memref_squeeze %dma_wait3A_429 : memref<1x128xi32, #tpu.memory_space<vmem>> -> memref<128xi32, #tpu.memory_space<vmem>>
      %dma_wait3A_431 = arith.constant 0 : i32
      %dma_wait3A_432 = arith.constant 0 : i32
      %dma_wait3A_433 = tpu.memref_slice %arg2[%dma_wait3A_431, %dma_wait3A_432] : memref<10000x128xf32, #tpu.memory_space<hbm>> -> memref<10000x128xf32, #tpu.memory_space<hbm>>
      tpu.wait_indirect_dma semaphore(%arg17 : memref<!tpu.dma_semaphore, #tpu.memory_space<semaphore_mem>>) src(%dma_wait3A_433 : memref<10000x128xf32, #tpu.memory_space<hbm>>) dst(%dma_wait3A_427 : memref<128x128xf32, #tpu.memory_space<vmem>>)
      %gt3A_434 = arith.constant 0 : i32
      %gt3A_435 = arith.cmpi sgt, %add3A_423, %gt3A_434 : i32
      %convert_element_type3A_436 = arith.extui %gt3A_435 : i1 to i32
      %cond3A_437 = arith.constant 0 : i32
      %cond3A_438 = arith.cmpi ne, %convert_element_type3A_436, %cond3A_437 : i32
      scf.if %cond3A_438 {
        %dma_wait3A_604 = arith.constant 0 : i32
        %dma_wait3A_605 = arith.constant 0 : i32
        %dma_wait3A_606 = tpu.memref_slice %arg11[%dma_wait3A_604, %dma_wait3A_605] : memref<4x128xi32, #tpu.memory_space<vmem>> -> memref<1x128xi32, #tpu.memory_space<vmem>>
        %dma_wait3A_607 = tpu.memref_squeeze %dma_wait3A_606 : memref<1x128xi32, #tpu.memory_space<vmem>> -> memref<128xi32, #tpu.memory_space<vmem>>
        %dma_wait3A_608 = arith.constant 0 : i32
        %dma_wait3A_609 = arith.constant 0 : i32
        %dma_wait3A_610 = tpu.memref_slice %arg16[%dma_wait3A_608, %dma_wait3A_609] : memref<10112x128xf32, #tpu.memory_space<vmem_shared>> -> memref<10112x128xf32, #tpu.memory_space<vmem_shared>>
        tpu.wait_indirect_dma semaphore(%arg20 : memref<!tpu.dma_semaphore, #tpu.memory_space<semaphore_mem>>) src(%arg15 : memref<128x128xf32, #tpu.memory_space<vmem>>) dst(%dma_wait3A_610 : memref<10112x128xf32, #tpu.memory_space<vmem_shared>>)
        %dma_wait3A_611 = arith.constant 0 : i32
        %dma_wait3A_612 = arith.constant 0 : i32
        %dma_wait3A_613 = tpu.memref_slice %arg11[%dma_wait3A_611, %dma_wait3A_612] : memref<4x128xi32, #tpu.memory_space<vmem>> -> memref<1x128xi32, #tpu.memory_space<vmem>>
        %dma_wait3A_614 = tpu.memref_squeeze %dma_wait3A_613 : memref<1x128xi32, #tpu.memory_space<vmem>> -> memref<128xi32, #tpu.memory_space<vmem>>
        %dma_wait3A_615 = arith.constant 0 : i32
        %dma_wait3A_616 = tpu.memref_slice %arg24[%dma_wait3A_615] : memref<10240xf32, #tpu.memory_space<vmem_shared>> -> memref<10240xf32, #tpu.memory_space<vmem_shared>>
        tpu.wait_indirect_dma semaphore(%arg20 : memref<!tpu.dma_semaphore, #tpu.memory_space<semaphore_mem>>) src(%arg23 : memref<128xf32, #tpu.memory_space<vmem>>) dst(%dma_wait3A_616 : memref<10240xf32, #tpu.memory_space<vmem_shared>>)
      } else {
      }
      %dma_start3A_439 = arith.constant 1 : i32
      %dma_start3A_440 = arith.constant 0 : i32
      %dma_start3A_441 = arith.constant 0 : i32
      %dma_start3A_442 = tpu.memref_slice %arg15[%dma_start3A_440, %dma_start3A_441] : memref<128x128xf32, #tpu.memory_space<vmem>> -> memref<128x128xf32, #tpu.memory_space<vmem>>
      %dma_start3A_443 = arith.constant 0 : i32
      %dma_start3A_444 = tpu.memref_slice %arg12[%dma_start3A_439, %dma_start3A_443] : memref<4x128xi32, #tpu.memory_space<vmem>> -> memref<1x128xi32, #tpu.memory_space<vmem>>
      %dma_start3A_445 = tpu.memref_squeeze %dma_start3A_444 : memref<1x128xi32, #tpu.memory_space<vmem>> -> memref<128xi32, #tpu.memory_space<vmem>>
      %dma_start3A_446 = arith.constant 0 : i32
      %dma_start3A_447 = arith.constant 0 : i32
      %dma_start3A_448 = tpu.memref_slice %arg2[%dma_start3A_446, %dma_start3A_447] : memref<10000x128xf32, #tpu.memory_space<hbm>> -> memref<10000x128xf32, #tpu.memory_space<hbm>>
      tpu.enqueue_indirect_dma source(%dma_start3A_448 : memref<10000x128xf32, #tpu.memory_space<hbm>>) target(%dma_start3A_442 : memref<128x128xf32, #tpu.memory_space<vmem>>) offsets(%dma_start3A_445 : memref<128xi32, #tpu.memory_space<vmem>>) semaphore(%arg18 : memref<!tpu.dma_semaphore, #tpu.memory_space<semaphore_mem>>)
      %dma_start3A_449 = arith.constant 0 : i32
      %dma_start3A_450 = arith.constant 0 : i32
      %dma_start3A_451 = tpu.memref_slice %arg13[%dma_start3A_449, %dma_start3A_450] : memref<4x128xi32, #tpu.memory_space<vmem>> -> memref<1x128xi32, #tpu.memory_space<vmem>>
      %dma_start3A_452 = tpu.memref_squeeze %dma_start3A_451 : memref<1x128xi32, #tpu.memory_space<vmem>> -> memref<128xi32, #tpu.memory_space<vmem>>
      %dma_start3A_453 = arith.constant 0 : i32
      %dma_start3A_454 = arith.constant 0 : i32
      %dma_start3A_455 = tpu.memref_slice %arg16[%dma_start3A_453, %dma_start3A_454] : memref<10112x128xf32, #tpu.memory_space<vmem_shared>> -> memref<10112x128xf32, #tpu.memory_space<vmem_shared>>
      tpu.enqueue_indirect_dma source(%arg14 : memref<128x128xf32, #tpu.memory_space<vmem>>) target(%dma_start3A_455 : memref<10112x128xf32, #tpu.memory_space<vmem_shared>>) offsets(%dma_start3A_452 : memref<128xi32, #tpu.memory_space<vmem>>) semaphore(%arg19 : memref<!tpu.dma_semaphore, #tpu.memory_space<semaphore_mem>>) {add = true}
      %dma_start3A_456 = arith.constant 0 : i32
      %dma_start3A_457 = arith.constant 0 : i32
      %dma_start3A_458 = tpu.memref_slice %arg13[%dma_start3A_456, %dma_start3A_457] : memref<4x128xi32, #tpu.memory_space<vmem>> -> memref<1x128xi32, #tpu.memory_space<vmem>>
      %dma_start3A_459 = tpu.memref_squeeze %dma_start3A_458 : memref<1x128xi32, #tpu.memory_space<vmem>> -> memref<128xi32, #tpu.memory_space<vmem>>
      %dma_start3A_460 = arith.constant 0 : i32
      %dma_start3A_461 = tpu.memref_slice %arg24[%dma_start3A_460] : memref<10240xf32, #tpu.memory_space<vmem_shared>> -> memref<10240xf32, #tpu.memory_space<vmem_shared>>
      tpu.enqueue_indirect_dma source(%arg23 : memref<128xf32, #tpu.memory_space<vmem>>) target(%dma_start3A_461 : memref<10240xf32, #tpu.memory_space<vmem_shared>>) offsets(%dma_start3A_459 : memref<128xi32, #tpu.memory_space<vmem>>) semaphore(%arg19 : memref<!tpu.dma_semaphore, #tpu.memory_space<semaphore_mem>>) {add = true}
      %dma_wait3A_462 = arith.constant 0 : i32
      %dma_wait3A_463 = arith.constant 0 : i32
      %dma_wait3A_464 = arith.constant 0 : i32
      %dma_wait3A_465 = tpu.memref_slice %arg15[%dma_wait3A_463, %dma_wait3A_464] : memref<128x128xf32, #tpu.memory_space<vmem>> -> memref<128x128xf32, #tpu.memory_space<vmem>>
      %dma_wait3A_466 = arith.constant 0 : i32
      %dma_wait3A_467 = tpu.memref_slice %arg10[%dma_wait3A_462, %dma_wait3A_466] : memref<4x128xi32, #tpu.memory_space<vmem>> -> memref<1x128xi32, #tpu.memory_space<vmem>>
      %dma_wait3A_468 = tpu.memref_squeeze %dma_wait3A_467 : memref<1x128xi32, #tpu.memory_space<vmem>> -> memref<128xi32, #tpu.memory_space<vmem>>
      %dma_wait3A_469 = arith.constant 0 : i32
      %dma_wait3A_470 = arith.constant 0 : i32
      %dma_wait3A_471 = tpu.memref_slice %arg2[%dma_wait3A_469, %dma_wait3A_470] : memref<10000x128xf32, #tpu.memory_space<hbm>> -> memref<10000x128xf32, #tpu.memory_space<hbm>>
      tpu.wait_indirect_dma semaphore(%arg18 : memref<!tpu.dma_semaphore, #tpu.memory_space<semaphore_mem>>) src(%dma_wait3A_471 : memref<10000x128xf32, #tpu.memory_space<hbm>>) dst(%dma_wait3A_465 : memref<128x128xf32, #tpu.memory_space<vmem>>)
      %dma_wait3A_472 = arith.constant 0 : i32
      %dma_wait3A_473 = arith.constant 0 : i32
      %dma_wait3A_474 = tpu.memref_slice %arg11[%dma_wait3A_472, %dma_wait3A_473] : memref<4x128xi32, #tpu.memory_space<vmem>> -> memref<1x128xi32, #tpu.memory_space<vmem>>
      %dma_wait3A_475 = tpu.memref_squeeze %dma_wait3A_474 : memref<1x128xi32, #tpu.memory_space<vmem>> -> memref<128xi32, #tpu.memory_space<vmem>>
      %dma_wait3A_476 = arith.constant 0 : i32
      %dma_wait3A_477 = arith.constant 0 : i32
      %dma_wait3A_478 = tpu.memref_slice %arg16[%dma_wait3A_476, %dma_wait3A_477] : memref<10112x128xf32, #tpu.memory_space<vmem_shared>> -> memref<10112x128xf32, #tpu.memory_space<vmem_shared>>
      tpu.wait_indirect_dma semaphore(%arg19 : memref<!tpu.dma_semaphore, #tpu.memory_space<semaphore_mem>>) src(%arg14 : memref<128x128xf32, #tpu.memory_space<vmem>>) dst(%dma_wait3A_478 : memref<10112x128xf32, #tpu.memory_space<vmem_shared>>)
      %dma_wait3A_479 = arith.constant 0 : i32
      %dma_wait3A_480 = arith.constant 0 : i32
      %dma_wait3A_481 = tpu.memref_slice %arg11[%dma_wait3A_479, %dma_wait3A_480] : memref<4x128xi32, #tpu.memory_space<vmem>> -> memref<1x128xi32, #tpu.memory_space<vmem>>
      %dma_wait3A_482 = tpu.memref_squeeze %dma_wait3A_481 : memref<1x128xi32, #tpu.memory_space<vmem>> -> memref<128xi32, #tpu.memory_space<vmem>>
      %dma_wait3A_483 = arith.constant 0 : i32
      %dma_wait3A_484 = tpu.memref_slice %arg24[%dma_wait3A_483] : memref<10240xf32, #tpu.memory_space<vmem_shared>> -> memref<10240xf32, #tpu.memory_space<vmem_shared>>
      tpu.wait_indirect_dma semaphore(%arg19 : memref<!tpu.dma_semaphore, #tpu.memory_space<semaphore_mem>>) src(%arg23 : memref<128xf32, #tpu.memory_space<vmem>>) dst(%dma_wait3A_484 : memref<10240xf32, #tpu.memory_space<vmem_shared>>)
      %dma_start3A_485 = arith.constant 2 : i32
      %dma_start3A_486 = arith.constant 0 : i32
      %dma_start3A_487 = arith.constant 0 : i32
      %dma_start3A_488 = tpu.memref_slice %arg14[%dma_start3A_486, %dma_start3A_487] : memref<128x128xf32, #tpu.memory_space<vmem>> -> memref<128x128xf32, #tpu.memory_space<vmem>>
      %dma_start3A_489 = arith.constant 0 : i32
      %dma_start3A_490 = tpu.memref_slice %arg12[%dma_start3A_485, %dma_start3A_489] : memref<4x128xi32, #tpu.memory_space<vmem>> -> memref<1x128xi32, #tpu.memory_space<vmem>>
      %dma_start3A_491 = tpu.memref_squeeze %dma_start3A_490 : memref<1x128xi32, #tpu.memory_space<vmem>> -> memref<128xi32, #tpu.memory_space<vmem>>
      %dma_start3A_492 = arith.constant 0 : i32
      %dma_start3A_493 = arith.constant 0 : i32
      %dma_start3A_494 = tpu.memref_slice %arg2[%dma_start3A_492, %dma_start3A_493] : memref<10000x128xf32, #tpu.memory_space<hbm>> -> memref<10000x128xf32, #tpu.memory_space<hbm>>
      tpu.enqueue_indirect_dma source(%dma_start3A_494 : memref<10000x128xf32, #tpu.memory_space<hbm>>) target(%dma_start3A_488 : memref<128x128xf32, #tpu.memory_space<vmem>>) offsets(%dma_start3A_491 : memref<128xi32, #tpu.memory_space<vmem>>) semaphore(%arg17 : memref<!tpu.dma_semaphore, #tpu.memory_space<semaphore_mem>>)
      %dma_start3A_495 = arith.constant 1 : i32
      %dma_start3A_496 = arith.constant 0 : i32
      %dma_start3A_497 = tpu.memref_slice %arg13[%dma_start3A_495, %dma_start3A_496] : memref<4x128xi32, #tpu.memory_space<vmem>> -> memref<1x128xi32, #tpu.memory_space<vmem>>
      %dma_start3A_498 = tpu.memref_squeeze %dma_start3A_497 : memref<1x128xi32, #tpu.memory_space<vmem>> -> memref<128xi32, #tpu.memory_space<vmem>>
      %dma_start3A_499 = arith.constant 0 : i32
      %dma_start3A_500 = arith.constant 0 : i32
      %dma_start3A_501 = tpu.memref_slice %arg16[%dma_start3A_499, %dma_start3A_500] : memref<10112x128xf32, #tpu.memory_space<vmem_shared>> -> memref<10112x128xf32, #tpu.memory_space<vmem_shared>>
      tpu.enqueue_indirect_dma source(%arg15 : memref<128x128xf32, #tpu.memory_space<vmem>>) target(%dma_start3A_501 : memref<10112x128xf32, #tpu.memory_space<vmem_shared>>) offsets(%dma_start3A_498 : memref<128xi32, #tpu.memory_space<vmem>>) semaphore(%arg20 : memref<!tpu.dma_semaphore, #tpu.memory_space<semaphore_mem>>) {add = true}
      %dma_start3A_502 = arith.constant 1 : i32
      %dma_start3A_503 = arith.constant 0 : i32
      %dma_start3A_504 = tpu.memref_slice %arg13[%dma_start3A_502, %dma_start3A_503] : memref<4x128xi32, #tpu.memory_space<vmem>> -> memref<1x128xi32, #tpu.memory_space<vmem>>
      %dma_start3A_505 = tpu.memref_squeeze %dma_start3A_504 : memref<1x128xi32, #tpu.memory_space<vmem>> -> memref<128xi32, #tpu.memory_space<vmem>>
      %dma_start3A_506 = arith.constant 0 : i32
      %dma_start3A_507 = tpu.memref_slice %arg24[%dma_start3A_506] : memref<10240xf32, #tpu.memory_space<vmem_shared>> -> memref<10240xf32, #tpu.memory_space<vmem_shared>>
      tpu.enqueue_indirect_dma source(%arg23 : memref<128xf32, #tpu.memory_space<vmem>>) target(%dma_start3A_507 : memref<10240xf32, #tpu.memory_space<vmem_shared>>) offsets(%dma_start3A_505 : memref<128xi32, #tpu.memory_space<vmem>>) semaphore(%arg20 : memref<!tpu.dma_semaphore, #tpu.memory_space<semaphore_mem>>) {add = true}
      %add3A_508 = arith.constant 1 : i32
      %add3A_509 = arith.addi %add3A_423, %add3A_508 : i32
      %lt3A_510 = arith.constant 20 : i32
      %lt3A_511 = arith.cmpi slt, %add3A_509, %lt3A_510 : i32
      %convert_element_type3A_512 = arith.extui %lt3A_511 : i1 to i32
      %cond3A_513 = arith.constant 0 : i32
      %cond3A_514 = arith.cmpi ne, %convert_element_type3A_512, %cond3A_513 : i32
      scf.if %cond3A_514 {
        %add3A_604 = arith.constant 1 : i32
        %add3A_605 = arith.addi %add3A_423, %add3A_604 : i32
        %mul3A_606 = arith.constant 4 : i32
        %mul3A_607 = arith.muli %add3A_605, %mul3A_606 : i32
        %add3A_608 = arith.addi %mul3A_56, %mul3A_607 : i32
        %add3A_609 = arith.constant 0 : i32
        %add3A_610 = arith.addi %add3A_608, %add3A_609 : i32
        %lt3A_611 = arith.constant 2500 : i32
        %lt3A_612 = arith.cmpi slt, %add3A_610, %lt3A_611 : i32
        %convert_element_type3A_613 = arith.extui %lt3A_612 : i1 to i32
        %cond3A_614 = arith.constant 0 : i32
        %cond3A_615 = arith.cmpi ne, %convert_element_type3A_613, %cond3A_614 : i32
        scf.if %cond3A_615 {
          %mul3A_666 = arith.constant 128 : i32
          %mul3A_667 = arith.muli %add3A_610, %mul3A_666 : i32
          %dma_start3A_668 = arith.constant 0 : i32
          %dma_start3A_669 = arith.constant 0 : i32
          %dma_start3A_670 = arith.constant 0 : i32
          %dma_start3A_671 = tpu.memref_slice %arg10[%dma_start3A_669, %dma_start3A_670] : memref<4x128xi32, #tpu.memory_space<vmem>> -> memref<1x128xi32, #tpu.memory_space<vmem>>
          %dma_start3A_672 = tpu.memref_squeeze %dma_start3A_671 : memref<1x128xi32, #tpu.memory_space<vmem>> -> memref<128xi32, #tpu.memory_space<vmem>>
          %dma_start3A_673 = tpu.memref_slice %arg3[%dma_start3A_668, %mul3A_667] : memref<2x320000xi32, #tpu.memory_space<hbm>> -> memref<1x128xi32, #tpu.memory_space<hbm>>
          %dma_start3A_674 = tpu.memref_squeeze %dma_start3A_673 : memref<1x128xi32, #tpu.memory_space<hbm>> -> memref<128xi32, #tpu.memory_space<hbm>>
          %dma_start3A_675 = arith.constant 0 : i32
          %dma_start3A_676 = tpu.memref_slice %arg10[%dma_start3A_669, %dma_start3A_675] : memref<4x128xi32, #tpu.memory_space<vmem>> -> memref<1x128xi32, #tpu.memory_space<vmem>>
          %dma_start3A_677 = tpu.memref_squeeze %dma_start3A_676 : memref<1x128xi32, #tpu.memory_space<vmem>> -> memref<128xi32, #tpu.memory_space<vmem>>
          %dma_start3A_678 = tpu.memref_slice %arg3[%dma_start3A_668, %mul3A_667] : memref<2x320000xi32, #tpu.memory_space<hbm>> -> memref<1x128xi32, #tpu.memory_space<hbm>>
          %dma_start3A_679 = tpu.memref_squeeze %dma_start3A_678 : memref<1x128xi32, #tpu.memory_space<hbm>> -> memref<128xi32, #tpu.memory_space<hbm>>
          tpu.enqueue_dma source(%dma_start3A_679 : memref<128xi32, #tpu.memory_space<hbm>>) target(%dma_start3A_677 : memref<128xi32, #tpu.memory_space<vmem>>) target_semaphore(%arg21 : memref<!tpu.dma_semaphore, #tpu.memory_space<semaphore_mem>>)
          %dma_start3A_680 = arith.constant 1 : i32
          %dma_start3A_681 = arith.constant 0 : i32
          %dma_start3A_682 = arith.constant 0 : i32
          %dma_start3A_683 = tpu.memref_slice %arg11[%dma_start3A_681, %dma_start3A_682] : memref<4x128xi32, #tpu.memory_space<vmem>> -> memref<1x128xi32, #tpu.memory_space<vmem>>
          %dma_start3A_684 = tpu.memref_squeeze %dma_start3A_683 : memref<1x128xi32, #tpu.memory_space<vmem>> -> memref<128xi32, #tpu.memory_space<vmem>>
          %dma_start3A_685 = tpu.memref_slice %arg3[%dma_start3A_680, %mul3A_667] : memref<2x320000xi32, #tpu.memory_space<hbm>> -> memref<1x128xi32, #tpu.memory_space<hbm>>
          %dma_start3A_686 = tpu.memref_squeeze %dma_start3A_685 : memref<1x128xi32, #tpu.memory_space<hbm>> -> memref<128xi32, #tpu.memory_space<hbm>>
          %dma_start3A_687 = arith.constant 0 : i32
          %dma_start3A_688 = tpu.memref_slice %arg11[%dma_start3A_681, %dma_start3A_687] : memref<4x128xi32, #tpu.memory_space<vmem>> -> memref<1x128xi32, #tpu.memory_space<vmem>>
          %dma_start3A_689 = tpu.memref_squeeze %dma_start3A_688 : memref<1x128xi32, #tpu.memory_space<vmem>> -> memref<128xi32, #tpu.memory_space<vmem>>
          %dma_start3A_690 = tpu.memref_slice %arg3[%dma_start3A_680, %mul3A_667] : memref<2x320000xi32, #tpu.memory_space<hbm>> -> memref<1x128xi32, #tpu.memory_space<hbm>>
          %dma_start3A_691 = tpu.memref_squeeze %dma_start3A_690 : memref<1x128xi32, #tpu.memory_space<hbm>> -> memref<128xi32, #tpu.memory_space<hbm>>
          tpu.enqueue_dma source(%dma_start3A_691 : memref<128xi32, #tpu.memory_space<hbm>>) target(%dma_start3A_689 : memref<128xi32, #tpu.memory_space<vmem>>) target_semaphore(%arg21 : memref<!tpu.dma_semaphore, #tpu.memory_space<semaphore_mem>>)
        } else {
        }
        %ge3A_616 = arith.constant 2500 : i32
        %ge3A_617 = arith.cmpi sge, %add3A_610, %ge3A_616 : i32
        %convert_element_type3A_618 = arith.extui %ge3A_617 : i1 to i32
        %cond3A_619 = arith.constant 0 : i32
        %cond3A_620 = arith.cmpi ne, %convert_element_type3A_618, %cond3A_619 : i32
        scf.if %cond3A_620 {
          %sub3A = arith.constant 2500 : i32
          %sub3A_666 = arith.subi %add3A_610, %sub3A : i32
          %mul3A_667 = arith.constant 128 : i32
          %mul3A_668 = arith.muli %sub3A_666, %mul3A_667 : i32
          %dma_start3A_669 = arith.constant 0 : i32
          %dma_start3A_670 = arith.constant 0 : i32
          %dma_start3A_671 = tpu.memref_slice %arg10[%dma_start3A_669, %dma_start3A_670] : memref<4x128xi32, #tpu.memory_space<vmem>> -> memref<1x128xi32, #tpu.memory_space<vmem>>
          %dma_start3A_672 = tpu.memref_squeeze %dma_start3A_671 : memref<1x128xi32, #tpu.memory_space<vmem>> -> memref<128xi32, #tpu.memory_space<vmem>>
          %dma_start3A_673 = tpu.memref_slice %arg4[%mul3A_668] : memref<7680xi32, #tpu.memory_space<hbm>> -> memref<128xi32, #tpu.memory_space<hbm>>
          %dma_start3A_674 = arith.constant 0 : i32
          %dma_start3A_675 = tpu.memref_slice %arg10[%dma_start3A_669, %dma_start3A_674] : memref<4x128xi32, #tpu.memory_space<vmem>> -> memref<1x128xi32, #tpu.memory_space<vmem>>
          %dma_start3A_676 = tpu.memref_squeeze %dma_start3A_675 : memref<1x128xi32, #tpu.memory_space<vmem>> -> memref<128xi32, #tpu.memory_space<vmem>>
          %dma_start3A_677 = tpu.memref_slice %arg4[%mul3A_668] : memref<7680xi32, #tpu.memory_space<hbm>> -> memref<128xi32, #tpu.memory_space<hbm>>
          tpu.enqueue_dma source(%dma_start3A_677 : memref<128xi32, #tpu.memory_space<hbm>>) target(%dma_start3A_676 : memref<128xi32, #tpu.memory_space<vmem>>) target_semaphore(%arg21 : memref<!tpu.dma_semaphore, #tpu.memory_space<semaphore_mem>>)
          %dma_start3A_678 = arith.constant 0 : i32
          %dma_start3A_679 = arith.constant 0 : i32
          %dma_start3A_680 = tpu.memref_slice %arg11[%dma_start3A_678, %dma_start3A_679] : memref<4x128xi32, #tpu.memory_space<vmem>> -> memref<1x128xi32, #tpu.memory_space<vmem>>
          %dma_start3A_681 = tpu.memref_squeeze %dma_start3A_680 : memref<1x128xi32, #tpu.memory_space<vmem>> -> memref<128xi32, #tpu.memory_space<vmem>>
          %dma_start3A_682 = tpu.memref_slice %arg5[%mul3A_668] : memref<7680xi32, #tpu.memory_space<hbm>> -> memref<128xi32, #tpu.memory_space<hbm>>
          %dma_start3A_683 = arith.constant 0 : i32
          %dma_start3A_684 = tpu.memref_slice %arg11[%dma_start3A_678, %dma_start3A_683] : memref<4x128xi32, #tpu.memory_space<vmem>> -> memref<1x128xi32, #tpu.memory_space<vmem>>
          %dma_start3A_685 = tpu.memref_squeeze %dma_start3A_684 : memref<1x128xi32, #tpu.memory_space<vmem>> -> memref<128xi32, #tpu.memory_space<vmem>>
          %dma_start3A_686 = tpu.memref_slice %arg5[%mul3A_668] : memref<7680xi32, #tpu.memory_space<hbm>> -> memref<128xi32, #tpu.memory_space<hbm>>
          tpu.enqueue_dma source(%dma_start3A_686 : memref<128xi32, #tpu.memory_space<hbm>>) target(%dma_start3A_685 : memref<128xi32, #tpu.memory_space<vmem>>) target_semaphore(%arg21 : memref<!tpu.dma_semaphore, #tpu.memory_space<semaphore_mem>>)
        } else {
        }
        %mul3A_621 = arith.constant 4 : i32
        %mul3A_622 = arith.muli %add3A_605, %mul3A_621 : i32
        %add3A_623 = arith.addi %mul3A_56, %mul3A_622 : i32
        %add3A_624 = arith.constant 1 : i32
        %add3A_625 = arith.addi %add3A_623, %add3A_624 : i32
        %lt3A_626 = arith.constant 2500 : i32
        %lt3A_627 = arith.cmpi slt, %add3A_625, %lt3A_626 : i32
        %convert_element_type3A_628 = arith.extui %lt3A_627 : i1 to i32
        %cond3A_629 = arith.constant 0 : i32
        %cond3A_630 = arith.cmpi ne, %convert_element_type3A_628, %cond3A_629 : i32
        scf.if %cond3A_630 {
          %mul3A_666 = arith.constant 128 : i32
          %mul3A_667 = arith.muli %add3A_625, %mul3A_666 : i32
          %dma_start3A_668 = arith.constant 0 : i32
          %dma_start3A_669 = arith.constant 1 : i32
          %dma_start3A_670 = arith.constant 0 : i32
          %dma_start3A_671 = tpu.memref_slice %arg10[%dma_start3A_669, %dma_start3A_670] : memref<4x128xi32, #tpu.memory_space<vmem>> -> memref<1x128xi32, #tpu.memory_space<vmem>>
          %dma_start3A_672 = tpu.memref_squeeze %dma_start3A_671 : memref<1x128xi32, #tpu.memory_space<vmem>> -> memref<128xi32, #tpu.memory_space<vmem>>
          %dma_start3A_673 = tpu.memref_slice %arg3[%dma_start3A_668, %mul3A_667] : memref<2x320000xi32, #tpu.memory_space<hbm>> -> memref<1x128xi32, #tpu.memory_space<hbm>>
          %dma_start3A_674 = tpu.memref_squeeze %dma_start3A_673 : memref<1x128xi32, #tpu.memory_space<hbm>> -> memref<128xi32, #tpu.memory_space<hbm>>
          %dma_start3A_675 = arith.constant 0 : i32
          %dma_start3A_676 = tpu.memref_slice %arg10[%dma_start3A_669, %dma_start3A_675] : memref<4x128xi32, #tpu.memory_space<vmem>> -> memref<1x128xi32, #tpu.memory_space<vmem>>
          %dma_start3A_677 = tpu.memref_squeeze %dma_start3A_676 : memref<1x128xi32, #tpu.memory_space<vmem>> -> memref<128xi32, #tpu.memory_space<vmem>>
          %dma_start3A_678 = tpu.memref_slice %arg3[%dma_start3A_668, %mul3A_667] : memref<2x320000xi32, #tpu.memory_space<hbm>> -> memref<1x128xi32, #tpu.memory_space<hbm>>
          %dma_start3A_679 = tpu.memref_squeeze %dma_start3A_678 : memref<1x128xi32, #tpu.memory_space<hbm>> -> memref<128xi32, #tpu.memory_space<hbm>>
          tpu.enqueue_dma source(%dma_start3A_679 : memref<128xi32, #tpu.memory_space<hbm>>) target(%dma_start3A_677 : memref<128xi32, #tpu.memory_space<vmem>>) target_semaphore(%arg21 : memref<!tpu.dma_semaphore, #tpu.memory_space<semaphore_mem>>)
          %dma_start3A_680 = arith.constant 1 : i32
          %dma_start3A_681 = arith.constant 1 : i32
          %dma_start3A_682 = arith.constant 0 : i32
          %dma_start3A_683 = tpu.memref_slice %arg11[%dma_start3A_681, %dma_start3A_682] : memref<4x128xi32, #tpu.memory_space<vmem>> -> memref<1x128xi32, #tpu.memory_space<vmem>>
          %dma_start3A_684 = tpu.memref_squeeze %dma_start3A_683 : memref<1x128xi32, #tpu.memory_space<vmem>> -> memref<128xi32, #tpu.memory_space<vmem>>
          %dma_start3A_685 = tpu.memref_slice %arg3[%dma_start3A_680, %mul3A_667] : memref<2x320000xi32, #tpu.memory_space<hbm>> -> memref<1x128xi32, #tpu.memory_space<hbm>>
          %dma_start3A_686 = tpu.memref_squeeze %dma_start3A_685 : memref<1x128xi32, #tpu.memory_space<hbm>> -> memref<128xi32, #tpu.memory_space<hbm>>
          %dma_start3A_687 = arith.constant 0 : i32
          %dma_start3A_688 = tpu.memref_slice %arg11[%dma_start3A_681, %dma_start3A_687] : memref<4x128xi32, #tpu.memory_space<vmem>> -> memref<1x128xi32, #tpu.memory_space<vmem>>
          %dma_start3A_689 = tpu.memref_squeeze %dma_start3A_688 : memref<1x128xi32, #tpu.memory_space<vmem>> -> memref<128xi32, #tpu.memory_space<vmem>>
          %dma_start3A_690 = tpu.memref_slice %arg3[%dma_start3A_680, %mul3A_667] : memref<2x320000xi32, #tpu.memory_space<hbm>> -> memref<1x128xi32, #tpu.memory_space<hbm>>
          %dma_start3A_691 = tpu.memref_squeeze %dma_start3A_690 : memref<1x128xi32, #tpu.memory_space<hbm>> -> memref<128xi32, #tpu.memory_space<hbm>>
          tpu.enqueue_dma source(%dma_start3A_691 : memref<128xi32, #tpu.memory_space<hbm>>) target(%dma_start3A_689 : memref<128xi32, #tpu.memory_space<vmem>>) target_semaphore(%arg21 : memref<!tpu.dma_semaphore, #tpu.memory_space<semaphore_mem>>)
        } else {
        }
        %ge3A_631 = arith.constant 2500 : i32
        %ge3A_632 = arith.cmpi sge, %add3A_625, %ge3A_631 : i32
        %convert_element_type3A_633 = arith.extui %ge3A_632 : i1 to i32
        %cond3A_634 = arith.constant 0 : i32
        %cond3A_635 = arith.cmpi ne, %convert_element_type3A_633, %cond3A_634 : i32
        scf.if %cond3A_635 {
          %sub3A = arith.constant 2500 : i32
          %sub3A_666 = arith.subi %add3A_625, %sub3A : i32
          %mul3A_667 = arith.constant 128 : i32
          %mul3A_668 = arith.muli %sub3A_666, %mul3A_667 : i32
          %dma_start3A_669 = arith.constant 1 : i32
          %dma_start3A_670 = arith.constant 0 : i32
          %dma_start3A_671 = tpu.memref_slice %arg10[%dma_start3A_669, %dma_start3A_670] : memref<4x128xi32, #tpu.memory_space<vmem>> -> memref<1x128xi32, #tpu.memory_space<vmem>>
          %dma_start3A_672 = tpu.memref_squeeze %dma_start3A_671 : memref<1x128xi32, #tpu.memory_space<vmem>> -> memref<128xi32, #tpu.memory_space<vmem>>
          %dma_start3A_673 = tpu.memref_slice %arg4[%mul3A_668] : memref<7680xi32, #tpu.memory_space<hbm>> -> memref<128xi32, #tpu.memory_space<hbm>>
          %dma_start3A_674 = arith.constant 0 : i32
          %dma_start3A_675 = tpu.memref_slice %arg10[%dma_start3A_669, %dma_start3A_674] : memref<4x128xi32, #tpu.memory_space<vmem>> -> memref<1x128xi32, #tpu.memory_space<vmem>>
          %dma_start3A_676 = tpu.memref_squeeze %dma_start3A_675 : memref<1x128xi32, #tpu.memory_space<vmem>> -> memref<128xi32, #tpu.memory_space<vmem>>
          %dma_start3A_677 = tpu.memref_slice %arg4[%mul3A_668] : memref<7680xi32, #tpu.memory_space<hbm>> -> memref<128xi32, #tpu.memory_space<hbm>>
          tpu.enqueue_dma source(%dma_start3A_677 : memref<128xi32, #tpu.memory_space<hbm>>) target(%dma_start3A_676 : memref<128xi32, #tpu.memory_space<vmem>>) target_semaphore(%arg21 : memref<!tpu.dma_semaphore, #tpu.memory_space<semaphore_mem>>)
          %dma_start3A_678 = arith.constant 1 : i32
          %dma_start3A_679 = arith.constant 0 : i32
          %dma_start3A_680 = tpu.memref_slice %arg11[%dma_start3A_678, %dma_start3A_679] : memref<4x128xi32, #tpu.memory_space<vmem>> -> memref<1x128xi32, #tpu.memory_space<vmem>>
          %dma_start3A_681 = tpu.memref_squeeze %dma_start3A_680 : memref<1x128xi32, #tpu.memory_space<vmem>> -> memref<128xi32, #tpu.memory_space<vmem>>
          %dma_start3A_682 = tpu.memref_slice %arg5[%mul3A_668] : memref<7680xi32, #tpu.memory_space<hbm>> -> memref<128xi32, #tpu.memory_space<hbm>>
          %dma_start3A_683 = arith.constant 0 : i32
          %dma_start3A_684 = tpu.memref_slice %arg11[%dma_start3A_678, %dma_start3A_683] : memref<4x128xi32, #tpu.memory_space<vmem>> -> memref<1x128xi32, #tpu.memory_space<vmem>>
          %dma_start3A_685 = tpu.memref_squeeze %dma_start3A_684 : memref<1x128xi32, #tpu.memory_space<vmem>> -> memref<128xi32, #tpu.memory_space<vmem>>
          %dma_start3A_686 = tpu.memref_slice %arg5[%mul3A_668] : memref<7680xi32, #tpu.memory_space<hbm>> -> memref<128xi32, #tpu.memory_space<hbm>>
          tpu.enqueue_dma source(%dma_start3A_686 : memref<128xi32, #tpu.memory_space<hbm>>) target(%dma_start3A_685 : memref<128xi32, #tpu.memory_space<vmem>>) target_semaphore(%arg21 : memref<!tpu.dma_semaphore, #tpu.memory_space<semaphore_mem>>)
        } else {
        }
        %mul3A_636 = arith.constant 4 : i32
        %mul3A_637 = arith.muli %add3A_605, %mul3A_636 : i32
        %add3A_638 = arith.addi %mul3A_56, %mul3A_637 : i32
        %add3A_639 = arith.constant 2 : i32
        %add3A_640 = arith.addi %add3A_638, %add3A_639 : i32
        %lt3A_641 = arith.constant 2500 : i32
        %lt3A_642 = arith.cmpi slt, %add3A_640, %lt3A_641 : i32
        %convert_element_type3A_643 = arith.extui %lt3A_642 : i1 to i32
        %cond3A_644 = arith.constant 0 : i32
        %cond3A_645 = arith.cmpi ne, %convert_element_type3A_643, %cond3A_644 : i32
        scf.if %cond3A_645 {
          %mul3A_666 = arith.constant 128 : i32
          %mul3A_667 = arith.muli %add3A_640, %mul3A_666 : i32
          %dma_start3A_668 = arith.constant 0 : i32
          %dma_start3A_669 = arith.constant 2 : i32
          %dma_start3A_670 = arith.constant 0 : i32
          %dma_start3A_671 = tpu.memref_slice %arg10[%dma_start3A_669, %dma_start3A_670] : memref<4x128xi32, #tpu.memory_space<vmem>> -> memref<1x128xi32, #tpu.memory_space<vmem>>
          %dma_start3A_672 = tpu.memref_squeeze %dma_start3A_671 : memref<1x128xi32, #tpu.memory_space<vmem>> -> memref<128xi32, #tpu.memory_space<vmem>>
          %dma_start3A_673 = tpu.memref_slice %arg3[%dma_start3A_668, %mul3A_667] : memref<2x320000xi32, #tpu.memory_space<hbm>> -> memref<1x128xi32, #tpu.memory_space<hbm>>
          %dma_start3A_674 = tpu.memref_squeeze %dma_start3A_673 : memref<1x128xi32, #tpu.memory_space<hbm>> -> memref<128xi32, #tpu.memory_space<hbm>>
          %dma_start3A_675 = arith.constant 0 : i32
          %dma_start3A_676 = tpu.memref_slice %arg10[%dma_start3A_669, %dma_start3A_675] : memref<4x128xi32, #tpu.memory_space<vmem>> -> memref<1x128xi32, #tpu.memory_space<vmem>>
          %dma_start3A_677 = tpu.memref_squeeze %dma_start3A_676 : memref<1x128xi32, #tpu.memory_space<vmem>> -> memref<128xi32, #tpu.memory_space<vmem>>
          %dma_start3A_678 = tpu.memref_slice %arg3[%dma_start3A_668, %mul3A_667] : memref<2x320000xi32, #tpu.memory_space<hbm>> -> memref<1x128xi32, #tpu.memory_space<hbm>>
          %dma_start3A_679 = tpu.memref_squeeze %dma_start3A_678 : memref<1x128xi32, #tpu.memory_space<hbm>> -> memref<128xi32, #tpu.memory_space<hbm>>
          tpu.enqueue_dma source(%dma_start3A_679 : memref<128xi32, #tpu.memory_space<hbm>>) target(%dma_start3A_677 : memref<128xi32, #tpu.memory_space<vmem>>) target_semaphore(%arg21 : memref<!tpu.dma_semaphore, #tpu.memory_space<semaphore_mem>>)
          %dma_start3A_680 = arith.constant 1 : i32
          %dma_start3A_681 = arith.constant 2 : i32
          %dma_start3A_682 = arith.constant 0 : i32
          %dma_start3A_683 = tpu.memref_slice %arg11[%dma_start3A_681, %dma_start3A_682] : memref<4x128xi32, #tpu.memory_space<vmem>> -> memref<1x128xi32, #tpu.memory_space<vmem>>
          %dma_start3A_684 = tpu.memref_squeeze %dma_start3A_683 : memref<1x128xi32, #tpu.memory_space<vmem>> -> memref<128xi32, #tpu.memory_space<vmem>>
          %dma_start3A_685 = tpu.memref_slice %arg3[%dma_start3A_680, %mul3A_667] : memref<2x320000xi32, #tpu.memory_space<hbm>> -> memref<1x128xi32, #tpu.memory_space<hbm>>
          %dma_start3A_686 = tpu.memref_squeeze %dma_start3A_685 : memref<1x128xi32, #tpu.memory_space<hbm>> -> memref<128xi32, #tpu.memory_space<hbm>>
          %dma_start3A_687 = arith.constant 0 : i32
          %dma_start3A_688 = tpu.memref_slice %arg11[%dma_start3A_681, %dma_start3A_687] : memref<4x128xi32, #tpu.memory_space<vmem>> -> memref<1x128xi32, #tpu.memory_space<vmem>>
          %dma_start3A_689 = tpu.memref_squeeze %dma_start3A_688 : memref<1x128xi32, #tpu.memory_space<vmem>> -> memref<128xi32, #tpu.memory_space<vmem>>
          %dma_start3A_690 = tpu.memref_slice %arg3[%dma_start3A_680, %mul3A_667] : memref<2x320000xi32, #tpu.memory_space<hbm>> -> memref<1x128xi32, #tpu.memory_space<hbm>>
          %dma_start3A_691 = tpu.memref_squeeze %dma_start3A_690 : memref<1x128xi32, #tpu.memory_space<hbm>> -> memref<128xi32, #tpu.memory_space<hbm>>
          tpu.enqueue_dma source(%dma_start3A_691 : memref<128xi32, #tpu.memory_space<hbm>>) target(%dma_start3A_689 : memref<128xi32, #tpu.memory_space<vmem>>) target_semaphore(%arg21 : memref<!tpu.dma_semaphore, #tpu.memory_space<semaphore_mem>>)
        } else {
        }
        %ge3A_646 = arith.constant 2500 : i32
        %ge3A_647 = arith.cmpi sge, %add3A_640, %ge3A_646 : i32
        %convert_element_type3A_648 = arith.extui %ge3A_647 : i1 to i32
        %cond3A_649 = arith.constant 0 : i32
        %cond3A_650 = arith.cmpi ne, %convert_element_type3A_648, %cond3A_649 : i32
        scf.if %cond3A_650 {
          %sub3A = arith.constant 2500 : i32
          %sub3A_666 = arith.subi %add3A_640, %sub3A : i32
          %mul3A_667 = arith.constant 128 : i32
          %mul3A_668 = arith.muli %sub3A_666, %mul3A_667 : i32
          %dma_start3A_669 = arith.constant 2 : i32
          %dma_start3A_670 = arith.constant 0 : i32
          %dma_start3A_671 = tpu.memref_slice %arg10[%dma_start3A_669, %dma_start3A_670] : memref<4x128xi32, #tpu.memory_space<vmem>> -> memref<1x128xi32, #tpu.memory_space<vmem>>
          %dma_start3A_672 = tpu.memref_squeeze %dma_start3A_671 : memref<1x128xi32, #tpu.memory_space<vmem>> -> memref<128xi32, #tpu.memory_space<vmem>>
          %dma_start3A_673 = tpu.memref_slice %arg4[%mul3A_668] : memref<7680xi32, #tpu.memory_space<hbm>> -> memref<128xi32, #tpu.memory_space<hbm>>
          %dma_start3A_674 = arith.constant 0 : i32
          %dma_start3A_675 = tpu.memref_slice %arg10[%dma_start3A_669, %dma_start3A_674] : memref<4x128xi32, #tpu.memory_space<vmem>> -> memref<1x128xi32, #tpu.memory_space<vmem>>
          %dma_start3A_676 = tpu.memref_squeeze %dma_start3A_675 : memref<1x128xi32, #tpu.memory_space<vmem>> -> memref<128xi32, #tpu.memory_space<vmem>>
          %dma_start3A_677 = tpu.memref_slice %arg4[%mul3A_668] : memref<7680xi32, #tpu.memory_space<hbm>> -> memref<128xi32, #tpu.memory_space<hbm>>
          tpu.enqueue_dma source(%dma_start3A_677 : memref<128xi32, #tpu.memory_space<hbm>>) target(%dma_start3A_676 : memref<128xi32, #tpu.memory_space<vmem>>) target_semaphore(%arg21 : memref<!tpu.dma_semaphore, #tpu.memory_space<semaphore_mem>>)
          %dma_start3A_678 = arith.constant 2 : i32
          %dma_start3A_679 = arith.constant 0 : i32
          %dma_start3A_680 = tpu.memref_slice %arg11[%dma_start3A_678, %dma_start3A_679] : memref<4x128xi32, #tpu.memory_space<vmem>> -> memref<1x128xi32, #tpu.memory_space<vmem>>
          %dma_start3A_681 = tpu.memref_squeeze %dma_start3A_680 : memref<1x128xi32, #tpu.memory_space<vmem>> -> memref<128xi32, #tpu.memory_space<vmem>>
          %dma_start3A_682 = tpu.memref_slice %arg5[%mul3A_668] : memref<7680xi32, #tpu.memory_space<hbm>> -> memref<128xi32, #tpu.memory_space<hbm>>
          %dma_start3A_683 = arith.constant 0 : i32
          %dma_start3A_684 = tpu.memref_slice %arg11[%dma_start3A_678, %dma_start3A_683] : memref<4x128xi32, #tpu.memory_space<vmem>> -> memref<1x128xi32, #tpu.memory_space<vmem>>
          %dma_start3A_685 = tpu.memref_squeeze %dma_start3A_684 : memref<1x128xi32, #tpu.memory_space<vmem>> -> memref<128xi32, #tpu.memory_space<vmem>>
          %dma_start3A_686 = tpu.memref_slice %arg5[%mul3A_668] : memref<7680xi32, #tpu.memory_space<hbm>> -> memref<128xi32, #tpu.memory_space<hbm>>
          tpu.enqueue_dma source(%dma_start3A_686 : memref<128xi32, #tpu.memory_space<hbm>>) target(%dma_start3A_685 : memref<128xi32, #tpu.memory_space<vmem>>) target_semaphore(%arg21 : memref<!tpu.dma_semaphore, #tpu.memory_space<semaphore_mem>>)
        } else {
        }
        %mul3A_651 = arith.constant 4 : i32
        %mul3A_652 = arith.muli %add3A_605, %mul3A_651 : i32
        %add3A_653 = arith.addi %mul3A_56, %mul3A_652 : i32
        %add3A_654 = arith.constant 3 : i32
        %add3A_655 = arith.addi %add3A_653, %add3A_654 : i32
        %lt3A_656 = arith.constant 2500 : i32
        %lt3A_657 = arith.cmpi slt, %add3A_655, %lt3A_656 : i32
        %convert_element_type3A_658 = arith.extui %lt3A_657 : i1 to i32
        %cond3A_659 = arith.constant 0 : i32
        %cond3A_660 = arith.cmpi ne, %convert_element_type3A_658, %cond3A_659 : i32
        scf.if %cond3A_660 {
          %mul3A_666 = arith.constant 128 : i32
          %mul3A_667 = arith.muli %add3A_655, %mul3A_666 : i32
          %dma_start3A_668 = arith.constant 0 : i32
          %dma_start3A_669 = arith.constant 3 : i32
          %dma_start3A_670 = arith.constant 0 : i32
          %dma_start3A_671 = tpu.memref_slice %arg10[%dma_start3A_669, %dma_start3A_670] : memref<4x128xi32, #tpu.memory_space<vmem>> -> memref<1x128xi32, #tpu.memory_space<vmem>>
          %dma_start3A_672 = tpu.memref_squeeze %dma_start3A_671 : memref<1x128xi32, #tpu.memory_space<vmem>> -> memref<128xi32, #tpu.memory_space<vmem>>
          %dma_start3A_673 = tpu.memref_slice %arg3[%dma_start3A_668, %mul3A_667] : memref<2x320000xi32, #tpu.memory_space<hbm>> -> memref<1x128xi32, #tpu.memory_space<hbm>>
          %dma_start3A_674 = tpu.memref_squeeze %dma_start3A_673 : memref<1x128xi32, #tpu.memory_space<hbm>> -> memref<128xi32, #tpu.memory_space<hbm>>
          %dma_start3A_675 = arith.constant 0 : i32
          %dma_start3A_676 = tpu.memref_slice %arg10[%dma_start3A_669, %dma_start3A_675] : memref<4x128xi32, #tpu.memory_space<vmem>> -> memref<1x128xi32, #tpu.memory_space<vmem>>
          %dma_start3A_677 = tpu.memref_squeeze %dma_start3A_676 : memref<1x128xi32, #tpu.memory_space<vmem>> -> memref<128xi32, #tpu.memory_space<vmem>>
          %dma_start3A_678 = tpu.memref_slice %arg3[%dma_start3A_668, %mul3A_667] : memref<2x320000xi32, #tpu.memory_space<hbm>> -> memref<1x128xi32, #tpu.memory_space<hbm>>
          %dma_start3A_679 = tpu.memref_squeeze %dma_start3A_678 : memref<1x128xi32, #tpu.memory_space<hbm>> -> memref<128xi32, #tpu.memory_space<hbm>>
          tpu.enqueue_dma source(%dma_start3A_679 : memref<128xi32, #tpu.memory_space<hbm>>) target(%dma_start3A_677 : memref<128xi32, #tpu.memory_space<vmem>>) target_semaphore(%arg21 : memref<!tpu.dma_semaphore, #tpu.memory_space<semaphore_mem>>)
          %dma_start3A_680 = arith.constant 1 : i32
          %dma_start3A_681 = arith.constant 3 : i32
          %dma_start3A_682 = arith.constant 0 : i32
          %dma_start3A_683 = tpu.memref_slice %arg11[%dma_start3A_681, %dma_start3A_682] : memref<4x128xi32, #tpu.memory_space<vmem>> -> memref<1x128xi32, #tpu.memory_space<vmem>>
          %dma_start3A_684 = tpu.memref_squeeze %dma_start3A_683 : memref<1x128xi32, #tpu.memory_space<vmem>> -> memref<128xi32, #tpu.memory_space<vmem>>
          %dma_start3A_685 = tpu.memref_slice %arg3[%dma_start3A_680, %mul3A_667] : memref<2x320000xi32, #tpu.memory_space<hbm>> -> memref<1x128xi32, #tpu.memory_space<hbm>>
          %dma_start3A_686 = tpu.memref_squeeze %dma_start3A_685 : memref<1x128xi32, #tpu.memory_space<hbm>> -> memref<128xi32, #tpu.memory_space<hbm>>
          %dma_start3A_687 = arith.constant 0 : i32
          %dma_start3A_688 = tpu.memref_slice %arg11[%dma_start3A_681, %dma_start3A_687] : memref<4x128xi32, #tpu.memory_space<vmem>> -> memref<1x128xi32, #tpu.memory_space<vmem>>
          %dma_start3A_689 = tpu.memref_squeeze %dma_start3A_688 : memref<1x128xi32, #tpu.memory_space<vmem>> -> memref<128xi32, #tpu.memory_space<vmem>>
          %dma_start3A_690 = tpu.memref_slice %arg3[%dma_start3A_680, %mul3A_667] : memref<2x320000xi32, #tpu.memory_space<hbm>> -> memref<1x128xi32, #tpu.memory_space<hbm>>
          %dma_start3A_691 = tpu.memref_squeeze %dma_start3A_690 : memref<1x128xi32, #tpu.memory_space<hbm>> -> memref<128xi32, #tpu.memory_space<hbm>>
          tpu.enqueue_dma source(%dma_start3A_691 : memref<128xi32, #tpu.memory_space<hbm>>) target(%dma_start3A_689 : memref<128xi32, #tpu.memory_space<vmem>>) target_semaphore(%arg21 : memref<!tpu.dma_semaphore, #tpu.memory_space<semaphore_mem>>)
        } else {
        }
        %ge3A_661 = arith.constant 2500 : i32
        %ge3A_662 = arith.cmpi sge, %add3A_655, %ge3A_661 : i32
        %convert_element_type3A_663 = arith.extui %ge3A_662 : i1 to i32
        %cond3A_664 = arith.constant 0 : i32
        %cond3A_665 = arith.cmpi ne, %convert_element_type3A_663, %cond3A_664 : i32
        scf.if %cond3A_665 {
          %sub3A = arith.constant 2500 : i32
          %sub3A_666 = arith.subi %add3A_655, %sub3A : i32
          %mul3A_667 = arith.constant 128 : i32
          %mul3A_668 = arith.muli %sub3A_666, %mul3A_667 : i32
          %dma_start3A_669 = arith.constant 3 : i32
          %dma_start3A_670 = arith.constant 0 : i32
          %dma_start3A_671 = tpu.memref_slice %arg10[%dma_start3A_669, %dma_start3A_670] : memref<4x128xi32, #tpu.memory_space<vmem>> -> memref<1x128xi32, #tpu.memory_space<vmem>>
          %dma_start3A_672 = tpu.memref_squeeze %dma_start3A_671 : memref<1x128xi32, #tpu.memory_space<vmem>> -> memref<128xi32, #tpu.memory_space<vmem>>
          %dma_start3A_673 = tpu.memref_slice %arg4[%mul3A_668] : memref<7680xi32, #tpu.memory_space<hbm>> -> memref<128xi32, #tpu.memory_space<hbm>>
          %dma_start3A_674 = arith.constant 0 : i32
          %dma_start3A_675 = tpu.memref_slice %arg10[%dma_start3A_669, %dma_start3A_674] : memref<4x128xi32, #tpu.memory_space<vmem>> -> memref<1x128xi32, #tpu.memory_space<vmem>>
          %dma_start3A_676 = tpu.memref_squeeze %dma_start3A_675 : memref<1x128xi32, #tpu.memory_space<vmem>> -> memref<128xi32, #tpu.memory_space<vmem>>
          %dma_start3A_677 = tpu.memref_slice %arg4[%mul3A_668] : memref<7680xi32, #tpu.memory_space<hbm>> -> memref<128xi32, #tpu.memory_space<hbm>>
          tpu.enqueue_dma source(%dma_start3A_677 : memref<128xi32, #tpu.memory_space<hbm>>) target(%dma_start3A_676 : memref<128xi32, #tpu.memory_space<vmem>>) target_semaphore(%arg21 : memref<!tpu.dma_semaphore, #tpu.memory_space<semaphore_mem>>)
          %dma_start3A_678 = arith.constant 3 : i32
          %dma_start3A_679 = arith.constant 0 : i32
          %dma_start3A_680 = tpu.memref_slice %arg11[%dma_start3A_678, %dma_start3A_679] : memref<4x128xi32, #tpu.memory_space<vmem>> -> memref<1x128xi32, #tpu.memory_space<vmem>>
          %dma_start3A_681 = tpu.memref_squeeze %dma_start3A_680 : memref<1x128xi32, #tpu.memory_space<vmem>> -> memref<128xi32, #tpu.memory_space<vmem>>
          %dma_start3A_682 = tpu.memref_slice %arg5[%mul3A_668] : memref<7680xi32, #tpu.memory_space<hbm>> -> memref<128xi32, #tpu.memory_space<hbm>>
          %dma_start3A_683 = arith.constant 0 : i32
          %dma_start3A_684 = tpu.memref_slice %arg11[%dma_start3A_678, %dma_start3A_683] : memref<4x128xi32, #tpu.memory_space<vmem>> -> memref<1x128xi32, #tpu.memory_space<vmem>>
          %dma_start3A_685 = tpu.memref_squeeze %dma_start3A_684 : memref<1x128xi32, #tpu.memory_space<vmem>> -> memref<128xi32, #tpu.memory_space<vmem>>
          %dma_start3A_686 = tpu.memref_slice %arg5[%mul3A_668] : memref<7680xi32, #tpu.memory_space<hbm>> -> memref<128xi32, #tpu.memory_space<hbm>>
          tpu.enqueue_dma source(%dma_start3A_686 : memref<128xi32, #tpu.memory_space<hbm>>) target(%dma_start3A_685 : memref<128xi32, #tpu.memory_space<vmem>>) target_semaphore(%arg21 : memref<!tpu.dma_semaphore, #tpu.memory_space<semaphore_mem>>)
        } else {
        }
      } else {
      }
      %dma_wait3A_515 = arith.constant 0 : i32
      %dma_wait3A_516 = arith.constant 0 : i32
      %dma_wait3A_517 = arith.constant 0 : i32
      %dma_wait3A_518 = tpu.memref_slice %arg14[%dma_wait3A_516, %dma_wait3A_517] : memref<128x128xf32, #tpu.memory_space<vmem>> -> memref<128x128xf32, #tpu.memory_space<vmem>>
      %dma_wait3A_519 = arith.constant 0 : i32
      %dma_wait3A_520 = tpu.memref_slice %arg10[%dma_wait3A_515, %dma_wait3A_519] : memref<4x128xi32, #tpu.memory_space<vmem>> -> memref<1x128xi32, #tpu.memory_space<vmem>>
      %dma_wait3A_521 = tpu.memref_squeeze %dma_wait3A_520 : memref<1x128xi32, #tpu.memory_space<vmem>> -> memref<128xi32, #tpu.memory_space<vmem>>
      %dma_wait3A_522 = arith.constant 0 : i32
      %dma_wait3A_523 = arith.constant 0 : i32
      %dma_wait3A_524 = tpu.memref_slice %arg2[%dma_wait3A_522, %dma_wait3A_523] : memref<10000x128xf32, #tpu.memory_space<hbm>> -> memref<10000x128xf32, #tpu.memory_space<hbm>>
      tpu.wait_indirect_dma semaphore(%arg17 : memref<!tpu.dma_semaphore, #tpu.memory_space<semaphore_mem>>) src(%dma_wait3A_524 : memref<10000x128xf32, #tpu.memory_space<hbm>>) dst(%dma_wait3A_518 : memref<128x128xf32, #tpu.memory_space<vmem>>)
      %dma_wait3A_525 = arith.constant 0 : i32
      %dma_wait3A_526 = arith.constant 0 : i32
      %dma_wait3A_527 = tpu.memref_slice %arg11[%dma_wait3A_525, %dma_wait3A_526] : memref<4x128xi32, #tpu.memory_space<vmem>> -> memref<1x128xi32, #tpu.memory_space<vmem>>
      %dma_wait3A_528 = tpu.memref_squeeze %dma_wait3A_527 : memref<1x128xi32, #tpu.memory_space<vmem>> -> memref<128xi32, #tpu.memory_space<vmem>>
      %dma_wait3A_529 = arith.constant 0 : i32
      %dma_wait3A_530 = arith.constant 0 : i32
      %dma_wait3A_531 = tpu.memref_slice %arg16[%dma_wait3A_529, %dma_wait3A_530] : memref<10112x128xf32, #tpu.memory_space<vmem_shared>> -> memref<10112x128xf32, #tpu.memory_space<vmem_shared>>
      tpu.wait_indirect_dma semaphore(%arg20 : memref<!tpu.dma_semaphore, #tpu.memory_space<semaphore_mem>>) src(%arg15 : memref<128x128xf32, #tpu.memory_space<vmem>>) dst(%dma_wait3A_531 : memref<10112x128xf32, #tpu.memory_space<vmem_shared>>)
      %dma_wait3A_532 = arith.constant 0 : i32
      %dma_wait3A_533 = arith.constant 0 : i32
      %dma_wait3A_534 = tpu.memref_slice %arg11[%dma_wait3A_532, %dma_wait3A_533] : memref<4x128xi32, #tpu.memory_space<vmem>> -> memref<1x128xi32, #tpu.memory_space<vmem>>
      %dma_wait3A_535 = tpu.memref_squeeze %dma_wait3A_534 : memref<1x128xi32, #tpu.memory_space<vmem>> -> memref<128xi32, #tpu.memory_space<vmem>>
      %dma_wait3A_536 = arith.constant 0 : i32
      %dma_wait3A_537 = tpu.memref_slice %arg24[%dma_wait3A_536] : memref<10240xf32, #tpu.memory_space<vmem_shared>> -> memref<10240xf32, #tpu.memory_space<vmem_shared>>
      tpu.wait_indirect_dma semaphore(%arg20 : memref<!tpu.dma_semaphore, #tpu.memory_space<semaphore_mem>>) src(%arg23 : memref<128xf32, #tpu.memory_space<vmem>>) dst(%dma_wait3A_537 : memref<10240xf32, #tpu.memory_space<vmem_shared>>)
      %dma_start3A_538 = arith.constant 3 : i32
      %dma_start3A_539 = arith.constant 0 : i32
      %dma_start3A_540 = arith.constant 0 : i32
      %dma_start3A_541 = tpu.memref_slice %arg15[%dma_start3A_539, %dma_start3A_540] : memref<128x128xf32, #tpu.memory_space<vmem>> -> memref<128x128xf32, #tpu.memory_space<vmem>>
      %dma_start3A_542 = arith.constant 0 : i32
      %dma_start3A_543 = tpu.memref_slice %arg12[%dma_start3A_538, %dma_start3A_542] : memref<4x128xi32, #tpu.memory_space<vmem>> -> memref<1x128xi32, #tpu.memory_space<vmem>>
      %dma_start3A_544 = tpu.memref_squeeze %dma_start3A_543 : memref<1x128xi32, #tpu.memory_space<vmem>> -> memref<128xi32, #tpu.memory_space<vmem>>
      %dma_start3A_545 = arith.constant 0 : i32
      %dma_start3A_546 = arith.constant 0 : i32
      %dma_start3A_547 = tpu.memref_slice %arg2[%dma_start3A_545, %dma_start3A_546] : memref<10000x128xf32, #tpu.memory_space<hbm>> -> memref<10000x128xf32, #tpu.memory_space<hbm>>
      tpu.enqueue_indirect_dma source(%dma_start3A_547 : memref<10000x128xf32, #tpu.memory_space<hbm>>) target(%dma_start3A_541 : memref<128x128xf32, #tpu.memory_space<vmem>>) offsets(%dma_start3A_544 : memref<128xi32, #tpu.memory_space<vmem>>) semaphore(%arg18 : memref<!tpu.dma_semaphore, #tpu.memory_space<semaphore_mem>>)
      %dma_start3A_548 = arith.constant 2 : i32
      %dma_start3A_549 = arith.constant 0 : i32
      %dma_start3A_550 = tpu.memref_slice %arg13[%dma_start3A_548, %dma_start3A_549] : memref<4x128xi32, #tpu.memory_space<vmem>> -> memref<1x128xi32, #tpu.memory_space<vmem>>
      %dma_start3A_551 = tpu.memref_squeeze %dma_start3A_550 : memref<1x128xi32, #tpu.memory_space<vmem>> -> memref<128xi32, #tpu.memory_space<vmem>>
      %dma_start3A_552 = arith.constant 0 : i32
      %dma_start3A_553 = arith.constant 0 : i32
      %dma_start3A_554 = tpu.memref_slice %arg16[%dma_start3A_552, %dma_start3A_553] : memref<10112x128xf32, #tpu.memory_space<vmem_shared>> -> memref<10112x128xf32, #tpu.memory_space<vmem_shared>>
      tpu.enqueue_indirect_dma source(%arg14 : memref<128x128xf32, #tpu.memory_space<vmem>>) target(%dma_start3A_554 : memref<10112x128xf32, #tpu.memory_space<vmem_shared>>) offsets(%dma_start3A_551 : memref<128xi32, #tpu.memory_space<vmem>>) semaphore(%arg19 : memref<!tpu.dma_semaphore, #tpu.memory_space<semaphore_mem>>) {add = true}
      %dma_start3A_555 = arith.constant 2 : i32
      %dma_start3A_556 = arith.constant 0 : i32
      %dma_start3A_557 = tpu.memref_slice %arg13[%dma_start3A_555, %dma_start3A_556] : memref<4x128xi32, #tpu.memory_space<vmem>> -> memref<1x128xi32, #tpu.memory_space<vmem>>
      %dma_start3A_558 = tpu.memref_squeeze %dma_start3A_557 : memref<1x128xi32, #tpu.memory_space<vmem>> -> memref<128xi32, #tpu.memory_space<vmem>>
      %dma_start3A_559 = arith.constant 0 : i32
      %dma_start3A_560 = tpu.memref_slice %arg24[%dma_start3A_559] : memref<10240xf32, #tpu.memory_space<vmem_shared>> -> memref<10240xf32, #tpu.memory_space<vmem_shared>>
      tpu.enqueue_indirect_dma source(%arg23 : memref<128xf32, #tpu.memory_space<vmem>>) target(%dma_start3A_560 : memref<10240xf32, #tpu.memory_space<vmem_shared>>) offsets(%dma_start3A_558 : memref<128xi32, #tpu.memory_space<vmem>>) semaphore(%arg19 : memref<!tpu.dma_semaphore, #tpu.memory_space<semaphore_mem>>) {add = true}
      %dma_wait3A_561 = arith.constant 0 : i32
      %dma_wait3A_562 = arith.constant 0 : i32
      %dma_wait3A_563 = arith.constant 0 : i32
      %dma_wait3A_564 = tpu.memref_slice %arg15[%dma_wait3A_562, %dma_wait3A_563] : memref<128x128xf32, #tpu.memory_space<vmem>> -> memref<128x128xf32, #tpu.memory_space<vmem>>
      %dma_wait3A_565 = arith.constant 0 : i32
      %dma_wait3A_566 = tpu.memref_slice %arg10[%dma_wait3A_561, %dma_wait3A_565] : memref<4x128xi32, #tpu.memory_space<vmem>> -> memref<1x128xi32, #tpu.memory_space<vmem>>
      %dma_wait3A_567 = tpu.memref_squeeze %dma_wait3A_566 : memref<1x128xi32, #tpu.memory_space<vmem>> -> memref<128xi32, #tpu.memory_space<vmem>>
      %dma_wait3A_568 = arith.constant 0 : i32
      %dma_wait3A_569 = arith.constant 0 : i32
      %dma_wait3A_570 = tpu.memref_slice %arg2[%dma_wait3A_568, %dma_wait3A_569] : memref<10000x128xf32, #tpu.memory_space<hbm>> -> memref<10000x128xf32, #tpu.memory_space<hbm>>
      tpu.wait_indirect_dma semaphore(%arg18 : memref<!tpu.dma_semaphore, #tpu.memory_space<semaphore_mem>>) src(%dma_wait3A_570 : memref<10000x128xf32, #tpu.memory_space<hbm>>) dst(%dma_wait3A_564 : memref<128x128xf32, #tpu.memory_space<vmem>>)
      %dma_wait3A_571 = arith.constant 0 : i32
      %dma_wait3A_572 = arith.constant 0 : i32
      %dma_wait3A_573 = tpu.memref_slice %arg11[%dma_wait3A_571, %dma_wait3A_572] : memref<4x128xi32, #tpu.memory_space<vmem>> -> memref<1x128xi32, #tpu.memory_space<vmem>>
      %dma_wait3A_574 = tpu.memref_squeeze %dma_wait3A_573 : memref<1x128xi32, #tpu.memory_space<vmem>> -> memref<128xi32, #tpu.memory_space<vmem>>
      %dma_wait3A_575 = arith.constant 0 : i32
      %dma_wait3A_576 = arith.constant 0 : i32
      %dma_wait3A_577 = tpu.memref_slice %arg16[%dma_wait3A_575, %dma_wait3A_576] : memref<10112x128xf32, #tpu.memory_space<vmem_shared>> -> memref<10112x128xf32, #tpu.memory_space<vmem_shared>>
      tpu.wait_indirect_dma semaphore(%arg19 : memref<!tpu.dma_semaphore, #tpu.memory_space<semaphore_mem>>) src(%arg14 : memref<128x128xf32, #tpu.memory_space<vmem>>) dst(%dma_wait3A_577 : memref<10112x128xf32, #tpu.memory_space<vmem_shared>>)
      %dma_wait3A_578 = arith.constant 0 : i32
      %dma_wait3A_579 = arith.constant 0 : i32
      %dma_wait3A_580 = tpu.memref_slice %arg11[%dma_wait3A_578, %dma_wait3A_579] : memref<4x128xi32, #tpu.memory_space<vmem>> -> memref<1x128xi32, #tpu.memory_space<vmem>>
      %dma_wait3A_581 = tpu.memref_squeeze %dma_wait3A_580 : memref<1x128xi32, #tpu.memory_space<vmem>> -> memref<128xi32, #tpu.memory_space<vmem>>
      %dma_wait3A_582 = arith.constant 0 : i32
      %dma_wait3A_583 = tpu.memref_slice %arg24[%dma_wait3A_582] : memref<10240xf32, #tpu.memory_space<vmem_shared>> -> memref<10240xf32, #tpu.memory_space<vmem_shared>>
      tpu.wait_indirect_dma semaphore(%arg19 : memref<!tpu.dma_semaphore, #tpu.memory_space<semaphore_mem>>) src(%arg23 : memref<128xf32, #tpu.memory_space<vmem>>) dst(%dma_wait3A_583 : memref<10240xf32, #tpu.memory_space<vmem_shared>>)
      %add3A_584 = arith.constant 1 : i32
      %add3A_585 = arith.addi %add3A_423, %add3A_584 : i32
      %lt3A_586 = arith.constant 20 : i32
      %lt3A_587 = arith.cmpi slt, %add3A_585, %lt3A_586 : i32
      %convert_element_type3A_588 = arith.extui %lt3A_587 : i1 to i32
      %cond3A_589 = arith.constant 0 : i32
      %cond3A_590 = arith.cmpi ne, %convert_element_type3A_588, %cond3A_589 : i32
      scf.if %cond3A_590 {
        %dma_wait3A_604 = arith.constant 0 : i32
        %dma_wait3A_605 = arith.constant 0 : i32
        %dma_wait3A_606 = tpu.memref_slice %arg10[%dma_wait3A_604, %dma_wait3A_605] : memref<4x128xi32, #tpu.memory_space<vmem>> -> memref<1x128xi32, #tpu.memory_space<vmem>>
        %dma_wait3A_607 = tpu.memref_squeeze %dma_wait3A_606 : memref<1x128xi32, #tpu.memory_space<vmem>> -> memref<128xi32, #tpu.memory_space<vmem>>
        %dma_wait3A_608 = arith.constant 0 : i32
        %dma_wait3A_609 = tpu.memref_slice %arg4[%dma_wait3A_608] : memref<7680xi32, #tpu.memory_space<hbm>> -> memref<128xi32, #tpu.memory_space<hbm>>
        %dma_wait3A_610 = arith.constant 0 : i32
        %dma_wait3A_611 = tpu.memref_slice %arg10[%dma_wait3A_604, %dma_wait3A_610] : memref<4x128xi32, #tpu.memory_space<vmem>> -> memref<1x128xi32, #tpu.memory_space<vmem>>
        %dma_wait3A_612 = tpu.memref_squeeze %dma_wait3A_611 : memref<1x128xi32, #tpu.memory_space<vmem>> -> memref<128xi32, #tpu.memory_space<vmem>>
        %dma_wait3A_613 = arith.constant 0 : i32
        %dma_wait3A_614 = tpu.memref_slice %arg4[%dma_wait3A_613] : memref<7680xi32, #tpu.memory_space<hbm>> -> memref<128xi32, #tpu.memory_space<hbm>>
        tpu.wait_dma2 semaphore(%arg21 : memref<!tpu.dma_semaphore, #tpu.memory_space<semaphore_mem>>) src(%dma_wait3A_614 : memref<128xi32, #tpu.memory_space<hbm>>) dst(%dma_wait3A_612 : memref<128xi32, #tpu.memory_space<vmem>>)
        %dma_wait3A_615 = arith.constant 0 : i32
        %dma_wait3A_616 = arith.constant 0 : i32
        %dma_wait3A_617 = tpu.memref_slice %arg11[%dma_wait3A_615, %dma_wait3A_616] : memref<4x128xi32, #tpu.memory_space<vmem>> -> memref<1x128xi32, #tpu.memory_space<vmem>>
        %dma_wait3A_618 = tpu.memref_squeeze %dma_wait3A_617 : memref<1x128xi32, #tpu.memory_space<vmem>> -> memref<128xi32, #tpu.memory_space<vmem>>
        %dma_wait3A_619 = arith.constant 0 : i32
        %dma_wait3A_620 = tpu.memref_slice %arg4[%dma_wait3A_619] : memref<7680xi32, #tpu.memory_space<hbm>> -> memref<128xi32, #tpu.memory_space<hbm>>
        %dma_wait3A_621 = arith.constant 0 : i32
        %dma_wait3A_622 = tpu.memref_slice %arg11[%dma_wait3A_615, %dma_wait3A_621] : memref<4x128xi32, #tpu.memory_space<vmem>> -> memref<1x128xi32, #tpu.memory_space<vmem>>
        %dma_wait3A_623 = tpu.memref_squeeze %dma_wait3A_622 : memref<1x128xi32, #tpu.memory_space<vmem>> -> memref<128xi32, #tpu.memory_space<vmem>>
        %dma_wait3A_624 = arith.constant 0 : i32
        %dma_wait3A_625 = tpu.memref_slice %arg4[%dma_wait3A_624] : memref<7680xi32, #tpu.memory_space<hbm>> -> memref<128xi32, #tpu.memory_space<hbm>>
        tpu.wait_dma2 semaphore(%arg21 : memref<!tpu.dma_semaphore, #tpu.memory_space<semaphore_mem>>) src(%dma_wait3A_625 : memref<128xi32, #tpu.memory_space<hbm>>) dst(%dma_wait3A_623 : memref<128xi32, #tpu.memory_space<vmem>>)
        %dma_wait3A_626 = arith.constant 1 : i32
        %dma_wait3A_627 = arith.constant 0 : i32
        %dma_wait3A_628 = tpu.memref_slice %arg10[%dma_wait3A_626, %dma_wait3A_627] : memref<4x128xi32, #tpu.memory_space<vmem>> -> memref<1x128xi32, #tpu.memory_space<vmem>>
        %dma_wait3A_629 = tpu.memref_squeeze %dma_wait3A_628 : memref<1x128xi32, #tpu.memory_space<vmem>> -> memref<128xi32, #tpu.memory_space<vmem>>
        %dma_wait3A_630 = arith.constant 0 : i32
        %dma_wait3A_631 = tpu.memref_slice %arg4[%dma_wait3A_630] : memref<7680xi32, #tpu.memory_space<hbm>> -> memref<128xi32, #tpu.memory_space<hbm>>
        %dma_wait3A_632 = arith.constant 0 : i32
        %dma_wait3A_633 = tpu.memref_slice %arg10[%dma_wait3A_626, %dma_wait3A_632] : memref<4x128xi32, #tpu.memory_space<vmem>> -> memref<1x128xi32, #tpu.memory_space<vmem>>
        %dma_wait3A_634 = tpu.memref_squeeze %dma_wait3A_633 : memref<1x128xi32, #tpu.memory_space<vmem>> -> memref<128xi32, #tpu.memory_space<vmem>>
        %dma_wait3A_635 = arith.constant 0 : i32
        %dma_wait3A_636 = tpu.memref_slice %arg4[%dma_wait3A_635] : memref<7680xi32, #tpu.memory_space<hbm>> -> memref<128xi32, #tpu.memory_space<hbm>>
        tpu.wait_dma2 semaphore(%arg21 : memref<!tpu.dma_semaphore, #tpu.memory_space<semaphore_mem>>) src(%dma_wait3A_636 : memref<128xi32, #tpu.memory_space<hbm>>) dst(%dma_wait3A_634 : memref<128xi32, #tpu.memory_space<vmem>>)
        %dma_wait3A_637 = arith.constant 1 : i32
        %dma_wait3A_638 = arith.constant 0 : i32
        %dma_wait3A_639 = tpu.memref_slice %arg11[%dma_wait3A_637, %dma_wait3A_638] : memref<4x128xi32, #tpu.memory_space<vmem>> -> memref<1x128xi32, #tpu.memory_space<vmem>>
        %dma_wait3A_640 = tpu.memref_squeeze %dma_wait3A_639 : memref<1x128xi32, #tpu.memory_space<vmem>> -> memref<128xi32, #tpu.memory_space<vmem>>
        %dma_wait3A_641 = arith.constant 0 : i32
        %dma_wait3A_642 = tpu.memref_slice %arg4[%dma_wait3A_641] : memref<7680xi32, #tpu.memory_space<hbm>> -> memref<128xi32, #tpu.memory_space<hbm>>
        %dma_wait3A_643 = arith.constant 0 : i32
        %dma_wait3A_644 = tpu.memref_slice %arg11[%dma_wait3A_637, %dma_wait3A_643] : memref<4x128xi32, #tpu.memory_space<vmem>> -> memref<1x128xi32, #tpu.memory_space<vmem>>
        %dma_wait3A_645 = tpu.memref_squeeze %dma_wait3A_644 : memref<1x128xi32, #tpu.memory_space<vmem>> -> memref<128xi32, #tpu.memory_space<vmem>>
        %dma_wait3A_646 = arith.constant 0 : i32
        %dma_wait3A_647 = tpu.memref_slice %arg4[%dma_wait3A_646] : memref<7680xi32, #tpu.memory_space<hbm>> -> memref<128xi32, #tpu.memory_space<hbm>>
        tpu.wait_dma2 semaphore(%arg21 : memref<!tpu.dma_semaphore, #tpu.memory_space<semaphore_mem>>) src(%dma_wait3A_647 : memref<128xi32, #tpu.memory_space<hbm>>) dst(%dma_wait3A_645 : memref<128xi32, #tpu.memory_space<vmem>>)
        %dma_wait3A_648 = arith.constant 2 : i32
        %dma_wait3A_649 = arith.constant 0 : i32
        %dma_wait3A_650 = tpu.memref_slice %arg10[%dma_wait3A_648, %dma_wait3A_649] : memref<4x128xi32, #tpu.memory_space<vmem>> -> memref<1x128xi32, #tpu.memory_space<vmem>>
        %dma_wait3A_651 = tpu.memref_squeeze %dma_wait3A_650 : memref<1x128xi32, #tpu.memory_space<vmem>> -> memref<128xi32, #tpu.memory_space<vmem>>
        %dma_wait3A_652 = arith.constant 0 : i32
        %dma_wait3A_653 = tpu.memref_slice %arg4[%dma_wait3A_652] : memref<7680xi32, #tpu.memory_space<hbm>> -> memref<128xi32, #tpu.memory_space<hbm>>
        %dma_wait3A_654 = arith.constant 0 : i32
        %dma_wait3A_655 = tpu.memref_slice %arg10[%dma_wait3A_648, %dma_wait3A_654] : memref<4x128xi32, #tpu.memory_space<vmem>> -> memref<1x128xi32, #tpu.memory_space<vmem>>
        %dma_wait3A_656 = tpu.memref_squeeze %dma_wait3A_655 : memref<1x128xi32, #tpu.memory_space<vmem>> -> memref<128xi32, #tpu.memory_space<vmem>>
        %dma_wait3A_657 = arith.constant 0 : i32
        %dma_wait3A_658 = tpu.memref_slice %arg4[%dma_wait3A_657] : memref<7680xi32, #tpu.memory_space<hbm>> -> memref<128xi32, #tpu.memory_space<hbm>>
        tpu.wait_dma2 semaphore(%arg21 : memref<!tpu.dma_semaphore, #tpu.memory_space<semaphore_mem>>) src(%dma_wait3A_658 : memref<128xi32, #tpu.memory_space<hbm>>) dst(%dma_wait3A_656 : memref<128xi32, #tpu.memory_space<vmem>>)
        %dma_wait3A_659 = arith.constant 2 : i32
        %dma_wait3A_660 = arith.constant 0 : i32
        %dma_wait3A_661 = tpu.memref_slice %arg11[%dma_wait3A_659, %dma_wait3A_660] : memref<4x128xi32, #tpu.memory_space<vmem>> -> memref<1x128xi32, #tpu.memory_space<vmem>>
        %dma_wait3A_662 = tpu.memref_squeeze %dma_wait3A_661 : memref<1x128xi32, #tpu.memory_space<vmem>> -> memref<128xi32, #tpu.memory_space<vmem>>
        %dma_wait3A_663 = arith.constant 0 : i32
        %dma_wait3A_664 = tpu.memref_slice %arg4[%dma_wait3A_663] : memref<7680xi32, #tpu.memory_space<hbm>> -> memref<128xi32, #tpu.memory_space<hbm>>
        %dma_wait3A_665 = arith.constant 0 : i32
        %dma_wait3A_666 = tpu.memref_slice %arg11[%dma_wait3A_659, %dma_wait3A_665] : memref<4x128xi32, #tpu.memory_space<vmem>> -> memref<1x128xi32, #tpu.memory_space<vmem>>
        %dma_wait3A_667 = tpu.memref_squeeze %dma_wait3A_666 : memref<1x128xi32, #tpu.memory_space<vmem>> -> memref<128xi32, #tpu.memory_space<vmem>>
        %dma_wait3A_668 = arith.constant 0 : i32
        %dma_wait3A_669 = tpu.memref_slice %arg4[%dma_wait3A_668] : memref<7680xi32, #tpu.memory_space<hbm>> -> memref<128xi32, #tpu.memory_space<hbm>>
        tpu.wait_dma2 semaphore(%arg21 : memref<!tpu.dma_semaphore, #tpu.memory_space<semaphore_mem>>) src(%dma_wait3A_669 : memref<128xi32, #tpu.memory_space<hbm>>) dst(%dma_wait3A_667 : memref<128xi32, #tpu.memory_space<vmem>>)
        %dma_wait3A_670 = arith.constant 3 : i32
        %dma_wait3A_671 = arith.constant 0 : i32
        %dma_wait3A_672 = tpu.memref_slice %arg10[%dma_wait3A_670, %dma_wait3A_671] : memref<4x128xi32, #tpu.memory_space<vmem>> -> memref<1x128xi32, #tpu.memory_space<vmem>>
        %dma_wait3A_673 = tpu.memref_squeeze %dma_wait3A_672 : memref<1x128xi32, #tpu.memory_space<vmem>> -> memref<128xi32, #tpu.memory_space<vmem>>
        %dma_wait3A_674 = arith.constant 0 : i32
        %dma_wait3A_675 = tpu.memref_slice %arg4[%dma_wait3A_674] : memref<7680xi32, #tpu.memory_space<hbm>> -> memref<128xi32, #tpu.memory_space<hbm>>
        %dma_wait3A_676 = arith.constant 0 : i32
        %dma_wait3A_677 = tpu.memref_slice %arg10[%dma_wait3A_670, %dma_wait3A_676] : memref<4x128xi32, #tpu.memory_space<vmem>> -> memref<1x128xi32, #tpu.memory_space<vmem>>
        %dma_wait3A_678 = tpu.memref_squeeze %dma_wait3A_677 : memref<1x128xi32, #tpu.memory_space<vmem>> -> memref<128xi32, #tpu.memory_space<vmem>>
        %dma_wait3A_679 = arith.constant 0 : i32
        %dma_wait3A_680 = tpu.memref_slice %arg4[%dma_wait3A_679] : memref<7680xi32, #tpu.memory_space<hbm>> -> memref<128xi32, #tpu.memory_space<hbm>>
        tpu.wait_dma2 semaphore(%arg21 : memref<!tpu.dma_semaphore, #tpu.memory_space<semaphore_mem>>) src(%dma_wait3A_680 : memref<128xi32, #tpu.memory_space<hbm>>) dst(%dma_wait3A_678 : memref<128xi32, #tpu.memory_space<vmem>>)
        %dma_wait3A_681 = arith.constant 3 : i32
        %dma_wait3A_682 = arith.constant 0 : i32
        %dma_wait3A_683 = tpu.memref_slice %arg11[%dma_wait3A_681, %dma_wait3A_682] : memref<4x128xi32, #tpu.memory_space<vmem>> -> memref<1x128xi32, #tpu.memory_space<vmem>>
        %dma_wait3A_684 = tpu.memref_squeeze %dma_wait3A_683 : memref<1x128xi32, #tpu.memory_space<vmem>> -> memref<128xi32, #tpu.memory_space<vmem>>
        %dma_wait3A_685 = arith.constant 0 : i32
        %dma_wait3A_686 = tpu.memref_slice %arg4[%dma_wait3A_685] : memref<7680xi32, #tpu.memory_space<hbm>> -> memref<128xi32, #tpu.memory_space<hbm>>
        %dma_wait3A_687 = arith.constant 0 : i32
        %dma_wait3A_688 = tpu.memref_slice %arg11[%dma_wait3A_681, %dma_wait3A_687] : memref<4x128xi32, #tpu.memory_space<vmem>> -> memref<1x128xi32, #tpu.memory_space<vmem>>
        %dma_wait3A_689 = tpu.memref_squeeze %dma_wait3A_688 : memref<1x128xi32, #tpu.memory_space<vmem>> -> memref<128xi32, #tpu.memory_space<vmem>>
        %dma_wait3A_690 = arith.constant 0 : i32
        %dma_wait3A_691 = tpu.memref_slice %arg4[%dma_wait3A_690] : memref<7680xi32, #tpu.memory_space<hbm>> -> memref<128xi32, #tpu.memory_space<hbm>>
        tpu.wait_dma2 semaphore(%arg21 : memref<!tpu.dma_semaphore, #tpu.memory_space<semaphore_mem>>) src(%dma_wait3A_691 : memref<128xi32, #tpu.memory_space<hbm>>) dst(%dma_wait3A_689 : memref<128xi32, #tpu.memory_space<vmem>>)
        %dma_start3A_692 = arith.constant 0 : i32
        %dma_start3A_693 = arith.constant 0 : i32
        %dma_start3A_694 = arith.constant 0 : i32
        %dma_start3A_695 = tpu.memref_slice %arg14[%dma_start3A_693, %dma_start3A_694] : memref<128x128xf32, #tpu.memory_space<vmem>> -> memref<128x128xf32, #tpu.memory_space<vmem>>
        %dma_start3A_696 = arith.constant 0 : i32
        %dma_start3A_697 = tpu.memref_slice %arg10[%dma_start3A_692, %dma_start3A_696] : memref<4x128xi32, #tpu.memory_space<vmem>> -> memref<1x128xi32, #tpu.memory_space<vmem>>
        %dma_start3A_698 = tpu.memref_squeeze %dma_start3A_697 : memref<1x128xi32, #tpu.memory_space<vmem>> -> memref<128xi32, #tpu.memory_space<vmem>>
        %dma_start3A_699 = arith.constant 0 : i32
        %dma_start3A_700 = arith.constant 0 : i32
        %dma_start3A_701 = tpu.memref_slice %arg2[%dma_start3A_699, %dma_start3A_700] : memref<10000x128xf32, #tpu.memory_space<hbm>> -> memref<10000x128xf32, #tpu.memory_space<hbm>>
        tpu.enqueue_indirect_dma source(%dma_start3A_701 : memref<10000x128xf32, #tpu.memory_space<hbm>>) target(%dma_start3A_695 : memref<128x128xf32, #tpu.memory_space<vmem>>) offsets(%dma_start3A_698 : memref<128xi32, #tpu.memory_space<vmem>>) semaphore(%arg17 : memref<!tpu.dma_semaphore, #tpu.memory_space<semaphore_mem>>)
      } else {
      }
      %dma_start3A_591 = arith.constant 3 : i32
      %dma_start3A_592 = arith.constant 0 : i32
      %dma_start3A_593 = tpu.memref_slice %arg13[%dma_start3A_591, %dma_start3A_592] : memref<4x128xi32, #tpu.memory_space<vmem>> -> memref<1x128xi32, #tpu.memory_space<vmem>>
      %dma_start3A_594 = tpu.memref_squeeze %dma_start3A_593 : memref<1x128xi32, #tpu.memory_space<vmem>> -> memref<128xi32, #tpu.memory_space<vmem>>
      %dma_start3A_595 = arith.constant 0 : i32
      %dma_start3A_596 = arith.constant 0 : i32
      %dma_start3A_597 = tpu.memref_slice %arg16[%dma_start3A_595, %dma_start3A_596] : memref<10112x128xf32, #tpu.memory_space<vmem_shared>> -> memref<10112x128xf32, #tpu.memory_space<vmem_shared>>
      tpu.enqueue_indirect_dma source(%arg15 : memref<128x128xf32, #tpu.memory_space<vmem>>) target(%dma_start3A_597 : memref<10112x128xf32, #tpu.memory_space<vmem_shared>>) offsets(%dma_start3A_594 : memref<128xi32, #tpu.memory_space<vmem>>) semaphore(%arg20 : memref<!tpu.dma_semaphore, #tpu.memory_space<semaphore_mem>>) {add = true}
      %dma_start3A_598 = arith.constant 3 : i32
      %dma_start3A_599 = arith.constant 0 : i32
      %dma_start3A_600 = tpu.memref_slice %arg13[%dma_start3A_598, %dma_start3A_599] : memref<4x128xi32, #tpu.memory_space<vmem>> -> memref<1x128xi32, #tpu.memory_space<vmem>>
      %dma_start3A_601 = tpu.memref_squeeze %dma_start3A_600 : memref<1x128xi32, #tpu.memory_space<vmem>> -> memref<128xi32, #tpu.memory_space<vmem>>
      %dma_start3A_602 = arith.constant 0 : i32
      %dma_start3A_603 = tpu.memref_slice %arg24[%dma_start3A_602] : memref<10240xf32, #tpu.memory_space<vmem_shared>> -> memref<10240xf32, #tpu.memory_space<vmem_shared>>
      tpu.enqueue_indirect_dma source(%arg23 : memref<128xf32, #tpu.memory_space<vmem>>) target(%dma_start3A_603 : memref<10240xf32, #tpu.memory_space<vmem_shared>>) offsets(%dma_start3A_601 : memref<128xi32, #tpu.memory_space<vmem>>) semaphore(%arg20 : memref<!tpu.dma_semaphore, #tpu.memory_space<semaphore_mem>>) {add = true}
    }
    %scan3A_210 = arith.constant 10 : i32
    %dma_wait3A_211 = arith.constant 0 : i32
    %dma_wait3A_212 = arith.constant 0 : i32
    %dma_wait3A_213 = tpu.memref_slice %arg11[%dma_wait3A_211, %dma_wait3A_212] : memref<4x128xi32, #tpu.memory_space<vmem>> -> memref<1x128xi32, #tpu.memory_space<vmem>>
    %dma_wait3A_214 = tpu.memref_squeeze %dma_wait3A_213 : memref<1x128xi32, #tpu.memory_space<vmem>> -> memref<128xi32, #tpu.memory_space<vmem>>
    %dma_wait3A_215 = arith.constant 0 : i32
    %dma_wait3A_216 = arith.constant 0 : i32
    %dma_wait3A_217 = tpu.memref_slice %arg16[%dma_wait3A_215, %dma_wait3A_216] : memref<10112x128xf32, #tpu.memory_space<vmem_shared>> -> memref<10112x128xf32, #tpu.memory_space<vmem_shared>>
    tpu.wait_indirect_dma semaphore(%arg20 : memref<!tpu.dma_semaphore, #tpu.memory_space<semaphore_mem>>) src(%arg15 : memref<128x128xf32, #tpu.memory_space<vmem>>) dst(%dma_wait3A_217 : memref<10112x128xf32, #tpu.memory_space<vmem_shared>>)
    %dma_wait3A_218 = arith.constant 0 : i32
    %dma_wait3A_219 = arith.constant 0 : i32
    %dma_wait3A_220 = tpu.memref_slice %arg11[%dma_wait3A_218, %dma_wait3A_219] : memref<4x128xi32, #tpu.memory_space<vmem>> -> memref<1x128xi32, #tpu.memory_space<vmem>>
    %dma_wait3A_221 = tpu.memref_squeeze %dma_wait3A_220 : memref<1x128xi32, #tpu.memory_space<vmem>> -> memref<128xi32, #tpu.memory_space<vmem>>
    %dma_wait3A_222 = arith.constant 0 : i32
    %dma_wait3A_223 = tpu.memref_slice %arg24[%dma_wait3A_222] : memref<10240xf32, #tpu.memory_space<vmem_shared>> -> memref<10240xf32, #tpu.memory_space<vmem_shared>>
    tpu.wait_indirect_dma semaphore(%arg20 : memref<!tpu.dma_semaphore, #tpu.memory_space<semaphore_mem>>) src(%arg23 : memref<128xf32, #tpu.memory_space<vmem>>) dst(%dma_wait3A_223 : memref<10240xf32, #tpu.memory_space<vmem_shared>>)
    %barrier3A_224 = arith.constant 0 : index
    tpu.barrier barrier_id(%barrier3A_224)
    %mul3A_225 = arith.constant 632 : i32
    %mul3A_226 = arith.muli %arg1, %mul3A_225 : i32
    %mul3A_227 = arith.constant 640 : i32
    %mul3A_228 = arith.muli %arg1, %mul3A_227 : i32
    %eq3A = arith.constant 0 : i32
    %eq3A_229 = arith.cmpi eq, %arg0, %eq3A : i32
    %convert_element_type3A_230 = arith.extui %eq3A_229 : i1 to i32
    %cond3A_231 = arith.constant 0 : i32
    %cond3A_232 = arith.cmpi ne, %convert_element_type3A_230, %cond3A_231 : i32
    scf.if %cond3A_232 {
      "tpu.region"() ({
        %run_scoped3A = tpu.sem_alloc : memref<!tpu.dma_semaphore, #tpu.memory_space<semaphore_mem>>
        %dma_start3A_238 = arith.constant 0 : i32
        %dma_start3A_239 = tpu.memref_slice %arg6[%mul3A_226, %dma_start3A_238] : memref<10112x128xf32, #tpu.memory_space<hbm>> -> memref<632x128xf32, #tpu.memory_space<hbm>>
        %dma_start3A_240 = arith.constant 0 : i32
        %dma_start3A_241 = tpu.memref_slice %arg16[%mul3A_226, %dma_start3A_240] : memref<10112x128xf32, #tpu.memory_space<vmem_shared>> -> memref<632x128xf32, #tpu.memory_space<vmem_shared>>
        tpu.enqueue_dma source(%dma_start3A_241 : memref<632x128xf32, #tpu.memory_space<vmem_shared>>) target(%dma_start3A_239 : memref<632x128xf32, #tpu.memory_space<hbm>>) target_semaphore(%run_scoped3A : memref<!tpu.dma_semaphore, #tpu.memory_space<semaphore_mem>>)
        %dma_wait3A_242 = arith.constant 0 : i32
        %dma_wait3A_243 = tpu.memref_slice %arg6[%mul3A_226, %dma_wait3A_242] : memref<10112x128xf32, #tpu.memory_space<hbm>> -> memref<632x128xf32, #tpu.memory_space<hbm>>
        %dma_wait3A_244 = arith.constant 0 : i32
        %dma_wait3A_245 = tpu.memref_slice %arg16[%mul3A_226, %dma_wait3A_244] : memref<10112x128xf32, #tpu.memory_space<vmem_shared>> -> memref<632x128xf32, #tpu.memory_space<vmem_shared>>
        tpu.wait_dma2 semaphore(%run_scoped3A : memref<!tpu.dma_semaphore, #tpu.memory_space<semaphore_mem>>) src(%dma_wait3A_245 : memref<632x128xf32, #tpu.memory_space<vmem_shared>>) dst(%dma_wait3A_243 : memref<632x128xf32, #tpu.memory_space<hbm>>)
        tpu.yield
      }) : () -> ()
      "tpu.region"() ({
        %run_scoped3A = tpu.sem_alloc : memref<!tpu.dma_semaphore, #tpu.memory_space<semaphore_mem>>
        %dma_start3A_238 = tpu.memref_slice %arg8[%mul3A_228] : memref<10240xf32, #tpu.memory_space<hbm>> -> memref<640xf32, #tpu.memory_space<hbm>>
        %dma_start3A_239 = tpu.memref_slice %arg24[%mul3A_228] : memref<10240xf32, #tpu.memory_space<vmem_shared>> -> memref<640xf32, #tpu.memory_space<vmem_shared>>
        tpu.enqueue_dma source(%dma_start3A_239 : memref<640xf32, #tpu.memory_space<vmem_shared>>) target(%dma_start3A_238 : memref<640xf32, #tpu.memory_space<hbm>>) target_semaphore(%run_scoped3A : memref<!tpu.dma_semaphore, #tpu.memory_space<semaphore_mem>>)
        %dma_wait3A_240 = tpu.memref_slice %arg8[%mul3A_228] : memref<10240xf32, #tpu.memory_space<hbm>> -> memref<640xf32, #tpu.memory_space<hbm>>
        %dma_wait3A_241 = tpu.memref_slice %arg24[%mul3A_228] : memref<10240xf32, #tpu.memory_space<vmem_shared>> -> memref<640xf32, #tpu.memory_space<vmem_shared>>
        tpu.wait_dma2 semaphore(%run_scoped3A : memref<!tpu.dma_semaphore, #tpu.memory_space<semaphore_mem>>) src(%dma_wait3A_241 : memref<640xf32, #tpu.memory_space<vmem_shared>>) dst(%dma_wait3A_240 : memref<640xf32, #tpu.memory_space<hbm>>)
        tpu.yield
      }) : () -> ()
    } else {
    }
    %eq3A_233 = arith.constant 1 : i32
    %eq3A_234 = arith.cmpi eq, %arg0, %eq3A_233 : i32
    %convert_element_type3A_235 = arith.extui %eq3A_234 : i1 to i32
    %cond3A_236 = arith.constant 0 : i32
    %cond3A_237 = arith.cmpi ne, %convert_element_type3A_235, %cond3A_236 : i32
    scf.if %cond3A_237 {
      "tpu.region"() ({
        %run_scoped3A = tpu.sem_alloc : memref<!tpu.dma_semaphore, #tpu.memory_space<semaphore_mem>>
        %dma_start3A_238 = arith.constant 0 : i32
        %dma_start3A_239 = tpu.memref_slice %arg7[%mul3A_226, %dma_start3A_238] : memref<10112x128xf32, #tpu.memory_space<hbm>> -> memref<632x128xf32, #tpu.memory_space<hbm>>
        %dma_start3A_240 = arith.constant 0 : i32
        %dma_start3A_241 = tpu.memref_slice %arg16[%mul3A_226, %dma_start3A_240] : memref<10112x128xf32, #tpu.memory_space<vmem_shared>> -> memref<632x128xf32, #tpu.memory_space<vmem_shared>>
        tpu.enqueue_dma source(%dma_start3A_241 : memref<632x128xf32, #tpu.memory_space<vmem_shared>>) target(%dma_start3A_239 : memref<632x128xf32, #tpu.memory_space<hbm>>) target_semaphore(%run_scoped3A : memref<!tpu.dma_semaphore, #tpu.memory_space<semaphore_mem>>)
        %dma_wait3A_242 = arith.constant 0 : i32
        %dma_wait3A_243 = tpu.memref_slice %arg7[%mul3A_226, %dma_wait3A_242] : memref<10112x128xf32, #tpu.memory_space<hbm>> -> memref<632x128xf32, #tpu.memory_space<hbm>>
        %dma_wait3A_244 = arith.constant 0 : i32
        %dma_wait3A_245 = tpu.memref_slice %arg16[%mul3A_226, %dma_wait3A_244] : memref<10112x128xf32, #tpu.memory_space<vmem_shared>> -> memref<632x128xf32, #tpu.memory_space<vmem_shared>>
        tpu.wait_dma2 semaphore(%run_scoped3A : memref<!tpu.dma_semaphore, #tpu.memory_space<semaphore_mem>>) src(%dma_wait3A_245 : memref<632x128xf32, #tpu.memory_space<vmem_shared>>) dst(%dma_wait3A_243 : memref<632x128xf32, #tpu.memory_space<hbm>>)
        tpu.yield
      }) : () -> ()
      "tpu.region"() ({
        %run_scoped3A = tpu.sem_alloc : memref<!tpu.dma_semaphore, #tpu.memory_space<semaphore_mem>>
        %dma_start3A_238 = tpu.memref_slice %arg9[%mul3A_228] : memref<10240xf32, #tpu.memory_space<hbm>> -> memref<640xf32, #tpu.memory_space<hbm>>
        %dma_start3A_239 = tpu.memref_slice %arg24[%mul3A_228] : memref<10240xf32, #tpu.memory_space<vmem_shared>> -> memref<640xf32, #tpu.memory_space<vmem_shared>>
        tpu.enqueue_dma source(%dma_start3A_239 : memref<640xf32, #tpu.memory_space<vmem_shared>>) target(%dma_start3A_238 : memref<640xf32, #tpu.memory_space<hbm>>) target_semaphore(%run_scoped3A : memref<!tpu.dma_semaphore, #tpu.memory_space<semaphore_mem>>)
        %dma_wait3A_240 = tpu.memref_slice %arg9[%mul3A_228] : memref<10240xf32, #tpu.memory_space<hbm>> -> memref<640xf32, #tpu.memory_space<hbm>>
        %dma_wait3A_241 = tpu.memref_slice %arg24[%mul3A_228] : memref<10240xf32, #tpu.memory_space<vmem_shared>> -> memref<640xf32, #tpu.memory_space<vmem_shared>>
        tpu.wait_dma2 semaphore(%run_scoped3A : memref<!tpu.dma_semaphore, #tpu.memory_space<semaphore_mem>>) src(%dma_wait3A_241 : memref<640xf32, #tpu.memory_space<vmem_shared>>) dst(%dma_wait3A_240 : memref<640xf32, #tpu.memory_space<hbm>>)
        tpu.yield
      }) : () -> ()
    } else {
    }
    return
  }
}

module attributes {stable_mosaic.version = 14 : i64} {
  func.func @_tcr_body(%arg0: i32, %arg1: memref<1000x128xf32, #tpu.memory_space<vmem>>, %arg2: memref<128x128xf32, #tpu.memory_space<vmem>>, %arg3: memref<1x128xf32, #tpu.memory_space<vmem>>, %arg4: memref<1000x128xf32, #tpu.memory_space<vmem>>) attributes {dimension_semantics = [#tpu.dimension_semantics<arbitrary>], iteration_bounds = array<i64: 10>, scalar_prefetch = 0 : i64, scratch_operands = 0 : i64, tpu.core_type = #tpu.core_type<tc>, window_params = [{transform_indices = @transform_0, window_bounds = array<i64: 1000, 128>}, {pipeline_mode = #tpu.pipeline_mode<synchronous>, transform_indices = @transform_1, window_bounds = array<i64: 128, 128>}, {pipeline_mode = #tpu.pipeline_mode<synchronous>, transform_indices = @transform_2, window_bounds = array<i64: 1, 128>}, {transform_indices = @transform_3, window_bounds = array<i64: 1000, 128>}]} {
    %get3A = arith.constant 0 : index
    %get3A_0 = arith.constant 0 : index
    %get3A_1 = vector.load %arg1[%get3A, %get3A_0] : memref<1000x128xf32, #tpu.memory_space<vmem>>, vector<1000x128xf32>
    %get3A_2 = arith.constant 0 : index
    %get3A_3 = arith.constant 0 : index
    %get3A_4 = vector.load %arg2[%get3A_2, %get3A_3] : memref<128x128xf32, #tpu.memory_space<vmem>>, vector<128x128xf32>
    %dot_general3A = arith.constant dense<0.000000e+00> : vector<1000x128xf32>
    %dot_general3A_5 = tpu.matmul %get3A_1, %get3A_4, %dot_general3A {dimension_numbers = #tpu.dot_dimension_numbers<[1], [1], [0], [0], [0, 0, 1, 0], [], []>, transpose_lhs_hint = false} : vector<1000x128xf32>, vector<128x128xf32>, vector<1000x128xf32> -> vector<1000x128xf32>
    %get3A_6 = arith.constant 0 : index
    %get3A_7 = arith.constant 0 : index
    %get3A_8 = vector.load %arg3[%get3A_6, %get3A_7] : memref<1x128xf32, #tpu.memory_space<vmem>>, vector<1x128xf32>
    %add3A = vector.broadcast %get3A_8 : vector<1x128xf32> to vector<1000x128xf32>
    %add3A_9 = arith.addf %dot_general3A_5, %add3A : vector<1000x128xf32>
    %swap3A = arith.constant 0 : index
    %swap3A_10 = arith.constant 0 : index
    %swap3A_11 = vector.load %arg4[%swap3A, %swap3A_10] : memref<1000x128xf32, #tpu.memory_space<vmem>>, vector<1000x128xf32>
    tpu.vector_store %arg4[%swap3A, %swap3A_10], %add3A_9 {strides = array<i32>} : memref<1000x128xf32, #tpu.memory_space<vmem>>, vector<1000x128xf32>,
    return
  }
  func.func @transform_0(%arg0: i32) -> (i32, i32) {
    %c0_i32 = arith.constant 0 : i32
    %c0_i32_0 = arith.constant 0 : i32
    return %arg0, %c0_i32 : i32, i32
  }
  func.func @transform_1(%arg0: i32) -> (i32, i32) {
    %c0_i32 = arith.constant 0 : i32
    %c0_i32_0 = arith.constant 0 : i32
    %c0_i32_1 = arith.constant 0 : i32
    return %c0_i32, %c0_i32_0 : i32, i32
  }
  func.func @transform_2(%arg0: i32) -> (i32, i32) {
    %c0_i32 = arith.constant 0 : i32
    %c0_i32_0 = arith.constant 0 : i32
    %c0_i32_1 = arith.constant 0 : i32
    return %c0_i32, %c0_i32_0 : i32, i32
  }
  func.func @transform_3(%arg0: i32) -> (i32, i32) {
    %c0_i32 = arith.constant 0 : i32
    %c0_i32_0 = arith.constant 0 : i32
    return %arg0, %c0_i32 : i32, i32
  }
}

module attributes {stable_mosaic.version = 14 : i64} {
  func.func @_tc1_body(%arg0: i32, %arg1: memref<1000x128xf32, #tpu.memory_space<vmem>>, %arg2: memref<1000x128xf32, #tpu.memory_space<vmem>>, %arg3: memref<1000x128xf32, #tpu.memory_space<vmem>>, %arg4: memref<1000x128xf32, #tpu.memory_space<vmem>>, %arg5: memref<128x128xf32, #tpu.memory_space<vmem>>, %arg6: memref<128x128xf32, #tpu.memory_space<vmem>>, %arg7: memref<1x128xf32, #tpu.memory_space<vmem>>, %arg8: memref<1000x128xf32, #tpu.memory_space<vmem>>, %arg9: memref<1000x128xf32, #tpu.memory_space<vmem>>) attributes {dimension_semantics = [#tpu.dimension_semantics<arbitrary>], iteration_bounds = array<i64: 10>, scalar_prefetch = 0 : i64, scratch_operands = 0 : i64, tpu.core_type = #tpu.core_type<tc>, window_params = [{transform_indices = @transform_0, window_bounds = array<i64: 1000, 128>}, {transform_indices = @transform_1, window_bounds = array<i64: 1000, 128>}, {transform_indices = @transform_2, window_bounds = array<i64: 1000, 128>}, {transform_indices = @transform_3, window_bounds = array<i64: 1000, 128>}, {pipeline_mode = #tpu.pipeline_mode<synchronous>, transform_indices = @transform_4, window_bounds = array<i64: 128, 128>}, {pipeline_mode = #tpu.pipeline_mode<synchronous>, transform_indices = @transform_5, window_bounds = array<i64: 128, 128>}, {pipeline_mode = #tpu.pipeline_mode<synchronous>, transform_indices = @transform_6, window_bounds = array<i64: 1, 128>}, {transform_indices = @transform_7, window_bounds = array<i64: 1000, 128>}, {transform_indices = @transform_8, window_bounds = array<i64: 1000, 128>}]} {
    %get3A = arith.constant 0 : index
    %get3A_0 = arith.constant 0 : index
    %get3A_1 = vector.load %arg1[%get3A, %get3A_0] : memref<1000x128xf32, #tpu.memory_space<vmem>>, vector<1000x128xf32>
    %get3A_2 = arith.constant 0 : index
    %get3A_3 = arith.constant 0 : index
    %get3A_4 = vector.load %arg2[%get3A_2, %get3A_3] : memref<1000x128xf32, #tpu.memory_space<vmem>>, vector<1000x128xf32>
    %add3A = arith.addf %get3A_1, %get3A_4 : vector<1000x128xf32>
    %get3A_5 = arith.constant 0 : index
    %get3A_6 = arith.constant 0 : index
    %get3A_7 = vector.load %arg3[%get3A_5, %get3A_6] : memref<1000x128xf32, #tpu.memory_space<vmem>>, vector<1000x128xf32>
    %mul3A = arith.mulf %add3A, %get3A_7 : vector<1000x128xf32>
    %get3A_8 = arith.constant 0 : index
    %get3A_9 = arith.constant 0 : index
    %get3A_10 = vector.load %arg5[%get3A_8, %get3A_9] : memref<128x128xf32, #tpu.memory_space<vmem>>, vector<128x128xf32>
    %dot_general3A = arith.constant dense<0.000000e+00> : vector<1000x128xf32>
    %dot_general3A_11 = tpu.matmul %mul3A, %get3A_10, %dot_general3A {dimension_numbers = #tpu.dot_dimension_numbers<[1], [1], [0], [0], [0, 0, 1, 0], [], []>, transpose_lhs_hint = false} : vector<1000x128xf32>, vector<128x128xf32>, vector<1000x128xf32> -> vector<1000x128xf32>
    %get3A_12 = arith.constant 0 : index
    %get3A_13 = arith.constant 0 : index
    %get3A_14 = vector.load %arg4[%get3A_12, %get3A_13] : memref<1000x128xf32, #tpu.memory_space<vmem>>, vector<1000x128xf32>
    %add3A_15 = arith.addf %dot_general3A_11, %get3A_14 : vector<1000x128xf32>
    %ge3A = arith.constant 0.000000e+00 : f32
    %ge3A_16 = vector.broadcast %ge3A : f32 to vector<1000x128xf32>
    %ge3A_17 = arith.cmpf oge, %add3A_15, %ge3A_16 : vector<1000x128xf32>
    %mul3A_18 = arith.constant 0.00999999977 : f32
    %mul3A_19 = vector.broadcast %mul3A_18 : f32 to vector<1000x128xf32>
    %mul3A_20 = arith.mulf %mul3A_19, %add3A_15 : vector<1000x128xf32>
    %select_n3A = arith.select %ge3A_17, %add3A_15, %mul3A_20 : vector<1000x128xi1>, vector<1000x128xf32>
    %swap3A = arith.constant 0 : index
    %swap3A_21 = arith.constant 0 : index
    %swap3A_22 = vector.load %arg8[%swap3A, %swap3A_21] : memref<1000x128xf32, #tpu.memory_space<vmem>>, vector<1000x128xf32>
    tpu.vector_store %arg8[%swap3A, %swap3A_21], %select_n3A {strides = array<i32>} : memref<1000x128xf32, #tpu.memory_space<vmem>>, vector<1000x128xf32>,
    %get3A_23 = arith.constant 0 : index
    %get3A_24 = arith.constant 0 : index
    %get3A_25 = vector.load %arg6[%get3A_23, %get3A_24] : memref<128x128xf32, #tpu.memory_space<vmem>>, vector<128x128xf32>
    %dot_general3A_26 = arith.constant dense<0.000000e+00> : vector<1000x128xf32>
    %dot_general3A_27 = tpu.matmul %select_n3A, %get3A_25, %dot_general3A_26 {dimension_numbers = #tpu.dot_dimension_numbers<[1], [1], [0], [0], [0, 0, 1, 0], [], []>, transpose_lhs_hint = false} : vector<1000x128xf32>, vector<128x128xf32>, vector<1000x128xf32> -> vector<1000x128xf32>
    %get3A_28 = arith.constant 0 : index
    %get3A_29 = arith.constant 0 : index
    %get3A_30 = vector.load %arg7[%get3A_28, %get3A_29] : memref<1x128xf32, #tpu.memory_space<vmem>>, vector<1x128xf32>
    %add3A_31 = vector.broadcast %get3A_30 : vector<1x128xf32> to vector<1000x128xf32>
    %add3A_32 = arith.addf %dot_general3A_27, %add3A_31 : vector<1000x128xf32>
    %swap3A_33 = arith.constant 0 : index
    %swap3A_34 = arith.constant 0 : index
    %swap3A_35 = vector.load %arg9[%swap3A_33, %swap3A_34] : memref<1000x128xf32, #tpu.memory_space<vmem>>, vector<1000x128xf32>
    tpu.vector_store %arg9[%swap3A_33, %swap3A_34], %add3A_32 {strides = array<i32>} : memref<1000x128xf32, #tpu.memory_space<vmem>>, vector<1000x128xf32>,
    return
  }
  func.func @transform_0(%arg0: i32) -> (i32, i32) {
    %c0_i32 = arith.constant 0 : i32
    %c0_i32_0 = arith.constant 0 : i32
    return %arg0, %c0_i32 : i32, i32
  }
  func.func @transform_1(%arg0: i32) -> (i32, i32) {
    %c0_i32 = arith.constant 0 : i32
    %c0_i32_0 = arith.constant 0 : i32
    return %arg0, %c0_i32 : i32, i32
  }
  func.func @transform_2(%arg0: i32) -> (i32, i32) {
    %c0_i32 = arith.constant 0 : i32
    %c0_i32_0 = arith.constant 0 : i32
    return %arg0, %c0_i32 : i32, i32
  }
  func.func @transform_3(%arg0: i32) -> (i32, i32) {
    %c0_i32 = arith.constant 0 : i32
    %c0_i32_0 = arith.constant 0 : i32
    return %arg0, %c0_i32 : i32, i32
  }
  func.func @transform_4(%arg0: i32) -> (i32, i32) {
    %c0_i32 = arith.constant 0 : i32
    %c0_i32_0 = arith.constant 0 : i32
    %c0_i32_1 = arith.constant 0 : i32
    return %c0_i32, %c0_i32_0 : i32, i32
  }
  func.func @transform_5(%arg0: i32) -> (i32, i32) {
    %c0_i32 = arith.constant 0 : i32
    %c0_i32_0 = arith.constant 0 : i32
    %c0_i32_1 = arith.constant 0 : i32
    return %c0_i32, %c0_i32_0 : i32, i32
  }
  func.func @transform_6(%arg0: i32) -> (i32, i32) {
    %c0_i32 = arith.constant 0 : i32
    %c0_i32_0 = arith.constant 0 : i32
    %c0_i32_1 = arith.constant 0 : i32
    return %c0_i32, %c0_i32_0 : i32, i32
  }
  func.func @transform_7(%arg0: i32) -> (i32, i32) {
    %c0_i32 = arith.constant 0 : i32
    %c0_i32_0 = arith.constant 0 : i32
    return %arg0, %c0_i32 : i32, i32
  }
  func.func @transform_8(%arg0: i32) -> (i32, i32) {
    %c0_i32 = arith.constant 0 : i32
    %c0_i32_0 = arith.constant 0 : i32
    return %arg0, %c0_i32 : i32, i32
  }
}

module attributes {stable_mosaic.version = 14 : i64} {
  func.func @_tc2_body(%arg0: i32, %arg1: memref<1000x128xf32, #tpu.memory_space<vmem>>, %arg2: memref<1000x128xf32, #tpu.memory_space<vmem>>, %arg3: memref<1000x128xf32, #tpu.memory_space<vmem>>, %arg4: memref<1000x128xf32, #tpu.memory_space<vmem>>, %arg5: memref<128x128xf32, #tpu.memory_space<vmem>>, %arg6: memref<128x128xf32, #tpu.memory_space<vmem>>, %arg7: memref<1x128xf32, #tpu.memory_space<vmem>>, %arg8: memref<1000x128xf32, #tpu.memory_space<vmem>>) attributes {dimension_semantics = [#tpu.dimension_semantics<arbitrary>], iteration_bounds = array<i64: 10>, scalar_prefetch = 0 : i64, scratch_operands = 0 : i64, tpu.core_type = #tpu.core_type<tc>, window_params = [{transform_indices = @transform_0, window_bounds = array<i64: 1000, 128>}, {transform_indices = @transform_1, window_bounds = array<i64: 1000, 128>}, {transform_indices = @transform_2, window_bounds = array<i64: 1000, 128>}, {transform_indices = @transform_3, window_bounds = array<i64: 1000, 128>}, {pipeline_mode = #tpu.pipeline_mode<synchronous>, transform_indices = @transform_4, window_bounds = array<i64: 128, 128>}, {pipeline_mode = #tpu.pipeline_mode<synchronous>, transform_indices = @transform_5, window_bounds = array<i64: 128, 128>}, {pipeline_mode = #tpu.pipeline_mode<synchronous>, transform_indices = @transform_6, window_bounds = array<i64: 1, 128>}, {transform_indices = @transform_7, window_bounds = array<i64: 1000, 128>}]} {
    %get3A = arith.constant 0 : index
    %get3A_0 = arith.constant 0 : index
    %get3A_1 = vector.load %arg1[%get3A, %get3A_0] : memref<1000x128xf32, #tpu.memory_space<vmem>>, vector<1000x128xf32>
    %get3A_2 = arith.constant 0 : index
    %get3A_3 = arith.constant 0 : index
    %get3A_4 = vector.load %arg2[%get3A_2, %get3A_3] : memref<1000x128xf32, #tpu.memory_space<vmem>>, vector<1000x128xf32>
    %add3A = arith.addf %get3A_1, %get3A_4 : vector<1000x128xf32>
    %get3A_5 = arith.constant 0 : index
    %get3A_6 = arith.constant 0 : index
    %get3A_7 = vector.load %arg3[%get3A_5, %get3A_6] : memref<1000x128xf32, #tpu.memory_space<vmem>>, vector<1000x128xf32>
    %mul3A = arith.mulf %add3A, %get3A_7 : vector<1000x128xf32>
    %get3A_8 = arith.constant 0 : index
    %get3A_9 = arith.constant 0 : index
    %get3A_10 = vector.load %arg5[%get3A_8, %get3A_9] : memref<128x128xf32, #tpu.memory_space<vmem>>, vector<128x128xf32>
    %dot_general3A = arith.constant dense<0.000000e+00> : vector<1000x128xf32>
    %dot_general3A_11 = tpu.matmul %mul3A, %get3A_10, %dot_general3A {dimension_numbers = #tpu.dot_dimension_numbers<[1], [1], [0], [0], [0, 0, 1, 0], [], []>, transpose_lhs_hint = false} : vector<1000x128xf32>, vector<128x128xf32>, vector<1000x128xf32> -> vector<1000x128xf32>
    %get3A_12 = arith.constant 0 : index
    %get3A_13 = arith.constant 0 : index
    %get3A_14 = vector.load %arg4[%get3A_12, %get3A_13] : memref<1000x128xf32, #tpu.memory_space<vmem>>, vector<1000x128xf32>
    %add3A_15 = arith.addf %dot_general3A_11, %get3A_14 : vector<1000x128xf32>
    %ge3A = arith.constant 0.000000e+00 : f32
    %ge3A_16 = vector.broadcast %ge3A : f32 to vector<1000x128xf32>
    %ge3A_17 = arith.cmpf oge, %add3A_15, %ge3A_16 : vector<1000x128xf32>
    %mul3A_18 = arith.constant 0.00999999977 : f32
    %mul3A_19 = vector.broadcast %mul3A_18 : f32 to vector<1000x128xf32>
    %mul3A_20 = arith.mulf %mul3A_19, %add3A_15 : vector<1000x128xf32>
    %select_n3A = arith.select %ge3A_17, %add3A_15, %mul3A_20 : vector<1000x128xi1>, vector<1000x128xf32>
    %get3A_21 = arith.constant 0 : index
    %get3A_22 = arith.constant 0 : index
    %get3A_23 = vector.load %arg6[%get3A_21, %get3A_22] : memref<128x128xf32, #tpu.memory_space<vmem>>, vector<128x128xf32>
    %dot_general3A_24 = arith.constant dense<0.000000e+00> : vector<1000x128xf32>
    %dot_general3A_25 = tpu.matmul %select_n3A, %get3A_23, %dot_general3A_24 {dimension_numbers = #tpu.dot_dimension_numbers<[1], [1], [0], [0], [0, 0, 1, 0], [], []>, transpose_lhs_hint = false} : vector<1000x128xf32>, vector<128x128xf32>, vector<1000x128xf32> -> vector<1000x128xf32>
    %get3A_26 = arith.constant 0 : index
    %get3A_27 = arith.constant 0 : index
    %get3A_28 = vector.load %arg7[%get3A_26, %get3A_27] : memref<1x128xf32, #tpu.memory_space<vmem>>, vector<1x128xf32>
    %add3A_29 = vector.broadcast %get3A_28 : vector<1x128xf32> to vector<1000x128xf32>
    %add3A_30 = arith.addf %dot_general3A_25, %add3A_29 : vector<1000x128xf32>
    %swap3A = arith.constant 0 : index
    %swap3A_31 = arith.constant 0 : index
    %swap3A_32 = vector.load %arg8[%swap3A, %swap3A_31] : memref<1000x128xf32, #tpu.memory_space<vmem>>, vector<1000x128xf32>
    tpu.vector_store %arg8[%swap3A, %swap3A_31], %add3A_30 {strides = array<i32>} : memref<1000x128xf32, #tpu.memory_space<vmem>>, vector<1000x128xf32>,
    return
  }
  func.func @transform_0(%arg0: i32) -> (i32, i32) {
    %c0_i32 = arith.constant 0 : i32
    %c0_i32_0 = arith.constant 0 : i32
    return %arg0, %c0_i32 : i32, i32
  }
  func.func @transform_1(%arg0: i32) -> (i32, i32) {
    %c0_i32 = arith.constant 0 : i32
    %c0_i32_0 = arith.constant 0 : i32
    return %arg0, %c0_i32 : i32, i32
  }
  func.func @transform_2(%arg0: i32) -> (i32, i32) {
    %c0_i32 = arith.constant 0 : i32
    %c0_i32_0 = arith.constant 0 : i32
    return %arg0, %c0_i32 : i32, i32
  }
  func.func @transform_3(%arg0: i32) -> (i32, i32) {
    %c0_i32 = arith.constant 0 : i32
    %c0_i32_0 = arith.constant 0 : i32
    return %arg0, %c0_i32 : i32, i32
  }
  func.func @transform_4(%arg0: i32) -> (i32, i32) {
    %c0_i32 = arith.constant 0 : i32
    %c0_i32_0 = arith.constant 0 : i32
    %c0_i32_1 = arith.constant 0 : i32
    return %c0_i32, %c0_i32_0 : i32, i32
  }
  func.func @transform_5(%arg0: i32) -> (i32, i32) {
    %c0_i32 = arith.constant 0 : i32
    %c0_i32_0 = arith.constant 0 : i32
    %c0_i32_1 = arith.constant 0 : i32
    return %c0_i32, %c0_i32_0 : i32, i32
  }
  func.func @transform_6(%arg0: i32) -> (i32, i32) {
    %c0_i32 = arith.constant 0 : i32
    %c0_i32_0 = arith.constant 0 : i32
    %c0_i32_1 = arith.constant 0 : i32
    return %c0_i32, %c0_i32_0 : i32, i32
  }
  func.func @transform_7(%arg0: i32) -> (i32, i32) {
    %c0_i32 = arith.constant 0 : i32
    %c0_i32_0 = arith.constant 0 : i32
    return %arg0, %c0_i32 : i32, i32
  }
}

</mosaic_0001>

<sc_bundles>
// kernel: kernel.10.cloned.1.call-start
scs
__scs_entry_jumppad:
0x0: {  	(pc) =	sbr.rel $0x88, $3  }
0x1: {  	(tag) =	ssettag $0x0;
	lr =	simm.s32 $0x1  }
0x2: {  	[smem:$0x3F97] =	sst lr;
	_ =	strace $0xD0000000  }
0x3: {  	_ = 	snop  }
0x4: {  	_ = 	snop  }
0x5: {  	_ = 	snop  }
0x6: {  	_ = 	snop  }
0x7: {  	_ = 	snop  }
__scs_overlays_trampoline_lowered:
0x8: {  	[smem:$0x3FA6] =	sst s0  }
0x9: {  	[smem:$0x3FA7] =	sst s1  }
0xa: {  	[smem:$0x3FA8] =	sst s2  }
0xb: {  	[smem:$0x3FA9] =	sst s3  }
0xc: {  	[smem:$0x3FAA] =	sst s4  }
0xd: {  	[smem:$0x3FAB] =	sst s5  }
0xe: {  	[smem:$0x3FAC] =	sst s6  }
0xf: {  	[smem:$0x3FAD] =	sst s7  }
0x10: {  	[smem:$0x3FAE] =	sst s8  }
0x11: {  	[smem:$0x3FAF] =	sst s9;
	s0 =	simm.s32 @!p0 $0x0  }
0x12: {  	s1 =	sld [smem:$0x3F95];
	s0 =	simm.s32 @p0 $0x1  }
0x13: {  	[smem:$0x3FB0] =	sst s0;
	s0 =	simm.s32 @!p1 $0x0  }
0x14: {  	s2 =	sld [smem:$0x3F94];
	s0 =	simm.s32 @p1 $0x1  }
0x15: {  	[smem:$0x3FB1] =	sst s0;
	s0 =	simm.s32 @!p2 $0x0  }
0x16: {  	s3 =	sld [smem:$0x3FDB];
	s0 =	simm.s32 @p2 $0x1  }
0x17: {  	s4 =	simm.s32 $0x1BF5;
	[smem:$0x3FB3] =	sst s0  }
0x18: {  	s0 =	sld [smem:$0x3F96];
	_ =	swait.ge [sflag:s4], $0x0  }
0x19: {  	s7 =	sld [smem:$0x3F97]  }
0x1a: {  	s8 =	sadd.s32 $0xFFFFE003, lr  }
0x1b: {  	s9 =	sadd.s32 $0xFFFFFEF7, lr;
	s5 =	simm.s32 $0xFFFFFFFF;
	p2 =	slt.u32 s8, $0xFFFFF086  }
0x1c: {  	p1 =	slt.u32 s9, $0xF7A;
	s5 =	simm.s32 @!p2 $0x0  }
0x1d: {  	s5 =	simm.s32 @p1 $0x1;
	p0 =	seq.s32 s7, s2  }
0x1e: {  	s7 =	smul.u32 @!p0 $0xF7A, s2;
	p2 =	seq.s32 @!p0 s5, $0x0  }
0x1f: {  	s9 =	smul.u32 $0xF7A, s1;
	s8 =	simm.s32 @!p0 $0x1BF5;
	p2 =	por !p2, p0  }
0x20: {  	[sflag:s8] =	ssyncset.s32 @!p0 $0xFFFFF086;
	s6 =	sadd.s32 @!p0 s3, s7;
	s7 =	simm.s32 @!p0 $0x108  }
0x21: {  	s3 =	sadd.s32 s3, s9;
	s6 =	sadd.s32 @!p0 $0x88, s6;
	s7 =	simm.s32 @p2 $0x1082  }
0x22: {  	[simem:s7], [sflag:s8] =	dma.local @!p0 [hbm:s6], $0xF7A  }
0x23: {  	s9 =	sor.u32 $0xD0000000, s2;
	s6 =	simm.s32 $0x108;
	_ =	swait.ge @!p0 [sflag:s8], $0x0  }
0x24: {  	s3 =	sadd.s32 $0x88, s3;
	s6 =	simm.s32 @!p1 $0x1082;
	[sflag:s4] =	ssyncset.s32 $0xFFFFF086  }
0x25: {  	[simem:s6], [sflag:s4] =	dma.local [hbm:s3], $0xF7A  }
0x26: {  	[smem:$0x3F97] =	sst s1;
	(tag) =	ssettag s2;
	_ =	strace s9  }
0x27: {  	s1 =	sld [smem:$0x3FA7]  }
0x28: {  	s2 =	sld [smem:$0x3FA8]  }
0x29: {  	s4 =	sld [smem:$0x3FAA]  }
0x2a: {  	p0 =	seq.s32 s5, $0x0;
	s5 =	sld [smem:$0x3FAB]  }
0x2b: {  	s6 =	sld [smem:$0x3FAC]  }
0x2c: {  	s7 =	sld [smem:$0x3FAD]  }
0x2d: {  	s3 =	simm.s32 $0x108;
	s8 =	sld [smem:$0x3FAE]  }
0x2e: {  	s3 =	simm.s32 @!p0 $0x1082;
	s9 =	sld [smem:$0x3FAF]  }
0x2f: {  	lr =	sadd.s32 s0, s3;
	s0 =	sld [smem:$0x3FA6]  }
0x30: {  	s3 =	sld [smem:$0x3FA9]  }
0x31: {  	[smem:$0x3FB2] =	sst s10  }
0x32: {  	s10 =	sld [smem:$0x3FB0];
	_ =	sdelay $0x3  }
0x33: {  	p0 =	seq.s32 s10, $0x1;
	s10 =	sld [smem:$0x3FB2];
	_ =	sdelay $0x3  }
0x34: {  	[smem:$0x3FB2] =	sst s10  }
0x35: {  	s10 =	sld [smem:$0x3FB1];
	_ =	sdelay $0x3  }
0x36: {  	p1 =	seq.s32 s10, $0x1;
	s10 =	sld [smem:$0x3FB2];
	_ =	sdelay $0x3  }
0x37: {  	[smem:$0x3FB2] =	sst s10  }
0x38: {  	s10 =	sld [smem:$0x3FB3]  }
0x39: {  	_ = 	snop;
	(pc) =	sbr.ind lr, $3  }
0x3a: {  	_ = 	snop  }
0x3b: {  	_ = 	snop  }
0x3c: {  	p2 =	seq.s32 s10, $0x1;
	s10 =	sld [smem:$0x3FB2]  }
0x3d: {  	_ =	shalt  }
0x3e: {  	_ =	shalt  }
0x3f: {  	_ =	shalt  }
0x40: {  	_ =	shalt  }
0x41: {  	_ =	shalt  }
0x42: {  	_ =	shalt  }
0x43: {  	_ =	shalt  }
0x44: {  	_ =	shalt  }
0x45: {  	_ =	shalt  }
0x46: {  	_ =	shalt  }
0x47: {  	_ =	shalt  }
0x48: {  	_ =	shalt  }
0x49: {  	_ =	shalt  }
0x4a: {  	_ =	shalt  }
0x4b: {  	_ =	shalt  }
0x4c: {  	_ =	shalt  }
0x4d: {  	_ =	shalt  }
0x4e: {  	_ =	shalt  }
0x4f: {  	_ =	shalt  }
0x50: {  	_ =	shalt  }
0x51: {  	_ =	shalt  }
0x52: {  	_ =	shalt  }
0x53: {  	_ =	shalt  }
0x54: {  	_ =	shalt  }
0x55: {  	_ =	shalt  }
0x56: {  	_ =	shalt  }
0x57: {  	_ =	shalt  }
0x58: {  	_ =	shalt  }
0x59: {  	_ =	shalt  }
0x5a: {  	_ =	shalt  }
0x5b: {  	_ =	shalt  }
0x5c: {  	_ =	shalt  }
0x5d: {  	_ =	shalt  }
0x5e: {  	_ =	shalt  }
0x5f: {  	_ =	shalt  }
0x60: {  	_ =	shalt  }
0x61: {  	_ =	shalt  }
0x62: {  	_ =	shalt  }
0x63: {  	_ =	shalt  }
0x64: {  	_ =	shalt  }
0x65: {  	_ =	shalt  }
0x66: {  	_ =	shalt  }
0x67: {  	_ =	shalt  }
0x68: {  	_ =	shalt  }
0x69: {  	_ =	shalt  }
0x6a: {  	_ =	shalt  }
0x6b: {  	_ =	shalt  }
0x6c: {  	_ =	shalt  }
0x6d: {  	_ =	shalt  }
0x6e: {  	_ =	shalt  }
0x6f: {  	_ =	shalt  }
0x70: {  	_ =	shalt  }
0x71: {  	_ =	shalt  }
0x72: {  	_ =	shalt  }
0x73: {  	_ =	shalt  }
0x74: {  	_ =	shalt  }
0x75: {  	_ =	shalt  }
0x76: {  	_ =	shalt  }
0x77: {  	_ =	shalt  }
0x78: {  	_ =	shalt  }
0x79: {  	_ =	shalt  }
0x7a: {  	_ =	shalt  }
0x7b: {  	_ =	shalt  }
0x7c: {  	_ =	shalt  }
0x7d: {  	_ =	shalt  }
0x7e: {  	_ =	shalt  }
0x7f: {  	_ =	shalt  }
0x80: {  	_ =	shalt  }
0x81: {  	_ =	shalt  }
0x82: {  	_ =	shalt  }
0x83: {  	_ =	shalt  }
0x84: {  	_ =	shalt  }
0x85: {  	_ =	shalt  }
0x86: {  	_ =	shalt  }
0x87: {  	_ =	shalt  }
.Lfunc_end0:
.L_simem_size_0:
called_computation.1_lowered:
.L_overlay_start_0:
0x88: {  	s2 =	sld [smem:$0x3FD9]  }
0x89: {  	s3 =	sld [smem:$0x3FFE];
	_ =	sdelay $0x1  }
0x8a: {  	s1 =	srdreg.scid  }
0x8b: {  	s0 =	sand.u32 $0x1, s1  }
0x8c: {  	s17 =	sshll.u32 s0, $0xA;
	s2 =	sadd.s32 s3, s2  }
0x8d: {  	s2 =	sadd.s32 s2, s17  }
0x8e: {  	[smem:$0x3FBE] =	sst s2  }
0x8f: {  	_ = 	snop  }
0x90: {  	s2 =	sld [smem:$0x3FC8]  }
0x91: {  	s18 =	sld [smem:$0x3FD0];
	(tm) =	ssettm $0x1  }
0x92: {  	s4 =	sld [smem:$0x3FFB];
	_ =	sdelay $0x3  }
0x93: {  	_ =	strace s4  }
0x94: {  	s4 =	sld [smem:$0x3FFC];
	_ =	sdelay $0x3  }
0x95: {  	_ =	strace s4  }
0x96: {  	s4 =	sld [smem:$0x3FFD];
	_ =	sdelay $0x3  }
0x97: {  	_ =	strace s4  }
0x98: {  	_ =	strace $0x8FFFFFFF  }
0x99: {  	s19 =	sld [smem:$0x3FDB];
	_ =	sdelay $0x1  }
0x9a: {  	s5 =	simm.s32 $_scs_section_size  }
0x9b: {  	s6 =	simm.s32 $_size__tile_overlayer_lowered;
	s7 =	simm.s32 $_tile_overlayer_lowered  }
0x9c: {  	s22 =	simm.s32 $0x1BFF;
	s21 =	sshll.u32 s7, $0x1;
	s4 =	sadd.s32 s5, s19  }
0x9d: {  	s8 =	simm.s32 $0x0;
	s20 =	sshll.u32 s6, $0x1;
	s6 =	sadd.s32 s21, s4  }
0x9e: {  	[timem:s8], [sflag:s22] =	dma.local [hbm:s6], s20  }
0x9f: {  	_ =	swait.ge [sflag:s22], s20  }
0xa0: {  	s5 =	ssub.s32 $0x0, s20;
	[sflag:s22] =	ssyncset.done $0x0  }
0xa1: {  	[sflag:s22] =	ssyncadd.s32 s5;
	_ =	sdelay $0x1  }
0xa2: {  	s23 =	simm.s32 $0x1B8B  }
0xa3: {  	_ =	swait.ge [sflag:s23], $0x1  }
0xa4: {  	[sflag:s23] =	ssyncset.done $0x0  }
0xa5: {  	s25 =	simm.s32 $0x1B8E;
	s24 =	sld [smem:$0x3FFE];
	[sflag:s23] =	ssyncadd.s32 $0xFFFFFFFF  }
0xa6: {  	s26 =	simm.s32 $execute0_lowered;
	[smem:$0x3FD2] =	sst s25  }
0xa7: {  	s6 =	sshll.u32 s26, $0x1;
	_ =	strace $0x80000049;
	[dreg:$0x1] =	wrdreg $0xFFFFFFFF  }
0xa8: {  	s28 =	simm.s32 $_size_execute0_lowered;
	s4 =	sadd.s32 s4, s6;
	[dreg:$0x0] =	wrdreg $0x0  }
0xa9: {  	s6 =	sshll.u32 s28, $0x1;
	[dreg:$0x2] =	wrdreg s4  }
0xaa: {  	[dreg:$0x3] =	wrdreg s6  }
0xab: {  	[dreg:$0x4] =	wrdreg $0xC0  }
0xac: {  	_ =	task [dreg:s8], $0x5FFFF  }
0xad: {  	[dreg:$0x1] =	wrdreg $0xFFFFFFFF  }
0xae: {  	[dreg:$0x0] =	wrdreg $0x60  }
0xaf: {  	[dreg:$0x2] =	wrdreg s18  }
0xb0: {  	[dreg:$0x3] =	wrdreg s2  }
0xb1: {  	[dreg:$0x4] =	wrdreg s24  }
0xb2: {  	[dreg:$0x5] =	wrdreg $0x88000  }
0xb3: {  	[dreg:$0x6] =	wrdreg $0x9  }
0xb4: {  	_ =	task.clear_ibuf [dreg:s8], $0x7FFFF;
	_ =	strace $0x90000049  }
0xb5: {  	s29 =	simm.s32 $0x9;
	_ =	strace $0x8000004B  }
0xb6: {  	_ =	swait.ge [sflag:s29], $0x1  }
0xb7: {  	[sflag:s29] =	ssyncadd.s32 $0xFFFFFFFF  }
0xb8: {  	_ =	strace $0x9000004B  }
0xb9: {  	_ =	sfence  }
0xba: {  	s30 =	sld [smem:$0x0];
	_ =	sdelay $0x2  }
0xbb: {  	s31 =	sshll.u32 s1, $0xD;
	s1 =	sshrl.u32 s1, $0x2  }
0xbc: {  	s3 =	sand.u32 $0x4000, s31;
	s1 =	sadd.s32 s1, s30  }
0xbd: {  	s0 =	sor.u32 s3, s0;
	s1 =	sshll.u32 s1, $0x11  }
0xbe: {  	s0 =	sor.u32 s1, s0  }
0xbf: {  	s0 =	sadd.s32 $0x8F2B, s0  }
0xc0: {  	[sflag:s0] =	ssyncadd.remote.s32 $0x1  }
0xc1: {  	_ =	sfence.sel $0xFFFF  }
0xc2: {  	[dreg:$0x0] =	wrdreg $0xFFFFFFFF;
	(pc) =	sbr.abs _section_cstart, $3  }
0xc3: {  	[dreg:$0x1] =	wrdreg $0xFFFFFFFF  }
0xc4: {  	_ =	task.clear_ibuf [dreg:s8], $0x2FFFF;
	_ =	strace $0x9FFFFFFF  }
0xc5: {  	(tm) =	ssettm $0x7FFFFFFF  }
tec
execute0_lowered:
.L_overlay_start_1:
0x0: {  	(tag) =	ssettag $0x1  }
0x1: {  	s1 =	rddreg [dreg:$0x0]  }
0x2: {  	s0 =	rddreg [dreg:$0x1];
	s14 =	stileid.u32  }
0x3: {  	s3 =	rddreg [dreg:$0x2];
	s8 =	smul.u32 $0x4F000, s14  }
0x4: {  	s2 =	rddreg [dreg:$0x3];
	s4 =	simm.s32 $0x0;
	s31 =	smul.u32 $0x2780, s14  }
0x5: {  	s5 =	srdreg.scid;
	s29 =	simm.s32 $0x80;
	s12 =	smul.u32 $0x2800, s14  }
0x6: {  	[smem:$0x7FF] =	sst s4;
	s7 =	sand.u32 $0x1, s5;
	s21 =	smul.u32 $0x50, s14  }
0x7: {  	s5 =	sadd.s32 $0x2A00, s3;
	s6 =	sadd.s32 $0x3200, s3;
	s17 =	smul.u32 $0x28000, s7  }
0x8: {  	_ =	strace $0x8000004A;
	s9 =	sshll.u32 s7, $0x4;
	s19 =	smul.u32 $0xA000, s7  }
0x9: {  	s10 =	ssub.s32 $0x2, s7;
	p0 =	seq.s32 s7, $0x1;
	s7 =	smul.u32 $0x500, s7  }
0xa: {  	s9 =	sor.u32 s14, s9;
	s8 =	sshrl.u32 s8, $0x2;
	s11 =	sshrl.u32 s10, $0x1  }
0xb: {  	s18 =	sadd.s32 s8, s2;
	s25 =	smul.u32 $0xA00, s9;
	s9 =	ssub.s32 s10, s11  }
0xc: {  	s11 =	simm.s32 $0x2AE00;
	s26 =	sadd.s32 $0x4000, s18;
	[dreg:$0x5] =	wrdreg s18  }
0xd: {  	s23 =	sadd.s32 s12, s17;
	s28 =	sadd.s32 $0x8000, s18;
	[dreg:$0x6] =	wrdreg s26  }
0xe: {  	s8 =	simm.s32 $0x380;
	s30 =	sadd.s32 $0xC000, s18;
	[dreg:$0x7] =	wrdreg s28  }
0xf: {  	s10 =	simm.s32 $0x1;
	s13 =	sadd.s32 $0x10000, s18;
	[dreg:$0x8] =	wrdreg s30  }
0x10: {  	s12 =	simm.s32 $0x4800;
	s15 =	sadd.s32 s0, s25;
	[dreg:$0xa] =	wrdreg s13  }
0x11: {  	s17 =	simm.s32 $0x6;
	s28 =	smax.u32 s9, $0x1;
	[dreg:$0x9] =	wrdreg s15  }
0x12: {  	s11 =	simm.s32 @!p0 $0x3600;
	s30 =	sadd.s32 $0xFFFB2000, s23;
	[dreg:$0x13] =	wrdreg s28  }
0x13: {  	s3 =	sadd.s32 s11, s3;
	s16 =	sadd.s32 $0x10, s15;
	[dreg:$0x14] =	wrdreg s30  }
0x14: {  	s0 =	sadd.s32 s19, s0;
	s13 =	sadd.s32 $0x20, s15;
	[dreg:$0xb] =	wrdreg s16  }
0x15: {  	s25 =	smul.u32 $0xA00, s14;
	s20 =	sadd.s32 $0x40, s15;
	[dreg:$0xc] =	wrdreg s13  }
0x16: {  	s19 =	simm.s32 $0x7;
	s3 =	sadd.s32 s3, s31;
	[dreg:$0xe] =	wrdreg s20  }
0x17: {  	s9 =	simm.s32 $0x5;
	s22 =	sadd.s32 $0x50, s15;
	[dreg:$0xf] =	wrdreg s3  }
0x18: {  	s14 =	simm.s32 $0x3;
	s24 =	sadd.s32 $0x60, s15;
	[dreg:$0x10] =	wrdreg s22  }
0x19: {  	s11 =	simm.s32 $0x700;
	s26 =	sadd.s32 $0x70, s15;
	[dreg:$0x11] =	wrdreg s24  }
0x1a: {  	s16 =	sadd.s32 $0x30, s15;
	s3 =	sadd.s32 s21, s7;
	[dreg:$0x12] =	wrdreg s26  }
.Ltmp0:
0x1b: {  	s23 =	sadd.s32 s25, s0;
	s25 =	simm.s32 $0x800;
	(pc) =	sbr.rel .LBB2_1-.Ltmp0, $4  }
0x1c: {  	s13 =	simm.s32 $0x2;
	s15 =	simm.s32 $0x780;
	s20 =	simm.s32 $0x600  }
0x1d: {  	s21 =	simm.s32 $0x500;
	s22 =	simm.s32 $0x680;
	s24 =	simm.s32 $0x580  }
0x1e: {  	s7 =	simm.s32 $0x0;
	[dreg:$0xd] =	wrdreg s16;
	s31 =	sor.u32 $0x8, s3  }
0x1f: {  	v0 =	vimm.f32 $0.0e+00;
	s3 =	simm.s32 $0x180;
	s16 =	simm.s32 $0x4;
	[dreg:$0x15] =	wrdreg s31  }
.LBB2_6:
0x20: {  	[spmem:s2] =	stream.indirect.scatter.add.f32 [tilespmem:s12], [sflag:$0x4], $0x80, s15, s29, $0xb8;
	[tilespmem:$0x1C400] =	vst v63  }
0x21: {  	_ =	swait.ge [sflag:s16], $0x4000  }
0x22: {  	[sflag:s16] =	ssyncset.done $0x0  }
0x23: {  	[sflag:s16] =	ssyncadd.s32 $0xFFFFC000  }
0x24: {  	s0 =	stileid.u32;
	[bflag:$0x0] =	sbarrier.arrive $0xFFFF  }
0x25: {  	s0 =	sshll.u32 s0, $0x6;
	s18 =	rddreg [dreg:$0x5]  }
0x26: {  	s0 =	sor.u32 $0x1C07, s0;
	s19 =	rddreg [dreg:$0xf];
	s7 =	sshrl.u32 s18, $0x3  }
0x27: {  	[hbm:s19], [sflag:s0] =	dma.local [spmem:s7], $0x2780  }
0x28: {  	s19 =	simm.s32 $0x7  }
0x29: {  	_ =	swait.ge [sflag:s19], $0x2780  }
0x2a: {  	s30 =	rddreg [dreg:$0x16]  }
0x2b: {  	s31 =	rddreg [dreg:$0x13];
	s7 =	sadd.s32 $0x1, s30  }
0x2c: {  	p0 =	sne.s32 s7, s31  }
.Ltmp1:
0x2d: {  	_ = 	snop;
	(pc) =	sbr.rel @!p0 .LBB2_7-.Ltmp1, $3  }
0x2e: {  	_ =	sdelay $0x1  }
0x2f: {  	[sflag:s19] =	ssyncset.done $0x0  }
0x30: {  	[sflag:s19] =	ssyncadd.s32 $0xFFFFD880  }
.LBB2_1:
0x31: {  	[dreg:$0x16] =	wrdreg s7;
	s7 =	simm.s32 $0x0;
	s26 =	simm.s32 $0x200  }
.LBB2_2:
0x32: {  	p0 =	sne.s32 s26, $0xFE00;
	[tilespmem:s7+$0x870] =	vst v0  }
0x33: {  	[tilespmem:s7+$0x800] =	vst v0  }
0x34: {  	[tilespmem:s7+$0x810] =	vst v0  }
.Ltmp2:
0x35: {  	[tilespmem:s7+$0x820] =	vst v0;
	(pc) =	sbr.rel @p0 .LBB2_2-.Ltmp2, $4  }
0x36: {  	[tilespmem:s7+$0x830] =	vst v0  }
0x37: {  	[tilespmem:s7+$0x840] =	vst v0  }
0x38: {  	[tilespmem:s7+$0x850] =	vst v0  }
0x39: {  	[tilespmem:s7+$0x860] =	vst v0;
	s7 =	sshra.s32 s26, $0x2;
	s26 =	sadd.s32 $0x200, s26  }
0x3a: {  	[tilespmem:s7+$0x870] =	vst v0  }
0x3b: {  	[tilespmem:s7+$0x800] =	vst v0  }
0x3c: {  	[tilespmem:s7+$0x810] =	vst v0  }
0x3d: {  	[tilespmem:s7+$0x820] =	vst v0  }
0x3e: {  	[tilespmem:s7+$0x830] =	vst v0  }
0x3f: {  	[tilespmem:s7+$0x840] =	vst v0  }
0x40: {  	[tilespmem:s7+$0x850] =	vst v0  }
0x41: {  	[tilespmem:s7+$0x860] =	vst v0  }
0x42: {  	[spmem:s18] =	stream.linear.scatter [tilespmem:s25], [sflag:$0x7], $0x4000, $0x38;
	[tilespmem:$0x1C400] =	vst v63  }
0x43: {  	_ =	swait.ge [sflag:s19], $0x4000  }
0x44: {  	[sflag:s19] =	ssyncset.done $0x0  }
0x45: {  	s0 =	rddreg [dreg:$0x6];
	[sflag:s19] =	ssyncadd.s32 $0xFFFFC000  }
0x46: {  	[spmem:s0] =	stream.linear.scatter [tilespmem:s25], [sflag:$0x7], $0x4000, $0x38;
	[tilespmem:$0x1C400] =	vst v63  }
0x47: {  	_ =	swait.ge [sflag:s19], $0x4000  }
0x48: {  	[sflag:s19] =	ssyncset.done $0x0  }
0x49: {  	s31 =	rddreg [dreg:$0x7];
	[sflag:s19] =	ssyncadd.s32 $0xFFFFC000  }
0x4a: {  	[spmem:s31] =	stream.linear.scatter [tilespmem:s25], [sflag:$0x7], $0x4000, $0x38;
	[tilespmem:$0x1C400] =	vst v63  }
0x4b: {  	_ =	swait.ge [sflag:s19], $0x4000  }
0x4c: {  	[sflag:s19] =	ssyncset.done $0x0  }
0x4d: {  	s7 =	rddreg [dreg:$0x8];
	[sflag:s19] =	ssyncadd.s32 $0xFFFFC000  }
0x4e: {  	[spmem:s7] =	stream.linear.scatter [tilespmem:s25], [sflag:$0x7], $0x4000, $0x38;
	[tilespmem:$0x1C400] =	vst v63  }
0x4f: {  	_ =	swait.ge [sflag:s19], $0x4000  }
0x50: {  	[sflag:s19] =	ssyncset.done $0x0  }
0x51: {  	s18 =	rddreg [dreg:$0xa];
	[sflag:s19] =	ssyncadd.s32 $0xFFFFC000  }
0x52: {  	[spmem:s18] =	stream.linear.scatter [tilespmem:s25], [sflag:$0x7], $0x3C00, $0x38;
	[tilespmem:$0x1C400] =	vst v63  }
0x53: {  	_ =	swait.ge [sflag:s19], $0x3C00  }
0x54: {  	[sflag:s19] =	ssyncset.done $0x0  }
0x55: {  	[sflag:s19] =	ssyncadd.s32 $0xFFFFC400  }
0x56: {  	[bflag:$0x0] =	sbarrier.arrive $0xFFFF  }
0x57: {  	s7 =	simm.s32 $0x0;
	s26 =	rddreg [dreg:$0x9]  }
0x58: {  	[tilespmem:s7], [sflag:$0x5] =	stream.linear.gather [hbm4b:s26+s7], $0x80, $0x38;
	[tilespmem:$0x1C400] =	vst v63  }
0x59: {  	s31 =	simm.s32 $0x200;
	s30 =	rddreg [dreg:$0xb]  }
0x5a: {  	[tilespmem:s31], [sflag:$0x5] =	stream.linear.gather [hbm4b:s30+s7], $0x80, $0x38;
	[tilespmem:$0x1C400] =	vst v63  }
0x5b: {  	s18 =	rddreg [dreg:$0xc]  }
0x5c: {  	[tilespmem:s29], [sflag:$0x5] =	stream.linear.gather [hbm4b:s18+s7], $0x80, $0x38;
	[tilespmem:$0x1C400] =	vst v63  }
0x5d: {  	s19 =	rddreg [dreg:$0xd];
	s26 =	simm.s32 $0x280  }
0x5e: {  	[tilespmem:s26], [sflag:$0x5] =	stream.linear.gather [hbm4b:s19+s7], $0x80, $0x38;
	[tilespmem:$0x1C400] =	vst v63  }
0x5f: {  	s30 =	rddreg [dreg:$0xe];
	s31 =	simm.s32 $0x100  }
0x60: {  	[tilespmem:s31], [sflag:$0x5] =	stream.linear.gather [hbm4b:s30+s7], $0x80, $0x38;
	[tilespmem:$0x1C400] =	vst v63  }
0x61: {  	s19 =	rddreg [dreg:$0x10];
	s26 =	simm.s32 $0x300  }
0x62: {  	[tilespmem:s26], [sflag:$0x5] =	stream.linear.gather [hbm4b:s19+s7], $0x80, $0x38;
	[tilespmem:$0x1C400] =	vst v63  }
0x63: {  	s30 =	rddreg [dreg:$0x11]  }
0x64: {  	[tilespmem:s3], [sflag:$0x5] =	stream.linear.gather [hbm4b:s30+s7], $0x80, $0x38;
	[tilespmem:$0x1C400] =	vst v63  }
0x65: {  	s31 =	rddreg [dreg:$0x12]  }
0x66: {  	[tilespmem:s8], [sflag:$0x5] =	stream.linear.gather [hbm4b:s31+s7], $0x80, $0x38;
	[tilespmem:$0x1C400] =	vst v63  }
0x67: {  	_ =	swait.ge [sflag:s9], $0x80  }
0x68: {  	[sflag:s9] =	ssyncset.done $0x0  }
0x69: {  	[sflag:s9] =	ssyncadd.s32 $0xFFFFFF80  }
0x6a: {  	_ =	swait.ge [sflag:s9], $0x80  }
0x6b: {  	[sflag:s9] =	ssyncset.done $0x0  }
0x6c: {  	[sflag:s9] =	ssyncadd.s32 $0xFFFFFF80  }
0x6d: {  	_ =	swait.ge [sflag:s9], $0x80  }
0x6e: {  	[sflag:s9] =	ssyncset.done $0x0  }
0x6f: {  	[sflag:s9] =	ssyncadd.s32 $0xFFFFFF80  }
0x70: {  	_ =	swait.ge [sflag:s9], $0x80  }
0x71: {  	[sflag:s9] =	ssyncset.done $0x0  }
0x72: {  	[sflag:s9] =	ssyncadd.s32 $0xFFFFFF80  }
0x73: {  	_ =	swait.ge [sflag:s9], $0x80  }
0x74: {  	[sflag:s9] =	ssyncset.done $0x0  }
0x75: {  	[sflag:s9] =	ssyncadd.s32 $0xFFFFFF80  }
0x76: {  	_ =	swait.ge [sflag:s9], $0x80  }
0x77: {  	[sflag:s9] =	ssyncset.done $0x0  }
0x78: {  	[sflag:s9] =	ssyncadd.s32 $0xFFFFFF80  }
0x79: {  	_ =	swait.ge [sflag:s9], $0x80  }
0x7a: {  	[sflag:s9] =	ssyncset.done $0x0  }
0x7b: {  	[sflag:s9] =	ssyncadd.s32 $0xFFFFFF80  }
0x7c: {  	_ =	swait.ge [sflag:s9], $0x80  }
0x7d: {  	[sflag:s9] =	ssyncset.done $0x0;
	s26 =	rddreg [dreg:$0x15]  }
0x7e: {  	s28 =	rddreg [dreg:$0x14];
	[sflag:s9] =	ssyncadd.s32 $0xFFFFFF80  }
0x7f: {  	[tilespmem:s25], [sflag:$0x1] =	stream.indirect.gather [hbm4b:s1+s29], $0x80, s7, s29, $0xb8;
	[tilespmem:$0x1C400] =	vst v63  }
.LBB2_4:
0x80: {  	_ =	swait.ge [sflag:s10], $0x4000  }
0x81: {  	p0 =	seq.s32 s7, $0x0;
	[sflag:s10] =	ssyncset.done $0x0  }
0x82: {  	s30 =	simm.s32 @!p0 $0x4;
	[sflag:s10] =	ssyncadd.s32 $0xFFFFC000  }
0x83: {  	_ =	swait.ge @!p0 [sflag:s30], $0x4000  }
0x84: {  	[sflag:s30] =	ssyncset.done @!p0 $0x0  }
0x85: {  	[sflag:s30] =	ssyncadd.s32 @!p0 $0xFFFFC000  }
0x86: {  	[tilespmem:s12], [sflag:$0x2] =	stream.indirect.gather [hbm4b:s1+s29], $0x80, s29, s29, $0xb8;
	[tilespmem:$0x1C400] =	vst v63  }
0x87: {  	s0 =	simm.s32 $0x200  }
0x88: {  	[spmem:s2] =	stream.indirect.scatter.add.f32 [tilespmem:s25], [sflag:$0x3], $0x80, s0, s29, $0xb8;
	[tilespmem:$0x1C400] =	vst v63  }
0x89: {  	_ =	swait.ge [sflag:s13], $0x4000  }
0x8a: {  	[sflag:s13] =	ssyncset.done $0x0  }
0x8b: {  	[sflag:s13] =	ssyncadd.s32 $0xFFFFC000  }
0x8c: {  	_ =	swait.ge [sflag:s14], $0x4000  }
0x8d: {  	s18 =	sadd.s32 $0xFFFFFFFC, s26;
	[sflag:s14] =	ssyncset.done $0x0  }
0x8e: {  	s30 =	simm.s32 $0x100;
	p0 =	slt.u32 s18, $0x9C4;
	[sflag:s14] =	ssyncadd.s32 $0xFFFFC000  }
0x8f: {  	[tilespmem:s25], [sflag:$0x1] =	stream.indirect.gather [hbm4b:s1+s29], $0x80, s30, s29, $0xb8;
	[tilespmem:$0x1C400] =	vst v63  }
0x90: {  	s31 =	simm.s32 $0x280;
	s30 =	sadd.s32 @p0 s7, s23  }
0x91: {  	[spmem:s2] =	stream.indirect.scatter.add.f32 [tilespmem:s12], [sflag:$0x4], $0x80, s31, s29, $0xb8;
	[tilespmem:$0x1C400] =	vst v63  }
0x92: {  	s18 =	simm.s32 @p0 $0x0;
	s0 =	simm.s32 @p0 $0x400;
	s31 =	sadd.s32 @p0 $0x80, s30  }
0x93: {  	[tilespmem:s0], [sflag:$0x6] =	stream.linear.gather @p0 [hbm4b:s31+s18], $0x80, $0x38;
	[tilespmem:$0x1C400] =	vst v63  }
0x94: {  	s0 =	sadd.s32 @p0 $0x90, s30;
	s31 =	simm.s32 @p0 $0x600  }
0x95: {  	[tilespmem:s31], [sflag:$0x6] =	stream.linear.gather @p0 [hbm4b:s0+s18], $0x80, $0x38;
	[tilespmem:$0x1C400] =	vst v63  }
0x96: {  	s0 =	sadd.s32 @p0 $0xA0, s30;
	s31 =	simm.s32 @p0 $0x480  }
0x97: {  	[tilespmem:s31], [sflag:$0x6] =	stream.linear.gather @p0 [hbm4b:s0+s18], $0x80, $0x38;
	[tilespmem:$0x1C400] =	vst v63  }
0x98: {  	s0 =	sadd.s32 @p0 $0xB0, s30;
	s31 =	simm.s32 @p0 $0x680  }
0x99: {  	[tilespmem:s31], [sflag:$0x6] =	stream.linear.gather @p0 [hbm4b:s0+s18], $0x80, $0x38;
	[tilespmem:$0x1C400] =	vst v63  }
0x9a: {  	s0 =	sadd.s32 @p0 $0xC0, s30;
	s31 =	simm.s32 @p0 $0x500  }
0x9b: {  	[tilespmem:s31], [sflag:$0x6] =	stream.linear.gather @p0 [hbm4b:s0+s18], $0x80, $0x38;
	[tilespmem:$0x1C400] =	vst v63  }
0x9c: {  	s0 =	sadd.s32 @p0 $0xD0, s30;
	s31 =	simm.s32 @p0 $0x700  }
0x9d: {  	[tilespmem:s31], [sflag:$0x6] =	stream.linear.gather @p0 [hbm4b:s0+s18], $0x80, $0x38;
	[tilespmem:$0x1C400] =	vst v63  }
0x9e: {  	s0 =	sadd.s32 @p0 $0xE0, s30;
	s31 =	simm.s32 @p0 $0x580  }
0x9f: {  	[tilespmem:s31], [sflag:$0x6] =	stream.linear.gather @p0 [hbm4b:s0+s18], $0x80, $0x38;
	[tilespmem:$0x1C400] =	vst v63  }
0xa0: {  	s0 =	sshrl.u32 @!p0 s28, $0x3  }
0xa1: {  	s19 =	simm.s32 @!p0 $0x400;
	s31 =	simm.s32 @!p0 $0x0;
	s18 =	sadd.s32 @!p0 s5, s0  }
0xa2: {  	[tilespmem:s19], [sflag:$0x6] =	stream.linear.gather @!p0 [hbm4b:s18+s31], $0x80, $0x38;
	[tilespmem:$0x1C400] =	vst v63  }
0xa3: {  	s0 =	sadd.s32 @!p0 s6, s0;
	s18 =	simm.s32 @!p0 $0x600  }
0xa4: {  	[tilespmem:s18], [sflag:$0x6] =	stream.linear.gather @!p0 [hbm4b:s0+s31], $0x80, $0x38;
	[tilespmem:$0x1C400] =	vst v63  }
0xa5: {  	s0 =	sadd.s32 @!p0 $0x80, s28  }
0xa6: {  	s0 =	sshrl.u32 @!p0 s0, $0x3  }
0xa7: {  	s19 =	simm.s32 @!p0 $0x480;
	s18 =	sadd.s32 @!p0 s5, s0  }
0xa8: {  	[tilespmem:s19], [sflag:$0x6] =	stream.linear.gather @!p0 [hbm4b:s18+s31], $0x80, $0x38;
	[tilespmem:$0x1C400] =	vst v63  }
0xa9: {  	s0 =	sadd.s32 @!p0 s6, s0;
	s18 =	simm.s32 @!p0 $0x680  }
0xaa: {  	[tilespmem:s18], [sflag:$0x6] =	stream.linear.gather @!p0 [hbm4b:s0+s31], $0x80, $0x38;
	[tilespmem:$0x1C400] =	vst v63  }
0xab: {  	s0 =	sadd.s32 @!p0 $0x100, s28  }
0xac: {  	s0 =	sshrl.u32 @!p0 s0, $0x3  }
0xad: {  	s19 =	simm.s32 @!p0 $0x500;
	s18 =	sadd.s32 @!p0 s5, s0  }
0xae: {  	[tilespmem:s19], [sflag:$0x6] =	stream.linear.gather @!p0 [hbm4b:s18+s31], $0x80, $0x38;
	[tilespmem:$0x1C400] =	vst v63  }
0xaf: {  	s0 =	sadd.s32 @!p0 s6, s0;
	s18 =	simm.s32 @!p0 $0x700  }
0xb0: {  	[tilespmem:s18], [sflag:$0x6] =	stream.linear.gather @!p0 [hbm4b:s0+s31], $0x80, $0x38;
	[tilespmem:$0x1C400] =	vst v63  }
0xb1: {  	s0 =	sadd.s32 @!p0 $0x180, s28  }
0xb2: {  	s0 =	sshrl.u32 @!p0 s0, $0x3  }
0xb3: {  	s19 =	simm.s32 @!p0 $0x580;
	s18 =	sadd.s32 @!p0 s5, s0  }
0xb4: {  	[tilespmem:s19], [sflag:$0x6] =	stream.linear.gather @!p0 [hbm4b:s18+s31], $0x80, $0x38;
	[tilespmem:$0x1C400] =	vst v63  }
0xb5: {  	s0 =	sadd.s32 @!p0 s6, s0;
	s18 =	sadd.s32 @p0 $0xF0, s30  }
0xb6: {  	s0 =	smov.u32 @p0 s18  }
0xb7: {  	[tilespmem:s15], [sflag:$0x6] =	stream.linear.gather [hbm4b:s0+s4], $0x80, $0x38;
	[tilespmem:$0x1C400] =	vst v63  }
0xb8: {  	_ =	swait.ge [sflag:s10], $0x4000  }
0xb9: {  	[sflag:s10] =	ssyncset.done $0x0  }
0xba: {  	[sflag:s10] =	ssyncadd.s32 $0xFFFFC000  }
0xbb: {  	_ =	swait.ge [sflag:s16], $0x4000  }
0xbc: {  	[sflag:s16] =	ssyncset.done $0x0  }
0xbd: {  	[sflag:s16] =	ssyncadd.s32 $0xFFFFC000  }
0xbe: {  	[tilespmem:s12], [sflag:$0x2] =	stream.indirect.gather [hbm4b:s1+s29], $0x80, s3, s29, $0xb8;
	[tilespmem:$0x1C400] =	vst v63  }
0xbf: {  	s19 =	simm.s32 $0x300  }
0xc0: {  	[spmem:s2] =	stream.indirect.scatter.add.f32 [tilespmem:s25], [sflag:$0x3], $0x80, s19, s29, $0xb8;
	[tilespmem:$0x1C400] =	vst v63  }
0xc1: {  	_ =	swait.ge [sflag:s13], $0x4000  }
0xc2: {  	[sflag:s13] =	ssyncset.done $0x0  }
0xc3: {  	[sflag:s13] =	ssyncadd.s32 $0xFFFFC000  }
0xc4: {  	_ =	swait.ge [sflag:s14], $0x4000  }
0xc5: {  	[sflag:s14] =	ssyncset.done $0x0  }
0xc6: {  	[sflag:s14] =	ssyncadd.s32 $0xFFFFC000  }
0xc7: {  	_ =	swait.ge [sflag:s17], $0x80  }
0xc8: {  	[sflag:s17] =	ssyncset.done $0x0  }
0xc9: {  	[sflag:s17] =	ssyncadd.s32 $0xFFFFFF80  }
0xca: {  	_ =	swait.ge [sflag:s17], $0x80  }
0xcb: {  	[sflag:s17] =	ssyncset.done $0x0  }
0xcc: {  	[sflag:s17] =	ssyncadd.s32 $0xFFFFFF80  }
0xcd: {  	_ =	swait.ge [sflag:s17], $0x80  }
0xce: {  	[sflag:s17] =	ssyncset.done $0x0  }
0xcf: {  	[sflag:s17] =	ssyncadd.s32 $0xFFFFFF80  }
0xd0: {  	_ =	swait.ge [sflag:s17], $0x80  }
0xd1: {  	[sflag:s17] =	ssyncset.done $0x0  }
0xd2: {  	[sflag:s17] =	ssyncadd.s32 $0xFFFFFF80  }
0xd3: {  	_ =	swait.ge [sflag:s17], $0x80  }
0xd4: {  	[sflag:s17] =	ssyncset.done $0x0  }
0xd5: {  	[sflag:s17] =	ssyncadd.s32 $0xFFFFFF80  }
0xd6: {  	_ =	swait.ge [sflag:s17], $0x80  }
0xd7: {  	[sflag:s17] =	ssyncset.done $0x0  }
0xd8: {  	[sflag:s17] =	ssyncadd.s32 $0xFFFFFF80  }
0xd9: {  	_ =	swait.ge [sflag:s17], $0x80  }
0xda: {  	[sflag:s17] =	ssyncset.done $0x0  }
0xdb: {  	[sflag:s17] =	ssyncadd.s32 $0xFFFFFF80  }
0xdc: {  	_ =	swait.ge [sflag:s17], $0x80  }
0xdd: {  	[sflag:s17] =	ssyncset.done $0x0  }
0xde: {  	s30 =	simm.s32 $0x400;
	[sflag:s17] =	ssyncadd.s32 $0xFFFFFF80  }
0xdf: {  	[tilespmem:s25], [sflag:$0x1] =	stream.indirect.gather [hbm4b:s1+s29], $0x80, s30, s29, $0xb8;
	[tilespmem:$0x1C400] =	vst v63  }
0xe0: {  	_ = 	snop  }
0xe1: {  	[spmem:s2] =	stream.indirect.scatter.add.f32 [tilespmem:s12], [sflag:$0x4], $0x80, s8, s29, $0xb8;
	[tilespmem:$0x1C400] =	vst v63  }
0xe2: {  	_ =	swait.ge [sflag:s10], $0x4000  }
0xe3: {  	[sflag:s10] =	ssyncset.done $0x0  }
0xe4: {  	[sflag:s10] =	ssyncadd.s32 $0xFFFFC000  }
0xe5: {  	_ =	swait.ge [sflag:s16], $0x4000  }
0xe6: {  	[sflag:s16] =	ssyncset.done $0x0  }
0xe7: {  	s31 =	simm.s32 $0x480;
	[sflag:s16] =	ssyncadd.s32 $0xFFFFC000  }
0xe8: {  	[tilespmem:s12], [sflag:$0x2] =	stream.indirect.gather [hbm4b:s1+s29], $0x80, s31, s29, $0xb8;
	[tilespmem:$0x1C400] =	vst v63  }
0xe9: {  	_ = 	snop  }
0xea: {  	[spmem:s2] =	stream.indirect.scatter.add.f32 [tilespmem:s25], [sflag:$0x3], $0x80, s20, s29, $0xb8;
	[tilespmem:$0x1C400] =	vst v63  }
0xeb: {  	_ =	swait.ge [sflag:s13], $0x4000  }
0xec: {  	[sflag:s13] =	ssyncset.done $0x0  }
0xed: {  	[sflag:s13] =	ssyncadd.s32 $0xFFFFC000  }
0xee: {  	p0 =	seq.s32 s7, $0x900;
	_ =	swait.ge [sflag:s14], $0x4000  }
0xef: {  	p2 =	slt.u32 @!p0 s26, $0x9C4;
	[sflag:s14] =	ssyncset.done $0x0  }
0xf0: {  	p1 =	por !p2, p0;
	[sflag:s14] =	ssyncadd.s32 $0xFFFFC000  }
0xf1: {  	[tilespmem:s25], [sflag:$0x1] =	stream.indirect.gather [hbm4b:s1+s29], $0x80, s21, s29, $0xb8;
	[tilespmem:$0x1C400] =	vst v63  }
0xf2: {  	s0 =	sadd.s32 @!p1 s7, s23  }
0xf3: {  	[spmem:s2] =	stream.indirect.scatter.add.f32 [tilespmem:s12], [sflag:$0x4], $0x80, s22, s29, $0xb8;
	[tilespmem:$0x1C400] =	vst v63  }
0xf4: {  	s18 =	sadd.s32 @!p1 $0x100, s0;
	s19 =	simm.s32 @!p1 $0x0  }
0xf5: {  	[tilespmem:s19], [sflag:$0x5] =	stream.linear.gather @!p1 [hbm4b:s18+s19], $0x80, $0x38;
	[tilespmem:$0x1C400] =	vst v63  }
0xf6: {  	s30 =	simm.s32 @!p1 $0x200;
	s18 =	sadd.s32 @!p1 $0x110, s0  }
0xf7: {  	[tilespmem:s30], [sflag:$0x5] =	stream.linear.gather @!p1 [hbm4b:s18+s19], $0x80, $0x38;
	[tilespmem:$0x1C400] =	vst v63  }
0xf8: {  	s18 =	sadd.s32 @!p1 $0x120, s0;
	s30 =	simm.s32 @!p1 $0x80  }
0xf9: {  	[tilespmem:s30], [sflag:$0x5] =	stream.linear.gather @!p1 [hbm4b:s18+s19], $0x80, $0x38;
	[tilespmem:$0x1C400] =	vst v63  }
0xfa: {  	s18 =	sadd.s32 @!p1 $0x130, s0;
	s30 =	simm.s32 @!p1 $0x280  }
0xfb: {  	[tilespmem:s30], [sflag:$0x5] =	stream.linear.gather @!p1 [hbm4b:s18+s19], $0x80, $0x38;
	[tilespmem:$0x1C400] =	vst v63  }
0xfc: {  	s18 =	sadd.s32 @!p1 $0x140, s0;
	s30 =	simm.s32 @!p1 $0x100  }
0xfd: {  	[tilespmem:s30], [sflag:$0x5] =	stream.linear.gather @!p1 [hbm4b:s18+s19], $0x80, $0x38;
	[tilespmem:$0x1C400] =	vst v63  }
0xfe: {  	s18 =	sadd.s32 @!p1 $0x150, s0;
	s30 =	simm.s32 @!p1 $0x300  }
0xff: {  	[tilespmem:s30], [sflag:$0x5] =	stream.linear.gather @!p1 [hbm4b:s18+s19], $0x80, $0x38;
	[tilespmem:$0x1C400] =	vst v63  }
0x100: {  	p2 =	por p2, p0;
	s18 =	sadd.s32 @!p1 $0x160, s0;
	s30 =	simm.s32 @!p1 $0x180  }
0x101: {  	[tilespmem:s30], [sflag:$0x5] =	stream.linear.gather @!p1 [hbm4b:s18+s19], $0x80, $0x38;
	[tilespmem:$0x1C400] =	vst v63  }
0x102: {  	s18 =	sadd.s32 @!p2 $0x200, s28  }
0x103: {  	s18 =	sshrl.u32 @!p2 s18, $0x3  }
0x104: {  	s30 =	simm.s32 @!p2 $0x0;
	s19 =	sadd.s32 @!p2 s5, s18  }
0x105: {  	[tilespmem:s30], [sflag:$0x5] =	stream.linear.gather @!p2 [hbm4b:s19+s30], $0x80, $0x38;
	[tilespmem:$0x1C400] =	vst v63  }
0x106: {  	s18 =	sadd.s32 @!p2 s6, s18;
	s19 =	simm.s32 @!p2 $0x200  }
0x107: {  	[tilespmem:s19], [sflag:$0x5] =	stream.linear.gather @!p2 [hbm4b:s18+s30], $0x80, $0x38;
	[tilespmem:$0x1C400] =	vst v63  }
0x108: {  	s18 =	sadd.s32 @!p2 $0x280, s28  }
0x109: {  	s18 =	sshrl.u32 @!p2 s18, $0x3  }
0x10a: {  	s31 =	simm.s32 @!p2 $0x80;
	s19 =	sadd.s32 @!p2 s5, s18  }
0x10b: {  	[tilespmem:s31], [sflag:$0x5] =	stream.linear.gather @!p2 [hbm4b:s19+s30], $0x80, $0x38;
	[tilespmem:$0x1C400] =	vst v63  }
0x10c: {  	s18 =	sadd.s32 @!p2 s6, s18;
	s19 =	simm.s32 @!p2 $0x280  }
0x10d: {  	[tilespmem:s19], [sflag:$0x5] =	stream.linear.gather @!p2 [hbm4b:s18+s30], $0x80, $0x38;
	[tilespmem:$0x1C400] =	vst v63  }
0x10e: {  	s18 =	sadd.s32 @!p2 $0x300, s28  }
0x10f: {  	s18 =	sshrl.u32 @!p2 s18, $0x3  }
0x110: {  	s31 =	simm.s32 @!p2 $0x100;
	s19 =	sadd.s32 @!p2 s5, s18  }
0x111: {  	[tilespmem:s31], [sflag:$0x5] =	stream.linear.gather @!p2 [hbm4b:s19+s30], $0x80, $0x38;
	[tilespmem:$0x1C400] =	vst v63  }
0x112: {  	s18 =	sadd.s32 @!p2 s6, s18;
	s19 =	simm.s32 @!p2 $0x300  }
0x113: {  	[tilespmem:s19], [sflag:$0x5] =	stream.linear.gather @!p2 [hbm4b:s18+s30], $0x80, $0x38;
	[tilespmem:$0x1C400] =	vst v63  }
0x114: {  	s18 =	sadd.s32 @!p2 $0x380, s28  }
0x115: {  	s0 =	sadd.s32 @!p1 $0x170, s0;
	s18 =	sshrl.u32 @!p2 s18, $0x3  }
0x116: {  	s31 =	simm.s32 @!p2 $0x180;
	s19 =	sadd.s32 @!p2 s5, s18;
	s18 =	sadd.s32 @!p2 s6, s18  }
0x117: {  	[tilespmem:s31], [sflag:$0x5] =	stream.linear.gather @!p2 [hbm4b:s19+s30], $0x80, $0x38;
	[tilespmem:$0x1C400] =	vst v63  }
0x118: {  	s0 =	smov.u32 @p1 s18;
	s18 =	simm.s32 @!p0 $0x0;
	s19 =	simm.s32 @!p0 $0x380  }
0x119: {  	[tilespmem:s19], [sflag:$0x5] =	stream.linear.gather @!p0 [hbm4b:s0+s18], $0x80, $0x38;
	[tilespmem:$0x1C400] =	vst v63  }
0x11a: {  	_ =	swait.ge [sflag:s10], $0x4000  }
0x11b: {  	[sflag:s10] =	ssyncset.done $0x0  }
0x11c: {  	[sflag:s10] =	ssyncadd.s32 $0xFFFFC000  }
0x11d: {  	_ =	swait.ge [sflag:s16], $0x4000  }
0x11e: {  	[sflag:s16] =	ssyncset.done $0x0  }
0x11f: {  	[sflag:s16] =	ssyncadd.s32 $0xFFFFC000  }
0x120: {  	[tilespmem:s12], [sflag:$0x2] =	stream.indirect.gather [hbm4b:s1+s29], $0x80, s24, s29, $0xb8;
	[tilespmem:$0x1C400] =	vst v63  }
0x121: {  	_ = 	snop  }
0x122: {  	[spmem:s2] =	stream.indirect.scatter.add.f32 [tilespmem:s25], [sflag:$0x3], $0x80, s11, s29, $0xb8;
	[tilespmem:$0x1C400] =	vst v63  }
0x123: {  	_ =	swait.ge [sflag:s13], $0x4000  }
.Ltmp3:
0x124: {  	[sflag:s13] =	ssyncset.done $0x0;
	(pc) =	sbr.rel @p0 .LBB2_6-.Ltmp3, $4  }
0x125: {  	[sflag:s13] =	ssyncadd.s32 $0xFFFFC000  }
0x126: {  	_ =	swait.ge [sflag:s14], $0x4000  }
0x127: {  	[sflag:s14] =	ssyncset.done $0x0  }
0x128: {  	[sflag:s14] =	ssyncadd.s32 $0xFFFFC000  }
0x129: {  	_ =	swait.ge [sflag:s9], $0x80  }
0x12a: {  	[sflag:s9] =	ssyncset.done $0x0  }
0x12b: {  	[sflag:s9] =	ssyncadd.s32 $0xFFFFFF80  }
0x12c: {  	_ =	swait.ge [sflag:s9], $0x80  }
0x12d: {  	[sflag:s9] =	ssyncset.done $0x0  }
0x12e: {  	[sflag:s9] =	ssyncadd.s32 $0xFFFFFF80  }
0x12f: {  	_ =	swait.ge [sflag:s9], $0x80  }
0x130: {  	[sflag:s9] =	ssyncset.done $0x0  }
0x131: {  	[sflag:s9] =	ssyncadd.s32 $0xFFFFFF80  }
0x132: {  	_ =	swait.ge [sflag:s9], $0x80  }
0x133: {  	[sflag:s9] =	ssyncset.done $0x0  }
0x134: {  	[sflag:s9] =	ssyncadd.s32 $0xFFFFFF80  }
0x135: {  	_ =	swait.ge [sflag:s9], $0x80  }
0x136: {  	[sflag:s9] =	ssyncset.done $0x0  }
0x137: {  	[sflag:s9] =	ssyncadd.s32 $0xFFFFFF80  }
0x138: {  	_ =	swait.ge [sflag:s9], $0x80  }
0x139: {  	[sflag:s9] =	ssyncset.done $0x0  }
0x13a: {  	[sflag:s9] =	ssyncadd.s32 $0xFFFFFF80  }
0x13b: {  	_ =	swait.ge [sflag:s9], $0x80  }
0x13c: {  	[sflag:s9] =	ssyncset.done $0x0  }
0x13d: {  	[sflag:s9] =	ssyncadd.s32 $0xFFFFFF80  }
0x13e: {  	_ =	swait.ge [sflag:s9], $0x80  }
.Ltmp4:
0x13f: {  	[sflag:s9] =	ssyncset.done $0x0;
	(pc) =	sbr.rel .LBB2_4-.Ltmp4, $4  }
0x140: {  	[sflag:s9] =	ssyncadd.s32 $0xFFFFFF80  }
0x141: {  	[tilespmem:s25], [sflag:$0x1] =	stream.indirect.gather [hbm4b:s1+s29], $0x80, s4, s29, $0xb8;
	[tilespmem:$0x1C400] =	vst v63  }
0x142: {  	s28 =	sadd.s32 $0x400, s28;
	s7 =	sadd.s32 $0x100, s7;
	s26 =	sadd.s32 $0x8, s26  }
0x143: {  	[spmem:s2] =	stream.indirect.scatter.add.f32 [tilespmem:s12], [sflag:$0x4], $0x80, s15, s29, $0xb8;
	[tilespmem:$0x1C400] =	vst v63  }
.LBB2_7:
0x144: {  	_ =	sfence.sel $0x180000  }
0x145: {  	[bflag:$0x0] =	sbarrier.arrive $0xFFFF  }
0x146: {  	_ =	strace $0x9000004A  }
0x147: {  	s0 =	stileid.u32;
	[bflag:$0x2] =	sbarrier.arrive $0xFFFF  }
0x148: {  	p0 =	sne.s32 s0, $0x0;
	s0 =	rddreg [dreg:$0x4]  }
0x149: {  	s0 =	sadd.s32 @!p0 $0x100000, s0  }
0x14a: {  	[sflag:s0] =	ssyncadd.tile.s32 @!p0 $0x1;
	_ =	shalt  }
.Lfunc_end2:
_tile_overlayer_lowered:
.L_overlay_start_2:
0x14b: {  	(tag) =	ssettag $0x2  }
0x14c: {  	s0 =	rddreg [dreg:$0x0];
	s2 =	stileid.u32  }
0x14d: {  	s1 =	rddreg [dreg:$0x1];
	p0 =	sne.s32 s2, $0x0  }
0x14e: {  	s3 =	rddreg [dreg:$0x2];
	[bflag:$0x3] =	sbarrier.arrive $0xFFFF;
	s2 =	simm.s32 @!p0 $0x1C07  }
0x14f: {  	[timem:s3], [sflag:s2] =	dma.local @!p0 [hbm:s0], s1  }
0x150: {  	s0 =	simm.s32 @!p0 $0x7  }
0x151: {  	_ =	swait.ge @!p0 [sflag:s0], s1  }
0x152: {  	s1 =	ssub.s32 @!p0 $0x0, s1;
	[sflag:s0] =	ssyncset.done @!p0 $0x0  }
0x153: {  	[sflag:s0] =	ssyncadd.s32 @!p0 s1  }
0x154: {  	[bflag:$0x3] =	sbarrier.arrive $0xFFFF  }
0x155: {  	_ =	shalt  }

// kernel: kernel.7.cloned.1.call-start
scs
__scs_entry_jumppad:
0x0: {  	(pc) =	sbr.rel $0x88, $3  }
0x1: {  	(tag) =	ssettag $0x0;
	lr =	simm.s32 $0x1  }
0x2: {  	[smem:$0x3F97] =	sst lr;
	_ =	strace $0xD0000000  }
0x3: {  	_ = 	snop  }
0x4: {  	_ = 	snop  }
0x5: {  	_ = 	snop  }
0x6: {  	_ = 	snop  }
0x7: {  	_ = 	snop  }
__scs_overlays_trampoline_lowered:
0x8: {  	[smem:$0x3FA6] =	sst s0  }
0x9: {  	[smem:$0x3FA7] =	sst s1  }
0xa: {  	[smem:$0x3FA8] =	sst s2  }
0xb: {  	[smem:$0x3FA9] =	sst s3  }
0xc: {  	[smem:$0x3FAA] =	sst s4  }
0xd: {  	[smem:$0x3FAB] =	sst s5  }
0xe: {  	[smem:$0x3FAC] =	sst s6  }
0xf: {  	[smem:$0x3FAD] =	sst s7  }
0x10: {  	[smem:$0x3FAE] =	sst s8  }
0x11: {  	[smem:$0x3FAF] =	sst s9;
	s0 =	simm.s32 @!p0 $0x0  }
0x12: {  	s1 =	sld [smem:$0x3F95];
	s0 =	simm.s32 @p0 $0x1  }
0x13: {  	[smem:$0x3FB0] =	sst s0;
	s0 =	simm.s32 @!p1 $0x0  }
0x14: {  	s2 =	sld [smem:$0x3F94];
	s0 =	simm.s32 @p1 $0x1  }
0x15: {  	[smem:$0x3FB1] =	sst s0;
	s0 =	simm.s32 @!p2 $0x0  }
0x16: {  	s3 =	sld [smem:$0x3FDB];
	s0 =	simm.s32 @p2 $0x1  }
0x17: {  	s4 =	simm.s32 $0x1BF5;
	[smem:$0x3FB3] =	sst s0  }
0x18: {  	s0 =	sld [smem:$0x3F96];
	_ =	swait.ge [sflag:s4], $0x0  }
0x19: {  	s7 =	sld [smem:$0x3F97]  }
0x1a: {  	s8 =	sadd.s32 $0xFFFFE003, lr  }
0x1b: {  	s9 =	sadd.s32 $0xFFFFFEF7, lr;
	s5 =	simm.s32 $0xFFFFFFFF;
	p2 =	slt.u32 s8, $0xFFFFF086  }
0x1c: {  	p1 =	slt.u32 s9, $0xF7A;
	s5 =	simm.s32 @!p2 $0x0  }
0x1d: {  	s5 =	simm.s32 @p1 $0x1;
	p0 =	seq.s32 s7, s2  }
0x1e: {  	s7 =	smul.u32 @!p0 $0xF7A, s2;
	p2 =	seq.s32 @!p0 s5, $0x0  }
0x1f: {  	s9 =	smul.u32 $0xF7A, s1;
	s8 =	simm.s32 @!p0 $0x1BF5;
	p2 =	por !p2, p0  }
0x20: {  	[sflag:s8] =	ssyncset.s32 @!p0 $0xFFFFF086;
	s6 =	sadd.s32 @!p0 s3, s7;
	s7 =	simm.s32 @!p0 $0x108  }
0x21: {  	s3 =	sadd.s32 s3, s9;
	s6 =	sadd.s32 @!p0 $0x88, s6;
	s7 =	simm.s32 @p2 $0x1082  }
0x22: {  	[simem:s7], [sflag:s8] =	dma.local @!p0 [hbm:s6], $0xF7A  }
0x23: {  	s9 =	sor.u32 $0xD0000000, s2;
	s6 =	simm.s32 $0x108;
	_ =	swait.ge @!p0 [sflag:s8], $0x0  }
0x24: {  	s3 =	sadd.s32 $0x88, s3;
	s6 =	simm.s32 @!p1 $0x1082;
	[sflag:s4] =	ssyncset.s32 $0xFFFFF086  }
0x25: {  	[simem:s6], [sflag:s4] =	dma.local [hbm:s3], $0xF7A  }
0x26: {  	[smem:$0x3F97] =	sst s1;
	(tag) =	ssettag s2;
	_ =	strace s9  }
0x27: {  	s1 =	sld [smem:$0x3FA7]  }
0x28: {  	s2 =	sld [smem:$0x3FA8]  }
0x29: {  	s4 =	sld [smem:$0x3FAA]  }
0x2a: {  	p0 =	seq.s32 s5, $0x0;
	s5 =	sld [smem:$0x3FAB]  }
0x2b: {  	s6 =	sld [smem:$0x3FAC]  }
0x2c: {  	s7 =	sld [smem:$0x3FAD]  }
0x2d: {  	s3 =	simm.s32 $0x108;
	s8 =	sld [smem:$0x3FAE]  }
0x2e: {  	s3 =	simm.s32 @!p0 $0x1082;
	s9 =	sld [smem:$0x3FAF]  }
0x2f: {  	lr =	sadd.s32 s0, s3;
	s0 =	sld [smem:$0x3FA6]  }
0x30: {  	s3 =	sld [smem:$0x3FA9]  }
0x31: {  	[smem:$0x3FB2] =	sst s10  }
0x32: {  	s10 =	sld [smem:$0x3FB0];
	_ =	sdelay $0x3  }
0x33: {  	p0 =	seq.s32 s10, $0x1;
	s10 =	sld [smem:$0x3FB2];
	_ =	sdelay $0x3  }
0x34: {  	[smem:$0x3FB2] =	sst s10  }
0x35: {  	s10 =	sld [smem:$0x3FB1];
	_ =	sdelay $0x3  }
0x36: {  	p1 =	seq.s32 s10, $0x1;
	s10 =	sld [smem:$0x3FB2];
	_ =	sdelay $0x3  }
0x37: {  	[smem:$0x3FB2] =	sst s10  }
0x38: {  	s10 =	sld [smem:$0x3FB3]  }
0x39: {  	_ = 	snop;
	(pc) =	sbr.ind lr, $3  }
0x3a: {  	_ = 	snop  }
0x3b: {  	_ = 	snop  }
0x3c: {  	p2 =	seq.s32 s10, $0x1;
	s10 =	sld [smem:$0x3FB2]  }
0x3d: {  	_ =	shalt  }
0x3e: {  	_ =	shalt  }
0x3f: {  	_ =	shalt  }
0x40: {  	_ =	shalt  }
0x41: {  	_ =	shalt  }
0x42: {  	_ =	shalt  }
0x43: {  	_ =	shalt  }
0x44: {  	_ =	shalt  }
0x45: {  	_ =	shalt  }
0x46: {  	_ =	shalt  }
0x47: {  	_ =	shalt  }
0x48: {  	_ =	shalt  }
0x49: {  	_ =	shalt  }
0x4a: {  	_ =	shalt  }
0x4b: {  	_ =	shalt  }
0x4c: {  	_ =	shalt  }
0x4d: {  	_ =	shalt  }
0x4e: {  	_ =	shalt  }
0x4f: {  	_ =	shalt  }
0x50: {  	_ =	shalt  }
0x51: {  	_ =	shalt  }
0x52: {  	_ =	shalt  }
0x53: {  	_ =	shalt  }
0x54: {  	_ =	shalt  }
0x55: {  	_ =	shalt  }
0x56: {  	_ =	shalt  }
0x57: {  	_ =	shalt  }
0x58: {  	_ =	shalt  }
0x59: {  	_ =	shalt  }
0x5a: {  	_ =	shalt  }
0x5b: {  	_ =	shalt  }
0x5c: {  	_ =	shalt  }
0x5d: {  	_ =	shalt  }
0x5e: {  	_ =	shalt  }
0x5f: {  	_ =	shalt  }
0x60: {  	_ =	shalt  }
0x61: {  	_ =	shalt  }
0x62: {  	_ =	shalt  }
0x63: {  	_ =	shalt  }
0x64: {  	_ =	shalt  }
0x65: {  	_ =	shalt  }
0x66: {  	_ =	shalt  }
0x67: {  	_ =	shalt  }
0x68: {  	_ =	shalt  }
0x69: {  	_ =	shalt  }
0x6a: {  	_ =	shalt  }
0x6b: {  	_ =	shalt  }
0x6c: {  	_ =	shalt  }
0x6d: {  	_ =	shalt  }
0x6e: {  	_ =	shalt  }
0x6f: {  	_ =	shalt  }
0x70: {  	_ =	shalt  }
0x71: {  	_ =	shalt  }
0x72: {  	_ =	shalt  }
0x73: {  	_ =	shalt  }
0x74: {  	_ =	shalt  }
0x75: {  	_ =	shalt  }
0x76: {  	_ =	shalt  }
0x77: {  	_ =	shalt  }
0x78: {  	_ =	shalt  }
0x79: {  	_ =	shalt  }
0x7a: {  	_ =	shalt  }
0x7b: {  	_ =	shalt  }
0x7c: {  	_ =	shalt  }
0x7d: {  	_ =	shalt  }
0x7e: {  	_ =	shalt  }
0x7f: {  	_ =	shalt  }
0x80: {  	_ =	shalt  }
0x81: {  	_ =	shalt  }
0x82: {  	_ =	shalt  }
0x83: {  	_ =	shalt  }
0x84: {  	_ =	shalt  }
0x85: {  	_ =	shalt  }
0x86: {  	_ =	shalt  }
0x87: {  	_ =	shalt  }
.Lfunc_end0:
.L_simem_size_0:
called_computation_lowered:
.L_overlay_start_0:
0x88: {  	s2 =	sld [smem:$0x3FD9]  }
0x89: {  	s3 =	sld [smem:$0x3FFE];
	_ =	sdelay $0x1  }
0x8a: {  	s1 =	srdreg.scid  }
0x8b: {  	s0 =	sand.u32 $0x1, s1  }
0x8c: {  	s17 =	sshll.u32 s0, $0xA;
	s2 =	sadd.s32 s3, s2  }
0x8d: {  	s2 =	sadd.s32 s2, s17  }
0x8e: {  	[smem:$0x3FBE] =	sst s2  }
0x8f: {  	_ = 	snop  }
0x90: {  	s2 =	sld [smem:$0x3FC9]  }
0x91: {  	s18 =	sld [smem:$0x3FC8]  }
0x92: {  	s4 =	sld [smem:$0x3FD0];
	(tm) =	ssettm $0x1  }
0x93: {  	s5 =	sld [smem:$0x3FFB];
	_ =	sdelay $0x3  }
0x94: {  	_ =	strace s5  }
0x95: {  	s5 =	sld [smem:$0x3FFC];
	_ =	sdelay $0x3  }
0x96: {  	_ =	strace s5  }
0x97: {  	s5 =	sld [smem:$0x3FFD];
	_ =	sdelay $0x3  }
0x98: {  	_ =	strace s5  }
0x99: {  	_ =	strace $0x8FFFFFFF  }
0x9a: {  	s19 =	sld [smem:$0x3FDB];
	_ =	sdelay $0x1  }
0x9b: {  	s6 =	simm.s32 $_scs_section_size  }
0x9c: {  	s7 =	simm.s32 $_size__tile_overlayer_lowered;
	s8 =	simm.s32 $_tile_overlayer_lowered  }
0x9d: {  	s22 =	simm.s32 $0x1BFF;
	s21 =	sshll.u32 s8, $0x1;
	s5 =	sadd.s32 s6, s19  }
0x9e: {  	s9 =	simm.s32 $0x0;
	s20 =	sshll.u32 s7, $0x1;
	s7 =	sadd.s32 s21, s5  }
0x9f: {  	[timem:s9], [sflag:s22] =	dma.local [hbm:s7], s20  }
0xa0: {  	_ =	swait.ge [sflag:s22], s20  }
0xa1: {  	s6 =	ssub.s32 $0x0, s20;
	[sflag:s22] =	ssyncset.done $0x0  }
0xa2: {  	[sflag:s22] =	ssyncadd.s32 s6;
	_ =	sdelay $0x1  }
0xa3: {  	s23 =	simm.s32 $0x1B8B  }
0xa4: {  	_ =	swait.ge [sflag:s23], $0x1  }
0xa5: {  	[sflag:s23] =	ssyncset.done $0x0  }
0xa6: {  	s25 =	simm.s32 $0x1B8E;
	s24 =	sld [smem:$0x3FFE];
	[sflag:s23] =	ssyncadd.s32 $0xFFFFFFFF  }
0xa7: {  	s26 =	simm.s32 $execute0_lowered;
	[smem:$0x3FD2] =	sst s25  }
0xa8: {  	s7 =	sshll.u32 s26, $0x1;
	_ =	strace $0x80000046;
	[dreg:$0x1] =	wrdreg $0xFFFFFFFF  }
0xa9: {  	s28 =	simm.s32 $_size_execute0_lowered;
	s5 =	sadd.s32 s5, s7;
	[dreg:$0x0] =	wrdreg $0x0  }
0xaa: {  	s7 =	sshll.u32 s28, $0x1;
	[dreg:$0x2] =	wrdreg s5  }
0xab: {  	[dreg:$0x3] =	wrdreg s7  }
0xac: {  	[dreg:$0x4] =	wrdreg $0xC0  }
0xad: {  	_ =	task [dreg:s9], $0x5FFFF  }
0xae: {  	[dreg:$0x1] =	wrdreg $0xFFFFFFFF  }
0xaf: {  	[dreg:$0x0] =	wrdreg $0x60  }
0xb0: {  	[dreg:$0x2] =	wrdreg s2  }
0xb1: {  	[dreg:$0x3] =	wrdreg s18  }
0xb2: {  	[dreg:$0x4] =	wrdreg s24  }
0xb3: {  	[dreg:$0x5] =	wrdreg s4  }
0xb4: {  	[dreg:$0x6] =	wrdreg $0x88000  }
0xb5: {  	[dreg:$0x7] =	wrdreg $0x1C4800  }
0xb6: {  	[dreg:$0x8] =	wrdreg $0x9  }
0xb7: {  	_ =	task.clear_ibuf [dreg:s9], $0x9FFFF;
	_ =	strace $0x90000046  }
0xb8: {  	s29 =	simm.s32 $0x9;
	_ =	strace $0x80000048  }
0xb9: {  	_ =	swait.ge [sflag:s29], $0x1  }
0xba: {  	[sflag:s29] =	ssyncadd.s32 $0xFFFFFFFF  }
0xbb: {  	_ =	strace $0x90000048  }
0xbc: {  	_ =	sfence  }
0xbd: {  	s30 =	sld [smem:$0x0];
	_ =	sdelay $0x2  }
0xbe: {  	s31 =	sshll.u32 s1, $0xD;
	s1 =	sshrl.u32 s1, $0x2  }
0xbf: {  	s3 =	sand.u32 $0x4000, s31;
	s1 =	sadd.s32 s1, s30  }
0xc0: {  	s0 =	sor.u32 s3, s0;
	s1 =	sshll.u32 s1, $0x11  }
0xc1: {  	s0 =	sor.u32 s1, s0  }
0xc2: {  	s0 =	sadd.s32 $0x8F2B, s0  }
0xc3: {  	[sflag:s0] =	ssyncadd.remote.s32 $0x1  }
0xc4: {  	_ =	sfence.sel $0xFFFF  }
0xc5: {  	[dreg:$0x0] =	wrdreg $0xFFFFFFFF;
	(pc) =	sbr.abs _section_cstart, $3  }
0xc6: {  	[dreg:$0x1] =	wrdreg $0xFFFFFFFF  }
0xc7: {  	_ =	task.clear_ibuf [dreg:s9], $0x2FFFF;
	_ =	strace $0x9FFFFFFF  }
0xc8: {  	(tm) =	ssettm $0x7FFFFFFF  }
0xc9: {  	_ =	shalt  }
tec
execute0_lowered:
.L_overlay_start_1:
0x0: {  	(tag) =	ssettag $0x1  }
0x1: {  	s1 =	rddreg [dreg:$0x0]  }
0x2: {  	s0 =	rddreg [dreg:$0x1]  }
0x3: {  	s5 =	rddreg [dreg:$0x2]  }
0x4: {  	s8 =	rddreg [dreg:$0x3]  }
0x5: {  	s2 =	rddreg [dreg:$0x4]  }
0x6: {  	s3 =	rddreg [dreg:$0x5];
	s4 =	simm.s32 $0x0;
	s9 =	srdreg.scid  }
0x7: {  	s28 =	simm.s32 $0x3;
	s29 =	simm.s32 $0x780;
	s30 =	simm.s32 $0x6  }
0x8: {  	[smem:$0x7FF] =	sst s4;
	s6 =	sadd.s32 $0x2A00, s5;
	s4 =	stileid.u32  }
0x9: {  	s7 =	sadd.s32 $0x2E00, s5;
	s10 =	sadd.s32 $0x3C00, s5;
	s13 =	smul.u32 $0x4F000, s4  }
0xa: {  	s9 =	sand.u32 $0x1, s9;
	s11 =	sadd.s32 $0x2B400, s5;
	s16 =	smul.u32 $0x280, s4  }
0xb: {  	s5 =	sadd.s32 $0x3600, s5;
	_ =	strace $0x80000047;
	s26 =	smul.u32 $0x2780, s4  }
0xc: {  	s12 =	ssub.s32 $0x2, s9;
	s20 =	smul.u32 $0x28000, s9;
	p0 =	seq.s32 s9, $0x1  }
0xd: {  	s15 =	sshll.u32 s9, $0x4;
	s17 =	smul.u32 $0x2800, s4;
	s10 =	smov.u32 @p0 s11  }
0xe: {  	s21 =	smul.u32 $0xA000, s9;
	s13 =	sshrl.u32 s13, $0x2;
	s10 =	sadd.s32 s10, s26  }
0xf: {  	s22 =	smul.u32 $0xA00, s4;
	s31 =	sadd.s32 s13, s2;
	[dreg:$0xd] =	wrdreg s10  }
0x10: {  	s14 =	sshrl.u32 s12, $0x1;
	s24 =	sadd.s32 $0x4000, s31;
	[dreg:$0x7] =	wrdreg s31  }
0x11: {  	s15 =	sor.u32 s4, s15;
	s25 =	sadd.s32 $0x8000, s31;
	[dreg:$0x8] =	wrdreg s24  }
0x12: {  	s8 =	smov.u32 @p0 s5;
	s18 =	sadd.s32 $0xC000, s31;
	[dreg:$0x9] =	wrdreg s25  }
0x13: {  	s26 =	sadd.s32 s17, s20;
	s19 =	sadd.s32 $0x10000, s31;
	[dreg:$0xa] =	wrdreg s18  }
0x14: {  	s13 =	smul.u32 $0xA00, s15;
	[dreg:$0xb] =	wrdreg s19;
	s18 =	sadd.s32 s16, s3  }
0x15: {  	s4 =	smul.u32 $0x50, s4;
	s19 =	sadd.s32 $0xFFFB2000, s26;
	[dreg:$0xc] =	wrdreg s18  }
0x16: {  	s5 =	simm.s32 $0x800;
	s13 =	sadd.s32 s0, s13;
	[dreg:$0x16] =	wrdreg s19  }
0x17: {  	s16 =	sshrl.u32 s16, $0x3;
	s23 =	sadd.s32 $0x80, s18;
	[dreg:$0x11] =	wrdreg s13  }
0x18: {  	s12 =	ssub.s32 s12, s14;
	s8 =	sadd.s32 s8, s16;
	[dreg:$0xe] =	wrdreg s23  }
0x19: {  	s10 =	simm.s32 $0x1C400;
	s25 =	sadd.s32 $0x100, s18;
	[dreg:$0xf] =	wrdreg s8  }
0x1a: {  	s24 =	smul.u32 $0x500, s9;
	s14 =	sadd.s32 $0x180, s18;
	[dreg:$0x10] =	wrdreg s25  }
0x1b: {  	s0 =	sadd.s32 s21, s0;
	s15 =	sadd.s32 $0x200, s18;
	[dreg:$0x12] =	wrdreg s14  }
0x1c: {  	s9 =	simm.s32 $0x0;
	s17 =	sadd.s32 $0x10, s13;
	[dreg:$0x13] =	wrdreg s15  }
0x1d: {  	s20 =	sadd.s32 s22, s0;
	s18 =	smax.u32 s12, $0x1;
	[dreg:$0x14] =	wrdreg s17  }
0x1e: {  	s21 =	sadd.s32 $0x20, s13;
	s22 =	sadd.s32 $0x30, s13;
	[dreg:$0x15] =	wrdreg s18  }
0x1f: {  	s26 =	sadd.s32 $0x70, s13;
	s12 =	simm.s32 $0x80;
	[dreg:$0x18] =	wrdreg s21  }
0x20: {  	s19 =	simm.s32 $0x280;
	s16 =	sadd.s32 s4, s24;
	[dreg:$0x19] =	wrdreg s22  }
0x21: {  	s23 =	sadd.s32 $0x40, s13;
	s24 =	sadd.s32 $0x50, s13;
	s25 =	sadd.s32 $0x60, s13  }
0x22: {  	[dreg:$0x1d] =	wrdreg s26;
	s13 =	simm.s32 $0x7;
	s8 =	simm.s32 $0x380  }
.Ltmp0:
0x23: {  	s21 =	simm.s32 $0x5;
	[dreg:$0x1a] =	wrdreg s23;
	(pc) =	sbr.rel .LBB2_1-.Ltmp0, $4  }
0x24: {  	s22 =	simm.s32 $0x1;
	s26 =	simm.s32 $0x2;
	[dreg:$0x1b] =	wrdreg s24  }
0x25: {  	s14 =	simm.s32 $0x0;
	s0 =	sor.u32 $0x8, s16;
	[dreg:$0x1c] =	wrdreg s25  }
0x26: {  	s16 =	simm.s32 $0x200;
	s23 =	simm.s32 $0x4800;
	s24 =	simm.s32 $0x4  }
0x27: {  	v0 =	vimm.f32 $0.0e+00;
	v1 =	vimm.f32 $1.000000000e+00;
	s25 =	simm.s32 $0x700;
	[dreg:$0x17] =	wrdreg s0;
	s0 =	simm.s32 $0x300  }
.LBB2_6:
0x28: {  	[spmem:s2] =	stream.indirect.scatter.add.f32 [tilespmem:s23], [sflag:$0x4], $0x80, s29, s12, $0xb8;
	[tilespmem:$0x1C700] =	vst v63  }
0x29: {  	_ = 	snop  }
0x2a: {  	[spmem:s3] =	stream.indirect.scatter.add.f32 [tilespmem:s10], [sflag:$0x4], $0x1, s29, s12, $0xb8;
	[tilespmem:$0x1C700] =	vst v63  }
0x2b: {  	_ =	swait.ge [sflag:s24], $0x4000  }
0x2c: {  	[sflag:s24] =	ssyncset.done $0x0  }
0x2d: {  	[sflag:s24] =	ssyncadd.s32 $0xFFFFC000  }
0x2e: {  	_ =	swait.ge [sflag:s24], $0x80  }
0x2f: {  	[sflag:s24] =	ssyncset.done $0x0  }
0x30: {  	[sflag:s24] =	ssyncadd.s32 $0xFFFFFF80  }
0x31: {  	s4 =	stileid.u32;
	[bflag:$0x0] =	sbarrier.arrive $0xFFFF  }
0x32: {  	s13 =	simm.s32 $0x7;
	s4 =	sshll.u32 s4, $0x6;
	s31 =	rddreg [dreg:$0x7]  }
0x33: {  	s4 =	sor.u32 $0x1C07, s4;
	s11 =	rddreg [dreg:$0xd];
	s9 =	sshrl.u32 s31, $0x3  }
0x34: {  	[hbm:s11], [sflag:s4] =	dma.local [spmem:s9], $0x2780  }
0x35: {  	_ =	swait.ge [sflag:s13], $0x2780  }
0x36: {  	[sflag:s13] =	ssyncset.done $0x0;
	s11 =	rddreg [dreg:$0xc]  }
0x37: {  	s15 =	rddreg [dreg:$0xf];
	[sflag:s13] =	ssyncadd.s32 $0xFFFFD880;
	s9 =	sshrl.u32 s11, $0x3  }
0x38: {  	[hbm:s15], [sflag:s4] =	dma.local [spmem:s9], $0x50  }
0x39: {  	_ =	swait.ge [sflag:s13], $0x50  }
0x3a: {  	s17 =	rddreg [dreg:$0x1e]  }
0x3b: {  	s18 =	rddreg [dreg:$0x15];
	s9 =	sadd.s32 $0x1, s17  }
0x3c: {  	p0 =	sne.s32 s9, s18  }
.Ltmp1:
0x3d: {  	_ = 	snop;
	(pc) =	sbr.rel @!p0 .LBB2_7-.Ltmp1, $3  }
0x3e: {  	_ =	sdelay $0x1  }
0x3f: {  	[sflag:s13] =	ssyncset.done $0x0  }
0x40: {  	[sflag:s13] =	ssyncadd.s32 $0xFFFFFFB0  }
.LBB2_1:
0x41: {  	[dreg:$0x1e] =	wrdreg s9;
	s15 =	simm.s32 $0x0;
	s18 =	simm.s32 $0x200  }
.LBB2_2:
0x42: {  	p0 =	sne.s32 s18, $0xFE00;
	[tilespmem:s15+$0x870] =	vst v0  }
0x43: {  	[tilespmem:s15+$0x800] =	vst v0  }
0x44: {  	[tilespmem:s15+$0x810] =	vst v0  }
.Ltmp2:
0x45: {  	[tilespmem:s15+$0x820] =	vst v0;
	(pc) =	sbr.rel @p0 .LBB2_2-.Ltmp2, $4  }
0x46: {  	[tilespmem:s15+$0x830] =	vst v0  }
0x47: {  	[tilespmem:s15+$0x840] =	vst v0  }
0x48: {  	[tilespmem:s15+$0x850] =	vst v0  }
0x49: {  	[tilespmem:s15+$0x860] =	vst v0;
	s15 =	sshra.s32 s18, $0x2;
	s18 =	sadd.s32 $0x200, s18  }
0x4a: {  	[tilespmem:s15+$0x870] =	vst v0  }
0x4b: {  	[tilespmem:s15+$0x800] =	vst v0  }
0x4c: {  	[tilespmem:s15+$0x810] =	vst v0  }
0x4d: {  	[tilespmem:s15+$0x820] =	vst v0  }
0x4e: {  	[tilespmem:s15+$0x830] =	vst v0  }
0x4f: {  	[tilespmem:s15+$0x840] =	vst v0  }
0x50: {  	[tilespmem:s15+$0x850] =	vst v0  }
0x51: {  	[tilespmem:s15+$0x860] =	vst v0  }
0x52: {  	[spmem:s31] =	stream.linear.scatter [tilespmem:s5], [sflag:$0x7], $0x4000, $0x38;
	[tilespmem:$0x1C700] =	vst v63  }
0x53: {  	_ =	swait.ge [sflag:s13], $0x4000  }
0x54: {  	[sflag:s13] =	ssyncset.done $0x0  }
0x55: {  	s4 =	rddreg [dreg:$0x8];
	[sflag:s13] =	ssyncadd.s32 $0xFFFFC000  }
0x56: {  	[spmem:s4] =	stream.linear.scatter [tilespmem:s5], [sflag:$0x7], $0x4000, $0x38;
	[tilespmem:$0x1C700] =	vst v63  }
0x57: {  	_ =	swait.ge [sflag:s13], $0x4000  }
0x58: {  	[sflag:s13] =	ssyncset.done $0x0  }
0x59: {  	s11 =	rddreg [dreg:$0x9];
	[sflag:s13] =	ssyncadd.s32 $0xFFFFC000  }
0x5a: {  	[spmem:s11] =	stream.linear.scatter [tilespmem:s5], [sflag:$0x7], $0x4000, $0x38;
	[tilespmem:$0x1C700] =	vst v63  }
0x5b: {  	_ =	swait.ge [sflag:s13], $0x4000  }
0x5c: {  	[sflag:s13] =	ssyncset.done $0x0  }
0x5d: {  	s15 =	rddreg [dreg:$0xa];
	[sflag:s13] =	ssyncadd.s32 $0xFFFFC000  }
0x5e: {  	[spmem:s15] =	stream.linear.scatter [tilespmem:s5], [sflag:$0x7], $0x4000, $0x38;
	[tilespmem:$0x1C700] =	vst v63  }
0x5f: {  	_ =	swait.ge [sflag:s13], $0x4000  }
0x60: {  	[sflag:s13] =	ssyncset.done $0x0  }
0x61: {  	s17 =	rddreg [dreg:$0xb];
	[sflag:s13] =	ssyncadd.s32 $0xFFFFC000  }
0x62: {  	[spmem:s17] =	stream.linear.scatter [tilespmem:s5], [sflag:$0x7], $0x3C00, $0x38;
	[tilespmem:$0x1C700] =	vst v63  }
0x63: {  	_ =	swait.ge [sflag:s13], $0x3C00  }
0x64: {  	[sflag:s13] =	ssyncset.done $0x0  }
0x65: {  	[sflag:s13] =	ssyncadd.s32 $0xFFFFC400  }
0x66: {  	[tilespmem:$0x1C400] =	vst v0  }
0x67: {  	[tilespmem:$0x1C410] =	vst v0  }
0x68: {  	[tilespmem:$0x1C420] =	vst v0  }
0x69: {  	[tilespmem:$0x1C430] =	vst v0  }
0x6a: {  	[tilespmem:$0x1C440] =	vst v0  }
0x6b: {  	[tilespmem:$0x1C450] =	vst v0  }
0x6c: {  	[tilespmem:$0x1C460] =	vst v0  }
0x6d: {  	s18 =	rddreg [dreg:$0xc];
	[tilespmem:$0x1C470] =	vst v0  }
0x6e: {  	[spmem:s18] =	stream.linear.scatter [tilespmem:s10], [sflag:$0x7], $0x80, $0x38;
	[tilespmem:$0x1C700] =	vst v63  }
0x6f: {  	_ =	swait.ge [sflag:s13], $0x80  }
0x70: {  	[sflag:s13] =	ssyncset.done $0x0  }
0x71: {  	s9 =	rddreg [dreg:$0xe];
	[sflag:s13] =	ssyncadd.s32 $0xFFFFFF80  }
0x72: {  	[spmem:s9] =	stream.linear.scatter [tilespmem:s10], [sflag:$0x7], $0x80, $0x38;
	[tilespmem:$0x1C700] =	vst v63  }
0x73: {  	_ =	swait.ge [sflag:s13], $0x80  }
0x74: {  	[sflag:s13] =	ssyncset.done $0x0  }
0x75: {  	s11 =	rddreg [dreg:$0x10];
	[sflag:s13] =	ssyncadd.s32 $0xFFFFFF80  }
0x76: {  	[spmem:s11] =	stream.linear.scatter [tilespmem:s10], [sflag:$0x7], $0x80, $0x38;
	[tilespmem:$0x1C700] =	vst v63  }
0x77: {  	_ =	swait.ge [sflag:s13], $0x80  }
0x78: {  	[sflag:s13] =	ssyncset.done $0x0  }
0x79: {  	s15 =	rddreg [dreg:$0x12];
	[sflag:s13] =	ssyncadd.s32 $0xFFFFFF80  }
0x7a: {  	[spmem:s15] =	stream.linear.scatter [tilespmem:s10], [sflag:$0x7], $0x80, $0x38;
	[tilespmem:$0x1C700] =	vst v63  }
0x7b: {  	_ =	swait.ge [sflag:s13], $0x80  }
0x7c: {  	[sflag:s13] =	ssyncset.done $0x0  }
0x7d: {  	s17 =	rddreg [dreg:$0x13];
	[sflag:s13] =	ssyncadd.s32 $0xFFFFFF80  }
0x7e: {  	[spmem:s17] =	stream.linear.scatter [tilespmem:s10], [sflag:$0x7], $0x80, $0x38;
	[tilespmem:$0x1C700] =	vst v63  }
0x7f: {  	_ =	swait.ge [sflag:s13], $0x80  }
0x80: {  	[sflag:s13] =	ssyncset.done $0x0  }
0x81: {  	[sflag:s13] =	ssyncadd.s32 $0xFFFFFF80  }
0x82: {  	[tilespmem:$0x1C400] =	vst v1  }
0x83: {  	[tilespmem:$0x1C410] =	vst v1  }
0x84: {  	[tilespmem:$0x1C420] =	vst v1  }
0x85: {  	[tilespmem:$0x1C430] =	vst v1  }
0x86: {  	[tilespmem:$0x1C440] =	vst v1  }
0x87: {  	[tilespmem:$0x1C450] =	vst v1  }
0x88: {  	[tilespmem:$0x1C460] =	vst v1  }
0x89: {  	[tilespmem:$0x1C470] =	vst v1  }
0x8a: {  	[bflag:$0x0] =	sbarrier.arrive $0xFFFF  }
0x8b: {  	s31 =	simm.s32 $0x0;
	s18 =	rddreg [dreg:$0x11]  }
0x8c: {  	[tilespmem:s31], [sflag:$0x5] =	stream.linear.gather [hbm4b:s18+s31], $0x80, $0x38;
	[tilespmem:$0x1C700] =	vst v63  }
0x8d: {  	s9 =	rddreg [dreg:$0x14]  }
0x8e: {  	[tilespmem:s16], [sflag:$0x5] =	stream.linear.gather [hbm4b:s9+s31], $0x80, $0x38;
	[tilespmem:$0x1C700] =	vst v63  }
0x8f: {  	s11 =	rddreg [dreg:$0x18]  }
0x90: {  	[tilespmem:s12], [sflag:$0x5] =	stream.linear.gather [hbm4b:s11+s31], $0x80, $0x38;
	[tilespmem:$0x1C700] =	vst v63  }
0x91: {  	s13 =	rddreg [dreg:$0x19]  }
0x92: {  	[tilespmem:s19], [sflag:$0x5] =	stream.linear.gather [hbm4b:s13+s31], $0x80, $0x38;
	[tilespmem:$0x1C700] =	vst v63  }
0x93: {  	s15 =	rddreg [dreg:$0x1a];
	s9 =	simm.s32 $0x100  }
0x94: {  	[tilespmem:s9], [sflag:$0x5] =	stream.linear.gather [hbm4b:s15+s31], $0x80, $0x38;
	[tilespmem:$0x1C700] =	vst v63  }
0x95: {  	s16 =	rddreg [dreg:$0x1b]  }
0x96: {  	[tilespmem:s0], [sflag:$0x5] =	stream.linear.gather [hbm4b:s16+s31], $0x80, $0x38;
	[tilespmem:$0x1C700] =	vst v63  }
0x97: {  	s17 =	rddreg [dreg:$0x1c];
	s18 =	simm.s32 $0x180  }
0x98: {  	[tilespmem:s18], [sflag:$0x5] =	stream.linear.gather [hbm4b:s17+s31], $0x80, $0x38;
	[tilespmem:$0x1C700] =	vst v63  }
0x99: {  	s19 =	rddreg [dreg:$0x1d]  }
0x9a: {  	[tilespmem:s8], [sflag:$0x5] =	stream.linear.gather [hbm4b:s19+s31], $0x80, $0x38;
	[tilespmem:$0x1C700] =	vst v63  }
0x9b: {  	_ =	swait.ge [sflag:s21], $0x80  }
0x9c: {  	[sflag:s21] =	ssyncset.done $0x0  }
0x9d: {  	[sflag:s21] =	ssyncadd.s32 $0xFFFFFF80  }
0x9e: {  	_ =	swait.ge [sflag:s21], $0x80  }
0x9f: {  	[sflag:s21] =	ssyncset.done $0x0  }
0xa0: {  	[sflag:s21] =	ssyncadd.s32 $0xFFFFFF80  }
0xa1: {  	_ =	swait.ge [sflag:s21], $0x80  }
0xa2: {  	[sflag:s21] =	ssyncset.done $0x0  }
0xa3: {  	[sflag:s21] =	ssyncadd.s32 $0xFFFFFF80  }
0xa4: {  	_ =	swait.ge [sflag:s21], $0x80  }
0xa5: {  	[sflag:s21] =	ssyncset.done $0x0  }
0xa6: {  	[sflag:s21] =	ssyncadd.s32 $0xFFFFFF80  }
0xa7: {  	_ =	swait.ge [sflag:s21], $0x80  }
0xa8: {  	[sflag:s21] =	ssyncset.done $0x0  }
0xa9: {  	[sflag:s21] =	ssyncadd.s32 $0xFFFFFF80  }
0xaa: {  	_ =	swait.ge [sflag:s21], $0x80  }
0xab: {  	[sflag:s21] =	ssyncset.done $0x0  }
0xac: {  	[sflag:s21] =	ssyncadd.s32 $0xFFFFFF80  }
0xad: {  	_ =	swait.ge [sflag:s21], $0x80  }
0xae: {  	[sflag:s21] =	ssyncset.done $0x0  }
0xaf: {  	[sflag:s21] =	ssyncadd.s32 $0xFFFFFF80  }
0xb0: {  	_ =	swait.ge [sflag:s21], $0x80  }
0xb1: {  	[sflag:s21] =	ssyncset.done $0x0;
	s15 =	rddreg [dreg:$0x17]  }
0xb2: {  	s18 =	rddreg [dreg:$0x16];
	[sflag:s21] =	ssyncadd.s32 $0xFFFFFF80  }
0xb3: {  	[tilespmem:s5], [sflag:$0x1] =	stream.indirect.gather [hbm4b:s1+s12], $0x80, s31, s12, $0xb8;
	[tilespmem:$0x1C700] =	vst v63  }
.LBB2_4:
0xb4: {  	_ =	swait.ge [sflag:s22], $0x4000  }
0xb5: {  	p0 =	seq.s32 s31, $0x0;
	[sflag:s22] =	ssyncset.done $0x0  }
0xb6: {  	s17 =	simm.s32 @!p0 $0x4;
	[sflag:s22] =	ssyncadd.s32 $0xFFFFC000  }
0xb7: {  	_ =	swait.ge @!p0 [sflag:s17], $0x4000  }
0xb8: {  	[sflag:s17] =	ssyncset.done @!p0 $0x0  }
0xb9: {  	[sflag:s17] =	ssyncadd.s32 @!p0 $0xFFFFC000  }
0xba: {  	_ =	swait.ge @!p0 [sflag:s17], $0x80  }
0xbb: {  	[sflag:s17] =	ssyncset.done @!p0 $0x0  }
0xbc: {  	[sflag:s17] =	ssyncadd.s32 @!p0 $0xFFFFFF80  }
0xbd: {  	[tilespmem:s23], [sflag:$0x2] =	stream.indirect.gather [hbm4b:s1+s12], $0x80, s12, s12, $0xb8;
	[tilespmem:$0x1C700] =	vst v63  }
0xbe: {  	s4 =	simm.s32 $0x200  }
0xbf: {  	[spmem:s2] =	stream.indirect.scatter.add.f32 [tilespmem:s5], [sflag:$0x3], $0x80, s4, s12, $0xb8;
	[tilespmem:$0x1C700] =	vst v63  }
0xc0: {  	_ = 	snop  }
0xc1: {  	[spmem:s3] =	stream.indirect.scatter.add.f32 [tilespmem:s10], [sflag:$0x3], $0x1, s4, s12, $0xb8;
	[tilespmem:$0x1C700] =	vst v63  }
0xc2: {  	_ =	swait.ge [sflag:s26], $0x4000  }
0xc3: {  	[sflag:s26] =	ssyncset.done $0x0  }
0xc4: {  	[sflag:s26] =	ssyncadd.s32 $0xFFFFC000  }
0xc5: {  	_ =	swait.ge [sflag:s28], $0x4000  }
0xc6: {  	[sflag:s28] =	ssyncset.done $0x0  }
0xc7: {  	[sflag:s28] =	ssyncadd.s32 $0xFFFFC000  }
0xc8: {  	_ =	swait.ge [sflag:s28], $0x80  }
0xc9: {  	[sflag:s28] =	ssyncset.done $0x0  }
0xca: {  	s19 =	simm.s32 $0x100;
	s8 =	sadd.s32 $0xFFFFFFFC, s15;
	[sflag:s28] =	ssyncadd.s32 $0xFFFFFF80  }
0xcb: {  	[tilespmem:s5], [sflag:$0x1] =	stream.indirect.gather [hbm4b:s1+s12], $0x80, s19, s12, $0xb8;
	[tilespmem:$0x1C700] =	vst v63  }
0xcc: {  	s0 =	simm.s32 $0x280;
	p0 =	slt.u32 s8, $0x9C4  }
0xcd: {  	[spmem:s2] =	stream.indirect.scatter.add.f32 [tilespmem:s23], [sflag:$0x4], $0x80, s0, s12, $0xb8;
	[tilespmem:$0x1C700] =	vst v63  }
0xce: {  	s17 =	sadd.s32 @p0 s31, s20  }
0xcf: {  	[spmem:s3] =	stream.indirect.scatter.add.f32 [tilespmem:s10], [sflag:$0x4], $0x1, s0, s12, $0xb8;
	[tilespmem:$0x1C700] =	vst v63  }
0xd0: {  	s9 =	simm.s32 @p0 $0x0;
	s13 =	sadd.s32 @p0 $0x80, s17;
	s4 =	simm.s32 @p0 $0x400  }
0xd1: {  	[tilespmem:s4], [sflag:$0x6] =	stream.linear.gather @p0 [hbm4b:s13+s9], $0x80, $0x38;
	[tilespmem:$0x1C700] =	vst v63  }
0xd2: {  	s4 =	sadd.s32 @p0 $0x90, s17;
	s13 =	simm.s32 @p0 $0x600  }
0xd3: {  	[tilespmem:s13], [sflag:$0x6] =	stream.linear.gather @p0 [hbm4b:s4+s9], $0x80, $0x38;
	[tilespmem:$0x1C700] =	vst v63  }
0xd4: {  	s4 =	sadd.s32 @p0 $0xA0, s17;
	s13 =	simm.s32 @p0 $0x480  }
0xd5: {  	[tilespmem:s13], [sflag:$0x6] =	stream.linear.gather @p0 [hbm4b:s4+s9], $0x80, $0x38;
	[tilespmem:$0x1C700] =	vst v63  }
0xd6: {  	s4 =	sadd.s32 @p0 $0xB0, s17;
	s13 =	simm.s32 @p0 $0x680  }
0xd7: {  	[tilespmem:s13], [sflag:$0x6] =	stream.linear.gather @p0 [hbm4b:s4+s9], $0x80, $0x38;
	[tilespmem:$0x1C700] =	vst v63  }
0xd8: {  	s4 =	sadd.s32 @p0 $0xC0, s17;
	s13 =	simm.s32 @p0 $0x500  }
0xd9: {  	[tilespmem:s13], [sflag:$0x6] =	stream.linear.gather @p0 [hbm4b:s4+s9], $0x80, $0x38;
	[tilespmem:$0x1C700] =	vst v63  }
0xda: {  	s4 =	sadd.s32 @p0 $0xD0, s17;
	s13 =	simm.s32 @p0 $0x700  }
0xdb: {  	[tilespmem:s13], [sflag:$0x6] =	stream.linear.gather @p0 [hbm4b:s4+s9], $0x80, $0x38;
	[tilespmem:$0x1C700] =	vst v63  }
0xdc: {  	s4 =	sadd.s32 @p0 $0xE0, s17;
	s13 =	simm.s32 @p0 $0x580  }
0xdd: {  	[tilespmem:s13], [sflag:$0x6] =	stream.linear.gather @p0 [hbm4b:s4+s9], $0x80, $0x38;
	[tilespmem:$0x1C700] =	vst v63  }
0xde: {  	s4 =	sshrl.u32 @!p0 s18, $0x3  }
0xdf: {  	s11 =	simm.s32 @!p0 $0x400;
	s13 =	simm.s32 @!p0 $0x0;
	s9 =	sadd.s32 @!p0 s6, s4  }
0xe0: {  	[tilespmem:s11], [sflag:$0x6] =	stream.linear.gather @!p0 [hbm4b:s9+s13], $0x80, $0x38;
	[tilespmem:$0x1C700] =	vst v63  }
0xe1: {  	s4 =	sadd.s32 @!p0 s7, s4;
	s9 =	simm.s32 @!p0 $0x600  }
0xe2: {  	[tilespmem:s9], [sflag:$0x6] =	stream.linear.gather @!p0 [hbm4b:s4+s13], $0x80, $0x38;
	[tilespmem:$0x1C700] =	vst v63  }
0xe3: {  	s4 =	sadd.s32 @!p0 $0x80, s18  }
0xe4: {  	s4 =	sshrl.u32 @!p0 s4, $0x3  }
0xe5: {  	s11 =	simm.s32 @!p0 $0x480;
	s9 =	sadd.s32 @!p0 s6, s4  }
0xe6: {  	[tilespmem:s11], [sflag:$0x6] =	stream.linear.gather @!p0 [hbm4b:s9+s13], $0x80, $0x38;
	[tilespmem:$0x1C700] =	vst v63  }
0xe7: {  	s4 =	sadd.s32 @!p0 s7, s4;
	s9 =	simm.s32 @!p0 $0x680  }
0xe8: {  	[tilespmem:s9], [sflag:$0x6] =	stream.linear.gather @!p0 [hbm4b:s4+s13], $0x80, $0x38;
	[tilespmem:$0x1C700] =	vst v63  }
0xe9: {  	s4 =	sadd.s32 @!p0 $0x100, s18  }
0xea: {  	s4 =	sshrl.u32 @!p0 s4, $0x3  }
0xeb: {  	s11 =	simm.s32 @!p0 $0x500;
	s9 =	sadd.s32 @!p0 s6, s4  }
0xec: {  	[tilespmem:s11], [sflag:$0x6] =	stream.linear.gather @!p0 [hbm4b:s9+s13], $0x80, $0x38;
	[tilespmem:$0x1C700] =	vst v63  }
0xed: {  	s4 =	sadd.s32 @!p0 s7, s4;
	s9 =	simm.s32 @!p0 $0x700  }
0xee: {  	[tilespmem:s9], [sflag:$0x6] =	stream.linear.gather @!p0 [hbm4b:s4+s13], $0x80, $0x38;
	[tilespmem:$0x1C700] =	vst v63  }
0xef: {  	s4 =	sadd.s32 @!p0 $0x180, s18  }
0xf0: {  	s4 =	sshrl.u32 @!p0 s4, $0x3  }
0xf1: {  	s11 =	simm.s32 @!p0 $0x580;
	s9 =	sadd.s32 @!p0 s6, s4  }
0xf2: {  	[tilespmem:s11], [sflag:$0x6] =	stream.linear.gather @!p0 [hbm4b:s9+s13], $0x80, $0x38;
	[tilespmem:$0x1C700] =	vst v63  }
0xf3: {  	s4 =	sadd.s32 @!p0 s7, s4;
	s9 =	sadd.s32 @p0 $0xF0, s17  }
0xf4: {  	s4 =	smov.u32 @p0 s9  }
0xf5: {  	[tilespmem:s29], [sflag:$0x6] =	stream.linear.gather [hbm4b:s4+s14], $0x80, $0x38;
	[tilespmem:$0x1C700] =	vst v63  }
0xf6: {  	_ =	swait.ge [sflag:s22], $0x4000  }
0xf7: {  	[sflag:s22] =	ssyncset.done $0x0  }
0xf8: {  	[sflag:s22] =	ssyncadd.s32 $0xFFFFC000  }
0xf9: {  	_ =	swait.ge [sflag:s24], $0x4000  }
0xfa: {  	[sflag:s24] =	ssyncset.done $0x0  }
0xfb: {  	[sflag:s24] =	ssyncadd.s32 $0xFFFFC000  }
0xfc: {  	_ =	swait.ge [sflag:s24], $0x80  }
0xfd: {  	[sflag:s24] =	ssyncset.done $0x0  }
0xfe: {  	s0 =	simm.s32 $0x180;
	[sflag:s24] =	ssyncadd.s32 $0xFFFFFF80  }
0xff: {  	[tilespmem:s23], [sflag:$0x2] =	stream.indirect.gather [hbm4b:s1+s12], $0x80, s0, s12, $0xb8;
	[tilespmem:$0x1C700] =	vst v63  }
0x100: {  	s9 =	simm.s32 $0x300  }
0x101: {  	[spmem:s2] =	stream.indirect.scatter.add.f32 [tilespmem:s5], [sflag:$0x3], $0x80, s9, s12, $0xb8;
	[tilespmem:$0x1C700] =	vst v63  }
0x102: {  	_ = 	snop  }
0x103: {  	[spmem:s3] =	stream.indirect.scatter.add.f32 [tilespmem:s10], [sflag:$0x3], $0x1, s9, s12, $0xb8;
	[tilespmem:$0x1C700] =	vst v63  }
0x104: {  	_ =	swait.ge [sflag:s26], $0x4000  }
0x105: {  	[sflag:s26] =	ssyncset.done $0x0  }
0x106: {  	[sflag:s26] =	ssyncadd.s32 $0xFFFFC000  }
0x107: {  	_ =	swait.ge [sflag:s28], $0x4000  }
0x108: {  	[sflag:s28] =	ssyncset.done $0x0  }
0x109: {  	[sflag:s28] =	ssyncadd.s32 $0xFFFFC000  }
0x10a: {  	_ =	swait.ge [sflag:s28], $0x80  }
0x10b: {  	[sflag:s28] =	ssyncset.done $0x0  }
0x10c: {  	[sflag:s28] =	ssyncadd.s32 $0xFFFFFF80  }
0x10d: {  	_ =	swait.ge [sflag:s30], $0x80  }
0x10e: {  	[sflag:s30] =	ssyncset.done $0x0  }
0x10f: {  	[sflag:s30] =	ssyncadd.s32 $0xFFFFFF80  }
0x110: {  	_ =	swait.ge [sflag:s30], $0x80  }
0x111: {  	[sflag:s30] =	ssyncset.done $0x0  }
0x112: {  	[sflag:s30] =	ssyncadd.s32 $0xFFFFFF80  }
0x113: {  	_ =	swait.ge [sflag:s30], $0x80  }
0x114: {  	[sflag:s30] =	ssyncset.done $0x0  }
0x115: {  	[sflag:s30] =	ssyncadd.s32 $0xFFFFFF80  }
0x116: {  	_ =	swait.ge [sflag:s30], $0x80  }
0x117: {  	[sflag:s30] =	ssyncset.done $0x0  }
0x118: {  	[sflag:s30] =	ssyncadd.s32 $0xFFFFFF80  }
0x119: {  	_ =	swait.ge [sflag:s30], $0x80  }
0x11a: {  	[sflag:s30] =	ssyncset.done $0x0  }
0x11b: {  	[sflag:s30] =	ssyncadd.s32 $0xFFFFFF80  }
0x11c: {  	_ =	swait.ge [sflag:s30], $0x80  }
0x11d: {  	[sflag:s30] =	ssyncset.done $0x0  }
0x11e: {  	[sflag:s30] =	ssyncadd.s32 $0xFFFFFF80  }
0x11f: {  	_ =	swait.ge [sflag:s30], $0x80  }
0x120: {  	[sflag:s30] =	ssyncset.done $0x0  }
0x121: {  	[sflag:s30] =	ssyncadd.s32 $0xFFFFFF80  }
0x122: {  	_ =	swait.ge [sflag:s30], $0x80  }
0x123: {  	[sflag:s30] =	ssyncset.done $0x0  }
0x124: {  	s11 =	simm.s32 $0x400;
	[sflag:s30] =	ssyncadd.s32 $0xFFFFFF80  }
0x125: {  	[tilespmem:s5], [sflag:$0x1] =	stream.indirect.gather [hbm4b:s1+s12], $0x80, s11, s12, $0xb8;
	[tilespmem:$0x1C700] =	vst v63  }
0x126: {  	s13 =	simm.s32 $0x380  }
0x127: {  	[spmem:s2] =	stream.indirect.scatter.add.f32 [tilespmem:s23], [sflag:$0x4], $0x80, s13, s12, $0xb8;
	[tilespmem:$0x1C700] =	vst v63  }
0x128: {  	_ = 	snop  }
0x129: {  	[spmem:s3] =	stream.indirect.scatter.add.f32 [tilespmem:s10], [sflag:$0x4], $0x1, s13, s12, $0xb8;
	[tilespmem:$0x1C700] =	vst v63  }
0x12a: {  	_ =	swait.ge [sflag:s22], $0x4000  }
0x12b: {  	[sflag:s22] =	ssyncset.done $0x0  }
0x12c: {  	[sflag:s22] =	ssyncadd.s32 $0xFFFFC000  }
0x12d: {  	_ =	swait.ge [sflag:s24], $0x4000  }
0x12e: {  	[sflag:s24] =	ssyncset.done $0x0  }
0x12f: {  	[sflag:s24] =	ssyncadd.s32 $0xFFFFC000  }
0x130: {  	_ =	swait.ge [sflag:s24], $0x80  }
0x131: {  	[sflag:s24] =	ssyncset.done $0x0  }
0x132: {  	s17 =	simm.s32 $0x480;
	[sflag:s24] =	ssyncadd.s32 $0xFFFFFF80  }
0x133: {  	[tilespmem:s23], [sflag:$0x2] =	stream.indirect.gather [hbm4b:s1+s12], $0x80, s17, s12, $0xb8;
	[tilespmem:$0x1C700] =	vst v63  }
0x134: {  	s9 =	simm.s32 $0x600  }
0x135: {  	[spmem:s2] =	stream.indirect.scatter.add.f32 [tilespmem:s5], [sflag:$0x3], $0x80, s9, s12, $0xb8;
	[tilespmem:$0x1C700] =	vst v63  }
0x136: {  	_ = 	snop  }
0x137: {  	[spmem:s3] =	stream.indirect.scatter.add.f32 [tilespmem:s10], [sflag:$0x3], $0x1, s9, s12, $0xb8;
	[tilespmem:$0x1C700] =	vst v63  }
0x138: {  	_ =	swait.ge [sflag:s26], $0x4000  }
0x139: {  	[sflag:s26] =	ssyncset.done $0x0  }
0x13a: {  	[sflag:s26] =	ssyncadd.s32 $0xFFFFC000  }
0x13b: {  	_ =	swait.ge [sflag:s28], $0x4000  }
0x13c: {  	[sflag:s28] =	ssyncset.done $0x0  }
0x13d: {  	[sflag:s28] =	ssyncadd.s32 $0xFFFFC000  }
0x13e: {  	_ =	swait.ge [sflag:s28], $0x80  }
0x13f: {  	p0 =	seq.s32 s31, $0x900;
	[sflag:s28] =	ssyncset.done $0x0  }
0x140: {  	p2 =	slt.u32 @!p0 s15, $0x9C4;
	s11 =	simm.s32 $0x500;
	[sflag:s28] =	ssyncadd.s32 $0xFFFFFF80  }
0x141: {  	[tilespmem:s5], [sflag:$0x1] =	stream.indirect.gather [hbm4b:s1+s12], $0x80, s11, s12, $0xb8;
	[tilespmem:$0x1C700] =	vst v63  }
0x142: {  	p1 =	por !p2, p0;
	s13 =	simm.s32 $0x680  }
0x143: {  	[spmem:s2] =	stream.indirect.scatter.add.f32 [tilespmem:s23], [sflag:$0x4], $0x80, s13, s12, $0xb8;
	[tilespmem:$0x1C700] =	vst v63  }
0x144: {  	s4 =	sadd.s32 @!p1 s31, s20  }
0x145: {  	[spmem:s3] =	stream.indirect.scatter.add.f32 [tilespmem:s10], [sflag:$0x4], $0x1, s13, s12, $0xb8;
	[tilespmem:$0x1C700] =	vst v63  }
0x146: {  	s9 =	sadd.s32 @!p1 $0x100, s4;
	s11 =	simm.s32 @!p1 $0x0  }
0x147: {  	[tilespmem:s11], [sflag:$0x5] =	stream.linear.gather @!p1 [hbm4b:s9+s11], $0x80, $0x38;
	[tilespmem:$0x1C700] =	vst v63  }
0x148: {  	s13 =	simm.s32 @!p1 $0x200;
	s9 =	sadd.s32 @!p1 $0x110, s4  }
0x149: {  	[tilespmem:s13], [sflag:$0x5] =	stream.linear.gather @!p1 [hbm4b:s9+s11], $0x80, $0x38;
	[tilespmem:$0x1C700] =	vst v63  }
0x14a: {  	s9 =	sadd.s32 @!p1 $0x120, s4;
	s13 =	simm.s32 @!p1 $0x80  }
0x14b: {  	[tilespmem:s13], [sflag:$0x5] =	stream.linear.gather @!p1 [hbm4b:s9+s11], $0x80, $0x38;
	[tilespmem:$0x1C700] =	vst v63  }
0x14c: {  	s9 =	sadd.s32 @!p1 $0x130, s4;
	s13 =	simm.s32 @!p1 $0x280  }
0x14d: {  	[tilespmem:s13], [sflag:$0x5] =	stream.linear.gather @!p1 [hbm4b:s9+s11], $0x80, $0x38;
	[tilespmem:$0x1C700] =	vst v63  }
0x14e: {  	s9 =	sadd.s32 @!p1 $0x140, s4;
	s13 =	simm.s32 @!p1 $0x100  }
0x14f: {  	[tilespmem:s13], [sflag:$0x5] =	stream.linear.gather @!p1 [hbm4b:s9+s11], $0x80, $0x38;
	[tilespmem:$0x1C700] =	vst v63  }
0x150: {  	s9 =	sadd.s32 @!p1 $0x150, s4;
	s13 =	simm.s32 @!p1 $0x300  }
0x151: {  	[tilespmem:s13], [sflag:$0x5] =	stream.linear.gather @!p1 [hbm4b:s9+s11], $0x80, $0x38;
	[tilespmem:$0x1C700] =	vst v63  }
0x152: {  	p2 =	por p2, p0;
	s9 =	sadd.s32 @!p1 $0x160, s4;
	s13 =	simm.s32 @!p1 $0x180  }
0x153: {  	[tilespmem:s13], [sflag:$0x5] =	stream.linear.gather @!p1 [hbm4b:s9+s11], $0x80, $0x38;
	[tilespmem:$0x1C700] =	vst v63  }
0x154: {  	s9 =	sadd.s32 @!p2 $0x200, s18  }
0x155: {  	s9 =	sshrl.u32 @!p2 s9, $0x3  }
0x156: {  	s13 =	simm.s32 @!p2 $0x0;
	s11 =	sadd.s32 @!p2 s6, s9  }
0x157: {  	[tilespmem:s13], [sflag:$0x5] =	stream.linear.gather @!p2 [hbm4b:s11+s13], $0x80, $0x38;
	[tilespmem:$0x1C700] =	vst v63  }
0x158: {  	s9 =	sadd.s32 @!p2 s7, s9;
	s11 =	simm.s32 @!p2 $0x200  }
0x159: {  	[tilespmem:s11], [sflag:$0x5] =	stream.linear.gather @!p2 [hbm4b:s9+s13], $0x80, $0x38;
	[tilespmem:$0x1C700] =	vst v63  }
0x15a: {  	s9 =	sadd.s32 @!p2 $0x280, s18  }
0x15b: {  	s9 =	sshrl.u32 @!p2 s9, $0x3  }
0x15c: {  	s17 =	simm.s32 @!p2 $0x80;
	s11 =	sadd.s32 @!p2 s6, s9  }
0x15d: {  	[tilespmem:s17], [sflag:$0x5] =	stream.linear.gather @!p2 [hbm4b:s11+s13], $0x80, $0x38;
	[tilespmem:$0x1C700] =	vst v63  }
0x15e: {  	s9 =	sadd.s32 @!p2 s7, s9;
	s11 =	simm.s32 @!p2 $0x280  }
0x15f: {  	[tilespmem:s11], [sflag:$0x5] =	stream.linear.gather @!p2 [hbm4b:s9+s13], $0x80, $0x38;
	[tilespmem:$0x1C700] =	vst v63  }
0x160: {  	s9 =	sadd.s32 @!p2 $0x300, s18  }
0x161: {  	s9 =	sshrl.u32 @!p2 s9, $0x3  }
0x162: {  	s17 =	simm.s32 @!p2 $0x100;
	s11 =	sadd.s32 @!p2 s6, s9  }
0x163: {  	[tilespmem:s17], [sflag:$0x5] =	stream.linear.gather @!p2 [hbm4b:s11+s13], $0x80, $0x38;
	[tilespmem:$0x1C700] =	vst v63  }
0x164: {  	s9 =	sadd.s32 @!p2 s7, s9;
	s11 =	simm.s32 @!p2 $0x300  }
0x165: {  	[tilespmem:s11], [sflag:$0x5] =	stream.linear.gather @!p2 [hbm4b:s9+s13], $0x80, $0x38;
	[tilespmem:$0x1C700] =	vst v63  }
0x166: {  	s9 =	sadd.s32 @!p2 $0x380, s18  }
0x167: {  	s4 =	sadd.s32 @!p1 $0x170, s4;
	s9 =	sshrl.u32 @!p2 s9, $0x3  }
0x168: {  	s17 =	simm.s32 @!p2 $0x180;
	s11 =	sadd.s32 @!p2 s6, s9;
	s9 =	sadd.s32 @!p2 s7, s9  }
0x169: {  	[tilespmem:s17], [sflag:$0x5] =	stream.linear.gather @!p2 [hbm4b:s11+s13], $0x80, $0x38;
	[tilespmem:$0x1C700] =	vst v63  }
0x16a: {  	s4 =	smov.u32 @p1 s9;
	s9 =	simm.s32 @!p0 $0x0;
	s11 =	simm.s32 @!p0 $0x380  }
0x16b: {  	[tilespmem:s11], [sflag:$0x5] =	stream.linear.gather @!p0 [hbm4b:s4+s9], $0x80, $0x38;
	[tilespmem:$0x1C700] =	vst v63  }
0x16c: {  	_ =	swait.ge [sflag:s22], $0x4000  }
0x16d: {  	[sflag:s22] =	ssyncset.done $0x0  }
0x16e: {  	[sflag:s22] =	ssyncadd.s32 $0xFFFFC000  }
0x16f: {  	_ =	swait.ge [sflag:s24], $0x4000  }
0x170: {  	[sflag:s24] =	ssyncset.done $0x0  }
0x171: {  	[sflag:s24] =	ssyncadd.s32 $0xFFFFC000  }
0x172: {  	_ =	swait.ge [sflag:s24], $0x80  }
0x173: {  	[sflag:s24] =	ssyncset.done $0x0  }
0x174: {  	s17 =	simm.s32 $0x580;
	[sflag:s24] =	ssyncadd.s32 $0xFFFFFF80  }
0x175: {  	[tilespmem:s23], [sflag:$0x2] =	stream.indirect.gather [hbm4b:s1+s12], $0x80, s17, s12, $0xb8;
	[tilespmem:$0x1C700] =	vst v63  }
0x176: {  	_ = 	snop  }
0x177: {  	[spmem:s2] =	stream.indirect.scatter.add.f32 [tilespmem:s5], [sflag:$0x3], $0x80, s25, s12, $0xb8;
	[tilespmem:$0x1C700] =	vst v63  }
0x178: {  	_ = 	snop  }
0x179: {  	[spmem:s3] =	stream.indirect.scatter.add.f32 [tilespmem:s10], [sflag:$0x3], $0x1, s25, s12, $0xb8;
	[tilespmem:$0x1C700] =	vst v63  }
0x17a: {  	_ =	swait.ge [sflag:s26], $0x4000  }
0x17b: {  	[sflag:s26] =	ssyncset.done $0x0  }
0x17c: {  	[sflag:s26] =	ssyncadd.s32 $0xFFFFC000  }
0x17d: {  	_ =	swait.ge [sflag:s28], $0x4000  }
.Ltmp3:
0x17e: {  	[sflag:s28] =	ssyncset.done $0x0;
	(pc) =	sbr.rel @p0 .LBB2_6-.Ltmp3, $4  }
0x17f: {  	[sflag:s28] =	ssyncadd.s32 $0xFFFFC000  }
0x180: {  	_ =	swait.ge [sflag:s28], $0x80  }
0x181: {  	s16 =	simm.s32 $0x200;
	s8 =	simm.s32 $0x380;
	[sflag:s28] =	ssyncset.done $0x0  }
0x182: {  	s19 =	simm.s32 $0x280;
	s0 =	simm.s32 $0x300;
	[sflag:s28] =	ssyncadd.s32 $0xFFFFFF80  }
0x183: {  	_ =	swait.ge [sflag:s21], $0x80  }
0x184: {  	[sflag:s21] =	ssyncset.done $0x0  }
0x185: {  	[sflag:s21] =	ssyncadd.s32 $0xFFFFFF80  }
0x186: {  	_ =	swait.ge [sflag:s21], $0x80  }
0x187: {  	[sflag:s21] =	ssyncset.done $0x0  }
0x188: {  	[sflag:s21] =	ssyncadd.s32 $0xFFFFFF80  }
0x189: {  	_ =	swait.ge [sflag:s21], $0x80  }
0x18a: {  	[sflag:s21] =	ssyncset.done $0x0  }
0x18b: {  	[sflag:s21] =	ssyncadd.s32 $0xFFFFFF80  }
0x18c: {  	_ =	swait.ge [sflag:s21], $0x80  }
0x18d: {  	[sflag:s21] =	ssyncset.done $0x0  }
0x18e: {  	[sflag:s21] =	ssyncadd.s32 $0xFFFFFF80  }
0x18f: {  	_ =	swait.ge [sflag:s21], $0x80  }
0x190: {  	[sflag:s21] =	ssyncset.done $0x0  }
0x191: {  	[sflag:s21] =	ssyncadd.s32 $0xFFFFFF80  }
0x192: {  	_ =	swait.ge [sflag:s21], $0x80  }
0x193: {  	[sflag:s21] =	ssyncset.done $0x0  }
0x194: {  	[sflag:s21] =	ssyncadd.s32 $0xFFFFFF80  }
0x195: {  	_ =	swait.ge [sflag:s21], $0x80  }
0x196: {  	[sflag:s21] =	ssyncset.done $0x0  }
0x197: {  	[sflag:s21] =	ssyncadd.s32 $0xFFFFFF80  }
0x198: {  	_ =	swait.ge [sflag:s21], $0x80  }
0x199: {  	[sflag:s21] =	ssyncset.done $0x0  }
0x19a: {  	[sflag:s21] =	ssyncadd.s32 $0xFFFFFF80  }
0x19b: {  	[tilespmem:s5], [sflag:$0x1] =	stream.indirect.gather [hbm4b:s1+s12], $0x80, s14, s12, $0xb8;
	[tilespmem:$0x1C700] =	vst v63  }
.Ltmp4:
0x19c: {  	_ = 	snop;
	(pc) =	sbr.rel .LBB2_4-.Ltmp4, $4  }
0x19d: {  	_ = 	snop  }
0x19e: {  	[spmem:s2] =	stream.indirect.scatter.add.f32 [tilespmem:s23], [sflag:$0x4], $0x80, s29, s12, $0xb8;
	[tilespmem:$0x1C700] =	vst v63  }
0x19f: {  	s18 =	sadd.s32 $0x400, s18;
	s31 =	sadd.s32 $0x100, s31;
	s15 =	sadd.s32 $0x8, s15  }
0x1a0: {  	[spmem:s3] =	stream.indirect.scatter.add.f32 [tilespmem:s10], [sflag:$0x4], $0x1, s29, s12, $0xb8;
	[tilespmem:$0x1C700] =	vst v63  }
.LBB2_7:
0x1a1: {  	_ =	sfence.sel $0x180000  }
0x1a2: {  	[bflag:$0x0] =	sbarrier.arrive $0xFFFF  }
0x1a3: {  	_ =	strace $0x90000047  }
0x1a4: {  	s0 =	stileid.u32;
	[bflag:$0x2] =	sbarrier.arrive $0xFFFF  }
0x1a5: {  	p0 =	sne.s32 s0, $0x0;
	s0 =	rddreg [dreg:$0x6]  }
0x1a6: {  	s0 =	sadd.s32 @!p0 $0x100000, s0  }
0x1a7: {  	[sflag:s0] =	ssyncadd.tile.s32 @!p0 $0x1;
	_ =	shalt  }
.Lfunc_end2:
_tile_overlayer_lowered:
.L_overlay_start_2:
0x1a8: {  	(tag) =	ssettag $0x2  }
0x1a9: {  	s0 =	rddreg [dreg:$0x0];
	s2 =	stileid.u32  }
0x1aa: {  	s1 =	rddreg [dreg:$0x1];
	p0 =	sne.s32 s2, $0x0  }
0x1ab: {  	s3 =	rddreg [dreg:$0x2];
	[bflag:$0x3] =	sbarrier.arrive $0xFFFF;
	s2 =	simm.s32 @!p0 $0x1C07  }
0x1ac: {  	[timem:s3], [sflag:s2] =	dma.local @!p0 [hbm:s0], s1  }
0x1ad: {  	s0 =	simm.s32 @!p0 $0x7  }
0x1ae: {  	_ =	swait.ge @!p0 [sflag:s0], s1  }
0x1af: {  	s1 =	ssub.s32 @!p0 $0x0, s1;
	[sflag:s0] =	ssyncset.done @!p0 $0x0  }
0x1b0: {  	[sflag:s0] =	ssyncadd.s32 @!p0 s1  }
0x1b1: {  	[bflag:$0x3] =	sbarrier.arrive $0xFFFF  }
0x1b2: {  	_ =	shalt  }

</sc_bundles>
